<compile_context>
chip_gen: v7x
topology: tpu7x:2x2x1
jax: 0.10.2.dev20260603
libtpu: 0.0.44.dev20260713+nightly
codegen_flags: <defaults>
</compile_context>

<pallas_src>
import functools

import jax
import jax.numpy as jnp
from jax import lax
from jax.experimental import pallas as pl
from jax.experimental.pallas import tpu as pltpu
from jax.experimental.pallas import tpu_sc as plsc

NC = 2
NS = 16
NW = NC * NS
L = 16
CH = 128
K = 8
G0 = 96
G1 = 64
GT = G0 + G1
GMAX = max(G0, G1)


def _pad_up(x, m):
    return (x + m - 1) // m * m


def _make_spmm(n_tab, n_out, n_acc, h, fuse_relu):
    rows_acc = n_acc // NS
    rows_tab = n_tab // NS
    rows_out = n_out // NS
    mesh = plsc.VectorSubcoreMesh(core_axis_name="c", subcore_axis_name="s")

    @functools.partial(
        pl.kernel,
        out_type=jax.ShapeDtypeStruct((NC, n_out, h), jnp.float32),
        mesh=mesh,
        scratch_types=[
            pltpu.VMEM((GMAX, CH), jnp.int32),
            pltpu.VMEM((GMAX, CH), jnp.int32),
            pltpu.VMEM((K, CH, h), jnp.float32),
            pltpu.VMEM((K, CH, h), jnp.float32),
            pltpu.VMEM((rows_acc, h), jnp.float32),
            pltpu.VMEM((rows_tab, h), jnp.float32),
            pltpu.VMEM((rows_tab, h), jnp.float32),
            pltpu.VMEM_SHARED((n_acc, h), jnp.float32),
            pltpu.VMEM_SHARED((n_acc, h), jnp.float32),
            pltpu.SemaphoreType.DMA,
            pltpu.SemaphoreType.DMA,
        ],
        compiler_params=pltpu.CompilerParams(use_tc_tiling_on_sc=False),
    )
    def spmm(table_hbm, edges_hbm, out_hbm,
             src_v, dst_v, buf_a, buf_b, zero_v, stage_v, stage2_v,
             acc_sh, table_sh, gsem, ssem):
        cid = lax.axis_index("c")
        sid = lax.axis_index("s")

        start = lax.select(cid == 0, sid * G0, NS * G0 + sid * G1)
        pairs = lax.select(cid == 0, G0 // (2 * K), G1 // (2 * K))

        cps = [pltpu.async_copy(edges_hbm.at[0, pl.ds(start, GMAX)], src_v,
                                gsem),
               pltpu.async_copy(edges_hbm.at[1, pl.ds(start, GMAX)], dst_v,
                                gsem)]
        tab_slice = pl.ds(sid * rows_tab, rows_tab)
        if fuse_relu:
            cps.append(pltpu.async_copy(table_hbm.at[0, tab_slice], stage_v,
                                        gsem))
            cps.append(pltpu.async_copy(table_hbm.at[1, tab_slice], stage2_v,
                                        gsem))
        else:
            cps.append(pltpu.async_copy(table_hbm.at[tab_slice], stage_v,
                                        gsem))

        def _z(i, c):
            zero_v[i, :] = jnp.zeros((L,), jnp.float32)
            return c
        lax.fori_loop(0, rows_acc, _z, 0, unroll=8)
        pltpu.sync_copy(zero_v, acc_sh.at[pl.ds(sid * rows_acc, rows_acc)])
        for cp in cps:
            cp.wait()

        if fuse_relu:
            def _relu(i, c):
                stage_v[i, :] = jnp.maximum(stage_v[i, :] + stage2_v[i, :],
                                            0.0)
                return c
            lax.fori_loop(0, rows_tab, _relu, 0, unroll=8)
        pltpu.sync_copy(stage_v, table_sh.at[tab_slice])
        plsc.subcore_barrier()

        def _pair(u, c):
            b0 = (2 * u) * K
            b1 = b0 + K
            g0 = [pltpu.async_copy(table_sh.at[src_v.at[b0 + i]],
                                   buf_a.at[i], gsem) for i in range(K)]
            g1 = [pltpu.async_copy(table_sh.at[src_v.at[b1 + i]],
                                   buf_b.at[i], gsem) for i in range(K)]
            for cp in g0:
                cp.wait()
            s0 = [pltpu.async_copy(buf_a.at[i], acc_sh.at[dst_v.at[b0 + i]],
                                   ssem, add=True) for i in range(K)]
            for cp in g1:
                cp.wait()
            s1 = [pltpu.async_copy(buf_b.at[i], acc_sh.at[dst_v.at[b1 + i]],
                                   ssem, add=True) for i in range(K)]
            for cp in s0 + s1:
                cp.wait()
            return c
        lax.fori_loop(0, pairs, _pair, 0)
        plsc.subcore_barrier()

        out_stage = stage_v.at[pl.ds(0, rows_out)]
        pltpu.sync_copy(acc_sh.at[pl.ds(sid * rows_out, rows_out)], out_stage)
        pltpu.sync_copy(out_stage,
                        out_hbm.at[cid, pl.ds(sid * rows_out, rows_out)])

    return spmm


def _mm1(x, wt):
    def body(x_ref, wt_ref, o_ref):
        o_ref[...] = jax.lax.dot_general(
            x_ref[...], wt_ref[...], (((1,), (1,)), ((), ())),
            preferred_element_type=jnp.float32)
    return pl.pallas_call(
        body,
        out_shape=jax.ShapeDtypeStruct((x.shape[0], wt.shape[0]), jnp.float32),
    )(x, wt)


def _combine_mm(q2, wbig, m):
    def body(q_ref, w_ref, o_ref):
        s = q_ref[0:m] + q_ref[m:2 * m]
        o_ref[...] = jnp.dot(s, w_ref[...], preferred_element_type=jnp.float32)
    return pl.pallas_call(
        body,
        out_shape=jax.ShapeDtypeStruct((m, wbig.shape[1]), jnp.float32),
    )(q2, wbig)


def kernel(features, edge_index, W1, W3):
    n, d = features.shape
    h = W1.shape[1]
    e = edge_index.shape[1]

    n1 = _pad_up(n + 1, NS)
    n_acc = _pad_up(n + 1, NS * 8)
    t_chunks = NS * GT + GMAX
    e_pad = t_chunks * CH
    assert e <= NS * GT * CH

    edges = jnp.pad(edge_index, ((0, 0), (0, e_pad - e)),
                    constant_values=n).reshape(2, t_chunks, CH)

    spmm_a = _make_spmm(n, n1, n_acc, h, fuse_relu=False)
    spmm_b = _make_spmm(n1, n, n_acc, h, fuse_relu=True)

    y = _mm1(features, W1.T)
    p = spmm_a(y, edges)
    q = spmm_b(p, edges)

    pk = 128 // h
    m = n // pk
    q2 = q.reshape(2 * m, pk * h)
    wbig = jnp.kron(jnp.eye(pk, dtype=jnp.float32), W3)
    out2 = _combine_mm(q2, wbig, m)
    return out2.reshape(n, W3.shape[1])

# --- scband reference (transcript-rebuilt; emitter-appended) ---
"""Pipeline reference for scband-cached-gcn-19688130085401 (READ-ONLY COPY).

The authoritative reference and input builder live on the scoring server;
editing this copy changes nothing except your own understanding.
"""

import jax, jax.numpy as jnp
import numpy as np

N = 10000
E = 320000
D = 128
H = 16
C = 40


def spmm(edge_index, x):
    # Simulates the distributed sparse A @ x (sum over all adjacency parts).
    src = edge_index[0]
    dst = edge_index[1]
    gathered = jnp.take(x, src, axis=0)
    return jax.ops.segment_sum(gathered, dst, num_segments=N)


def setup_inputs(seed: int = 0) -> dict:
    key = jax.random.key(seed)
    k1, k2, k3, k4 = jax.random.split(key, 4)
    features = jax.random.normal(k1, (N, D), dtype=jnp.float32)
    edge_index = jax.random.randint(k2, (2, E), 0, N, dtype=jnp.int32)
    # torch.rand init as in CachedGCN.__init__
    W1 = jax.random.uniform(k3, (D, H), dtype=jnp.float32)
    W3 = jax.random.uniform(k4, (H, C), dtype=jnp.float32)
    return {"features": features, "edge_index": edge_index, "W1": W1, "W3": W3}


def reference(features, edge_index, W1, W3):
    # Layer 1: z = A @ features; h = relu(z @ W1)
    h = jax.nn.relu(spmm(edge_index, features) @ W1)
    # Layer 2 (uses weight3, matching the original forward which skips weight2)
    out = spmm(edge_index, h) @ W3
    return out

if __name__ == "__main__":
    import jax
    _d = setup_inputs()
    print(jax.jit(kernel)(*tuple(_d.values())))

</pallas_src>

<mosaic_0001>
#map = affine_map<(d0, d1) -> (0, 0, 0)>
module attributes {stable_mosaic.version = 14 : i64} {
  func.func @spmm(%arg0: i32, %arg1: i32, %arg2: memref<2x10016x16xf32, #tpu.memory_space<hbm>>, %arg3: memref<2x2656x128xi32, #tpu.memory_space<hbm>>, %arg4: memref<2x10000x16xf32, #tpu.memory_space<hbm>>, %arg5: memref<96x128xi32, #tpu.memory_space<vmem>>, %arg6: memref<96x128xi32, #tpu.memory_space<vmem>>, %arg7: memref<8x128x16xf32, #tpu.memory_space<vmem>>, %arg8: memref<8x128x16xf32, #tpu.memory_space<vmem>>, %arg9: memref<632x16xf32, #tpu.memory_space<vmem>>, %arg10: memref<626x16xf32, #tpu.memory_space<vmem>>, %arg11: memref<626x16xf32, #tpu.memory_space<vmem>>, %arg12: memref<10112x16xf32, #tpu.memory_space<vmem_shared>>, %arg13: memref<10112x16xf32, #tpu.memory_space<vmem_shared>>, %arg14: memref<!tpu.dma_semaphore, #tpu.memory_space<semaphore_mem>>, %arg15: memref<!tpu.dma_semaphore, #tpu.memory_space<semaphore_mem>>) attributes {dimension_semantics = [#tpu.dimension_semantics<core_parallel>, #tpu.dimension_semantics<subcore_parallel>], iteration_bounds = array<i64: 2, 16>, scalar_prefetch = 0 : i64, scratch_operands = 11 : i64, tpu.core_type = #tpu.core_type<sc_vector_subcore>, window_params = [{transform_indices = #map}, {transform_indices = #map}, {transform_indices = #map}]} {
    %eq3A = arith.constant 0 : i32
    %eq3A_0 = arith.cmpi eq, %arg0, %eq3A : i32
    %mul3A = arith.constant 96 : i32
    %mul3A_1 = arith.muli %arg1, %mul3A : i32
    %mul3A_2 = arith.constant 64 : i32
    %mul3A_3 = arith.muli %arg1, %mul3A_2 : i32
    %add3A = arith.constant 1536 : i32
    %add3A_4 = arith.addi %add3A, %mul3A_3 : i32
    %select_n3A = arith.select %eq3A_0, %mul3A_1, %add3A_4 : i32
    %eq3A_5 = arith.constant 0 : i32
    %eq3A_6 = arith.cmpi eq, %arg0, %eq3A_5 : i32
    %select_n3A_7 = arith.constant 4 : i32
    %select_n3A_8 = arith.constant 6 : i32
    %select_n3A_9 = arith.select %eq3A_6, %select_n3A_8, %select_n3A_7 : i32
    %dma_start3A = arith.constant 0 : i32
    %dma_start3A_10 = arith.constant 0 : i32
    %dma_start3A_11 = tpu.memref_slice %arg3[%dma_start3A, %select_n3A, %dma_start3A_10] : memref<2x2656x128xi32, #tpu.memory_space<hbm>> -> memref<1x96x128xi32, #tpu.memory_space<hbm>>
    %dma_start3A_12 = tpu.memref_squeeze %dma_start3A_11 : memref<1x96x128xi32, #tpu.memory_space<hbm>> -> memref<96x128xi32, #tpu.memory_space<hbm>>
    %dma_start3A_13 = arith.constant 0 : i32
    %dma_start3A_14 = tpu.memref_slice %arg3[%dma_start3A, %select_n3A, %dma_start3A_13] : memref<2x2656x128xi32, #tpu.memory_space<hbm>> -> memref<1x96x128xi32, #tpu.memory_space<hbm>>
    %dma_start3A_15 = tpu.memref_squeeze %dma_start3A_14 : memref<1x96x128xi32, #tpu.memory_space<hbm>> -> memref<96x128xi32, #tpu.memory_space<hbm>>
    tpu.enqueue_dma source(%dma_start3A_15 : memref<96x128xi32, #tpu.memory_space<hbm>>) target(%arg5 : memref<96x128xi32, #tpu.memory_space<vmem>>) target_semaphore(%arg14 : memref<!tpu.dma_semaphore, #tpu.memory_space<semaphore_mem>>)
    %dma_start3A_16 = arith.constant 1 : i32
    %dma_start3A_17 = arith.constant 0 : i32
    %dma_start3A_18 = tpu.memref_slice %arg3[%dma_start3A_16, %select_n3A, %dma_start3A_17] : memref<2x2656x128xi32, #tpu.memory_space<hbm>> -> memref<1x96x128xi32, #tpu.memory_space<hbm>>
    %dma_start3A_19 = tpu.memref_squeeze %dma_start3A_18 : memref<1x96x128xi32, #tpu.memory_space<hbm>> -> memref<96x128xi32, #tpu.memory_space<hbm>>
    %dma_start3A_20 = arith.constant 0 : i32
    %dma_start3A_21 = tpu.memref_slice %arg3[%dma_start3A_16, %select_n3A, %dma_start3A_20] : memref<2x2656x128xi32, #tpu.memory_space<hbm>> -> memref<1x96x128xi32, #tpu.memory_space<hbm>>
    %dma_start3A_22 = tpu.memref_squeeze %dma_start3A_21 : memref<1x96x128xi32, #tpu.memory_space<hbm>> -> memref<96x128xi32, #tpu.memory_space<hbm>>
    tpu.enqueue_dma source(%dma_start3A_22 : memref<96x128xi32, #tpu.memory_space<hbm>>) target(%arg6 : memref<96x128xi32, #tpu.memory_space<vmem>>) target_semaphore(%arg14 : memref<!tpu.dma_semaphore, #tpu.memory_space<semaphore_mem>>)
    %mul3A_23 = arith.constant 626 : i32
    %mul3A_24 = arith.muli %arg1, %mul3A_23 : i32
    %dma_start3A_25 = arith.constant 0 : i32
    %dma_start3A_26 = arith.constant 0 : i32
    %dma_start3A_27 = tpu.memref_slice %arg2[%dma_start3A_25, %mul3A_24, %dma_start3A_26] : memref<2x10016x16xf32, #tpu.memory_space<hbm>> -> memref<1x626x16xf32, #tpu.memory_space<hbm>>
    %dma_start3A_28 = tpu.memref_squeeze %dma_start3A_27 : memref<1x626x16xf32, #tpu.memory_space<hbm>> -> memref<626x16xf32, #tpu.memory_space<hbm>>
    %dma_start3A_29 = arith.constant 0 : i32
    %dma_start3A_30 = tpu.memref_slice %arg2[%dma_start3A_25, %mul3A_24, %dma_start3A_29] : memref<2x10016x16xf32, #tpu.memory_space<hbm>> -> memref<1x626x16xf32, #tpu.memory_space<hbm>>
    %dma_start3A_31 = tpu.memref_squeeze %dma_start3A_30 : memref<1x626x16xf32, #tpu.memory_space<hbm>> -> memref<626x16xf32, #tpu.memory_space<hbm>>
    tpu.enqueue_dma source(%dma_start3A_31 : memref<626x16xf32, #tpu.memory_space<hbm>>) target(%arg10 : memref<626x16xf32, #tpu.memory_space<vmem>>) target_semaphore(%arg14 : memref<!tpu.dma_semaphore, #tpu.memory_space<semaphore_mem>>)
    %dma_start3A_32 = arith.constant 1 : i32
    %dma_start3A_33 = arith.constant 0 : i32
    %dma_start3A_34 = tpu.memref_slice %arg2[%dma_start3A_32, %mul3A_24, %dma_start3A_33] : memref<2x10016x16xf32, #tpu.memory_space<hbm>> -> memref<1x626x16xf32, #tpu.memory_space<hbm>>
    %dma_start3A_35 = tpu.memref_squeeze %dma_start3A_34 : memref<1x626x16xf32, #tpu.memory_space<hbm>> -> memref<626x16xf32, #tpu.memory_space<hbm>>
    %dma_start3A_36 = arith.constant 0 : i32
    %dma_start3A_37 = tpu.memref_slice %arg2[%dma_start3A_32, %mul3A_24, %dma_start3A_36] : memref<2x10016x16xf32, #tpu.memory_space<hbm>> -> memref<1x626x16xf32, #tpu.memory_space<hbm>>
    %dma_start3A_38 = tpu.memref_squeeze %dma_start3A_37 : memref<1x626x16xf32, #tpu.memory_space<hbm>> -> memref<626x16xf32, #tpu.memory_space<hbm>>
    tpu.enqueue_dma source(%dma_start3A_38 : memref<626x16xf32, #tpu.memory_space<hbm>>) target(%arg11 : memref<626x16xf32, #tpu.memory_space<vmem>>) target_semaphore(%arg14 : memref<!tpu.dma_semaphore, #tpu.memory_space<semaphore_mem>>)
    %scan3A = arith.constant 0 : i32
    %scan3A_39 = arith.constant 0 : i32
    %scan3A_40 = arith.constant 632 : i32
    %scan3A_41 = arith.addi %scan3A_39, %scan3A_40 : i32
    %scan3A_42 = arith.constant 8 : i32
    scf.for %scan3A_128 = %scan3A_39 to %scan3A_41 step %scan3A_42  : i32 {
      %broadcast_in_dim3A = arith.constant 0.000000e+00 : f32
      %broadcast_in_dim3A_129 = vector.broadcast %broadcast_in_dim3A : f32 to vector<16xf32>
      %swap3A_130 = arith.index_cast %scan3A_128 : i32 to index
      %swap3A_131 = arith.constant 0 : index
      %swap3A_132 = tpu.vector_load %arg9[%swap3A_130, %swap3A_131] {strides = array<i32>} : memref<632x16xf32, #tpu.memory_space<vmem>>, vector<1x16xf32>,
      %swap3A_133 = vector.shape_cast %swap3A_132 : vector<1x16xf32> to vector<16xf32>
      %swap3A_134 = vector.shape_cast %broadcast_in_dim3A_129 : vector<16xf32> to vector<1x16xf32>
      tpu.vector_store %arg9[%swap3A_130, %swap3A_131], %swap3A_134 {strides = array<i32>} : memref<632x16xf32, #tpu.memory_space<vmem>>, vector<1x16xf32>,
      %scan3A_135 = arith.constant 1 : i32
      %scan3A_136 = arith.addi %scan3A_128, %scan3A_135 : i32
      %broadcast_in_dim3A_137 = arith.constant 0.000000e+00 : f32
      %broadcast_in_dim3A_138 = vector.broadcast %broadcast_in_dim3A_137 : f32 to vector<16xf32>
      %swap3A_139 = arith.index_cast %scan3A_136 : i32 to index
      %swap3A_140 = arith.constant 0 : index
      %swap3A_141 = tpu.vector_load %arg9[%swap3A_139, %swap3A_140] {strides = array<i32>} : memref<632x16xf32, #tpu.memory_space<vmem>>, vector<1x16xf32>,
      %swap3A_142 = vector.shape_cast %swap3A_141 : vector<1x16xf32> to vector<16xf32>
      %swap3A_143 = vector.shape_cast %broadcast_in_dim3A_138 : vector<16xf32> to vector<1x16xf32>
      tpu.vector_store %arg9[%swap3A_139, %swap3A_140], %swap3A_143 {strides = array<i32>} : memref<632x16xf32, #tpu.memory_space<vmem>>, vector<1x16xf32>,
      %scan3A_144 = arith.constant 2 : i32
      %scan3A_145 = arith.addi %scan3A_128, %scan3A_144 : i32
      %broadcast_in_dim3A_146 = arith.constant 0.000000e+00 : f32
      %broadcast_in_dim3A_147 = vector.broadcast %broadcast_in_dim3A_146 : f32 to vector<16xf32>
      %swap3A_148 = arith.index_cast %scan3A_145 : i32 to index
      %swap3A_149 = arith.constant 0 : index
      %swap3A_150 = tpu.vector_load %arg9[%swap3A_148, %swap3A_149] {strides = array<i32>} : memref<632x16xf32, #tpu.memory_space<vmem>>, vector<1x16xf32>,
      %swap3A_151 = vector.shape_cast %swap3A_150 : vector<1x16xf32> to vector<16xf32>
      %swap3A_152 = vector.shape_cast %broadcast_in_dim3A_147 : vector<16xf32> to vector<1x16xf32>
      tpu.vector_store %arg9[%swap3A_148, %swap3A_149], %swap3A_152 {strides = array<i32>} : memref<632x16xf32, #tpu.memory_space<vmem>>, vector<1x16xf32>,
      %scan3A_153 = arith.constant 3 : i32
      %scan3A_154 = arith.addi %scan3A_128, %scan3A_153 : i32
      %broadcast_in_dim3A_155 = arith.constant 0.000000e+00 : f32
      %broadcast_in_dim3A_156 = vector.broadcast %broadcast_in_dim3A_155 : f32 to vector<16xf32>
      %swap3A_157 = arith.index_cast %scan3A_154 : i32 to index
      %swap3A_158 = arith.constant 0 : index
      %swap3A_159 = tpu.vector_load %arg9[%swap3A_157, %swap3A_158] {strides = array<i32>} : memref<632x16xf32, #tpu.memory_space<vmem>>, vector<1x16xf32>,
      %swap3A_160 = vector.shape_cast %swap3A_159 : vector<1x16xf32> to vector<16xf32>
      %swap3A_161 = vector.shape_cast %broadcast_in_dim3A_156 : vector<16xf32> to vector<1x16xf32>
      tpu.vector_store %arg9[%swap3A_157, %swap3A_158], %swap3A_161 {strides = array<i32>} : memref<632x16xf32, #tpu.memory_space<vmem>>, vector<1x16xf32>,
      %scan3A_162 = arith.constant 4 : i32
      %scan3A_163 = arith.addi %scan3A_128, %scan3A_162 : i32
      %broadcast_in_dim3A_164 = arith.constant 0.000000e+00 : f32
      %broadcast_in_dim3A_165 = vector.broadcast %broadcast_in_dim3A_164 : f32 to vector<16xf32>
      %swap3A_166 = arith.index_cast %scan3A_163 : i32 to index
      %swap3A_167 = arith.constant 0 : index
      %swap3A_168 = tpu.vector_load %arg9[%swap3A_166, %swap3A_167] {strides = array<i32>} : memref<632x16xf32, #tpu.memory_space<vmem>>, vector<1x16xf32>,
      %swap3A_169 = vector.shape_cast %swap3A_168 : vector<1x16xf32> to vector<16xf32>
      %swap3A_170 = vector.shape_cast %broadcast_in_dim3A_165 : vector<16xf32> to vector<1x16xf32>
      tpu.vector_store %arg9[%swap3A_166, %swap3A_167], %swap3A_170 {strides = array<i32>} : memref<632x16xf32, #tpu.memory_space<vmem>>, vector<1x16xf32>,
      %scan3A_171 = arith.constant 5 : i32
      %scan3A_172 = arith.addi %scan3A_128, %scan3A_171 : i32
      %broadcast_in_dim3A_173 = arith.constant 0.000000e+00 : f32
      %broadcast_in_dim3A_174 = vector.broadcast %broadcast_in_dim3A_173 : f32 to vector<16xf32>
      %swap3A_175 = arith.index_cast %scan3A_172 : i32 to index
      %swap3A_176 = arith.constant 0 : index
      %swap3A_177 = tpu.vector_load %arg9[%swap3A_175, %swap3A_176] {strides = array<i32>} : memref<632x16xf32, #tpu.memory_space<vmem>>, vector<1x16xf32>,
      %swap3A_178 = vector.shape_cast %swap3A_177 : vector<1x16xf32> to vector<16xf32>
      %swap3A_179 = vector.shape_cast %broadcast_in_dim3A_174 : vector<16xf32> to vector<1x16xf32>
      tpu.vector_store %arg9[%swap3A_175, %swap3A_176], %swap3A_179 {strides = array<i32>} : memref<632x16xf32, #tpu.memory_space<vmem>>, vector<1x16xf32>,
      %scan3A_180 = arith.constant 6 : i32
      %scan3A_181 = arith.addi %scan3A_128, %scan3A_180 : i32
      %broadcast_in_dim3A_182 = arith.constant 0.000000e+00 : f32
      %broadcast_in_dim3A_183 = vector.broadcast %broadcast_in_dim3A_182 : f32 to vector<16xf32>
      %swap3A_184 = arith.index_cast %scan3A_181 : i32 to index
      %swap3A_185 = arith.constant 0 : index
      %swap3A_186 = tpu.vector_load %arg9[%swap3A_184, %swap3A_185] {strides = array<i32>} : memref<632x16xf32, #tpu.memory_space<vmem>>, vector<1x16xf32>,
      %swap3A_187 = vector.shape_cast %swap3A_186 : vector<1x16xf32> to vector<16xf32>
      %swap3A_188 = vector.shape_cast %broadcast_in_dim3A_183 : vector<16xf32> to vector<1x16xf32>
      tpu.vector_store %arg9[%swap3A_184, %swap3A_185], %swap3A_188 {strides = array<i32>} : memref<632x16xf32, #tpu.memory_space<vmem>>, vector<1x16xf32>,
      %scan3A_189 = arith.constant 7 : i32
      %scan3A_190 = arith.addi %scan3A_128, %scan3A_189 : i32
      %broadcast_in_dim3A_191 = arith.constant 0.000000e+00 : f32
      %broadcast_in_dim3A_192 = vector.broadcast %broadcast_in_dim3A_191 : f32 to vector<16xf32>
      %swap3A_193 = arith.index_cast %scan3A_190 : i32 to index
      %swap3A_194 = arith.constant 0 : index
      %swap3A_195 = tpu.vector_load %arg9[%swap3A_193, %swap3A_194] {strides = array<i32>} : memref<632x16xf32, #tpu.memory_space<vmem>>, vector<1x16xf32>,
      %swap3A_196 = vector.shape_cast %swap3A_195 : vector<1x16xf32> to vector<16xf32>
      %swap3A_197 = vector.shape_cast %broadcast_in_dim3A_192 : vector<16xf32> to vector<1x16xf32>
      tpu.vector_store %arg9[%swap3A_193, %swap3A_194], %swap3A_197 {strides = array<i32>} : memref<632x16xf32, #tpu.memory_space<vmem>>, vector<1x16xf32>,
    }
    %scan3A_43 = arith.constant 632 : i32
    %mul3A_44 = arith.constant 632 : i32
    %mul3A_45 = arith.muli %arg1, %mul3A_44 : i32
    "tpu.region"() ({
      %run_scoped3A = tpu.sem_alloc : memref<!tpu.dma_semaphore, #tpu.memory_space<semaphore_mem>>
      %dma_start3A_128 = arith.constant 0 : i32
      %dma_start3A_129 = tpu.memref_slice %arg12[%mul3A_45, %dma_start3A_128] : memref<10112x16xf32, #tpu.memory_space<vmem_shared>> -> memref<632x16xf32, #tpu.memory_space<vmem_shared>>
      %dma_start3A_130 = arith.constant 0 : i32
      %dma_start3A_131 = tpu.memref_slice %arg12[%mul3A_45, %dma_start3A_130] : memref<10112x16xf32, #tpu.memory_space<vmem_shared>> -> memref<632x16xf32, #tpu.memory_space<vmem_shared>>
      tpu.enqueue_dma source(%arg9 : memref<632x16xf32, #tpu.memory_space<vmem>>) target(%dma_start3A_131 : memref<632x16xf32, #tpu.memory_space<vmem_shared>>) target_semaphore(%run_scoped3A : memref<!tpu.dma_semaphore, #tpu.memory_space<semaphore_mem>>)
      %dma_wait3A_132 = arith.constant 0 : i32
      %dma_wait3A_133 = tpu.memref_slice %arg12[%mul3A_45, %dma_wait3A_132] : memref<10112x16xf32, #tpu.memory_space<vmem_shared>> -> memref<632x16xf32, #tpu.memory_space<vmem_shared>>
      %dma_wait3A_134 = arith.constant 0 : i32
      %dma_wait3A_135 = tpu.memref_slice %arg12[%mul3A_45, %dma_wait3A_134] : memref<10112x16xf32, #tpu.memory_space<vmem_shared>> -> memref<632x16xf32, #tpu.memory_space<vmem_shared>>
      tpu.wait_dma2 semaphore(%run_scoped3A : memref<!tpu.dma_semaphore, #tpu.memory_space<semaphore_mem>>) src(%arg9 : memref<632x16xf32, #tpu.memory_space<vmem>>) dst(%dma_wait3A_135 : memref<632x16xf32, #tpu.memory_space<vmem_shared>>)
      tpu.yield
    }) : () -> ()
    %dma_wait3A = arith.constant 0 : i32
    %dma_wait3A_46 = arith.constant 0 : i32
    %dma_wait3A_47 = tpu.memref_slice %arg3[%dma_wait3A, %select_n3A, %dma_wait3A_46] : memref<2x2656x128xi32, #tpu.memory_space<hbm>> -> memref<1x96x128xi32, #tpu.memory_space<hbm>>
    %dma_wait3A_48 = tpu.memref_squeeze %dma_wait3A_47 : memref<1x96x128xi32, #tpu.memory_space<hbm>> -> memref<96x128xi32, #tpu.memory_space<hbm>>
    %dma_wait3A_49 = arith.constant 0 : i32
    %dma_wait3A_50 = tpu.memref_slice %arg3[%dma_wait3A, %select_n3A, %dma_wait3A_49] : memref<2x2656x128xi32, #tpu.memory_space<hbm>> -> memref<1x96x128xi32, #tpu.memory_space<hbm>>
    %dma_wait3A_51 = tpu.memref_squeeze %dma_wait3A_50 : memref<1x96x128xi32, #tpu.memory_space<hbm>> -> memref<96x128xi32, #tpu.memory_space<hbm>>
    tpu.wait_dma2 semaphore(%arg14 : memref<!tpu.dma_semaphore, #tpu.memory_space<semaphore_mem>>) src(%dma_wait3A_51 : memref<96x128xi32, #tpu.memory_space<hbm>>) dst(%arg5 : memref<96x128xi32, #tpu.memory_space<vmem>>)
    %dma_wait3A_52 = arith.constant 1 : i32
    %dma_wait3A_53 = arith.constant 0 : i32
    %dma_wait3A_54 = tpu.memref_slice %arg3[%dma_wait3A_52, %select_n3A, %dma_wait3A_53] : memref<2x2656x128xi32, #tpu.memory_space<hbm>> -> memref<1x96x128xi32, #tpu.memory_space<hbm>>
    %dma_wait3A_55 = tpu.memref_squeeze %dma_wait3A_54 : memref<1x96x128xi32, #tpu.memory_space<hbm>> -> memref<96x128xi32, #tpu.memory_space<hbm>>
    %dma_wait3A_56 = arith.constant 0 : i32
    %dma_wait3A_57 = tpu.memref_slice %arg3[%dma_wait3A_52, %select_n3A, %dma_wait3A_56] : memref<2x2656x128xi32, #tpu.memory_space<hbm>> -> memref<1x96x128xi32, #tpu.memory_space<hbm>>
    %dma_wait3A_58 = tpu.memref_squeeze %dma_wait3A_57 : memref<1x96x128xi32, #tpu.memory_space<hbm>> -> memref<96x128xi32, #tpu.memory_space<hbm>>
    tpu.wait_dma2 semaphore(%arg14 : memref<!tpu.dma_semaphore, #tpu.memory_space<semaphore_mem>>) src(%dma_wait3A_58 : memref<96x128xi32, #tpu.memory_space<hbm>>) dst(%arg6 : memref<96x128xi32, #tpu.memory_space<vmem>>)
    %dma_wait3A_59 = arith.constant 0 : i32
    %dma_wait3A_60 = arith.constant 0 : i32
    %dma_wait3A_61 = tpu.memref_slice %arg2[%dma_wait3A_59, %mul3A_24, %dma_wait3A_60] : memref<2x10016x16xf32, #tpu.memory_space<hbm>> -> memref<1x626x16xf32, #tpu.memory_space<hbm>>
    %dma_wait3A_62 = tpu.memref_squeeze %dma_wait3A_61 : memref<1x626x16xf32, #tpu.memory_space<hbm>> -> memref<626x16xf32, #tpu.memory_space<hbm>>
    %dma_wait3A_63 = arith.constant 0 : i32
    %dma_wait3A_64 = tpu.memref_slice %arg2[%dma_wait3A_59, %mul3A_24, %dma_wait3A_63] : memref<2x10016x16xf32, #tpu.memory_space<hbm>> -> memref<1x626x16xf32, #tpu.memory_space<hbm>>
    %dma_wait3A_65 = tpu.memref_squeeze %dma_wait3A_64 : memref<1x626x16xf32, #tpu.memory_space<hbm>> -> memref<626x16xf32, #tpu.memory_space<hbm>>
    tpu.wait_dma2 semaphore(%arg14 : memref<!tpu.dma_semaphore, #tpu.memory_space<semaphore_mem>>) src(%dma_wait3A_65 : memref<626x16xf32, #tpu.memory_space<hbm>>) dst(%arg10 : memref<626x16xf32, #tpu.memory_space<vmem>>)
    %dma_wait3A_66 = arith.constant 1 : i32
    %dma_wait3A_67 = arith.constant 0 : i32
    %dma_wait3A_68 = tpu.memref_slice %arg2[%dma_wait3A_66, %mul3A_24, %dma_wait3A_67] : memref<2x10016x16xf32, #tpu.memory_space<hbm>> -> memref<1x626x16xf32, #tpu.memory_space<hbm>>
    %dma_wait3A_69 = tpu.memref_squeeze %dma_wait3A_68 : memref<1x626x16xf32, #tpu.memory_space<hbm>> -> memref<626x16xf32, #tpu.memory_space<hbm>>
    %dma_wait3A_70 = arith.constant 0 : i32
    %dma_wait3A_71 = tpu.memref_slice %arg2[%dma_wait3A_66, %mul3A_24, %dma_wait3A_70] : memref<2x10016x16xf32, #tpu.memory_space<hbm>> -> memref<1x626x16xf32, #tpu.memory_space<hbm>>
    %dma_wait3A_72 = tpu.memref_squeeze %dma_wait3A_71 : memref<1x626x16xf32, #tpu.memory_space<hbm>> -> memref<626x16xf32, #tpu.memory_space<hbm>>
    tpu.wait_dma2 semaphore(%arg14 : memref<!tpu.dma_semaphore, #tpu.memory_space<semaphore_mem>>) src(%dma_wait3A_72 : memref<626x16xf32, #tpu.memory_space<hbm>>) dst(%arg11 : memref<626x16xf32, #tpu.memory_space<vmem>>)
    %scan3A_73 = arith.constant 0 : i32
    %scan3A_74 = arith.constant 0 : i32
    %scan3A_75 = arith.constant 624 : i32
    %scan3A_76 = arith.addi %scan3A_74, %scan3A_75 : i32
    %scan3A_77 = arith.constant 8 : i32
    scf.for %scan3A_128 = %scan3A_74 to %scan3A_76 step %scan3A_77  : i32 {
      %get3A_129 = arith.index_cast %scan3A_128 : i32 to index
      %get3A_130 = arith.constant 0 : index
      %get3A_131 = tpu.vector_load %arg10[%get3A_129, %get3A_130] {strides = array<i32>} : memref<626x16xf32, #tpu.memory_space<vmem>>, vector<1x16xf32>,
      %get3A_132 = vector.shape_cast %get3A_131 : vector<1x16xf32> to vector<16xf32>
      %get3A_133 = arith.index_cast %scan3A_128 : i32 to index
      %get3A_134 = arith.constant 0 : index
      %get3A_135 = tpu.vector_load %arg11[%get3A_133, %get3A_134] {strides = array<i32>} : memref<626x16xf32, #tpu.memory_space<vmem>>, vector<1x16xf32>,
      %get3A_136 = vector.shape_cast %get3A_135 : vector<1x16xf32> to vector<16xf32>
      %add3A_137 = arith.addf %get3A_132, %get3A_136 : vector<16xf32>
      %max3A_138 = arith.constant 0.000000e+00 : f32
      %max3A_139 = vector.broadcast %max3A_138 : f32 to vector<16xf32>
      %max3A_140 = arith.maximumf %add3A_137, %max3A_139 : vector<16xf32>
      %swap3A_141 = arith.index_cast %scan3A_128 : i32 to index
      %swap3A_142 = arith.constant 0 : index
      %swap3A_143 = tpu.vector_load %arg10[%swap3A_141, %swap3A_142] {strides = array<i32>} : memref<626x16xf32, #tpu.memory_space<vmem>>, vector<1x16xf32>,
      %swap3A_144 = vector.shape_cast %swap3A_143 : vector<1x16xf32> to vector<16xf32>
      %swap3A_145 = vector.shape_cast %max3A_140 : vector<16xf32> to vector<1x16xf32>
      tpu.vector_store %arg10[%swap3A_141, %swap3A_142], %swap3A_145 {strides = array<i32>} : memref<626x16xf32, #tpu.memory_space<vmem>>, vector<1x16xf32>,
      %scan3A_146 = arith.constant 1 : i32
      %scan3A_147 = arith.addi %scan3A_128, %scan3A_146 : i32
      %get3A_148 = arith.index_cast %scan3A_147 : i32 to index
      %get3A_149 = arith.constant 0 : index
      %get3A_150 = tpu.vector_load %arg10[%get3A_148, %get3A_149] {strides = array<i32>} : memref<626x16xf32, #tpu.memory_space<vmem>>, vector<1x16xf32>,
      %get3A_151 = vector.shape_cast %get3A_150 : vector<1x16xf32> to vector<16xf32>
      %get3A_152 = arith.index_cast %scan3A_147 : i32 to index
      %get3A_153 = arith.constant 0 : index
      %get3A_154 = tpu.vector_load %arg11[%get3A_152, %get3A_153] {strides = array<i32>} : memref<626x16xf32, #tpu.memory_space<vmem>>, vector<1x16xf32>,
      %get3A_155 = vector.shape_cast %get3A_154 : vector<1x16xf32> to vector<16xf32>
      %add3A_156 = arith.addf %get3A_151, %get3A_155 : vector<16xf32>
      %max3A_157 = arith.constant 0.000000e+00 : f32
      %max3A_158 = vector.broadcast %max3A_157 : f32 to vector<16xf32>
      %max3A_159 = arith.maximumf %add3A_156, %max3A_158 : vector<16xf32>
      %swap3A_160 = arith.index_cast %scan3A_147 : i32 to index
      %swap3A_161 = arith.constant 0 : index
      %swap3A_162 = tpu.vector_load %arg10[%swap3A_160, %swap3A_161] {strides = array<i32>} : memref<626x16xf32, #tpu.memory_space<vmem>>, vector<1x16xf32>,
      %swap3A_163 = vector.shape_cast %swap3A_162 : vector<1x16xf32> to vector<16xf32>
      %swap3A_164 = vector.shape_cast %max3A_159 : vector<16xf32> to vector<1x16xf32>
      tpu.vector_store %arg10[%swap3A_160, %swap3A_161], %swap3A_164 {strides = array<i32>} : memref<626x16xf32, #tpu.memory_space<vmem>>, vector<1x16xf32>,
      %scan3A_165 = arith.constant 2 : i32
      %scan3A_166 = arith.addi %scan3A_128, %scan3A_165 : i32
      %get3A_167 = arith.index_cast %scan3A_166 : i32 to index
      %get3A_168 = arith.constant 0 : index
      %get3A_169 = tpu.vector_load %arg10[%get3A_167, %get3A_168] {strides = array<i32>} : memref<626x16xf32, #tpu.memory_space<vmem>>, vector<1x16xf32>,
      %get3A_170 = vector.shape_cast %get3A_169 : vector<1x16xf32> to vector<16xf32>
      %get3A_171 = arith.index_cast %scan3A_166 : i32 to index
      %get3A_172 = arith.constant 0 : index
      %get3A_173 = tpu.vector_load %arg11[%get3A_171, %get3A_172] {strides = array<i32>} : memref<626x16xf32, #tpu.memory_space<vmem>>, vector<1x16xf32>,
      %get3A_174 = vector.shape_cast %get3A_173 : vector<1x16xf32> to vector<16xf32>
      %add3A_175 = arith.addf %get3A_170, %get3A_174 : vector<16xf32>
      %max3A_176 = arith.constant 0.000000e+00 : f32
      %max3A_177 = vector.broadcast %max3A_176 : f32 to vector<16xf32>
      %max3A_178 = arith.maximumf %add3A_175, %max3A_177 : vector<16xf32>
      %swap3A_179 = arith.index_cast %scan3A_166 : i32 to index
      %swap3A_180 = arith.constant 0 : index
      %swap3A_181 = tpu.vector_load %arg10[%swap3A_179, %swap3A_180] {strides = array<i32>} : memref<626x16xf32, #tpu.memory_space<vmem>>, vector<1x16xf32>,
      %swap3A_182 = vector.shape_cast %swap3A_181 : vector<1x16xf32> to vector<16xf32>
      %swap3A_183 = vector.shape_cast %max3A_178 : vector<16xf32> to vector<1x16xf32>
      tpu.vector_store %arg10[%swap3A_179, %swap3A_180], %swap3A_183 {strides = array<i32>} : memref<626x16xf32, #tpu.memory_space<vmem>>, vector<1x16xf32>,
      %scan3A_184 = arith.constant 3 : i32
      %scan3A_185 = arith.addi %scan3A_128, %scan3A_184 : i32
      %get3A_186 = arith.index_cast %scan3A_185 : i32 to index
      %get3A_187 = arith.constant 0 : index
      %get3A_188 = tpu.vector_load %arg10[%get3A_186, %get3A_187] {strides = array<i32>} : memref<626x16xf32, #tpu.memory_space<vmem>>, vector<1x16xf32>,
      %get3A_189 = vector.shape_cast %get3A_188 : vector<1x16xf32> to vector<16xf32>
      %get3A_190 = arith.index_cast %scan3A_185 : i32 to index
      %get3A_191 = arith.constant 0 : index
      %get3A_192 = tpu.vector_load %arg11[%get3A_190, %get3A_191] {strides = array<i32>} : memref<626x16xf32, #tpu.memory_space<vmem>>, vector<1x16xf32>,
      %get3A_193 = vector.shape_cast %get3A_192 : vector<1x16xf32> to vector<16xf32>
      %add3A_194 = arith.addf %get3A_189, %get3A_193 : vector<16xf32>
      %max3A_195 = arith.constant 0.000000e+00 : f32
      %max3A_196 = vector.broadcast %max3A_195 : f32 to vector<16xf32>
      %max3A_197 = arith.maximumf %add3A_194, %max3A_196 : vector<16xf32>
      %swap3A_198 = arith.index_cast %scan3A_185 : i32 to index
      %swap3A_199 = arith.constant 0 : index
      %swap3A_200 = tpu.vector_load %arg10[%swap3A_198, %swap3A_199] {strides = array<i32>} : memref<626x16xf32, #tpu.memory_space<vmem>>, vector<1x16xf32>,
      %swap3A_201 = vector.shape_cast %swap3A_200 : vector<1x16xf32> to vector<16xf32>
      %swap3A_202 = vector.shape_cast %max3A_197 : vector<16xf32> to vector<1x16xf32>
      tpu.vector_store %arg10[%swap3A_198, %swap3A_199], %swap3A_202 {strides = array<i32>} : memref<626x16xf32, #tpu.memory_space<vmem>>, vector<1x16xf32>,
      %scan3A_203 = arith.constant 4 : i32
      %scan3A_204 = arith.addi %scan3A_128, %scan3A_203 : i32
      %get3A_205 = arith.index_cast %scan3A_204 : i32 to index
      %get3A_206 = arith.constant 0 : index
      %get3A_207 = tpu.vector_load %arg10[%get3A_205, %get3A_206] {strides = array<i32>} : memref<626x16xf32, #tpu.memory_space<vmem>>, vector<1x16xf32>,
      %get3A_208 = vector.shape_cast %get3A_207 : vector<1x16xf32> to vector<16xf32>
      %get3A_209 = arith.index_cast %scan3A_204 : i32 to index
      %get3A_210 = arith.constant 0 : index
      %get3A_211 = tpu.vector_load %arg11[%get3A_209, %get3A_210] {strides = array<i32>} : memref<626x16xf32, #tpu.memory_space<vmem>>, vector<1x16xf32>,
      %get3A_212 = vector.shape_cast %get3A_211 : vector<1x16xf32> to vector<16xf32>
      %add3A_213 = arith.addf %get3A_208, %get3A_212 : vector<16xf32>
      %max3A_214 = arith.constant 0.000000e+00 : f32
      %max3A_215 = vector.broadcast %max3A_214 : f32 to vector<16xf32>
      %max3A_216 = arith.maximumf %add3A_213, %max3A_215 : vector<16xf32>
      %swap3A_217 = arith.index_cast %scan3A_204 : i32 to index
      %swap3A_218 = arith.constant 0 : index
      %swap3A_219 = tpu.vector_load %arg10[%swap3A_217, %swap3A_218] {strides = array<i32>} : memref<626x16xf32, #tpu.memory_space<vmem>>, vector<1x16xf32>,
      %swap3A_220 = vector.shape_cast %swap3A_219 : vector<1x16xf32> to vector<16xf32>
      %swap3A_221 = vector.shape_cast %max3A_216 : vector<16xf32> to vector<1x16xf32>
      tpu.vector_store %arg10[%swap3A_217, %swap3A_218], %swap3A_221 {strides = array<i32>} : memref<626x16xf32, #tpu.memory_space<vmem>>, vector<1x16xf32>,
      %scan3A_222 = arith.constant 5 : i32
      %scan3A_223 = arith.addi %scan3A_128, %scan3A_222 : i32
      %get3A_224 = arith.index_cast %scan3A_223 : i32 to index
      %get3A_225 = arith.constant 0 : index
      %get3A_226 = tpu.vector_load %arg10[%get3A_224, %get3A_225] {strides = array<i32>} : memref<626x16xf32, #tpu.memory_space<vmem>>, vector<1x16xf32>,
      %get3A_227 = vector.shape_cast %get3A_226 : vector<1x16xf32> to vector<16xf32>
      %get3A_228 = arith.index_cast %scan3A_223 : i32 to index
      %get3A_229 = arith.constant 0 : index
      %get3A_230 = tpu.vector_load %arg11[%get3A_228, %get3A_229] {strides = array<i32>} : memref<626x16xf32, #tpu.memory_space<vmem>>, vector<1x16xf32>,
      %get3A_231 = vector.shape_cast %get3A_230 : vector<1x16xf32> to vector<16xf32>
      %add3A_232 = arith.addf %get3A_227, %get3A_231 : vector<16xf32>
      %max3A_233 = arith.constant 0.000000e+00 : f32
      %max3A_234 = vector.broadcast %max3A_233 : f32 to vector<16xf32>
      %max3A_235 = arith.maximumf %add3A_232, %max3A_234 : vector<16xf32>
      %swap3A_236 = arith.index_cast %scan3A_223 : i32 to index
      %swap3A_237 = arith.constant 0 : index
      %swap3A_238 = tpu.vector_load %arg10[%swap3A_236, %swap3A_237] {strides = array<i32>} : memref<626x16xf32, #tpu.memory_space<vmem>>, vector<1x16xf32>,
      %swap3A_239 = vector.shape_cast %swap3A_238 : vector<1x16xf32> to vector<16xf32>
      %swap3A_240 = vector.shape_cast %max3A_235 : vector<16xf32> to vector<1x16xf32>
      tpu.vector_store %arg10[%swap3A_236, %swap3A_237], %swap3A_240 {strides = array<i32>} : memref<626x16xf32, #tpu.memory_space<vmem>>, vector<1x16xf32>,
      %scan3A_241 = arith.constant 6 : i32
      %scan3A_242 = arith.addi %scan3A_128, %scan3A_241 : i32
      %get3A_243 = arith.index_cast %scan3A_242 : i32 to index
      %get3A_244 = arith.constant 0 : index
      %get3A_245 = tpu.vector_load %arg10[%get3A_243, %get3A_244] {strides = array<i32>} : memref<626x16xf32, #tpu.memory_space<vmem>>, vector<1x16xf32>,
      %get3A_246 = vector.shape_cast %get3A_245 : vector<1x16xf32> to vector<16xf32>
      %get3A_247 = arith.index_cast %scan3A_242 : i32 to index
      %get3A_248 = arith.constant 0 : index
      %get3A_249 = tpu.vector_load %arg11[%get3A_247, %get3A_248] {strides = array<i32>} : memref<626x16xf32, #tpu.memory_space<vmem>>, vector<1x16xf32>,
      %get3A_250 = vector.shape_cast %get3A_249 : vector<1x16xf32> to vector<16xf32>
      %add3A_251 = arith.addf %get3A_246, %get3A_250 : vector<16xf32>
      %max3A_252 = arith.constant 0.000000e+00 : f32
      %max3A_253 = vector.broadcast %max3A_252 : f32 to vector<16xf32>
      %max3A_254 = arith.maximumf %add3A_251, %max3A_253 : vector<16xf32>
      %swap3A_255 = arith.index_cast %scan3A_242 : i32 to index
      %swap3A_256 = arith.constant 0 : index
      %swap3A_257 = tpu.vector_load %arg10[%swap3A_255, %swap3A_256] {strides = array<i32>} : memref<626x16xf32, #tpu.memory_space<vmem>>, vector<1x16xf32>,
      %swap3A_258 = vector.shape_cast %swap3A_257 : vector<1x16xf32> to vector<16xf32>
      %swap3A_259 = vector.shape_cast %max3A_254 : vector<16xf32> to vector<1x16xf32>
      tpu.vector_store %arg10[%swap3A_255, %swap3A_256], %swap3A_259 {strides = array<i32>} : memref<626x16xf32, #tpu.memory_space<vmem>>, vector<1x16xf32>,
      %scan3A_260 = arith.constant 7 : i32
      %scan3A_261 = arith.addi %scan3A_128, %scan3A_260 : i32
      %get3A_262 = arith.index_cast %scan3A_261 : i32 to index
      %get3A_263 = arith.constant 0 : index
      %get3A_264 = tpu.vector_load %arg10[%get3A_262, %get3A_263] {strides = array<i32>} : memref<626x16xf32, #tpu.memory_space<vmem>>, vector<1x16xf32>,
      %get3A_265 = vector.shape_cast %get3A_264 : vector<1x16xf32> to vector<16xf32>
      %get3A_266 = arith.index_cast %scan3A_261 : i32 to index
      %get3A_267 = arith.constant 0 : index
      %get3A_268 = tpu.vector_load %arg11[%get3A_266, %get3A_267] {strides = array<i32>} : memref<626x16xf32, #tpu.memory_space<vmem>>, vector<1x16xf32>,
      %get3A_269 = vector.shape_cast %get3A_268 : vector<1x16xf32> to vector<16xf32>
      %add3A_270 = arith.addf %get3A_265, %get3A_269 : vector<16xf32>
      %max3A_271 = arith.constant 0.000000e+00 : f32
      %max3A_272 = vector.broadcast %max3A_271 : f32 to vector<16xf32>
      %max3A_273 = arith.maximumf %add3A_270, %max3A_272 : vector<16xf32>
      %swap3A_274 = arith.index_cast %scan3A_261 : i32 to index
      %swap3A_275 = arith.constant 0 : index
      %swap3A_276 = tpu.vector_load %arg10[%swap3A_274, %swap3A_275] {strides = array<i32>} : memref<626x16xf32, #tpu.memory_space<vmem>>, vector<1x16xf32>,
      %swap3A_277 = vector.shape_cast %swap3A_276 : vector<1x16xf32> to vector<16xf32>
      %swap3A_278 = vector.shape_cast %max3A_273 : vector<16xf32> to vector<1x16xf32>
      tpu.vector_store %arg10[%swap3A_274, %swap3A_275], %swap3A_278 {strides = array<i32>} : memref<626x16xf32, #tpu.memory_space<vmem>>, vector<1x16xf32>,
    }
    %scan3A_78 = arith.constant 624 : i32
    %scan3A_79 = arith.addi %scan3A_74, %scan3A_78 : i32
    %get3A = arith.index_cast %scan3A_79 : i32 to index
    %get3A_80 = arith.constant 0 : index
    %get3A_81 = tpu.vector_load %arg10[%get3A, %get3A_80] {strides = array<i32>} : memref<626x16xf32, #tpu.memory_space<vmem>>, vector<1x16xf32>,
    %get3A_82 = vector.shape_cast %get3A_81 : vector<1x16xf32> to vector<16xf32>
    %get3A_83 = arith.index_cast %scan3A_79 : i32 to index
    %get3A_84 = arith.constant 0 : index
    %get3A_85 = tpu.vector_load %arg11[%get3A_83, %get3A_84] {strides = array<i32>} : memref<626x16xf32, #tpu.memory_space<vmem>>, vector<1x16xf32>,
    %get3A_86 = vector.shape_cast %get3A_85 : vector<1x16xf32> to vector<16xf32>
    %add3A_87 = arith.addf %get3A_82, %get3A_86 : vector<16xf32>
    %max3A = arith.constant 0.000000e+00 : f32
    %max3A_88 = vector.broadcast %max3A : f32 to vector<16xf32>
    %max3A_89 = arith.maximumf %add3A_87, %max3A_88 : vector<16xf32>
    %swap3A = arith.index_cast %scan3A_79 : i32 to index
    %swap3A_90 = arith.constant 0 : index
    %swap3A_91 = tpu.vector_load %arg10[%swap3A, %swap3A_90] {strides = array<i32>} : memref<626x16xf32, #tpu.memory_space<vmem>>, vector<1x16xf32>,
    %swap3A_92 = vector.shape_cast %swap3A_91 : vector<1x16xf32> to vector<16xf32>
    %swap3A_93 = vector.shape_cast %max3A_89 : vector<16xf32> to vector<1x16xf32>
    tpu.vector_store %arg10[%swap3A, %swap3A_90], %swap3A_93 {strides = array<i32>} : memref<626x16xf32, #tpu.memory_space<vmem>>, vector<1x16xf32>,
    %scan3A_94 = arith.constant 625 : i32
    %scan3A_95 = arith.addi %scan3A_74, %scan3A_94 : i32
    %get3A_96 = arith.index_cast %scan3A_95 : i32 to index
    %get3A_97 = arith.constant 0 : index
    %get3A_98 = tpu.vector_load %arg10[%get3A_96, %get3A_97] {strides = array<i32>} : memref<626x16xf32, #tpu.memory_space<vmem>>, vector<1x16xf32>,
    %get3A_99 = vector.shape_cast %get3A_98 : vector<1x16xf32> to vector<16xf32>
    %get3A_100 = arith.index_cast %scan3A_95 : i32 to index
    %get3A_101 = arith.constant 0 : index
    %get3A_102 = tpu.vector_load %arg11[%get3A_100, %get3A_101] {strides = array<i32>} : memref<626x16xf32, #tpu.memory_space<vmem>>, vector<1x16xf32>,
    %get3A_103 = vector.shape_cast %get3A_102 : vector<1x16xf32> to vector<16xf32>
    %add3A_104 = arith.addf %get3A_99, %get3A_103 : vector<16xf32>
    %max3A_105 = arith.constant 0.000000e+00 : f32
    %max3A_106 = vector.broadcast %max3A_105 : f32 to vector<16xf32>
    %max3A_107 = arith.maximumf %add3A_104, %max3A_106 : vector<16xf32>
    %swap3A_108 = arith.index_cast %scan3A_95 : i32 to index
    %swap3A_109 = arith.constant 0 : index
    %swap3A_110 = tpu.vector_load %arg10[%swap3A_108, %swap3A_109] {strides = array<i32>} : memref<626x16xf32, #tpu.memory_space<vmem>>, vector<1x16xf32>,
    %swap3A_111 = vector.shape_cast %swap3A_110 : vector<1x16xf32> to vector<16xf32>
    %swap3A_112 = vector.shape_cast %max3A_107 : vector<16xf32> to vector<1x16xf32>
    tpu.vector_store %arg10[%swap3A_108, %swap3A_109], %swap3A_112 {strides = array<i32>} : memref<626x16xf32, #tpu.memory_space<vmem>>, vector<1x16xf32>,
    %scan3A_113 = arith.constant 626 : i32
    "tpu.region"() ({
      %run_scoped3A = tpu.sem_alloc : memref<!tpu.dma_semaphore, #tpu.memory_space<semaphore_mem>>
      %dma_start3A_128 = arith.constant 0 : i32
      %dma_start3A_129 = tpu.memref_slice %arg13[%mul3A_24, %dma_start3A_128] : memref<10112x16xf32, #tpu.memory_space<vmem_shared>> -> memref<626x16xf32, #tpu.memory_space<vmem_shared>>
      %dma_start3A_130 = arith.constant 0 : i32
      %dma_start3A_131 = tpu.memref_slice %arg13[%mul3A_24, %dma_start3A_130] : memref<10112x16xf32, #tpu.memory_space<vmem_shared>> -> memref<626x16xf32, #tpu.memory_space<vmem_shared>>
      tpu.enqueue_dma source(%arg10 : memref<626x16xf32, #tpu.memory_space<vmem>>) target(%dma_start3A_131 : memref<626x16xf32, #tpu.memory_space<vmem_shared>>) target_semaphore(%run_scoped3A : memref<!tpu.dma_semaphore, #tpu.memory_space<semaphore_mem>>)
      %dma_wait3A_132 = arith.constant 0 : i32
      %dma_wait3A_133 = tpu.memref_slice %arg13[%mul3A_24, %dma_wait3A_132] : memref<10112x16xf32, #tpu.memory_space<vmem_shared>> -> memref<626x16xf32, #tpu.memory_space<vmem_shared>>
      %dma_wait3A_134 = arith.constant 0 : i32
      %dma_wait3A_135 = tpu.memref_slice %arg13[%mul3A_24, %dma_wait3A_134] : memref<10112x16xf32, #tpu.memory_space<vmem_shared>> -> memref<626x16xf32, #tpu.memory_space<vmem_shared>>
      tpu.wait_dma2 semaphore(%run_scoped3A : memref<!tpu.dma_semaphore, #tpu.memory_space<semaphore_mem>>) src(%arg10 : memref<626x16xf32, #tpu.memory_space<vmem>>) dst(%dma_wait3A_135 : memref<626x16xf32, #tpu.memory_space<vmem_shared>>)
      tpu.yield
    }) : () -> ()
    %barrier3A = arith.constant 0 : index
    tpu.barrier barrier_id(%barrier3A)
    %while3A = arith.constant 0 : i32
    %while3A_114 = arith.constant 0 : i32
    %while3A_115 = arith.subi %select_n3A_9, %while3A_114 : i32
    %while3A_116 = arith.addi %while3A_114, %while3A_115 : i32
    %while3A_117 = arith.constant 1 : i32
    %while3A_118 = arith.divsi %while3A_115, %while3A_117 : i32
    %while3A_119 = arith.muli %while3A_118, %while3A_117 : i32
    %while3A_120 = arith.addi %while3A_114, %while3A_119 : i32
    %while3A_121 = arith.constant 1 : i32
    scf.for %while3A_128 = %while3A_114 to %while3A_120 step %while3A_121  : i32 {
      %mul3A_129 = arith.constant 2 : i32
      %mul3A_130 = arith.muli %mul3A_129, %while3A_128 : i32
      %mul3A_131 = arith.constant 8 : i32
      %mul3A_132 = arith.muli %mul3A_130, %mul3A_131 : i32
      %add3A_133 = arith.constant 8 : i32
      %add3A_134 = arith.addi %mul3A_132, %add3A_133 : i32
      %add3A_135 = arith.constant 0 : i32
      %add3A_136 = arith.addi %mul3A_132, %add3A_135 : i32
      %dma_start3A_137 = arith.constant 0 : i32
      %dma_start3A_138 = arith.constant 0 : i32
      %dma_start3A_139 = arith.constant 0 : i32
      %dma_start3A_140 = tpu.memref_slice %arg7[%dma_start3A_137, %dma_start3A_138, %dma_start3A_139] : memref<8x128x16xf32, #tpu.memory_space<vmem>> -> memref<1x128x16xf32, #tpu.memory_space<vmem>>
      %dma_start3A_141 = tpu.memref_squeeze %dma_start3A_140 : memref<1x128x16xf32, #tpu.memory_space<vmem>> -> memref<128x16xf32, #tpu.memory_space<vmem>>
      %dma_start3A_142 = arith.constant 0 : i32
      %dma_start3A_143 = tpu.memref_slice %arg5[%add3A_136, %dma_start3A_142] : memref<96x128xi32, #tpu.memory_space<vmem>> -> memref<1x128xi32, #tpu.memory_space<vmem>>
      %dma_start3A_144 = tpu.memref_squeeze %dma_start3A_143 : memref<1x128xi32, #tpu.memory_space<vmem>> -> memref<128xi32, #tpu.memory_space<vmem>>
      %dma_start3A_145 = arith.constant 0 : i32
      %dma_start3A_146 = arith.constant 0 : i32
      %dma_start3A_147 = tpu.memref_slice %arg13[%dma_start3A_145, %dma_start3A_146] : memref<10112x16xf32, #tpu.memory_space<vmem_shared>> -> memref<10112x16xf32, #tpu.memory_space<vmem_shared>>
      tpu.enqueue_indirect_dma source(%dma_start3A_147 : memref<10112x16xf32, #tpu.memory_space<vmem_shared>>) target(%dma_start3A_141 : memref<128x16xf32, #tpu.memory_space<vmem>>) offsets(%dma_start3A_144 : memref<128xi32, #tpu.memory_space<vmem>>) semaphore(%arg14 : memref<!tpu.dma_semaphore, #tpu.memory_space<semaphore_mem>>)
      %add3A_148 = arith.constant 1 : i32
      %add3A_149 = arith.addi %mul3A_132, %add3A_148 : i32
      %dma_start3A_150 = arith.constant 1 : i32
      %dma_start3A_151 = arith.constant 0 : i32
      %dma_start3A_152 = arith.constant 0 : i32
      %dma_start3A_153 = tpu.memref_slice %arg7[%dma_start3A_150, %dma_start3A_151, %dma_start3A_152] : memref<8x128x16xf32, #tpu.memory_space<vmem>> -> memref<1x128x16xf32, #tpu.memory_space<vmem>>
      %dma_start3A_154 = tpu.memref_squeeze %dma_start3A_153 : memref<1x128x16xf32, #tpu.memory_space<vmem>> -> memref<128x16xf32, #tpu.memory_space<vmem>>
      %dma_start3A_155 = arith.constant 0 : i32
      %dma_start3A_156 = tpu.memref_slice %arg5[%add3A_149, %dma_start3A_155] : memref<96x128xi32, #tpu.memory_space<vmem>> -> memref<1x128xi32, #tpu.memory_space<vmem>>
      %dma_start3A_157 = tpu.memref_squeeze %dma_start3A_156 : memref<1x128xi32, #tpu.memory_space<vmem>> -> memref<128xi32, #tpu.memory_space<vmem>>
      %dma_start3A_158 = arith.constant 0 : i32
      %dma_start3A_159 = arith.constant 0 : i32
      %dma_start3A_160 = tpu.memref_slice %arg13[%dma_start3A_158, %dma_start3A_159] : memref<10112x16xf32, #tpu.memory_space<vmem_shared>> -> memref<10112x16xf32, #tpu.memory_space<vmem_shared>>
      tpu.enqueue_indirect_dma source(%dma_start3A_160 : memref<10112x16xf32, #tpu.memory_space<vmem_shared>>) target(%dma_start3A_154 : memref<128x16xf32, #tpu.memory_space<vmem>>) offsets(%dma_start3A_157 : memref<128xi32, #tpu.memory_space<vmem>>) semaphore(%arg14 : memref<!tpu.dma_semaphore, #tpu.memory_space<semaphore_mem>>)
      %add3A_161 = arith.constant 2 : i32
      %add3A_162 = arith.addi %mul3A_132, %add3A_161 : i32
      %dma_start3A_163 = arith.constant 2 : i32
      %dma_start3A_164 = arith.constant 0 : i32
      %dma_start3A_165 = arith.constant 0 : i32
      %dma_start3A_166 = tpu.memref_slice %arg7[%dma_start3A_163, %dma_start3A_164, %dma_start3A_165] : memref<8x128x16xf32, #tpu.memory_space<vmem>> -> memref<1x128x16xf32, #tpu.memory_space<vmem>>
      %dma_start3A_167 = tpu.memref_squeeze %dma_start3A_166 : memref<1x128x16xf32, #tpu.memory_space<vmem>> -> memref<128x16xf32, #tpu.memory_space<vmem>>
      %dma_start3A_168 = arith.constant 0 : i32
      %dma_start3A_169 = tpu.memref_slice %arg5[%add3A_162, %dma_start3A_168] : memref<96x128xi32, #tpu.memory_space<vmem>> -> memref<1x128xi32, #tpu.memory_space<vmem>>
      %dma_start3A_170 = tpu.memref_squeeze %dma_start3A_169 : memref<1x128xi32, #tpu.memory_space<vmem>> -> memref<128xi32, #tpu.memory_space<vmem>>
      %dma_start3A_171 = arith.constant 0 : i32
      %dma_start3A_172 = arith.constant 0 : i32
      %dma_start3A_173 = tpu.memref_slice %arg13[%dma_start3A_171, %dma_start3A_172] : memref<10112x16xf32, #tpu.memory_space<vmem_shared>> -> memref<10112x16xf32, #tpu.memory_space<vmem_shared>>
      tpu.enqueue_indirect_dma source(%dma_start3A_173 : memref<10112x16xf32, #tpu.memory_space<vmem_shared>>) target(%dma_start3A_167 : memref<128x16xf32, #tpu.memory_space<vmem>>) offsets(%dma_start3A_170 : memref<128xi32, #tpu.memory_space<vmem>>) semaphore(%arg14 : memref<!tpu.dma_semaphore, #tpu.memory_space<semaphore_mem>>)
      %add3A_174 = arith.constant 3 : i32
      %add3A_175 = arith.addi %mul3A_132, %add3A_174 : i32
      %dma_start3A_176 = arith.constant 3 : i32
      %dma_start3A_177 = arith.constant 0 : i32
      %dma_start3A_178 = arith.constant 0 : i32
      %dma_start3A_179 = tpu.memref_slice %arg7[%dma_start3A_176, %dma_start3A_177, %dma_start3A_178] : memref<8x128x16xf32, #tpu.memory_space<vmem>> -> memref<1x128x16xf32, #tpu.memory_space<vmem>>
      %dma_start3A_180 = tpu.memref_squeeze %dma_start3A_179 : memref<1x128x16xf32, #tpu.memory_space<vmem>> -> memref<128x16xf32, #tpu.memory_space<vmem>>
      %dma_start3A_181 = arith.constant 0 : i32
      %dma_start3A_182 = tpu.memref_slice %arg5[%add3A_175, %dma_start3A_181] : memref<96x128xi32, #tpu.memory_space<vmem>> -> memref<1x128xi32, #tpu.memory_space<vmem>>
      %dma_start3A_183 = tpu.memref_squeeze %dma_start3A_182 : memref<1x128xi32, #tpu.memory_space<vmem>> -> memref<128xi32, #tpu.memory_space<vmem>>
      %dma_start3A_184 = arith.constant 0 : i32
      %dma_start3A_185 = arith.constant 0 : i32
      %dma_start3A_186 = tpu.memref_slice %arg13[%dma_start3A_184, %dma_start3A_185] : memref<10112x16xf32, #tpu.memory_space<vmem_shared>> -> memref<10112x16xf32, #tpu.memory_space<vmem_shared>>
      tpu.enqueue_indirect_dma source(%dma_start3A_186 : memref<10112x16xf32, #tpu.memory_space<vmem_shared>>) target(%dma_start3A_180 : memref<128x16xf32, #tpu.memory_space<vmem>>) offsets(%dma_start3A_183 : memref<128xi32, #tpu.memory_space<vmem>>) semaphore(%arg14 : memref<!tpu.dma_semaphore, #tpu.memory_space<semaphore_mem>>)
      %add3A_187 = arith.constant 4 : i32
      %add3A_188 = arith.addi %mul3A_132, %add3A_187 : i32
      %dma_start3A_189 = arith.constant 4 : i32
      %dma_start3A_190 = arith.constant 0 : i32
      %dma_start3A_191 = arith.constant 0 : i32
      %dma_start3A_192 = tpu.memref_slice %arg7[%dma_start3A_189, %dma_start3A_190, %dma_start3A_191] : memref<8x128x16xf32, #tpu.memory_space<vmem>> -> memref<1x128x16xf32, #tpu.memory_space<vmem>>
      %dma_start3A_193 = tpu.memref_squeeze %dma_start3A_192 : memref<1x128x16xf32, #tpu.memory_space<vmem>> -> memref<128x16xf32, #tpu.memory_space<vmem>>
      %dma_start3A_194 = arith.constant 0 : i32
      %dma_start3A_195 = tpu.memref_slice %arg5[%add3A_188, %dma_start3A_194] : memref<96x128xi32, #tpu.memory_space<vmem>> -> memref<1x128xi32, #tpu.memory_space<vmem>>
      %dma_start3A_196 = tpu.memref_squeeze %dma_start3A_195 : memref<1x128xi32, #tpu.memory_space<vmem>> -> memref<128xi32, #tpu.memory_space<vmem>>
      %dma_start3A_197 = arith.constant 0 : i32
      %dma_start3A_198 = arith.constant 0 : i32
      %dma_start3A_199 = tpu.memref_slice %arg13[%dma_start3A_197, %dma_start3A_198] : memref<10112x16xf32, #tpu.memory_space<vmem_shared>> -> memref<10112x16xf32, #tpu.memory_space<vmem_shared>>
      tpu.enqueue_indirect_dma source(%dma_start3A_199 : memref<10112x16xf32, #tpu.memory_space<vmem_shared>>) target(%dma_start3A_193 : memref<128x16xf32, #tpu.memory_space<vmem>>) offsets(%dma_start3A_196 : memref<128xi32, #tpu.memory_space<vmem>>) semaphore(%arg14 : memref<!tpu.dma_semaphore, #tpu.memory_space<semaphore_mem>>)
      %add3A_200 = arith.constant 5 : i32
      %add3A_201 = arith.addi %mul3A_132, %add3A_200 : i32
      %dma_start3A_202 = arith.constant 5 : i32
      %dma_start3A_203 = arith.constant 0 : i32
      %dma_start3A_204 = arith.constant 0 : i32
      %dma_start3A_205 = tpu.memref_slice %arg7[%dma_start3A_202, %dma_start3A_203, %dma_start3A_204] : memref<8x128x16xf32, #tpu.memory_space<vmem>> -> memref<1x128x16xf32, #tpu.memory_space<vmem>>
      %dma_start3A_206 = tpu.memref_squeeze %dma_start3A_205 : memref<1x128x16xf32, #tpu.memory_space<vmem>> -> memref<128x16xf32, #tpu.memory_space<vmem>>
      %dma_start3A_207 = arith.constant 0 : i32
      %dma_start3A_208 = tpu.memref_slice %arg5[%add3A_201, %dma_start3A_207] : memref<96x128xi32, #tpu.memory_space<vmem>> -> memref<1x128xi32, #tpu.memory_space<vmem>>
      %dma_start3A_209 = tpu.memref_squeeze %dma_start3A_208 : memref<1x128xi32, #tpu.memory_space<vmem>> -> memref<128xi32, #tpu.memory_space<vmem>>
      %dma_start3A_210 = arith.constant 0 : i32
      %dma_start3A_211 = arith.constant 0 : i32
      %dma_start3A_212 = tpu.memref_slice %arg13[%dma_start3A_210, %dma_start3A_211] : memref<10112x16xf32, #tpu.memory_space<vmem_shared>> -> memref<10112x16xf32, #tpu.memory_space<vmem_shared>>
      tpu.enqueue_indirect_dma source(%dma_start3A_212 : memref<10112x16xf32, #tpu.memory_space<vmem_shared>>) target(%dma_start3A_206 : memref<128x16xf32, #tpu.memory_space<vmem>>) offsets(%dma_start3A_209 : memref<128xi32, #tpu.memory_space<vmem>>) semaphore(%arg14 : memref<!tpu.dma_semaphore, #tpu.memory_space<semaphore_mem>>)
      %add3A_213 = arith.constant 6 : i32
      %add3A_214 = arith.addi %mul3A_132, %add3A_213 : i32
      %dma_start3A_215 = arith.constant 6 : i32
      %dma_start3A_216 = arith.constant 0 : i32
      %dma_start3A_217 = arith.constant 0 : i32
      %dma_start3A_218 = tpu.memref_slice %arg7[%dma_start3A_215, %dma_start3A_216, %dma_start3A_217] : memref<8x128x16xf32, #tpu.memory_space<vmem>> -> memref<1x128x16xf32, #tpu.memory_space<vmem>>
      %dma_start3A_219 = tpu.memref_squeeze %dma_start3A_218 : memref<1x128x16xf32, #tpu.memory_space<vmem>> -> memref<128x16xf32, #tpu.memory_space<vmem>>
      %dma_start3A_220 = arith.constant 0 : i32
      %dma_start3A_221 = tpu.memref_slice %arg5[%add3A_214, %dma_start3A_220] : memref<96x128xi32, #tpu.memory_space<vmem>> -> memref<1x128xi32, #tpu.memory_space<vmem>>
      %dma_start3A_222 = tpu.memref_squeeze %dma_start3A_221 : memref<1x128xi32, #tpu.memory_space<vmem>> -> memref<128xi32, #tpu.memory_space<vmem>>
      %dma_start3A_223 = arith.constant 0 : i32
      %dma_start3A_224 = arith.constant 0 : i32
      %dma_start3A_225 = tpu.memref_slice %arg13[%dma_start3A_223, %dma_start3A_224] : memref<10112x16xf32, #tpu.memory_space<vmem_shared>> -> memref<10112x16xf32, #tpu.memory_space<vmem_shared>>
      tpu.enqueue_indirect_dma source(%dma_start3A_225 : memref<10112x16xf32, #tpu.memory_space<vmem_shared>>) target(%dma_start3A_219 : memref<128x16xf32, #tpu.memory_space<vmem>>) offsets(%dma_start3A_222 : memref<128xi32, #tpu.memory_space<vmem>>) semaphore(%arg14 : memref<!tpu.dma_semaphore, #tpu.memory_space<semaphore_mem>>)
      %add3A_226 = arith.constant 7 : i32
      %add3A_227 = arith.addi %mul3A_132, %add3A_226 : i32
      %dma_start3A_228 = arith.constant 7 : i32
      %dma_start3A_229 = arith.constant 0 : i32
      %dma_start3A_230 = arith.constant 0 : i32
      %dma_start3A_231 = tpu.memref_slice %arg7[%dma_start3A_228, %dma_start3A_229, %dma_start3A_230] : memref<8x128x16xf32, #tpu.memory_space<vmem>> -> memref<1x128x16xf32, #tpu.memory_space<vmem>>
      %dma_start3A_232 = tpu.memref_squeeze %dma_start3A_231 : memref<1x128x16xf32, #tpu.memory_space<vmem>> -> memref<128x16xf32, #tpu.memory_space<vmem>>
      %dma_start3A_233 = arith.constant 0 : i32
      %dma_start3A_234 = tpu.memref_slice %arg5[%add3A_227, %dma_start3A_233] : memref<96x128xi32, #tpu.memory_space<vmem>> -> memref<1x128xi32, #tpu.memory_space<vmem>>
      %dma_start3A_235 = tpu.memref_squeeze %dma_start3A_234 : memref<1x128xi32, #tpu.memory_space<vmem>> -> memref<128xi32, #tpu.memory_space<vmem>>
      %dma_start3A_236 = arith.constant 0 : i32
      %dma_start3A_237 = arith.constant 0 : i32
      %dma_start3A_238 = tpu.memref_slice %arg13[%dma_start3A_236, %dma_start3A_237] : memref<10112x16xf32, #tpu.memory_space<vmem_shared>> -> memref<10112x16xf32, #tpu.memory_space<vmem_shared>>
      tpu.enqueue_indirect_dma source(%dma_start3A_238 : memref<10112x16xf32, #tpu.memory_space<vmem_shared>>) target(%dma_start3A_232 : memref<128x16xf32, #tpu.memory_space<vmem>>) offsets(%dma_start3A_235 : memref<128xi32, #tpu.memory_space<vmem>>) semaphore(%arg14 : memref<!tpu.dma_semaphore, #tpu.memory_space<semaphore_mem>>)
      %add3A_239 = arith.constant 0 : i32
      %add3A_240 = arith.addi %add3A_134, %add3A_239 : i32
      %dma_start3A_241 = arith.constant 0 : i32
      %dma_start3A_242 = arith.constant 0 : i32
      %dma_start3A_243 = arith.constant 0 : i32
      %dma_start3A_244 = tpu.memref_slice %arg8[%dma_start3A_241, %dma_start3A_242, %dma_start3A_243] : memref<8x128x16xf32, #tpu.memory_space<vmem>> -> memref<1x128x16xf32, #tpu.memory_space<vmem>>
      %dma_start3A_245 = tpu.memref_squeeze %dma_start3A_244 : memref<1x128x16xf32, #tpu.memory_space<vmem>> -> memref<128x16xf32, #tpu.memory_space<vmem>>
      %dma_start3A_246 = arith.constant 0 : i32
      %dma_start3A_247 = tpu.memref_slice %arg5[%add3A_240, %dma_start3A_246] : memref<96x128xi32, #tpu.memory_space<vmem>> -> memref<1x128xi32, #tpu.memory_space<vmem>>
      %dma_start3A_248 = tpu.memref_squeeze %dma_start3A_247 : memref<1x128xi32, #tpu.memory_space<vmem>> -> memref<128xi32, #tpu.memory_space<vmem>>
      %dma_start3A_249 = arith.constant 0 : i32
      %dma_start3A_250 = arith.constant 0 : i32
      %dma_start3A_251 = tpu.memref_slice %arg13[%dma_start3A_249, %dma_start3A_250] : memref<10112x16xf32, #tpu.memory_space<vmem_shared>> -> memref<10112x16xf32, #tpu.memory_space<vmem_shared>>
      tpu.enqueue_indirect_dma source(%dma_start3A_251 : memref<10112x16xf32, #tpu.memory_space<vmem_shared>>) target(%dma_start3A_245 : memref<128x16xf32, #tpu.memory_space<vmem>>) offsets(%dma_start3A_248 : memref<128xi32, #tpu.memory_space<vmem>>) semaphore(%arg14 : memref<!tpu.dma_semaphore, #tpu.memory_space<semaphore_mem>>)
      %add3A_252 = arith.constant 1 : i32
      %add3A_253 = arith.addi %add3A_134, %add3A_252 : i32
      %dma_start3A_254 = arith.constant 1 : i32
      %dma_start3A_255 = arith.constant 0 : i32
      %dma_start3A_256 = arith.constant 0 : i32
      %dma_start3A_257 = tpu.memref_slice %arg8[%dma_start3A_254, %dma_start3A_255, %dma_start3A_256] : memref<8x128x16xf32, #tpu.memory_space<vmem>> -> memref<1x128x16xf32, #tpu.memory_space<vmem>>
      %dma_start3A_258 = tpu.memref_squeeze %dma_start3A_257 : memref<1x128x16xf32, #tpu.memory_space<vmem>> -> memref<128x16xf32, #tpu.memory_space<vmem>>
      %dma_start3A_259 = arith.constant 0 : i32
      %dma_start3A_260 = tpu.memref_slice %arg5[%add3A_253, %dma_start3A_259] : memref<96x128xi32, #tpu.memory_space<vmem>> -> memref<1x128xi32, #tpu.memory_space<vmem>>
      %dma_start3A_261 = tpu.memref_squeeze %dma_start3A_260 : memref<1x128xi32, #tpu.memory_space<vmem>> -> memref<128xi32, #tpu.memory_space<vmem>>
      %dma_start3A_262 = arith.constant 0 : i32
      %dma_start3A_263 = arith.constant 0 : i32
      %dma_start3A_264 = tpu.memref_slice %arg13[%dma_start3A_262, %dma_start3A_263] : memref<10112x16xf32, #tpu.memory_space<vmem_shared>> -> memref<10112x16xf32, #tpu.memory_space<vmem_shared>>
      tpu.enqueue_indirect_dma source(%dma_start3A_264 : memref<10112x16xf32, #tpu.memory_space<vmem_shared>>) target(%dma_start3A_258 : memref<128x16xf32, #tpu.memory_space<vmem>>) offsets(%dma_start3A_261 : memref<128xi32, #tpu.memory_space<vmem>>) semaphore(%arg14 : memref<!tpu.dma_semaphore, #tpu.memory_space<semaphore_mem>>)
      %add3A_265 = arith.constant 2 : i32
      %add3A_266 = arith.addi %add3A_134, %add3A_265 : i32
      %dma_start3A_267 = arith.constant 2 : i32
      %dma_start3A_268 = arith.constant 0 : i32
      %dma_start3A_269 = arith.constant 0 : i32
      %dma_start3A_270 = tpu.memref_slice %arg8[%dma_start3A_267, %dma_start3A_268, %dma_start3A_269] : memref<8x128x16xf32, #tpu.memory_space<vmem>> -> memref<1x128x16xf32, #tpu.memory_space<vmem>>
      %dma_start3A_271 = tpu.memref_squeeze %dma_start3A_270 : memref<1x128x16xf32, #tpu.memory_space<vmem>> -> memref<128x16xf32, #tpu.memory_space<vmem>>
      %dma_start3A_272 = arith.constant 0 : i32
      %dma_start3A_273 = tpu.memref_slice %arg5[%add3A_266, %dma_start3A_272] : memref<96x128xi32, #tpu.memory_space<vmem>> -> memref<1x128xi32, #tpu.memory_space<vmem>>
      %dma_start3A_274 = tpu.memref_squeeze %dma_start3A_273 : memref<1x128xi32, #tpu.memory_space<vmem>> -> memref<128xi32, #tpu.memory_space<vmem>>
      %dma_start3A_275 = arith.constant 0 : i32
      %dma_start3A_276 = arith.constant 0 : i32
      %dma_start3A_277 = tpu.memref_slice %arg13[%dma_start3A_275, %dma_start3A_276] : memref<10112x16xf32, #tpu.memory_space<vmem_shared>> -> memref<10112x16xf32, #tpu.memory_space<vmem_shared>>
      tpu.enqueue_indirect_dma source(%dma_start3A_277 : memref<10112x16xf32, #tpu.memory_space<vmem_shared>>) target(%dma_start3A_271 : memref<128x16xf32, #tpu.memory_space<vmem>>) offsets(%dma_start3A_274 : memref<128xi32, #tpu.memory_space<vmem>>) semaphore(%arg14 : memref<!tpu.dma_semaphore, #tpu.memory_space<semaphore_mem>>)
      %add3A_278 = arith.constant 3 : i32
      %add3A_279 = arith.addi %add3A_134, %add3A_278 : i32
      %dma_start3A_280 = arith.constant 3 : i32
      %dma_start3A_281 = arith.constant 0 : i32
      %dma_start3A_282 = arith.constant 0 : i32
      %dma_start3A_283 = tpu.memref_slice %arg8[%dma_start3A_280, %dma_start3A_281, %dma_start3A_282] : memref<8x128x16xf32, #tpu.memory_space<vmem>> -> memref<1x128x16xf32, #tpu.memory_space<vmem>>
      %dma_start3A_284 = tpu.memref_squeeze %dma_start3A_283 : memref<1x128x16xf32, #tpu.memory_space<vmem>> -> memref<128x16xf32, #tpu.memory_space<vmem>>
      %dma_start3A_285 = arith.constant 0 : i32
      %dma_start3A_286 = tpu.memref_slice %arg5[%add3A_279, %dma_start3A_285] : memref<96x128xi32, #tpu.memory_space<vmem>> -> memref<1x128xi32, #tpu.memory_space<vmem>>
      %dma_start3A_287 = tpu.memref_squeeze %dma_start3A_286 : memref<1x128xi32, #tpu.memory_space<vmem>> -> memref<128xi32, #tpu.memory_space<vmem>>
      %dma_start3A_288 = arith.constant 0 : i32
      %dma_start3A_289 = arith.constant 0 : i32
      %dma_start3A_290 = tpu.memref_slice %arg13[%dma_start3A_288, %dma_start3A_289] : memref<10112x16xf32, #tpu.memory_space<vmem_shared>> -> memref<10112x16xf32, #tpu.memory_space<vmem_shared>>
      tpu.enqueue_indirect_dma source(%dma_start3A_290 : memref<10112x16xf32, #tpu.memory_space<vmem_shared>>) target(%dma_start3A_284 : memref<128x16xf32, #tpu.memory_space<vmem>>) offsets(%dma_start3A_287 : memref<128xi32, #tpu.memory_space<vmem>>) semaphore(%arg14 : memref<!tpu.dma_semaphore, #tpu.memory_space<semaphore_mem>>)
      %add3A_291 = arith.constant 4 : i32
      %add3A_292 = arith.addi %add3A_134, %add3A_291 : i32
      %dma_start3A_293 = arith.constant 4 : i32
      %dma_start3A_294 = arith.constant 0 : i32
      %dma_start3A_295 = arith.constant 0 : i32
      %dma_start3A_296 = tpu.memref_slice %arg8[%dma_start3A_293, %dma_start3A_294, %dma_start3A_295] : memref<8x128x16xf32, #tpu.memory_space<vmem>> -> memref<1x128x16xf32, #tpu.memory_space<vmem>>
      %dma_start3A_297 = tpu.memref_squeeze %dma_start3A_296 : memref<1x128x16xf32, #tpu.memory_space<vmem>> -> memref<128x16xf32, #tpu.memory_space<vmem>>
      %dma_start3A_298 = arith.constant 0 : i32
      %dma_start3A_299 = tpu.memref_slice %arg5[%add3A_292, %dma_start3A_298] : memref<96x128xi32, #tpu.memory_space<vmem>> -> memref<1x128xi32, #tpu.memory_space<vmem>>
      %dma_start3A_300 = tpu.memref_squeeze %dma_start3A_299 : memref<1x128xi32, #tpu.memory_space<vmem>> -> memref<128xi32, #tpu.memory_space<vmem>>
      %dma_start3A_301 = arith.constant 0 : i32
      %dma_start3A_302 = arith.constant 0 : i32
      %dma_start3A_303 = tpu.memref_slice %arg13[%dma_start3A_301, %dma_start3A_302] : memref<10112x16xf32, #tpu.memory_space<vmem_shared>> -> memref<10112x16xf32, #tpu.memory_space<vmem_shared>>
      tpu.enqueue_indirect_dma source(%dma_start3A_303 : memref<10112x16xf32, #tpu.memory_space<vmem_shared>>) target(%dma_start3A_297 : memref<128x16xf32, #tpu.memory_space<vmem>>) offsets(%dma_start3A_300 : memref<128xi32, #tpu.memory_space<vmem>>) semaphore(%arg14 : memref<!tpu.dma_semaphore, #tpu.memory_space<semaphore_mem>>)
      %add3A_304 = arith.constant 5 : i32
      %add3A_305 = arith.addi %add3A_134, %add3A_304 : i32
      %dma_start3A_306 = arith.constant 5 : i32
      %dma_start3A_307 = arith.constant 0 : i32
      %dma_start3A_308 = arith.constant 0 : i32
      %dma_start3A_309 = tpu.memref_slice %arg8[%dma_start3A_306, %dma_start3A_307, %dma_start3A_308] : memref<8x128x16xf32, #tpu.memory_space<vmem>> -> memref<1x128x16xf32, #tpu.memory_space<vmem>>
      %dma_start3A_310 = tpu.memref_squeeze %dma_start3A_309 : memref<1x128x16xf32, #tpu.memory_space<vmem>> -> memref<128x16xf32, #tpu.memory_space<vmem>>
      %dma_start3A_311 = arith.constant 0 : i32
      %dma_start3A_312 = tpu.memref_slice %arg5[%add3A_305, %dma_start3A_311] : memref<96x128xi32, #tpu.memory_space<vmem>> -> memref<1x128xi32, #tpu.memory_space<vmem>>
      %dma_start3A_313 = tpu.memref_squeeze %dma_start3A_312 : memref<1x128xi32, #tpu.memory_space<vmem>> -> memref<128xi32, #tpu.memory_space<vmem>>
      %dma_start3A_314 = arith.constant 0 : i32
      %dma_start3A_315 = arith.constant 0 : i32
      %dma_start3A_316 = tpu.memref_slice %arg13[%dma_start3A_314, %dma_start3A_315] : memref<10112x16xf32, #tpu.memory_space<vmem_shared>> -> memref<10112x16xf32, #tpu.memory_space<vmem_shared>>
      tpu.enqueue_indirect_dma source(%dma_start3A_316 : memref<10112x16xf32, #tpu.memory_space<vmem_shared>>) target(%dma_start3A_310 : memref<128x16xf32, #tpu.memory_space<vmem>>) offsets(%dma_start3A_313 : memref<128xi32, #tpu.memory_space<vmem>>) semaphore(%arg14 : memref<!tpu.dma_semaphore, #tpu.memory_space<semaphore_mem>>)
      %add3A_317 = arith.constant 6 : i32
      %add3A_318 = arith.addi %add3A_134, %add3A_317 : i32
      %dma_start3A_319 = arith.constant 6 : i32
      %dma_start3A_320 = arith.constant 0 : i32
      %dma_start3A_321 = arith.constant 0 : i32
      %dma_start3A_322 = tpu.memref_slice %arg8[%dma_start3A_319, %dma_start3A_320, %dma_start3A_321] : memref<8x128x16xf32, #tpu.memory_space<vmem>> -> memref<1x128x16xf32, #tpu.memory_space<vmem>>
      %dma_start3A_323 = tpu.memref_squeeze %dma_start3A_322 : memref<1x128x16xf32, #tpu.memory_space<vmem>> -> memref<128x16xf32, #tpu.memory_space<vmem>>
      %dma_start3A_324 = arith.constant 0 : i32
      %dma_start3A_325 = tpu.memref_slice %arg5[%add3A_318, %dma_start3A_324] : memref<96x128xi32, #tpu.memory_space<vmem>> -> memref<1x128xi32, #tpu.memory_space<vmem>>
      %dma_start3A_326 = tpu.memref_squeeze %dma_start3A_325 : memref<1x128xi32, #tpu.memory_space<vmem>> -> memref<128xi32, #tpu.memory_space<vmem>>
      %dma_start3A_327 = arith.constant 0 : i32
      %dma_start3A_328 = arith.constant 0 : i32
      %dma_start3A_329 = tpu.memref_slice %arg13[%dma_start3A_327, %dma_start3A_328] : memref<10112x16xf32, #tpu.memory_space<vmem_shared>> -> memref<10112x16xf32, #tpu.memory_space<vmem_shared>>
      tpu.enqueue_indirect_dma source(%dma_start3A_329 : memref<10112x16xf32, #tpu.memory_space<vmem_shared>>) target(%dma_start3A_323 : memref<128x16xf32, #tpu.memory_space<vmem>>) offsets(%dma_start3A_326 : memref<128xi32, #tpu.memory_space<vmem>>) semaphore(%arg14 : memref<!tpu.dma_semaphore, #tpu.memory_space<semaphore_mem>>)
      %add3A_330 = arith.constant 7 : i32
      %add3A_331 = arith.addi %add3A_134, %add3A_330 : i32
      %dma_start3A_332 = arith.constant 7 : i32
      %dma_start3A_333 = arith.constant 0 : i32
      %dma_start3A_334 = arith.constant 0 : i32
      %dma_start3A_335 = tpu.memref_slice %arg8[%dma_start3A_332, %dma_start3A_333, %dma_start3A_334] : memref<8x128x16xf32, #tpu.memory_space<vmem>> -> memref<1x128x16xf32, #tpu.memory_space<vmem>>
      %dma_start3A_336 = tpu.memref_squeeze %dma_start3A_335 : memref<1x128x16xf32, #tpu.memory_space<vmem>> -> memref<128x16xf32, #tpu.memory_space<vmem>>
      %dma_start3A_337 = arith.constant 0 : i32
      %dma_start3A_338 = tpu.memref_slice %arg5[%add3A_331, %dma_start3A_337] : memref<96x128xi32, #tpu.memory_space<vmem>> -> memref<1x128xi32, #tpu.memory_space<vmem>>
      %dma_start3A_339 = tpu.memref_squeeze %dma_start3A_338 : memref<1x128xi32, #tpu.memory_space<vmem>> -> memref<128xi32, #tpu.memory_space<vmem>>
      %dma_start3A_340 = arith.constant 0 : i32
      %dma_start3A_341 = arith.constant 0 : i32
      %dma_start3A_342 = tpu.memref_slice %arg13[%dma_start3A_340, %dma_start3A_341] : memref<10112x16xf32, #tpu.memory_space<vmem_shared>> -> memref<10112x16xf32, #tpu.memory_space<vmem_shared>>
      tpu.enqueue_indirect_dma source(%dma_start3A_342 : memref<10112x16xf32, #tpu.memory_space<vmem_shared>>) target(%dma_start3A_336 : memref<128x16xf32, #tpu.memory_space<vmem>>) offsets(%dma_start3A_339 : memref<128xi32, #tpu.memory_space<vmem>>) semaphore(%arg14 : memref<!tpu.dma_semaphore, #tpu.memory_space<semaphore_mem>>)
      %dma_wait3A_343 = arith.constant 0 : i32
      %dma_wait3A_344 = arith.constant 0 : i32
      %dma_wait3A_345 = arith.constant 0 : i32
      %dma_wait3A_346 = tpu.memref_slice %arg7[%dma_wait3A_343, %dma_wait3A_344, %dma_wait3A_345] : memref<8x128x16xf32, #tpu.memory_space<vmem>> -> memref<1x128x16xf32, #tpu.memory_space<vmem>>
      %dma_wait3A_347 = tpu.memref_squeeze %dma_wait3A_346 : memref<1x128x16xf32, #tpu.memory_space<vmem>> -> memref<128x16xf32, #tpu.memory_space<vmem>>
      %dma_wait3A_348 = arith.constant 0 : i32
      %dma_wait3A_349 = tpu.memref_slice %arg5[%add3A_136, %dma_wait3A_348] : memref<96x128xi32, #tpu.memory_space<vmem>> -> memref<1x128xi32, #tpu.memory_space<vmem>>
      %dma_wait3A_350 = tpu.memref_squeeze %dma_wait3A_349 : memref<1x128xi32, #tpu.memory_space<vmem>> -> memref<128xi32, #tpu.memory_space<vmem>>
      %dma_wait3A_351 = arith.constant 0 : i32
      %dma_wait3A_352 = arith.constant 0 : i32
      %dma_wait3A_353 = tpu.memref_slice %arg13[%dma_wait3A_351, %dma_wait3A_352] : memref<10112x16xf32, #tpu.memory_space<vmem_shared>> -> memref<10112x16xf32, #tpu.memory_space<vmem_shared>>
      tpu.wait_indirect_dma semaphore(%arg14 : memref<!tpu.dma_semaphore, #tpu.memory_space<semaphore_mem>>) src(%dma_wait3A_353 : memref<10112x16xf32, #tpu.memory_space<vmem_shared>>) dst(%dma_wait3A_347 : memref<128x16xf32, #tpu.memory_space<vmem>>)
      %dma_wait3A_354 = arith.constant 1 : i32
      %dma_wait3A_355 = arith.constant 0 : i32
      %dma_wait3A_356 = arith.constant 0 : i32
      %dma_wait3A_357 = tpu.memref_slice %arg7[%dma_wait3A_354, %dma_wait3A_355, %dma_wait3A_356] : memref<8x128x16xf32, #tpu.memory_space<vmem>> -> memref<1x128x16xf32, #tpu.memory_space<vmem>>
      %dma_wait3A_358 = tpu.memref_squeeze %dma_wait3A_357 : memref<1x128x16xf32, #tpu.memory_space<vmem>> -> memref<128x16xf32, #tpu.memory_space<vmem>>
      %dma_wait3A_359 = arith.constant 0 : i32
      %dma_wait3A_360 = tpu.memref_slice %arg5[%add3A_149, %dma_wait3A_359] : memref<96x128xi32, #tpu.memory_space<vmem>> -> memref<1x128xi32, #tpu.memory_space<vmem>>
      %dma_wait3A_361 = tpu.memref_squeeze %dma_wait3A_360 : memref<1x128xi32, #tpu.memory_space<vmem>> -> memref<128xi32, #tpu.memory_space<vmem>>
      %dma_wait3A_362 = arith.constant 0 : i32
      %dma_wait3A_363 = arith.constant 0 : i32
      %dma_wait3A_364 = tpu.memref_slice %arg13[%dma_wait3A_362, %dma_wait3A_363] : memref<10112x16xf32, #tpu.memory_space<vmem_shared>> -> memref<10112x16xf32, #tpu.memory_space<vmem_shared>>
      tpu.wait_indirect_dma semaphore(%arg14 : memref<!tpu.dma_semaphore, #tpu.memory_space<semaphore_mem>>) src(%dma_wait3A_364 : memref<10112x16xf32, #tpu.memory_space<vmem_shared>>) dst(%dma_wait3A_358 : memref<128x16xf32, #tpu.memory_space<vmem>>)
      %dma_wait3A_365 = arith.constant 2 : i32
      %dma_wait3A_366 = arith.constant 0 : i32
      %dma_wait3A_367 = arith.constant 0 : i32
      %dma_wait3A_368 = tpu.memref_slice %arg7[%dma_wait3A_365, %dma_wait3A_366, %dma_wait3A_367] : memref<8x128x16xf32, #tpu.memory_space<vmem>> -> memref<1x128x16xf32, #tpu.memory_space<vmem>>
      %dma_wait3A_369 = tpu.memref_squeeze %dma_wait3A_368 : memref<1x128x16xf32, #tpu.memory_space<vmem>> -> memref<128x16xf32, #tpu.memory_space<vmem>>
      %dma_wait3A_370 = arith.constant 0 : i32
      %dma_wait3A_371 = tpu.memref_slice %arg5[%add3A_162, %dma_wait3A_370] : memref<96x128xi32, #tpu.memory_space<vmem>> -> memref<1x128xi32, #tpu.memory_space<vmem>>
      %dma_wait3A_372 = tpu.memref_squeeze %dma_wait3A_371 : memref<1x128xi32, #tpu.memory_space<vmem>> -> memref<128xi32, #tpu.memory_space<vmem>>
      %dma_wait3A_373 = arith.constant 0 : i32
      %dma_wait3A_374 = arith.constant 0 : i32
      %dma_wait3A_375 = tpu.memref_slice %arg13[%dma_wait3A_373, %dma_wait3A_374] : memref<10112x16xf32, #tpu.memory_space<vmem_shared>> -> memref<10112x16xf32, #tpu.memory_space<vmem_shared>>
      tpu.wait_indirect_dma semaphore(%arg14 : memref<!tpu.dma_semaphore, #tpu.memory_space<semaphore_mem>>) src(%dma_wait3A_375 : memref<10112x16xf32, #tpu.memory_space<vmem_shared>>) dst(%dma_wait3A_369 : memref<128x16xf32, #tpu.memory_space<vmem>>)
      %dma_wait3A_376 = arith.constant 3 : i32
      %dma_wait3A_377 = arith.constant 0 : i32
      %dma_wait3A_378 = arith.constant 0 : i32
      %dma_wait3A_379 = tpu.memref_slice %arg7[%dma_wait3A_376, %dma_wait3A_377, %dma_wait3A_378] : memref<8x128x16xf32, #tpu.memory_space<vmem>> -> memref<1x128x16xf32, #tpu.memory_space<vmem>>
      %dma_wait3A_380 = tpu.memref_squeeze %dma_wait3A_379 : memref<1x128x16xf32, #tpu.memory_space<vmem>> -> memref<128x16xf32, #tpu.memory_space<vmem>>
      %dma_wait3A_381 = arith.constant 0 : i32
      %dma_wait3A_382 = tpu.memref_slice %arg5[%add3A_175, %dma_wait3A_381] : memref<96x128xi32, #tpu.memory_space<vmem>> -> memref<1x128xi32, #tpu.memory_space<vmem>>
      %dma_wait3A_383 = tpu.memref_squeeze %dma_wait3A_382 : memref<1x128xi32, #tpu.memory_space<vmem>> -> memref<128xi32, #tpu.memory_space<vmem>>
      %dma_wait3A_384 = arith.constant 0 : i32
      %dma_wait3A_385 = arith.constant 0 : i32
      %dma_wait3A_386 = tpu.memref_slice %arg13[%dma_wait3A_384, %dma_wait3A_385] : memref<10112x16xf32, #tpu.memory_space<vmem_shared>> -> memref<10112x16xf32, #tpu.memory_space<vmem_shared>>
      tpu.wait_indirect_dma semaphore(%arg14 : memref<!tpu.dma_semaphore, #tpu.memory_space<semaphore_mem>>) src(%dma_wait3A_386 : memref<10112x16xf32, #tpu.memory_space<vmem_shared>>) dst(%dma_wait3A_380 : memref<128x16xf32, #tpu.memory_space<vmem>>)
      %dma_wait3A_387 = arith.constant 4 : i32
      %dma_wait3A_388 = arith.constant 0 : i32
      %dma_wait3A_389 = arith.constant 0 : i32
      %dma_wait3A_390 = tpu.memref_slice %arg7[%dma_wait3A_387, %dma_wait3A_388, %dma_wait3A_389] : memref<8x128x16xf32, #tpu.memory_space<vmem>> -> memref<1x128x16xf32, #tpu.memory_space<vmem>>
      %dma_wait3A_391 = tpu.memref_squeeze %dma_wait3A_390 : memref<1x128x16xf32, #tpu.memory_space<vmem>> -> memref<128x16xf32, #tpu.memory_space<vmem>>
      %dma_wait3A_392 = arith.constant 0 : i32
      %dma_wait3A_393 = tpu.memref_slice %arg5[%add3A_188, %dma_wait3A_392] : memref<96x128xi32, #tpu.memory_space<vmem>> -> memref<1x128xi32, #tpu.memory_space<vmem>>
      %dma_wait3A_394 = tpu.memref_squeeze %dma_wait3A_393 : memref<1x128xi32, #tpu.memory_space<vmem>> -> memref<128xi32, #tpu.memory_space<vmem>>
      %dma_wait3A_395 = arith.constant 0 : i32
      %dma_wait3A_396 = arith.constant 0 : i32
      %dma_wait3A_397 = tpu.memref_slice %arg13[%dma_wait3A_395, %dma_wait3A_396] : memref<10112x16xf32, #tpu.memory_space<vmem_shared>> -> memref<10112x16xf32, #tpu.memory_space<vmem_shared>>
      tpu.wait_indirect_dma semaphore(%arg14 : memref<!tpu.dma_semaphore, #tpu.memory_space<semaphore_mem>>) src(%dma_wait3A_397 : memref<10112x16xf32, #tpu.memory_space<vmem_shared>>) dst(%dma_wait3A_391 : memref<128x16xf32, #tpu.memory_space<vmem>>)
      %dma_wait3A_398 = arith.constant 5 : i32
      %dma_wait3A_399 = arith.constant 0 : i32
      %dma_wait3A_400 = arith.constant 0 : i32
      %dma_wait3A_401 = tpu.memref_slice %arg7[%dma_wait3A_398, %dma_wait3A_399, %dma_wait3A_400] : memref<8x128x16xf32, #tpu.memory_space<vmem>> -> memref<1x128x16xf32, #tpu.memory_space<vmem>>
      %dma_wait3A_402 = tpu.memref_squeeze %dma_wait3A_401 : memref<1x128x16xf32, #tpu.memory_space<vmem>> -> memref<128x16xf32, #tpu.memory_space<vmem>>
      %dma_wait3A_403 = arith.constant 0 : i32
      %dma_wait3A_404 = tpu.memref_slice %arg5[%add3A_201, %dma_wait3A_403] : memref<96x128xi32, #tpu.memory_space<vmem>> -> memref<1x128xi32, #tpu.memory_space<vmem>>
      %dma_wait3A_405 = tpu.memref_squeeze %dma_wait3A_404 : memref<1x128xi32, #tpu.memory_space<vmem>> -> memref<128xi32, #tpu.memory_space<vmem>>
      %dma_wait3A_406 = arith.constant 0 : i32
      %dma_wait3A_407 = arith.constant 0 : i32
      %dma_wait3A_408 = tpu.memref_slice %arg13[%dma_wait3A_406, %dma_wait3A_407] : memref<10112x16xf32, #tpu.memory_space<vmem_shared>> -> memref<10112x16xf32, #tpu.memory_space<vmem_shared>>
      tpu.wait_indirect_dma semaphore(%arg14 : memref<!tpu.dma_semaphore, #tpu.memory_space<semaphore_mem>>) src(%dma_wait3A_408 : memref<10112x16xf32, #tpu.memory_space<vmem_shared>>) dst(%dma_wait3A_402 : memref<128x16xf32, #tpu.memory_space<vmem>>)
      %dma_wait3A_409 = arith.constant 6 : i32
      %dma_wait3A_410 = arith.constant 0 : i32
      %dma_wait3A_411 = arith.constant 0 : i32
      %dma_wait3A_412 = tpu.memref_slice %arg7[%dma_wait3A_409, %dma_wait3A_410, %dma_wait3A_411] : memref<8x128x16xf32, #tpu.memory_space<vmem>> -> memref<1x128x16xf32, #tpu.memory_space<vmem>>
      %dma_wait3A_413 = tpu.memref_squeeze %dma_wait3A_412 : memref<1x128x16xf32, #tpu.memory_space<vmem>> -> memref<128x16xf32, #tpu.memory_space<vmem>>
      %dma_wait3A_414 = arith.constant 0 : i32
      %dma_wait3A_415 = tpu.memref_slice %arg5[%add3A_214, %dma_wait3A_414] : memref<96x128xi32, #tpu.memory_space<vmem>> -> memref<1x128xi32, #tpu.memory_space<vmem>>
      %dma_wait3A_416 = tpu.memref_squeeze %dma_wait3A_415 : memref<1x128xi32, #tpu.memory_space<vmem>> -> memref<128xi32, #tpu.memory_space<vmem>>
      %dma_wait3A_417 = arith.constant 0 : i32
      %dma_wait3A_418 = arith.constant 0 : i32
      %dma_wait3A_419 = tpu.memref_slice %arg13[%dma_wait3A_417, %dma_wait3A_418] : memref<10112x16xf32, #tpu.memory_space<vmem_shared>> -> memref<10112x16xf32, #tpu.memory_space<vmem_shared>>
      tpu.wait_indirect_dma semaphore(%arg14 : memref<!tpu.dma_semaphore, #tpu.memory_space<semaphore_mem>>) src(%dma_wait3A_419 : memref<10112x16xf32, #tpu.memory_space<vmem_shared>>) dst(%dma_wait3A_413 : memref<128x16xf32, #tpu.memory_space<vmem>>)
      %dma_wait3A_420 = arith.constant 7 : i32
      %dma_wait3A_421 = arith.constant 0 : i32
      %dma_wait3A_422 = arith.constant 0 : i32
      %dma_wait3A_423 = tpu.memref_slice %arg7[%dma_wait3A_420, %dma_wait3A_421, %dma_wait3A_422] : memref<8x128x16xf32, #tpu.memory_space<vmem>> -> memref<1x128x16xf32, #tpu.memory_space<vmem>>
      %dma_wait3A_424 = tpu.memref_squeeze %dma_wait3A_423 : memref<1x128x16xf32, #tpu.memory_space<vmem>> -> memref<128x16xf32, #tpu.memory_space<vmem>>
      %dma_wait3A_425 = arith.constant 0 : i32
      %dma_wait3A_426 = tpu.memref_slice %arg5[%add3A_227, %dma_wait3A_425] : memref<96x128xi32, #tpu.memory_space<vmem>> -> memref<1x128xi32, #tpu.memory_space<vmem>>
      %dma_wait3A_427 = tpu.memref_squeeze %dma_wait3A_426 : memref<1x128xi32, #tpu.memory_space<vmem>> -> memref<128xi32, #tpu.memory_space<vmem>>
      %dma_wait3A_428 = arith.constant 0 : i32
      %dma_wait3A_429 = arith.constant 0 : i32
      %dma_wait3A_430 = tpu.memref_slice %arg13[%dma_wait3A_428, %dma_wait3A_429] : memref<10112x16xf32, #tpu.memory_space<vmem_shared>> -> memref<10112x16xf32, #tpu.memory_space<vmem_shared>>
      tpu.wait_indirect_dma semaphore(%arg14 : memref<!tpu.dma_semaphore, #tpu.memory_space<semaphore_mem>>) src(%dma_wait3A_430 : memref<10112x16xf32, #tpu.memory_space<vmem_shared>>) dst(%dma_wait3A_424 : memref<128x16xf32, #tpu.memory_space<vmem>>)
      %add3A_431 = arith.constant 0 : i32
      %add3A_432 = arith.addi %mul3A_132, %add3A_431 : i32
      %dma_start3A_433 = arith.constant 0 : i32
      %dma_start3A_434 = arith.constant 0 : i32
      %dma_start3A_435 = arith.constant 0 : i32
      %dma_start3A_436 = tpu.memref_slice %arg7[%dma_start3A_433, %dma_start3A_434, %dma_start3A_435] : memref<8x128x16xf32, #tpu.memory_space<vmem>> -> memref<1x128x16xf32, #tpu.memory_space<vmem>>
      %dma_start3A_437 = tpu.memref_squeeze %dma_start3A_436 : memref<1x128x16xf32, #tpu.memory_space<vmem>> -> memref<128x16xf32, #tpu.memory_space<vmem>>
      %dma_start3A_438 = arith.constant 0 : i32
      %dma_start3A_439 = tpu.memref_slice %arg6[%add3A_432, %dma_start3A_438] : memref<96x128xi32, #tpu.memory_space<vmem>> -> memref<1x128xi32, #tpu.memory_space<vmem>>
      %dma_start3A_440 = tpu.memref_squeeze %dma_start3A_439 : memref<1x128xi32, #tpu.memory_space<vmem>> -> memref<128xi32, #tpu.memory_space<vmem>>
      %dma_start3A_441 = arith.constant 0 : i32
      %dma_start3A_442 = arith.constant 0 : i32
      %dma_start3A_443 = tpu.memref_slice %arg12[%dma_start3A_441, %dma_start3A_442] : memref<10112x16xf32, #tpu.memory_space<vmem_shared>> -> memref<10112x16xf32, #tpu.memory_space<vmem_shared>>
      tpu.enqueue_indirect_dma source(%dma_start3A_437 : memref<128x16xf32, #tpu.memory_space<vmem>>) target(%dma_start3A_443 : memref<10112x16xf32, #tpu.memory_space<vmem_shared>>) offsets(%dma_start3A_440 : memref<128xi32, #tpu.memory_space<vmem>>) semaphore(%arg15 : memref<!tpu.dma_semaphore, #tpu.memory_space<semaphore_mem>>) {add = true}
      %add3A_444 = arith.constant 1 : i32
      %add3A_445 = arith.addi %mul3A_132, %add3A_444 : i32
      %dma_start3A_446 = arith.constant 1 : i32
      %dma_start3A_447 = arith.constant 0 : i32
      %dma_start3A_448 = arith.constant 0 : i32
      %dma_start3A_449 = tpu.memref_slice %arg7[%dma_start3A_446, %dma_start3A_447, %dma_start3A_448] : memref<8x128x16xf32, #tpu.memory_space<vmem>> -> memref<1x128x16xf32, #tpu.memory_space<vmem>>
      %dma_start3A_450 = tpu.memref_squeeze %dma_start3A_449 : memref<1x128x16xf32, #tpu.memory_space<vmem>> -> memref<128x16xf32, #tpu.memory_space<vmem>>
      %dma_start3A_451 = arith.constant 0 : i32
      %dma_start3A_452 = tpu.memref_slice %arg6[%add3A_445, %dma_start3A_451] : memref<96x128xi32, #tpu.memory_space<vmem>> -> memref<1x128xi32, #tpu.memory_space<vmem>>
      %dma_start3A_453 = tpu.memref_squeeze %dma_start3A_452 : memref<1x128xi32, #tpu.memory_space<vmem>> -> memref<128xi32, #tpu.memory_space<vmem>>
      %dma_start3A_454 = arith.constant 0 : i32
      %dma_start3A_455 = arith.constant 0 : i32
      %dma_start3A_456 = tpu.memref_slice %arg12[%dma_start3A_454, %dma_start3A_455] : memref<10112x16xf32, #tpu.memory_space<vmem_shared>> -> memref<10112x16xf32, #tpu.memory_space<vmem_shared>>
      tpu.enqueue_indirect_dma source(%dma_start3A_450 : memref<128x16xf32, #tpu.memory_space<vmem>>) target(%dma_start3A_456 : memref<10112x16xf32, #tpu.memory_space<vmem_shared>>) offsets(%dma_start3A_453 : memref<128xi32, #tpu.memory_space<vmem>>) semaphore(%arg15 : memref<!tpu.dma_semaphore, #tpu.memory_space<semaphore_mem>>) {add = true}
      %add3A_457 = arith.constant 2 : i32
      %add3A_458 = arith.addi %mul3A_132, %add3A_457 : i32
      %dma_start3A_459 = arith.constant 2 : i32
      %dma_start3A_460 = arith.constant 0 : i32
      %dma_start3A_461 = arith.constant 0 : i32
      %dma_start3A_462 = tpu.memref_slice %arg7[%dma_start3A_459, %dma_start3A_460, %dma_start3A_461] : memref<8x128x16xf32, #tpu.memory_space<vmem>> -> memref<1x128x16xf32, #tpu.memory_space<vmem>>
      %dma_start3A_463 = tpu.memref_squeeze %dma_start3A_462 : memref<1x128x16xf32, #tpu.memory_space<vmem>> -> memref<128x16xf32, #tpu.memory_space<vmem>>
      %dma_start3A_464 = arith.constant 0 : i32
      %dma_start3A_465 = tpu.memref_slice %arg6[%add3A_458, %dma_start3A_464] : memref<96x128xi32, #tpu.memory_space<vmem>> -> memref<1x128xi32, #tpu.memory_space<vmem>>
      %dma_start3A_466 = tpu.memref_squeeze %dma_start3A_465 : memref<1x128xi32, #tpu.memory_space<vmem>> -> memref<128xi32, #tpu.memory_space<vmem>>
      %dma_start3A_467 = arith.constant 0 : i32
      %dma_start3A_468 = arith.constant 0 : i32
      %dma_start3A_469 = tpu.memref_slice %arg12[%dma_start3A_467, %dma_start3A_468] : memref<10112x16xf32, #tpu.memory_space<vmem_shared>> -> memref<10112x16xf32, #tpu.memory_space<vmem_shared>>
      tpu.enqueue_indirect_dma source(%dma_start3A_463 : memref<128x16xf32, #tpu.memory_space<vmem>>) target(%dma_start3A_469 : memref<10112x16xf32, #tpu.memory_space<vmem_shared>>) offsets(%dma_start3A_466 : memref<128xi32, #tpu.memory_space<vmem>>) semaphore(%arg15 : memref<!tpu.dma_semaphore, #tpu.memory_space<semaphore_mem>>) {add = true}
      %add3A_470 = arith.constant 3 : i32
      %add3A_471 = arith.addi %mul3A_132, %add3A_470 : i32
      %dma_start3A_472 = arith.constant 3 : i32
      %dma_start3A_473 = arith.constant 0 : i32
      %dma_start3A_474 = arith.constant 0 : i32
      %dma_start3A_475 = tpu.memref_slice %arg7[%dma_start3A_472, %dma_start3A_473, %dma_start3A_474] : memref<8x128x16xf32, #tpu.memory_space<vmem>> -> memref<1x128x16xf32, #tpu.memory_space<vmem>>
      %dma_start3A_476 = tpu.memref_squeeze %dma_start3A_475 : memref<1x128x16xf32, #tpu.memory_space<vmem>> -> memref<128x16xf32, #tpu.memory_space<vmem>>
      %dma_start3A_477 = arith.constant 0 : i32
      %dma_start3A_478 = tpu.memref_slice %arg6[%add3A_471, %dma_start3A_477] : memref<96x128xi32, #tpu.memory_space<vmem>> -> memref<1x128xi32, #tpu.memory_space<vmem>>
      %dma_start3A_479 = tpu.memref_squeeze %dma_start3A_478 : memref<1x128xi32, #tpu.memory_space<vmem>> -> memref<128xi32, #tpu.memory_space<vmem>>
      %dma_start3A_480 = arith.constant 0 : i32
      %dma_start3A_481 = arith.constant 0 : i32
      %dma_start3A_482 = tpu.memref_slice %arg12[%dma_start3A_480, %dma_start3A_481] : memref<10112x16xf32, #tpu.memory_space<vmem_shared>> -> memref<10112x16xf32, #tpu.memory_space<vmem_shared>>
      tpu.enqueue_indirect_dma source(%dma_start3A_476 : memref<128x16xf32, #tpu.memory_space<vmem>>) target(%dma_start3A_482 : memref<10112x16xf32, #tpu.memory_space<vmem_shared>>) offsets(%dma_start3A_479 : memref<128xi32, #tpu.memory_space<vmem>>) semaphore(%arg15 : memref<!tpu.dma_semaphore, #tpu.memory_space<semaphore_mem>>) {add = true}
      %add3A_483 = arith.constant 4 : i32
      %add3A_484 = arith.addi %mul3A_132, %add3A_483 : i32
      %dma_start3A_485 = arith.constant 4 : i32
      %dma_start3A_486 = arith.constant 0 : i32
      %dma_start3A_487 = arith.constant 0 : i32
      %dma_start3A_488 = tpu.memref_slice %arg7[%dma_start3A_485, %dma_start3A_486, %dma_start3A_487] : memref<8x128x16xf32, #tpu.memory_space<vmem>> -> memref<1x128x16xf32, #tpu.memory_space<vmem>>
      %dma_start3A_489 = tpu.memref_squeeze %dma_start3A_488 : memref<1x128x16xf32, #tpu.memory_space<vmem>> -> memref<128x16xf32, #tpu.memory_space<vmem>>
      %dma_start3A_490 = arith.constant 0 : i32
      %dma_start3A_491 = tpu.memref_slice %arg6[%add3A_484, %dma_start3A_490] : memref<96x128xi32, #tpu.memory_space<vmem>> -> memref<1x128xi32, #tpu.memory_space<vmem>>
      %dma_start3A_492 = tpu.memref_squeeze %dma_start3A_491 : memref<1x128xi32, #tpu.memory_space<vmem>> -> memref<128xi32, #tpu.memory_space<vmem>>
      %dma_start3A_493 = arith.constant 0 : i32
      %dma_start3A_494 = arith.constant 0 : i32
      %dma_start3A_495 = tpu.memref_slice %arg12[%dma_start3A_493, %dma_start3A_494] : memref<10112x16xf32, #tpu.memory_space<vmem_shared>> -> memref<10112x16xf32, #tpu.memory_space<vmem_shared>>
      tpu.enqueue_indirect_dma source(%dma_start3A_489 : memref<128x16xf32, #tpu.memory_space<vmem>>) target(%dma_start3A_495 : memref<10112x16xf32, #tpu.memory_space<vmem_shared>>) offsets(%dma_start3A_492 : memref<128xi32, #tpu.memory_space<vmem>>) semaphore(%arg15 : memref<!tpu.dma_semaphore, #tpu.memory_space<semaphore_mem>>) {add = true}
      %add3A_496 = arith.constant 5 : i32
      %add3A_497 = arith.addi %mul3A_132, %add3A_496 : i32
      %dma_start3A_498 = arith.constant 5 : i32
      %dma_start3A_499 = arith.constant 0 : i32
      %dma_start3A_500 = arith.constant 0 : i32
      %dma_start3A_501 = tpu.memref_slice %arg7[%dma_start3A_498, %dma_start3A_499, %dma_start3A_500] : memref<8x128x16xf32, #tpu.memory_space<vmem>> -> memref<1x128x16xf32, #tpu.memory_space<vmem>>
      %dma_start3A_502 = tpu.memref_squeeze %dma_start3A_501 : memref<1x128x16xf32, #tpu.memory_space<vmem>> -> memref<128x16xf32, #tpu.memory_space<vmem>>
      %dma_start3A_503 = arith.constant 0 : i32
      %dma_start3A_504 = tpu.memref_slice %arg6[%add3A_497, %dma_start3A_503] : memref<96x128xi32, #tpu.memory_space<vmem>> -> memref<1x128xi32, #tpu.memory_space<vmem>>
      %dma_start3A_505 = tpu.memref_squeeze %dma_start3A_504 : memref<1x128xi32, #tpu.memory_space<vmem>> -> memref<128xi32, #tpu.memory_space<vmem>>
      %dma_start3A_506 = arith.constant 0 : i32
      %dma_start3A_507 = arith.constant 0 : i32
      %dma_start3A_508 = tpu.memref_slice %arg12[%dma_start3A_506, %dma_start3A_507] : memref<10112x16xf32, #tpu.memory_space<vmem_shared>> -> memref<10112x16xf32, #tpu.memory_space<vmem_shared>>
      tpu.enqueue_indirect_dma source(%dma_start3A_502 : memref<128x16xf32, #tpu.memory_space<vmem>>) target(%dma_start3A_508 : memref<10112x16xf32, #tpu.memory_space<vmem_shared>>) offsets(%dma_start3A_505 : memref<128xi32, #tpu.memory_space<vmem>>) semaphore(%arg15 : memref<!tpu.dma_semaphore, #tpu.memory_space<semaphore_mem>>) {add = true}
      %add3A_509 = arith.constant 6 : i32
      %add3A_510 = arith.addi %mul3A_132, %add3A_509 : i32
      %dma_start3A_511 = arith.constant 6 : i32
      %dma_start3A_512 = arith.constant 0 : i32
      %dma_start3A_513 = arith.constant 0 : i32
      %dma_start3A_514 = tpu.memref_slice %arg7[%dma_start3A_511, %dma_start3A_512, %dma_start3A_513] : memref<8x128x16xf32, #tpu.memory_space<vmem>> -> memref<1x128x16xf32, #tpu.memory_space<vmem>>
      %dma_start3A_515 = tpu.memref_squeeze %dma_start3A_514 : memref<1x128x16xf32, #tpu.memory_space<vmem>> -> memref<128x16xf32, #tpu.memory_space<vmem>>
      %dma_start3A_516 = arith.constant 0 : i32
      %dma_start3A_517 = tpu.memref_slice %arg6[%add3A_510, %dma_start3A_516] : memref<96x128xi32, #tpu.memory_space<vmem>> -> memref<1x128xi32, #tpu.memory_space<vmem>>
      %dma_start3A_518 = tpu.memref_squeeze %dma_start3A_517 : memref<1x128xi32, #tpu.memory_space<vmem>> -> memref<128xi32, #tpu.memory_space<vmem>>
      %dma_start3A_519 = arith.constant 0 : i32
      %dma_start3A_520 = arith.constant 0 : i32
      %dma_start3A_521 = tpu.memref_slice %arg12[%dma_start3A_519, %dma_start3A_520] : memref<10112x16xf32, #tpu.memory_space<vmem_shared>> -> memref<10112x16xf32, #tpu.memory_space<vmem_shared>>
      tpu.enqueue_indirect_dma source(%dma_start3A_515 : memref<128x16xf32, #tpu.memory_space<vmem>>) target(%dma_start3A_521 : memref<10112x16xf32, #tpu.memory_space<vmem_shared>>) offsets(%dma_start3A_518 : memref<128xi32, #tpu.memory_space<vmem>>) semaphore(%arg15 : memref<!tpu.dma_semaphore, #tpu.memory_space<semaphore_mem>>) {add = true}
      %add3A_522 = arith.constant 7 : i32
      %add3A_523 = arith.addi %mul3A_132, %add3A_522 : i32
      %dma_start3A_524 = arith.constant 7 : i32
      %dma_start3A_525 = arith.constant 0 : i32
      %dma_start3A_526 = arith.constant 0 : i32
      %dma_start3A_527 = tpu.memref_slice %arg7[%dma_start3A_524, %dma_start3A_525, %dma_start3A_526] : memref<8x128x16xf32, #tpu.memory_space<vmem>> -> memref<1x128x16xf32, #tpu.memory_space<vmem>>
      %dma_start3A_528 = tpu.memref_squeeze %dma_start3A_527 : memref<1x128x16xf32, #tpu.memory_space<vmem>> -> memref<128x16xf32, #tpu.memory_space<vmem>>
      %dma_start3A_529 = arith.constant 0 : i32
      %dma_start3A_530 = tpu.memref_slice %arg6[%add3A_523, %dma_start3A_529] : memref<96x128xi32, #tpu.memory_space<vmem>> -> memref<1x128xi32, #tpu.memory_space<vmem>>
      %dma_start3A_531 = tpu.memref_squeeze %dma_start3A_530 : memref<1x128xi32, #tpu.memory_space<vmem>> -> memref<128xi32, #tpu.memory_space<vmem>>
      %dma_start3A_532 = arith.constant 0 : i32
      %dma_start3A_533 = arith.constant 0 : i32
      %dma_start3A_534 = tpu.memref_slice %arg12[%dma_start3A_532, %dma_start3A_533] : memref<10112x16xf32, #tpu.memory_space<vmem_shared>> -> memref<10112x16xf32, #tpu.memory_space<vmem_shared>>
      tpu.enqueue_indirect_dma source(%dma_start3A_528 : memref<128x16xf32, #tpu.memory_space<vmem>>) target(%dma_start3A_534 : memref<10112x16xf32, #tpu.memory_space<vmem_shared>>) offsets(%dma_start3A_531 : memref<128xi32, #tpu.memory_space<vmem>>) semaphore(%arg15 : memref<!tpu.dma_semaphore, #tpu.memory_space<semaphore_mem>>) {add = true}
      %dma_wait3A_535 = arith.constant 0 : i32
      %dma_wait3A_536 = arith.constant 0 : i32
      %dma_wait3A_537 = arith.constant 0 : i32
      %dma_wait3A_538 = tpu.memref_slice %arg8[%dma_wait3A_535, %dma_wait3A_536, %dma_wait3A_537] : memref<8x128x16xf32, #tpu.memory_space<vmem>> -> memref<1x128x16xf32, #tpu.memory_space<vmem>>
      %dma_wait3A_539 = tpu.memref_squeeze %dma_wait3A_538 : memref<1x128x16xf32, #tpu.memory_space<vmem>> -> memref<128x16xf32, #tpu.memory_space<vmem>>
      %dma_wait3A_540 = arith.constant 0 : i32
      %dma_wait3A_541 = tpu.memref_slice %arg5[%add3A_240, %dma_wait3A_540] : memref<96x128xi32, #tpu.memory_space<vmem>> -> memref<1x128xi32, #tpu.memory_space<vmem>>
      %dma_wait3A_542 = tpu.memref_squeeze %dma_wait3A_541 : memref<1x128xi32, #tpu.memory_space<vmem>> -> memref<128xi32, #tpu.memory_space<vmem>>
      %dma_wait3A_543 = arith.constant 0 : i32
      %dma_wait3A_544 = arith.constant 0 : i32
      %dma_wait3A_545 = tpu.memref_slice %arg13[%dma_wait3A_543, %dma_wait3A_544] : memref<10112x16xf32, #tpu.memory_space<vmem_shared>> -> memref<10112x16xf32, #tpu.memory_space<vmem_shared>>
      tpu.wait_indirect_dma semaphore(%arg14 : memref<!tpu.dma_semaphore, #tpu.memory_space<semaphore_mem>>) src(%dma_wait3A_545 : memref<10112x16xf32, #tpu.memory_space<vmem_shared>>) dst(%dma_wait3A_539 : memref<128x16xf32, #tpu.memory_space<vmem>>)
      %dma_wait3A_546 = arith.constant 1 : i32
      %dma_wait3A_547 = arith.constant 0 : i32
      %dma_wait3A_548 = arith.constant 0 : i32
      %dma_wait3A_549 = tpu.memref_slice %arg8[%dma_wait3A_546, %dma_wait3A_547, %dma_wait3A_548] : memref<8x128x16xf32, #tpu.memory_space<vmem>> -> memref<1x128x16xf32, #tpu.memory_space<vmem>>
      %dma_wait3A_550 = tpu.memref_squeeze %dma_wait3A_549 : memref<1x128x16xf32, #tpu.memory_space<vmem>> -> memref<128x16xf32, #tpu.memory_space<vmem>>
      %dma_wait3A_551 = arith.constant 0 : i32
      %dma_wait3A_552 = tpu.memref_slice %arg5[%add3A_253, %dma_wait3A_551] : memref<96x128xi32, #tpu.memory_space<vmem>> -> memref<1x128xi32, #tpu.memory_space<vmem>>
      %dma_wait3A_553 = tpu.memref_squeeze %dma_wait3A_552 : memref<1x128xi32, #tpu.memory_space<vmem>> -> memref<128xi32, #tpu.memory_space<vmem>>
      %dma_wait3A_554 = arith.constant 0 : i32
      %dma_wait3A_555 = arith.constant 0 : i32
      %dma_wait3A_556 = tpu.memref_slice %arg13[%dma_wait3A_554, %dma_wait3A_555] : memref<10112x16xf32, #tpu.memory_space<vmem_shared>> -> memref<10112x16xf32, #tpu.memory_space<vmem_shared>>
      tpu.wait_indirect_dma semaphore(%arg14 : memref<!tpu.dma_semaphore, #tpu.memory_space<semaphore_mem>>) src(%dma_wait3A_556 : memref<10112x16xf32, #tpu.memory_space<vmem_shared>>) dst(%dma_wait3A_550 : memref<128x16xf32, #tpu.memory_space<vmem>>)
      %dma_wait3A_557 = arith.constant 2 : i32
      %dma_wait3A_558 = arith.constant 0 : i32
      %dma_wait3A_559 = arith.constant 0 : i32
      %dma_wait3A_560 = tpu.memref_slice %arg8[%dma_wait3A_557, %dma_wait3A_558, %dma_wait3A_559] : memref<8x128x16xf32, #tpu.memory_space<vmem>> -> memref<1x128x16xf32, #tpu.memory_space<vmem>>
      %dma_wait3A_561 = tpu.memref_squeeze %dma_wait3A_560 : memref<1x128x16xf32, #tpu.memory_space<vmem>> -> memref<128x16xf32, #tpu.memory_space<vmem>>
      %dma_wait3A_562 = arith.constant 0 : i32
      %dma_wait3A_563 = tpu.memref_slice %arg5[%add3A_266, %dma_wait3A_562] : memref<96x128xi32, #tpu.memory_space<vmem>> -> memref<1x128xi32, #tpu.memory_space<vmem>>
      %dma_wait3A_564 = tpu.memref_squeeze %dma_wait3A_563 : memref<1x128xi32, #tpu.memory_space<vmem>> -> memref<128xi32, #tpu.memory_space<vmem>>
      %dma_wait3A_565 = arith.constant 0 : i32
      %dma_wait3A_566 = arith.constant 0 : i32
      %dma_wait3A_567 = tpu.memref_slice %arg13[%dma_wait3A_565, %dma_wait3A_566] : memref<10112x16xf32, #tpu.memory_space<vmem_shared>> -> memref<10112x16xf32, #tpu.memory_space<vmem_shared>>
      tpu.wait_indirect_dma semaphore(%arg14 : memref<!tpu.dma_semaphore, #tpu.memory_space<semaphore_mem>>) src(%dma_wait3A_567 : memref<10112x16xf32, #tpu.memory_space<vmem_shared>>) dst(%dma_wait3A_561 : memref<128x16xf32, #tpu.memory_space<vmem>>)
      %dma_wait3A_568 = arith.constant 3 : i32
      %dma_wait3A_569 = arith.constant 0 : i32
      %dma_wait3A_570 = arith.constant 0 : i32
      %dma_wait3A_571 = tpu.memref_slice %arg8[%dma_wait3A_568, %dma_wait3A_569, %dma_wait3A_570] : memref<8x128x16xf32, #tpu.memory_space<vmem>> -> memref<1x128x16xf32, #tpu.memory_space<vmem>>
      %dma_wait3A_572 = tpu.memref_squeeze %dma_wait3A_571 : memref<1x128x16xf32, #tpu.memory_space<vmem>> -> memref<128x16xf32, #tpu.memory_space<vmem>>
      %dma_wait3A_573 = arith.constant 0 : i32
      %dma_wait3A_574 = tpu.memref_slice %arg5[%add3A_279, %dma_wait3A_573] : memref<96x128xi32, #tpu.memory_space<vmem>> -> memref<1x128xi32, #tpu.memory_space<vmem>>
      %dma_wait3A_575 = tpu.memref_squeeze %dma_wait3A_574 : memref<1x128xi32, #tpu.memory_space<vmem>> -> memref<128xi32, #tpu.memory_space<vmem>>
      %dma_wait3A_576 = arith.constant 0 : i32
      %dma_wait3A_577 = arith.constant 0 : i32
      %dma_wait3A_578 = tpu.memref_slice %arg13[%dma_wait3A_576, %dma_wait3A_577] : memref<10112x16xf32, #tpu.memory_space<vmem_shared>> -> memref<10112x16xf32, #tpu.memory_space<vmem_shared>>
      tpu.wait_indirect_dma semaphore(%arg14 : memref<!tpu.dma_semaphore, #tpu.memory_space<semaphore_mem>>) src(%dma_wait3A_578 : memref<10112x16xf32, #tpu.memory_space<vmem_shared>>) dst(%dma_wait3A_572 : memref<128x16xf32, #tpu.memory_space<vmem>>)
      %dma_wait3A_579 = arith.constant 4 : i32
      %dma_wait3A_580 = arith.constant 0 : i32
      %dma_wait3A_581 = arith.constant 0 : i32
      %dma_wait3A_582 = tpu.memref_slice %arg8[%dma_wait3A_579, %dma_wait3A_580, %dma_wait3A_581] : memref<8x128x16xf32, #tpu.memory_space<vmem>> -> memref<1x128x16xf32, #tpu.memory_space<vmem>>
      %dma_wait3A_583 = tpu.memref_squeeze %dma_wait3A_582 : memref<1x128x16xf32, #tpu.memory_space<vmem>> -> memref<128x16xf32, #tpu.memory_space<vmem>>
      %dma_wait3A_584 = arith.constant 0 : i32
      %dma_wait3A_585 = tpu.memref_slice %arg5[%add3A_292, %dma_wait3A_584] : memref<96x128xi32, #tpu.memory_space<vmem>> -> memref<1x128xi32, #tpu.memory_space<vmem>>
      %dma_wait3A_586 = tpu.memref_squeeze %dma_wait3A_585 : memref<1x128xi32, #tpu.memory_space<vmem>> -> memref<128xi32, #tpu.memory_space<vmem>>
      %dma_wait3A_587 = arith.constant 0 : i32
      %dma_wait3A_588 = arith.constant 0 : i32
      %dma_wait3A_589 = tpu.memref_slice %arg13[%dma_wait3A_587, %dma_wait3A_588] : memref<10112x16xf32, #tpu.memory_space<vmem_shared>> -> memref<10112x16xf32, #tpu.memory_space<vmem_shared>>
      tpu.wait_indirect_dma semaphore(%arg14 : memref<!tpu.dma_semaphore, #tpu.memory_space<semaphore_mem>>) src(%dma_wait3A_589 : memref<10112x16xf32, #tpu.memory_space<vmem_shared>>) dst(%dma_wait3A_583 : memref<128x16xf32, #tpu.memory_space<vmem>>)
      %dma_wait3A_590 = arith.constant 5 : i32
      %dma_wait3A_591 = arith.constant 0 : i32
      %dma_wait3A_592 = arith.constant 0 : i32
      %dma_wait3A_593 = tpu.memref_slice %arg8[%dma_wait3A_590, %dma_wait3A_591, %dma_wait3A_592] : memref<8x128x16xf32, #tpu.memory_space<vmem>> -> memref<1x128x16xf32, #tpu.memory_space<vmem>>
      %dma_wait3A_594 = tpu.memref_squeeze %dma_wait3A_593 : memref<1x128x16xf32, #tpu.memory_space<vmem>> -> memref<128x16xf32, #tpu.memory_space<vmem>>
      %dma_wait3A_595 = arith.constant 0 : i32
      %dma_wait3A_596 = tpu.memref_slice %arg5[%add3A_305, %dma_wait3A_595] : memref<96x128xi32, #tpu.memory_space<vmem>> -> memref<1x128xi32, #tpu.memory_space<vmem>>
      %dma_wait3A_597 = tpu.memref_squeeze %dma_wait3A_596 : memref<1x128xi32, #tpu.memory_space<vmem>> -> memref<128xi32, #tpu.memory_space<vmem>>
      %dma_wait3A_598 = arith.constant 0 : i32
      %dma_wait3A_599 = arith.constant 0 : i32
      %dma_wait3A_600 = tpu.memref_slice %arg13[%dma_wait3A_598, %dma_wait3A_599] : memref<10112x16xf32, #tpu.memory_space<vmem_shared>> -> memref<10112x16xf32, #tpu.memory_space<vmem_shared>>
      tpu.wait_indirect_dma semaphore(%arg14 : memref<!tpu.dma_semaphore, #tpu.memory_space<semaphore_mem>>) src(%dma_wait3A_600 : memref<10112x16xf32, #tpu.memory_space<vmem_shared>>) dst(%dma_wait3A_594 : memref<128x16xf32, #tpu.memory_space<vmem>>)
      %dma_wait3A_601 = arith.constant 6 : i32
      %dma_wait3A_602 = arith.constant 0 : i32
      %dma_wait3A_603 = arith.constant 0 : i32
      %dma_wait3A_604 = tpu.memref_slice %arg8[%dma_wait3A_601, %dma_wait3A_602, %dma_wait3A_603] : memref<8x128x16xf32, #tpu.memory_space<vmem>> -> memref<1x128x16xf32, #tpu.memory_space<vmem>>
      %dma_wait3A_605 = tpu.memref_squeeze %dma_wait3A_604 : memref<1x128x16xf32, #tpu.memory_space<vmem>> -> memref<128x16xf32, #tpu.memory_space<vmem>>
      %dma_wait3A_606 = arith.constant 0 : i32
      %dma_wait3A_607 = tpu.memref_slice %arg5[%add3A_318, %dma_wait3A_606] : memref<96x128xi32, #tpu.memory_space<vmem>> -> memref<1x128xi32, #tpu.memory_space<vmem>>
      %dma_wait3A_608 = tpu.memref_squeeze %dma_wait3A_607 : memref<1x128xi32, #tpu.memory_space<vmem>> -> memref<128xi32, #tpu.memory_space<vmem>>
      %dma_wait3A_609 = arith.constant 0 : i32
      %dma_wait3A_610 = arith.constant 0 : i32
      %dma_wait3A_611 = tpu.memref_slice %arg13[%dma_wait3A_609, %dma_wait3A_610] : memref<10112x16xf32, #tpu.memory_space<vmem_shared>> -> memref<10112x16xf32, #tpu.memory_space<vmem_shared>>
      tpu.wait_indirect_dma semaphore(%arg14 : memref<!tpu.dma_semaphore, #tpu.memory_space<semaphore_mem>>) src(%dma_wait3A_611 : memref<10112x16xf32, #tpu.memory_space<vmem_shared>>) dst(%dma_wait3A_605 : memref<128x16xf32, #tpu.memory_space<vmem>>)
      %dma_wait3A_612 = arith.constant 7 : i32
      %dma_wait3A_613 = arith.constant 0 : i32
      %dma_wait3A_614 = arith.constant 0 : i32
      %dma_wait3A_615 = tpu.memref_slice %arg8[%dma_wait3A_612, %dma_wait3A_613, %dma_wait3A_614] : memref<8x128x16xf32, #tpu.memory_space<vmem>> -> memref<1x128x16xf32, #tpu.memory_space<vmem>>
      %dma_wait3A_616 = tpu.memref_squeeze %dma_wait3A_615 : memref<1x128x16xf32, #tpu.memory_space<vmem>> -> memref<128x16xf32, #tpu.memory_space<vmem>>
      %dma_wait3A_617 = arith.constant 0 : i32
      %dma_wait3A_618 = tpu.memref_slice %arg5[%add3A_331, %dma_wait3A_617] : memref<96x128xi32, #tpu.memory_space<vmem>> -> memref<1x128xi32, #tpu.memory_space<vmem>>
      %dma_wait3A_619 = tpu.memref_squeeze %dma_wait3A_618 : memref<1x128xi32, #tpu.memory_space<vmem>> -> memref<128xi32, #tpu.memory_space<vmem>>
      %dma_wait3A_620 = arith.constant 0 : i32
      %dma_wait3A_621 = arith.constant 0 : i32
      %dma_wait3A_622 = tpu.memref_slice %arg13[%dma_wait3A_620, %dma_wait3A_621] : memref<10112x16xf32, #tpu.memory_space<vmem_shared>> -> memref<10112x16xf32, #tpu.memory_space<vmem_shared>>
      tpu.wait_indirect_dma semaphore(%arg14 : memref<!tpu.dma_semaphore, #tpu.memory_space<semaphore_mem>>) src(%dma_wait3A_622 : memref<10112x16xf32, #tpu.memory_space<vmem_shared>>) dst(%dma_wait3A_616 : memref<128x16xf32, #tpu.memory_space<vmem>>)
      %add3A_623 = arith.constant 0 : i32
      %add3A_624 = arith.addi %add3A_134, %add3A_623 : i32
      %dma_start3A_625 = arith.constant 0 : i32
      %dma_start3A_626 = arith.constant 0 : i32
      %dma_start3A_627 = arith.constant 0 : i32
      %dma_start3A_628 = tpu.memref_slice %arg8[%dma_start3A_625, %dma_start3A_626, %dma_start3A_627] : memref<8x128x16xf32, #tpu.memory_space<vmem>> -> memref<1x128x16xf32, #tpu.memory_space<vmem>>
      %dma_start3A_629 = tpu.memref_squeeze %dma_start3A_628 : memref<1x128x16xf32, #tpu.memory_space<vmem>> -> memref<128x16xf32, #tpu.memory_space<vmem>>
      %dma_start3A_630 = arith.constant 0 : i32
      %dma_start3A_631 = tpu.memref_slice %arg6[%add3A_624, %dma_start3A_630] : memref<96x128xi32, #tpu.memory_space<vmem>> -> memref<1x128xi32, #tpu.memory_space<vmem>>
      %dma_start3A_632 = tpu.memref_squeeze %dma_start3A_631 : memref<1x128xi32, #tpu.memory_space<vmem>> -> memref<128xi32, #tpu.memory_space<vmem>>
      %dma_start3A_633 = arith.constant 0 : i32
      %dma_start3A_634 = arith.constant 0 : i32
      %dma_start3A_635 = tpu.memref_slice %arg12[%dma_start3A_633, %dma_start3A_634] : memref<10112x16xf32, #tpu.memory_space<vmem_shared>> -> memref<10112x16xf32, #tpu.memory_space<vmem_shared>>
      tpu.enqueue_indirect_dma source(%dma_start3A_629 : memref<128x16xf32, #tpu.memory_space<vmem>>) target(%dma_start3A_635 : memref<10112x16xf32, #tpu.memory_space<vmem_shared>>) offsets(%dma_start3A_632 : memref<128xi32, #tpu.memory_space<vmem>>) semaphore(%arg15 : memref<!tpu.dma_semaphore, #tpu.memory_space<semaphore_mem>>) {add = true}
      %add3A_636 = arith.constant 1 : i32
      %add3A_637 = arith.addi %add3A_134, %add3A_636 : i32
      %dma_start3A_638 = arith.constant 1 : i32
      %dma_start3A_639 = arith.constant 0 : i32
      %dma_start3A_640 = arith.constant 0 : i32
      %dma_start3A_641 = tpu.memref_slice %arg8[%dma_start3A_638, %dma_start3A_639, %dma_start3A_640] : memref<8x128x16xf32, #tpu.memory_space<vmem>> -> memref<1x128x16xf32, #tpu.memory_space<vmem>>
      %dma_start3A_642 = tpu.memref_squeeze %dma_start3A_641 : memref<1x128x16xf32, #tpu.memory_space<vmem>> -> memref<128x16xf32, #tpu.memory_space<vmem>>
      %dma_start3A_643 = arith.constant 0 : i32
      %dma_start3A_644 = tpu.memref_slice %arg6[%add3A_637, %dma_start3A_643] : memref<96x128xi32, #tpu.memory_space<vmem>> -> memref<1x128xi32, #tpu.memory_space<vmem>>
      %dma_start3A_645 = tpu.memref_squeeze %dma_start3A_644 : memref<1x128xi32, #tpu.memory_space<vmem>> -> memref<128xi32, #tpu.memory_space<vmem>>
      %dma_start3A_646 = arith.constant 0 : i32
      %dma_start3A_647 = arith.constant 0 : i32
      %dma_start3A_648 = tpu.memref_slice %arg12[%dma_start3A_646, %dma_start3A_647] : memref<10112x16xf32, #tpu.memory_space<vmem_shared>> -> memref<10112x16xf32, #tpu.memory_space<vmem_shared>>
      tpu.enqueue_indirect_dma source(%dma_start3A_642 : memref<128x16xf32, #tpu.memory_space<vmem>>) target(%dma_start3A_648 : memref<10112x16xf32, #tpu.memory_space<vmem_shared>>) offsets(%dma_start3A_645 : memref<128xi32, #tpu.memory_space<vmem>>) semaphore(%arg15 : memref<!tpu.dma_semaphore, #tpu.memory_space<semaphore_mem>>) {add = true}
      %add3A_649 = arith.constant 2 : i32
      %add3A_650 = arith.addi %add3A_134, %add3A_649 : i32
      %dma_start3A_651 = arith.constant 2 : i32
      %dma_start3A_652 = arith.constant 0 : i32
      %dma_start3A_653 = arith.constant 0 : i32
      %dma_start3A_654 = tpu.memref_slice %arg8[%dma_start3A_651, %dma_start3A_652, %dma_start3A_653] : memref<8x128x16xf32, #tpu.memory_space<vmem>> -> memref<1x128x16xf32, #tpu.memory_space<vmem>>
      %dma_start3A_655 = tpu.memref_squeeze %dma_start3A_654 : memref<1x128x16xf32, #tpu.memory_space<vmem>> -> memref<128x16xf32, #tpu.memory_space<vmem>>
      %dma_start3A_656 = arith.constant 0 : i32
      %dma_start3A_657 = tpu.memref_slice %arg6[%add3A_650, %dma_start3A_656] : memref<96x128xi32, #tpu.memory_space<vmem>> -> memref<1x128xi32, #tpu.memory_space<vmem>>
      %dma_start3A_658 = tpu.memref_squeeze %dma_start3A_657 : memref<1x128xi32, #tpu.memory_space<vmem>> -> memref<128xi32, #tpu.memory_space<vmem>>
      %dma_start3A_659 = arith.constant 0 : i32
      %dma_start3A_660 = arith.constant 0 : i32
      %dma_start3A_661 = tpu.memref_slice %arg12[%dma_start3A_659, %dma_start3A_660] : memref<10112x16xf32, #tpu.memory_space<vmem_shared>> -> memref<10112x16xf32, #tpu.memory_space<vmem_shared>>
      tpu.enqueue_indirect_dma source(%dma_start3A_655 : memref<128x16xf32, #tpu.memory_space<vmem>>) target(%dma_start3A_661 : memref<10112x16xf32, #tpu.memory_space<vmem_shared>>) offsets(%dma_start3A_658 : memref<128xi32, #tpu.memory_space<vmem>>) semaphore(%arg15 : memref<!tpu.dma_semaphore, #tpu.memory_space<semaphore_mem>>) {add = true}
      %add3A_662 = arith.constant 3 : i32
      %add3A_663 = arith.addi %add3A_134, %add3A_662 : i32
      %dma_start3A_664 = arith.constant 3 : i32
      %dma_start3A_665 = arith.constant 0 : i32
      %dma_start3A_666 = arith.constant 0 : i32
      %dma_start3A_667 = tpu.memref_slice %arg8[%dma_start3A_664, %dma_start3A_665, %dma_start3A_666] : memref<8x128x16xf32, #tpu.memory_space<vmem>> -> memref<1x128x16xf32, #tpu.memory_space<vmem>>
      %dma_start3A_668 = tpu.memref_squeeze %dma_start3A_667 : memref<1x128x16xf32, #tpu.memory_space<vmem>> -> memref<128x16xf32, #tpu.memory_space<vmem>>
      %dma_start3A_669 = arith.constant 0 : i32
      %dma_start3A_670 = tpu.memref_slice %arg6[%add3A_663, %dma_start3A_669] : memref<96x128xi32, #tpu.memory_space<vmem>> -> memref<1x128xi32, #tpu.memory_space<vmem>>
      %dma_start3A_671 = tpu.memref_squeeze %dma_start3A_670 : memref<1x128xi32, #tpu.memory_space<vmem>> -> memref<128xi32, #tpu.memory_space<vmem>>
      %dma_start3A_672 = arith.constant 0 : i32
      %dma_start3A_673 = arith.constant 0 : i32
      %dma_start3A_674 = tpu.memref_slice %arg12[%dma_start3A_672, %dma_start3A_673] : memref<10112x16xf32, #tpu.memory_space<vmem_shared>> -> memref<10112x16xf32, #tpu.memory_space<vmem_shared>>
      tpu.enqueue_indirect_dma source(%dma_start3A_668 : memref<128x16xf32, #tpu.memory_space<vmem>>) target(%dma_start3A_674 : memref<10112x16xf32, #tpu.memory_space<vmem_shared>>) offsets(%dma_start3A_671 : memref<128xi32, #tpu.memory_space<vmem>>) semaphore(%arg15 : memref<!tpu.dma_semaphore, #tpu.memory_space<semaphore_mem>>) {add = true}
      %add3A_675 = arith.constant 4 : i32
      %add3A_676 = arith.addi %add3A_134, %add3A_675 : i32
      %dma_start3A_677 = arith.constant 4 : i32
      %dma_start3A_678 = arith.constant 0 : i32
      %dma_start3A_679 = arith.constant 0 : i32
      %dma_start3A_680 = tpu.memref_slice %arg8[%dma_start3A_677, %dma_start3A_678, %dma_start3A_679] : memref<8x128x16xf32, #tpu.memory_space<vmem>> -> memref<1x128x16xf32, #tpu.memory_space<vmem>>
      %dma_start3A_681 = tpu.memref_squeeze %dma_start3A_680 : memref<1x128x16xf32, #tpu.memory_space<vmem>> -> memref<128x16xf32, #tpu.memory_space<vmem>>
      %dma_start3A_682 = arith.constant 0 : i32
      %dma_start3A_683 = tpu.memref_slice %arg6[%add3A_676, %dma_start3A_682] : memref<96x128xi32, #tpu.memory_space<vmem>> -> memref<1x128xi32, #tpu.memory_space<vmem>>
      %dma_start3A_684 = tpu.memref_squeeze %dma_start3A_683 : memref<1x128xi32, #tpu.memory_space<vmem>> -> memref<128xi32, #tpu.memory_space<vmem>>
      %dma_start3A_685 = arith.constant 0 : i32
      %dma_start3A_686 = arith.constant 0 : i32
      %dma_start3A_687 = tpu.memref_slice %arg12[%dma_start3A_685, %dma_start3A_686] : memref<10112x16xf32, #tpu.memory_space<vmem_shared>> -> memref<10112x16xf32, #tpu.memory_space<vmem_shared>>
      tpu.enqueue_indirect_dma source(%dma_start3A_681 : memref<128x16xf32, #tpu.memory_space<vmem>>) target(%dma_start3A_687 : memref<10112x16xf32, #tpu.memory_space<vmem_shared>>) offsets(%dma_start3A_684 : memref<128xi32, #tpu.memory_space<vmem>>) semaphore(%arg15 : memref<!tpu.dma_semaphore, #tpu.memory_space<semaphore_mem>>) {add = true}
      %add3A_688 = arith.constant 5 : i32
      %add3A_689 = arith.addi %add3A_134, %add3A_688 : i32
      %dma_start3A_690 = arith.constant 5 : i32
      %dma_start3A_691 = arith.constant 0 : i32
      %dma_start3A_692 = arith.constant 0 : i32
      %dma_start3A_693 = tpu.memref_slice %arg8[%dma_start3A_690, %dma_start3A_691, %dma_start3A_692] : memref<8x128x16xf32, #tpu.memory_space<vmem>> -> memref<1x128x16xf32, #tpu.memory_space<vmem>>
      %dma_start3A_694 = tpu.memref_squeeze %dma_start3A_693 : memref<1x128x16xf32, #tpu.memory_space<vmem>> -> memref<128x16xf32, #tpu.memory_space<vmem>>
      %dma_start3A_695 = arith.constant 0 : i32
      %dma_start3A_696 = tpu.memref_slice %arg6[%add3A_689, %dma_start3A_695] : memref<96x128xi32, #tpu.memory_space<vmem>> -> memref<1x128xi32, #tpu.memory_space<vmem>>
      %dma_start3A_697 = tpu.memref_squeeze %dma_start3A_696 : memref<1x128xi32, #tpu.memory_space<vmem>> -> memref<128xi32, #tpu.memory_space<vmem>>
      %dma_start3A_698 = arith.constant 0 : i32
      %dma_start3A_699 = arith.constant 0 : i32
      %dma_start3A_700 = tpu.memref_slice %arg12[%dma_start3A_698, %dma_start3A_699] : memref<10112x16xf32, #tpu.memory_space<vmem_shared>> -> memref<10112x16xf32, #tpu.memory_space<vmem_shared>>
      tpu.enqueue_indirect_dma source(%dma_start3A_694 : memref<128x16xf32, #tpu.memory_space<vmem>>) target(%dma_start3A_700 : memref<10112x16xf32, #tpu.memory_space<vmem_shared>>) offsets(%dma_start3A_697 : memref<128xi32, #tpu.memory_space<vmem>>) semaphore(%arg15 : memref<!tpu.dma_semaphore, #tpu.memory_space<semaphore_mem>>) {add = true}
      %add3A_701 = arith.constant 6 : i32
      %add3A_702 = arith.addi %add3A_134, %add3A_701 : i32
      %dma_start3A_703 = arith.constant 6 : i32
      %dma_start3A_704 = arith.constant 0 : i32
      %dma_start3A_705 = arith.constant 0 : i32
      %dma_start3A_706 = tpu.memref_slice %arg8[%dma_start3A_703, %dma_start3A_704, %dma_start3A_705] : memref<8x128x16xf32, #tpu.memory_space<vmem>> -> memref<1x128x16xf32, #tpu.memory_space<vmem>>
      %dma_start3A_707 = tpu.memref_squeeze %dma_start3A_706 : memref<1x128x16xf32, #tpu.memory_space<vmem>> -> memref<128x16xf32, #tpu.memory_space<vmem>>
      %dma_start3A_708 = arith.constant 0 : i32
      %dma_start3A_709 = tpu.memref_slice %arg6[%add3A_702, %dma_start3A_708] : memref<96x128xi32, #tpu.memory_space<vmem>> -> memref<1x128xi32, #tpu.memory_space<vmem>>
      %dma_start3A_710 = tpu.memref_squeeze %dma_start3A_709 : memref<1x128xi32, #tpu.memory_space<vmem>> -> memref<128xi32, #tpu.memory_space<vmem>>
      %dma_start3A_711 = arith.constant 0 : i32
      %dma_start3A_712 = arith.constant 0 : i32
      %dma_start3A_713 = tpu.memref_slice %arg12[%dma_start3A_711, %dma_start3A_712] : memref<10112x16xf32, #tpu.memory_space<vmem_shared>> -> memref<10112x16xf32, #tpu.memory_space<vmem_shared>>
      tpu.enqueue_indirect_dma source(%dma_start3A_707 : memref<128x16xf32, #tpu.memory_space<vmem>>) target(%dma_start3A_713 : memref<10112x16xf32, #tpu.memory_space<vmem_shared>>) offsets(%dma_start3A_710 : memref<128xi32, #tpu.memory_space<vmem>>) semaphore(%arg15 : memref<!tpu.dma_semaphore, #tpu.memory_space<semaphore_mem>>) {add = true}
      %add3A_714 = arith.constant 7 : i32
      %add3A_715 = arith.addi %add3A_134, %add3A_714 : i32
      %dma_start3A_716 = arith.constant 7 : i32
      %dma_start3A_717 = arith.constant 0 : i32
      %dma_start3A_718 = arith.constant 0 : i32
      %dma_start3A_719 = tpu.memref_slice %arg8[%dma_start3A_716, %dma_start3A_717, %dma_start3A_718] : memref<8x128x16xf32, #tpu.memory_space<vmem>> -> memref<1x128x16xf32, #tpu.memory_space<vmem>>
      %dma_start3A_720 = tpu.memref_squeeze %dma_start3A_719 : memref<1x128x16xf32, #tpu.memory_space<vmem>> -> memref<128x16xf32, #tpu.memory_space<vmem>>
      %dma_start3A_721 = arith.constant 0 : i32
      %dma_start3A_722 = tpu.memref_slice %arg6[%add3A_715, %dma_start3A_721] : memref<96x128xi32, #tpu.memory_space<vmem>> -> memref<1x128xi32, #tpu.memory_space<vmem>>
      %dma_start3A_723 = tpu.memref_squeeze %dma_start3A_722 : memref<1x128xi32, #tpu.memory_space<vmem>> -> memref<128xi32, #tpu.memory_space<vmem>>
      %dma_start3A_724 = arith.constant 0 : i32
      %dma_start3A_725 = arith.constant 0 : i32
      %dma_start3A_726 = tpu.memref_slice %arg12[%dma_start3A_724, %dma_start3A_725] : memref<10112x16xf32, #tpu.memory_space<vmem_shared>> -> memref<10112x16xf32, #tpu.memory_space<vmem_shared>>
      tpu.enqueue_indirect_dma source(%dma_start3A_720 : memref<128x16xf32, #tpu.memory_space<vmem>>) target(%dma_start3A_726 : memref<10112x16xf32, #tpu.memory_space<vmem_shared>>) offsets(%dma_start3A_723 : memref<128xi32, #tpu.memory_space<vmem>>) semaphore(%arg15 : memref<!tpu.dma_semaphore, #tpu.memory_space<semaphore_mem>>) {add = true}
      %dma_wait3A_727 = arith.constant 0 : i32
      %dma_wait3A_728 = arith.constant 0 : i32
      %dma_wait3A_729 = arith.constant 0 : i32
      %dma_wait3A_730 = tpu.memref_slice %arg7[%dma_wait3A_727, %dma_wait3A_728, %dma_wait3A_729] : memref<8x128x16xf32, #tpu.memory_space<vmem>> -> memref<1x128x16xf32, #tpu.memory_space<vmem>>
      %dma_wait3A_731 = tpu.memref_squeeze %dma_wait3A_730 : memref<1x128x16xf32, #tpu.memory_space<vmem>> -> memref<128x16xf32, #tpu.memory_space<vmem>>
      %dma_wait3A_732 = arith.constant 0 : i32
      %dma_wait3A_733 = tpu.memref_slice %arg6[%add3A_432, %dma_wait3A_732] : memref<96x128xi32, #tpu.memory_space<vmem>> -> memref<1x128xi32, #tpu.memory_space<vmem>>
      %dma_wait3A_734 = tpu.memref_squeeze %dma_wait3A_733 : memref<1x128xi32, #tpu.memory_space<vmem>> -> memref<128xi32, #tpu.memory_space<vmem>>
      %dma_wait3A_735 = arith.constant 0 : i32
      %dma_wait3A_736 = arith.constant 0 : i32
      %dma_wait3A_737 = tpu.memref_slice %arg12[%dma_wait3A_735, %dma_wait3A_736] : memref<10112x16xf32, #tpu.memory_space<vmem_shared>> -> memref<10112x16xf32, #tpu.memory_space<vmem_shared>>
      tpu.wait_indirect_dma semaphore(%arg15 : memref<!tpu.dma_semaphore, #tpu.memory_space<semaphore_mem>>) src(%dma_wait3A_731 : memref<128x16xf32, #tpu.memory_space<vmem>>) dst(%dma_wait3A_737 : memref<10112x16xf32, #tpu.memory_space<vmem_shared>>)
      %dma_wait3A_738 = arith.constant 1 : i32
      %dma_wait3A_739 = arith.constant 0 : i32
      %dma_wait3A_740 = arith.constant 0 : i32
      %dma_wait3A_741 = tpu.memref_slice %arg7[%dma_wait3A_738, %dma_wait3A_739, %dma_wait3A_740] : memref<8x128x16xf32, #tpu.memory_space<vmem>> -> memref<1x128x16xf32, #tpu.memory_space<vmem>>
      %dma_wait3A_742 = tpu.memref_squeeze %dma_wait3A_741 : memref<1x128x16xf32, #tpu.memory_space<vmem>> -> memref<128x16xf32, #tpu.memory_space<vmem>>
      %dma_wait3A_743 = arith.constant 0 : i32
      %dma_wait3A_744 = tpu.memref_slice %arg6[%add3A_445, %dma_wait3A_743] : memref<96x128xi32, #tpu.memory_space<vmem>> -> memref<1x128xi32, #tpu.memory_space<vmem>>
      %dma_wait3A_745 = tpu.memref_squeeze %dma_wait3A_744 : memref<1x128xi32, #tpu.memory_space<vmem>> -> memref<128xi32, #tpu.memory_space<vmem>>
      %dma_wait3A_746 = arith.constant 0 : i32
      %dma_wait3A_747 = arith.constant 0 : i32
      %dma_wait3A_748 = tpu.memref_slice %arg12[%dma_wait3A_746, %dma_wait3A_747] : memref<10112x16xf32, #tpu.memory_space<vmem_shared>> -> memref<10112x16xf32, #tpu.memory_space<vmem_shared>>
      tpu.wait_indirect_dma semaphore(%arg15 : memref<!tpu.dma_semaphore, #tpu.memory_space<semaphore_mem>>) src(%dma_wait3A_742 : memref<128x16xf32, #tpu.memory_space<vmem>>) dst(%dma_wait3A_748 : memref<10112x16xf32, #tpu.memory_space<vmem_shared>>)
      %dma_wait3A_749 = arith.constant 2 : i32
      %dma_wait3A_750 = arith.constant 0 : i32
      %dma_wait3A_751 = arith.constant 0 : i32
      %dma_wait3A_752 = tpu.memref_slice %arg7[%dma_wait3A_749, %dma_wait3A_750, %dma_wait3A_751] : memref<8x128x16xf32, #tpu.memory_space<vmem>> -> memref<1x128x16xf32, #tpu.memory_space<vmem>>
      %dma_wait3A_753 = tpu.memref_squeeze %dma_wait3A_752 : memref<1x128x16xf32, #tpu.memory_space<vmem>> -> memref<128x16xf32, #tpu.memory_space<vmem>>
      %dma_wait3A_754 = arith.constant 0 : i32
      %dma_wait3A_755 = tpu.memref_slice %arg6[%add3A_458, %dma_wait3A_754] : memref<96x128xi32, #tpu.memory_space<vmem>> -> memref<1x128xi32, #tpu.memory_space<vmem>>
      %dma_wait3A_756 = tpu.memref_squeeze %dma_wait3A_755 : memref<1x128xi32, #tpu.memory_space<vmem>> -> memref<128xi32, #tpu.memory_space<vmem>>
      %dma_wait3A_757 = arith.constant 0 : i32
      %dma_wait3A_758 = arith.constant 0 : i32
      %dma_wait3A_759 = tpu.memref_slice %arg12[%dma_wait3A_757, %dma_wait3A_758] : memref<10112x16xf32, #tpu.memory_space<vmem_shared>> -> memref<10112x16xf32, #tpu.memory_space<vmem_shared>>
      tpu.wait_indirect_dma semaphore(%arg15 : memref<!tpu.dma_semaphore, #tpu.memory_space<semaphore_mem>>) src(%dma_wait3A_753 : memref<128x16xf32, #tpu.memory_space<vmem>>) dst(%dma_wait3A_759 : memref<10112x16xf32, #tpu.memory_space<vmem_shared>>)
      %dma_wait3A_760 = arith.constant 3 : i32
      %dma_wait3A_761 = arith.constant 0 : i32
      %dma_wait3A_762 = arith.constant 0 : i32
      %dma_wait3A_763 = tpu.memref_slice %arg7[%dma_wait3A_760, %dma_wait3A_761, %dma_wait3A_762] : memref<8x128x16xf32, #tpu.memory_space<vmem>> -> memref<1x128x16xf32, #tpu.memory_space<vmem>>
      %dma_wait3A_764 = tpu.memref_squeeze %dma_wait3A_763 : memref<1x128x16xf32, #tpu.memory_space<vmem>> -> memref<128x16xf32, #tpu.memory_space<vmem>>
      %dma_wait3A_765 = arith.constant 0 : i32
      %dma_wait3A_766 = tpu.memref_slice %arg6[%add3A_471, %dma_wait3A_765] : memref<96x128xi32, #tpu.memory_space<vmem>> -> memref<1x128xi32, #tpu.memory_space<vmem>>
      %dma_wait3A_767 = tpu.memref_squeeze %dma_wait3A_766 : memref<1x128xi32, #tpu.memory_space<vmem>> -> memref<128xi32, #tpu.memory_space<vmem>>
      %dma_wait3A_768 = arith.constant 0 : i32
      %dma_wait3A_769 = arith.constant 0 : i32
      %dma_wait3A_770 = tpu.memref_slice %arg12[%dma_wait3A_768, %dma_wait3A_769] : memref<10112x16xf32, #tpu.memory_space<vmem_shared>> -> memref<10112x16xf32, #tpu.memory_space<vmem_shared>>
      tpu.wait_indirect_dma semaphore(%arg15 : memref<!tpu.dma_semaphore, #tpu.memory_space<semaphore_mem>>) src(%dma_wait3A_764 : memref<128x16xf32, #tpu.memory_space<vmem>>) dst(%dma_wait3A_770 : memref<10112x16xf32, #tpu.memory_space<vmem_shared>>)
      %dma_wait3A_771 = arith.constant 4 : i32
      %dma_wait3A_772 = arith.constant 0 : i32
      %dma_wait3A_773 = arith.constant 0 : i32
      %dma_wait3A_774 = tpu.memref_slice %arg7[%dma_wait3A_771, %dma_wait3A_772, %dma_wait3A_773] : memref<8x128x16xf32, #tpu.memory_space<vmem>> -> memref<1x128x16xf32, #tpu.memory_space<vmem>>
      %dma_wait3A_775 = tpu.memref_squeeze %dma_wait3A_774 : memref<1x128x16xf32, #tpu.memory_space<vmem>> -> memref<128x16xf32, #tpu.memory_space<vmem>>
      %dma_wait3A_776 = arith.constant 0 : i32
      %dma_wait3A_777 = tpu.memref_slice %arg6[%add3A_484, %dma_wait3A_776] : memref<96x128xi32, #tpu.memory_space<vmem>> -> memref<1x128xi32, #tpu.memory_space<vmem>>
      %dma_wait3A_778 = tpu.memref_squeeze %dma_wait3A_777 : memref<1x128xi32, #tpu.memory_space<vmem>> -> memref<128xi32, #tpu.memory_space<vmem>>
      %dma_wait3A_779 = arith.constant 0 : i32
      %dma_wait3A_780 = arith.constant 0 : i32
      %dma_wait3A_781 = tpu.memref_slice %arg12[%dma_wait3A_779, %dma_wait3A_780] : memref<10112x16xf32, #tpu.memory_space<vmem_shared>> -> memref<10112x16xf32, #tpu.memory_space<vmem_shared>>
      tpu.wait_indirect_dma semaphore(%arg15 : memref<!tpu.dma_semaphore, #tpu.memory_space<semaphore_mem>>) src(%dma_wait3A_775 : memref<128x16xf32, #tpu.memory_space<vmem>>) dst(%dma_wait3A_781 : memref<10112x16xf32, #tpu.memory_space<vmem_shared>>)
      %dma_wait3A_782 = arith.constant 5 : i32
      %dma_wait3A_783 = arith.constant 0 : i32
      %dma_wait3A_784 = arith.constant 0 : i32
      %dma_wait3A_785 = tpu.memref_slice %arg7[%dma_wait3A_782, %dma_wait3A_783, %dma_wait3A_784] : memref<8x128x16xf32, #tpu.memory_space<vmem>> -> memref<1x128x16xf32, #tpu.memory_space<vmem>>
      %dma_wait3A_786 = tpu.memref_squeeze %dma_wait3A_785 : memref<1x128x16xf32, #tpu.memory_space<vmem>> -> memref<128x16xf32, #tpu.memory_space<vmem>>
      %dma_wait3A_787 = arith.constant 0 : i32
      %dma_wait3A_788 = tpu.memref_slice %arg6[%add3A_497, %dma_wait3A_787] : memref<96x128xi32, #tpu.memory_space<vmem>> -> memref<1x128xi32, #tpu.memory_space<vmem>>
      %dma_wait3A_789 = tpu.memref_squeeze %dma_wait3A_788 : memref<1x128xi32, #tpu.memory_space<vmem>> -> memref<128xi32, #tpu.memory_space<vmem>>
      %dma_wait3A_790 = arith.constant 0 : i32
      %dma_wait3A_791 = arith.constant 0 : i32
      %dma_wait3A_792 = tpu.memref_slice %arg12[%dma_wait3A_790, %dma_wait3A_791] : memref<10112x16xf32, #tpu.memory_space<vmem_shared>> -> memref<10112x16xf32, #tpu.memory_space<vmem_shared>>
      tpu.wait_indirect_dma semaphore(%arg15 : memref<!tpu.dma_semaphore, #tpu.memory_space<semaphore_mem>>) src(%dma_wait3A_786 : memref<128x16xf32, #tpu.memory_space<vmem>>) dst(%dma_wait3A_792 : memref<10112x16xf32, #tpu.memory_space<vmem_shared>>)
      %dma_wait3A_793 = arith.constant 6 : i32
      %dma_wait3A_794 = arith.constant 0 : i32
      %dma_wait3A_795 = arith.constant 0 : i32
      %dma_wait3A_796 = tpu.memref_slice %arg7[%dma_wait3A_793, %dma_wait3A_794, %dma_wait3A_795] : memref<8x128x16xf32, #tpu.memory_space<vmem>> -> memref<1x128x16xf32, #tpu.memory_space<vmem>>
      %dma_wait3A_797 = tpu.memref_squeeze %dma_wait3A_796 : memref<1x128x16xf32, #tpu.memory_space<vmem>> -> memref<128x16xf32, #tpu.memory_space<vmem>>
      %dma_wait3A_798 = arith.constant 0 : i32
      %dma_wait3A_799 = tpu.memref_slice %arg6[%add3A_510, %dma_wait3A_798] : memref<96x128xi32, #tpu.memory_space<vmem>> -> memref<1x128xi32, #tpu.memory_space<vmem>>
      %dma_wait3A_800 = tpu.memref_squeeze %dma_wait3A_799 : memref<1x128xi32, #tpu.memory_space<vmem>> -> memref<128xi32, #tpu.memory_space<vmem>>
      %dma_wait3A_801 = arith.constant 0 : i32
      %dma_wait3A_802 = arith.constant 0 : i32
      %dma_wait3A_803 = tpu.memref_slice %arg12[%dma_wait3A_801, %dma_wait3A_802] : memref<10112x16xf32, #tpu.memory_space<vmem_shared>> -> memref<10112x16xf32, #tpu.memory_space<vmem_shared>>
      tpu.wait_indirect_dma semaphore(%arg15 : memref<!tpu.dma_semaphore, #tpu.memory_space<semaphore_mem>>) src(%dma_wait3A_797 : memref<128x16xf32, #tpu.memory_space<vmem>>) dst(%dma_wait3A_803 : memref<10112x16xf32, #tpu.memory_space<vmem_shared>>)
      %dma_wait3A_804 = arith.constant 7 : i32
      %dma_wait3A_805 = arith.constant 0 : i32
      %dma_wait3A_806 = arith.constant 0 : i32
      %dma_wait3A_807 = tpu.memref_slice %arg7[%dma_wait3A_804, %dma_wait3A_805, %dma_wait3A_806] : memref<8x128x16xf32, #tpu.memory_space<vmem>> -> memref<1x128x16xf32, #tpu.memory_space<vmem>>
      %dma_wait3A_808 = tpu.memref_squeeze %dma_wait3A_807 : memref<1x128x16xf32, #tpu.memory_space<vmem>> -> memref<128x16xf32, #tpu.memory_space<vmem>>
      %dma_wait3A_809 = arith.constant 0 : i32
      %dma_wait3A_810 = tpu.memref_slice %arg6[%add3A_523, %dma_wait3A_809] : memref<96x128xi32, #tpu.memory_space<vmem>> -> memref<1x128xi32, #tpu.memory_space<vmem>>
      %dma_wait3A_811 = tpu.memref_squeeze %dma_wait3A_810 : memref<1x128xi32, #tpu.memory_space<vmem>> -> memref<128xi32, #tpu.memory_space<vmem>>
      %dma_wait3A_812 = arith.constant 0 : i32
      %dma_wait3A_813 = arith.constant 0 : i32
      %dma_wait3A_814 = tpu.memref_slice %arg12[%dma_wait3A_812, %dma_wait3A_813] : memref<10112x16xf32, #tpu.memory_space<vmem_shared>> -> memref<10112x16xf32, #tpu.memory_space<vmem_shared>>
      tpu.wait_indirect_dma semaphore(%arg15 : memref<!tpu.dma_semaphore, #tpu.memory_space<semaphore_mem>>) src(%dma_wait3A_808 : memref<128x16xf32, #tpu.memory_space<vmem>>) dst(%dma_wait3A_814 : memref<10112x16xf32, #tpu.memory_space<vmem_shared>>)
      %dma_wait3A_815 = arith.constant 0 : i32
      %dma_wait3A_816 = arith.constant 0 : i32
      %dma_wait3A_817 = arith.constant 0 : i32
      %dma_wait3A_818 = tpu.memref_slice %arg8[%dma_wait3A_815, %dma_wait3A_816, %dma_wait3A_817] : memref<8x128x16xf32, #tpu.memory_space<vmem>> -> memref<1x128x16xf32, #tpu.memory_space<vmem>>
      %dma_wait3A_819 = tpu.memref_squeeze %dma_wait3A_818 : memref<1x128x16xf32, #tpu.memory_space<vmem>> -> memref<128x16xf32, #tpu.memory_space<vmem>>
      %dma_wait3A_820 = arith.constant 0 : i32
      %dma_wait3A_821 = tpu.memref_slice %arg6[%add3A_624, %dma_wait3A_820] : memref<96x128xi32, #tpu.memory_space<vmem>> -> memref<1x128xi32, #tpu.memory_space<vmem>>
      %dma_wait3A_822 = tpu.memref_squeeze %dma_wait3A_821 : memref<1x128xi32, #tpu.memory_space<vmem>> -> memref<128xi32, #tpu.memory_space<vmem>>
      %dma_wait3A_823 = arith.constant 0 : i32
      %dma_wait3A_824 = arith.constant 0 : i32
      %dma_wait3A_825 = tpu.memref_slice %arg12[%dma_wait3A_823, %dma_wait3A_824] : memref<10112x16xf32, #tpu.memory_space<vmem_shared>> -> memref<10112x16xf32, #tpu.memory_space<vmem_shared>>
      tpu.wait_indirect_dma semaphore(%arg15 : memref<!tpu.dma_semaphore, #tpu.memory_space<semaphore_mem>>) src(%dma_wait3A_819 : memref<128x16xf32, #tpu.memory_space<vmem>>) dst(%dma_wait3A_825 : memref<10112x16xf32, #tpu.memory_space<vmem_shared>>)
      %dma_wait3A_826 = arith.constant 1 : i32
      %dma_wait3A_827 = arith.constant 0 : i32
      %dma_wait3A_828 = arith.constant 0 : i32
      %dma_wait3A_829 = tpu.memref_slice %arg8[%dma_wait3A_826, %dma_wait3A_827, %dma_wait3A_828] : memref<8x128x16xf32, #tpu.memory_space<vmem>> -> memref<1x128x16xf32, #tpu.memory_space<vmem>>
      %dma_wait3A_830 = tpu.memref_squeeze %dma_wait3A_829 : memref<1x128x16xf32, #tpu.memory_space<vmem>> -> memref<128x16xf32, #tpu.memory_space<vmem>>
      %dma_wait3A_831 = arith.constant 0 : i32
      %dma_wait3A_832 = tpu.memref_slice %arg6[%add3A_637, %dma_wait3A_831] : memref<96x128xi32, #tpu.memory_space<vmem>> -> memref<1x128xi32, #tpu.memory_space<vmem>>
      %dma_wait3A_833 = tpu.memref_squeeze %dma_wait3A_832 : memref<1x128xi32, #tpu.memory_space<vmem>> -> memref<128xi32, #tpu.memory_space<vmem>>
      %dma_wait3A_834 = arith.constant 0 : i32
      %dma_wait3A_835 = arith.constant 0 : i32
      %dma_wait3A_836 = tpu.memref_slice %arg12[%dma_wait3A_834, %dma_wait3A_835] : memref<10112x16xf32, #tpu.memory_space<vmem_shared>> -> memref<10112x16xf32, #tpu.memory_space<vmem_shared>>
      tpu.wait_indirect_dma semaphore(%arg15 : memref<!tpu.dma_semaphore, #tpu.memory_space<semaphore_mem>>) src(%dma_wait3A_830 : memref<128x16xf32, #tpu.memory_space<vmem>>) dst(%dma_wait3A_836 : memref<10112x16xf32, #tpu.memory_space<vmem_shared>>)
      %dma_wait3A_837 = arith.constant 2 : i32
      %dma_wait3A_838 = arith.constant 0 : i32
      %dma_wait3A_839 = arith.constant 0 : i32
      %dma_wait3A_840 = tpu.memref_slice %arg8[%dma_wait3A_837, %dma_wait3A_838, %dma_wait3A_839] : memref<8x128x16xf32, #tpu.memory_space<vmem>> -> memref<1x128x16xf32, #tpu.memory_space<vmem>>
      %dma_wait3A_841 = tpu.memref_squeeze %dma_wait3A_840 : memref<1x128x16xf32, #tpu.memory_space<vmem>> -> memref<128x16xf32, #tpu.memory_space<vmem>>
      %dma_wait3A_842 = arith.constant 0 : i32
      %dma_wait3A_843 = tpu.memref_slice %arg6[%add3A_650, %dma_wait3A_842] : memref<96x128xi32, #tpu.memory_space<vmem>> -> memref<1x128xi32, #tpu.memory_space<vmem>>
      %dma_wait3A_844 = tpu.memref_squeeze %dma_wait3A_843 : memref<1x128xi32, #tpu.memory_space<vmem>> -> memref<128xi32, #tpu.memory_space<vmem>>
      %dma_wait3A_845 = arith.constant 0 : i32
      %dma_wait3A_846 = arith.constant 0 : i32
      %dma_wait3A_847 = tpu.memref_slice %arg12[%dma_wait3A_845, %dma_wait3A_846] : memref<10112x16xf32, #tpu.memory_space<vmem_shared>> -> memref<10112x16xf32, #tpu.memory_space<vmem_shared>>
      tpu.wait_indirect_dma semaphore(%arg15 : memref<!tpu.dma_semaphore, #tpu.memory_space<semaphore_mem>>) src(%dma_wait3A_841 : memref<128x16xf32, #tpu.memory_space<vmem>>) dst(%dma_wait3A_847 : memref<10112x16xf32, #tpu.memory_space<vmem_shared>>)
      %dma_wait3A_848 = arith.constant 3 : i32
      %dma_wait3A_849 = arith.constant 0 : i32
      %dma_wait3A_850 = arith.constant 0 : i32
      %dma_wait3A_851 = tpu.memref_slice %arg8[%dma_wait3A_848, %dma_wait3A_849, %dma_wait3A_850] : memref<8x128x16xf32, #tpu.memory_space<vmem>> -> memref<1x128x16xf32, #tpu.memory_space<vmem>>
      %dma_wait3A_852 = tpu.memref_squeeze %dma_wait3A_851 : memref<1x128x16xf32, #tpu.memory_space<vmem>> -> memref<128x16xf32, #tpu.memory_space<vmem>>
      %dma_wait3A_853 = arith.constant 0 : i32
      %dma_wait3A_854 = tpu.memref_slice %arg6[%add3A_663, %dma_wait3A_853] : memref<96x128xi32, #tpu.memory_space<vmem>> -> memref<1x128xi32, #tpu.memory_space<vmem>>
      %dma_wait3A_855 = tpu.memref_squeeze %dma_wait3A_854 : memref<1x128xi32, #tpu.memory_space<vmem>> -> memref<128xi32, #tpu.memory_space<vmem>>
      %dma_wait3A_856 = arith.constant 0 : i32
      %dma_wait3A_857 = arith.constant 0 : i32
      %dma_wait3A_858 = tpu.memref_slice %arg12[%dma_wait3A_856, %dma_wait3A_857] : memref<10112x16xf32, #tpu.memory_space<vmem_shared>> -> memref<10112x16xf32, #tpu.memory_space<vmem_shared>>
      tpu.wait_indirect_dma semaphore(%arg15 : memref<!tpu.dma_semaphore, #tpu.memory_space<semaphore_mem>>) src(%dma_wait3A_852 : memref<128x16xf32, #tpu.memory_space<vmem>>) dst(%dma_wait3A_858 : memref<10112x16xf32, #tpu.memory_space<vmem_shared>>)
      %dma_wait3A_859 = arith.constant 4 : i32
      %dma_wait3A_860 = arith.constant 0 : i32
      %dma_wait3A_861 = arith.constant 0 : i32
      %dma_wait3A_862 = tpu.memref_slice %arg8[%dma_wait3A_859, %dma_wait3A_860, %dma_wait3A_861] : memref<8x128x16xf32, #tpu.memory_space<vmem>> -> memref<1x128x16xf32, #tpu.memory_space<vmem>>
      %dma_wait3A_863 = tpu.memref_squeeze %dma_wait3A_862 : memref<1x128x16xf32, #tpu.memory_space<vmem>> -> memref<128x16xf32, #tpu.memory_space<vmem>>
      %dma_wait3A_864 = arith.constant 0 : i32
      %dma_wait3A_865 = tpu.memref_slice %arg6[%add3A_676, %dma_wait3A_864] : memref<96x128xi32, #tpu.memory_space<vmem>> -> memref<1x128xi32, #tpu.memory_space<vmem>>
      %dma_wait3A_866 = tpu.memref_squeeze %dma_wait3A_865 : memref<1x128xi32, #tpu.memory_space<vmem>> -> memref<128xi32, #tpu.memory_space<vmem>>
      %dma_wait3A_867 = arith.constant 0 : i32
      %dma_wait3A_868 = arith.constant 0 : i32
      %dma_wait3A_869 = tpu.memref_slice %arg12[%dma_wait3A_867, %dma_wait3A_868] : memref<10112x16xf32, #tpu.memory_space<vmem_shared>> -> memref<10112x16xf32, #tpu.memory_space<vmem_shared>>
      tpu.wait_indirect_dma semaphore(%arg15 : memref<!tpu.dma_semaphore, #tpu.memory_space<semaphore_mem>>) src(%dma_wait3A_863 : memref<128x16xf32, #tpu.memory_space<vmem>>) dst(%dma_wait3A_869 : memref<10112x16xf32, #tpu.memory_space<vmem_shared>>)
      %dma_wait3A_870 = arith.constant 5 : i32
      %dma_wait3A_871 = arith.constant 0 : i32
      %dma_wait3A_872 = arith.constant 0 : i32
      %dma_wait3A_873 = tpu.memref_slice %arg8[%dma_wait3A_870, %dma_wait3A_871, %dma_wait3A_872] : memref<8x128x16xf32, #tpu.memory_space<vmem>> -> memref<1x128x16xf32, #tpu.memory_space<vmem>>
      %dma_wait3A_874 = tpu.memref_squeeze %dma_wait3A_873 : memref<1x128x16xf32, #tpu.memory_space<vmem>> -> memref<128x16xf32, #tpu.memory_space<vmem>>
      %dma_wait3A_875 = arith.constant 0 : i32
      %dma_wait3A_876 = tpu.memref_slice %arg6[%add3A_689, %dma_wait3A_875] : memref<96x128xi32, #tpu.memory_space<vmem>> -> memref<1x128xi32, #tpu.memory_space<vmem>>
      %dma_wait3A_877 = tpu.memref_squeeze %dma_wait3A_876 : memref<1x128xi32, #tpu.memory_space<vmem>> -> memref<128xi32, #tpu.memory_space<vmem>>
      %dma_wait3A_878 = arith.constant 0 : i32
      %dma_wait3A_879 = arith.constant 0 : i32
      %dma_wait3A_880 = tpu.memref_slice %arg12[%dma_wait3A_878, %dma_wait3A_879] : memref<10112x16xf32, #tpu.memory_space<vmem_shared>> -> memref<10112x16xf32, #tpu.memory_space<vmem_shared>>
      tpu.wait_indirect_dma semaphore(%arg15 : memref<!tpu.dma_semaphore, #tpu.memory_space<semaphore_mem>>) src(%dma_wait3A_874 : memref<128x16xf32, #tpu.memory_space<vmem>>) dst(%dma_wait3A_880 : memref<10112x16xf32, #tpu.memory_space<vmem_shared>>)
      %dma_wait3A_881 = arith.constant 6 : i32
      %dma_wait3A_882 = arith.constant 0 : i32
      %dma_wait3A_883 = arith.constant 0 : i32
      %dma_wait3A_884 = tpu.memref_slice %arg8[%dma_wait3A_881, %dma_wait3A_882, %dma_wait3A_883] : memref<8x128x16xf32, #tpu.memory_space<vmem>> -> memref<1x128x16xf32, #tpu.memory_space<vmem>>
      %dma_wait3A_885 = tpu.memref_squeeze %dma_wait3A_884 : memref<1x128x16xf32, #tpu.memory_space<vmem>> -> memref<128x16xf32, #tpu.memory_space<vmem>>
      %dma_wait3A_886 = arith.constant 0 : i32
      %dma_wait3A_887 = tpu.memref_slice %arg6[%add3A_702, %dma_wait3A_886] : memref<96x128xi32, #tpu.memory_space<vmem>> -> memref<1x128xi32, #tpu.memory_space<vmem>>
      %dma_wait3A_888 = tpu.memref_squeeze %dma_wait3A_887 : memref<1x128xi32, #tpu.memory_space<vmem>> -> memref<128xi32, #tpu.memory_space<vmem>>
      %dma_wait3A_889 = arith.constant 0 : i32
      %dma_wait3A_890 = arith.constant 0 : i32
      %dma_wait3A_891 = tpu.memref_slice %arg12[%dma_wait3A_889, %dma_wait3A_890] : memref<10112x16xf32, #tpu.memory_space<vmem_shared>> -> memref<10112x16xf32, #tpu.memory_space<vmem_shared>>
      tpu.wait_indirect_dma semaphore(%arg15 : memref<!tpu.dma_semaphore, #tpu.memory_space<semaphore_mem>>) src(%dma_wait3A_885 : memref<128x16xf32, #tpu.memory_space<vmem>>) dst(%dma_wait3A_891 : memref<10112x16xf32, #tpu.memory_space<vmem_shared>>)
      %dma_wait3A_892 = arith.constant 7 : i32
      %dma_wait3A_893 = arith.constant 0 : i32
      %dma_wait3A_894 = arith.constant 0 : i32
      %dma_wait3A_895 = tpu.memref_slice %arg8[%dma_wait3A_892, %dma_wait3A_893, %dma_wait3A_894] : memref<8x128x16xf32, #tpu.memory_space<vmem>> -> memref<1x128x16xf32, #tpu.memory_space<vmem>>
      %dma_wait3A_896 = tpu.memref_squeeze %dma_wait3A_895 : memref<1x128x16xf32, #tpu.memory_space<vmem>> -> memref<128x16xf32, #tpu.memory_space<vmem>>
      %dma_wait3A_897 = arith.constant 0 : i32
      %dma_wait3A_898 = tpu.memref_slice %arg6[%add3A_715, %dma_wait3A_897] : memref<96x128xi32, #tpu.memory_space<vmem>> -> memref<1x128xi32, #tpu.memory_space<vmem>>
      %dma_wait3A_899 = tpu.memref_squeeze %dma_wait3A_898 : memref<1x128xi32, #tpu.memory_space<vmem>> -> memref<128xi32, #tpu.memory_space<vmem>>
      %dma_wait3A_900 = arith.constant 0 : i32
      %dma_wait3A_901 = arith.constant 0 : i32
      %dma_wait3A_902 = tpu.memref_slice %arg12[%dma_wait3A_900, %dma_wait3A_901] : memref<10112x16xf32, #tpu.memory_space<vmem_shared>> -> memref<10112x16xf32, #tpu.memory_space<vmem_shared>>
      tpu.wait_indirect_dma semaphore(%arg15 : memref<!tpu.dma_semaphore, #tpu.memory_space<semaphore_mem>>) src(%dma_wait3A_896 : memref<128x16xf32, #tpu.memory_space<vmem>>) dst(%dma_wait3A_902 : memref<10112x16xf32, #tpu.memory_space<vmem_shared>>)
    }
    %while3A_122 = arith.constant 1 : i32
    scf.for %while3A_128 = %while3A_120 to %while3A_116 step %while3A_122  : i32 {
      %mul3A_129 = arith.constant 2 : i32
      %mul3A_130 = arith.muli %mul3A_129, %while3A_128 : i32
      %mul3A_131 = arith.constant 8 : i32
      %mul3A_132 = arith.muli %mul3A_130, %mul3A_131 : i32
      %add3A_133 = arith.constant 8 : i32
      %add3A_134 = arith.addi %mul3A_132, %add3A_133 : i32
      %add3A_135 = arith.constant 0 : i32
      %add3A_136 = arith.addi %mul3A_132, %add3A_135 : i32
      %dma_start3A_137 = arith.constant 0 : i32
      %dma_start3A_138 = arith.constant 0 : i32
      %dma_start3A_139 = arith.constant 0 : i32
      %dma_start3A_140 = tpu.memref_slice %arg7[%dma_start3A_137, %dma_start3A_138, %dma_start3A_139] : memref<8x128x16xf32, #tpu.memory_space<vmem>> -> memref<1x128x16xf32, #tpu.memory_space<vmem>>
      %dma_start3A_141 = tpu.memref_squeeze %dma_start3A_140 : memref<1x128x16xf32, #tpu.memory_space<vmem>> -> memref<128x16xf32, #tpu.memory_space<vmem>>
      %dma_start3A_142 = arith.constant 0 : i32
      %dma_start3A_143 = tpu.memref_slice %arg5[%add3A_136, %dma_start3A_142] : memref<96x128xi32, #tpu.memory_space<vmem>> -> memref<1x128xi32, #tpu.memory_space<vmem>>
      %dma_start3A_144 = tpu.memref_squeeze %dma_start3A_143 : memref<1x128xi32, #tpu.memory_space<vmem>> -> memref<128xi32, #tpu.memory_space<vmem>>
      %dma_start3A_145 = arith.constant 0 : i32
      %dma_start3A_146 = arith.constant 0 : i32
      %dma_start3A_147 = tpu.memref_slice %arg13[%dma_start3A_145, %dma_start3A_146] : memref<10112x16xf32, #tpu.memory_space<vmem_shared>> -> memref<10112x16xf32, #tpu.memory_space<vmem_shared>>
      tpu.enqueue_indirect_dma source(%dma_start3A_147 : memref<10112x16xf32, #tpu.memory_space<vmem_shared>>) target(%dma_start3A_141 : memref<128x16xf32, #tpu.memory_space<vmem>>) offsets(%dma_start3A_144 : memref<128xi32, #tpu.memory_space<vmem>>) semaphore(%arg14 : memref<!tpu.dma_semaphore, #tpu.memory_space<semaphore_mem>>)
      %add3A_148 = arith.constant 1 : i32
      %add3A_149 = arith.addi %mul3A_132, %add3A_148 : i32
      %dma_start3A_150 = arith.constant 1 : i32
      %dma_start3A_151 = arith.constant 0 : i32
      %dma_start3A_152 = arith.constant 0 : i32
      %dma_start3A_153 = tpu.memref_slice %arg7[%dma_start3A_150, %dma_start3A_151, %dma_start3A_152] : memref<8x128x16xf32, #tpu.memory_space<vmem>> -> memref<1x128x16xf32, #tpu.memory_space<vmem>>
      %dma_start3A_154 = tpu.memref_squeeze %dma_start3A_153 : memref<1x128x16xf32, #tpu.memory_space<vmem>> -> memref<128x16xf32, #tpu.memory_space<vmem>>
      %dma_start3A_155 = arith.constant 0 : i32
      %dma_start3A_156 = tpu.memref_slice %arg5[%add3A_149, %dma_start3A_155] : memref<96x128xi32, #tpu.memory_space<vmem>> -> memref<1x128xi32, #tpu.memory_space<vmem>>
      %dma_start3A_157 = tpu.memref_squeeze %dma_start3A_156 : memref<1x128xi32, #tpu.memory_space<vmem>> -> memref<128xi32, #tpu.memory_space<vmem>>
      %dma_start3A_158 = arith.constant 0 : i32
      %dma_start3A_159 = arith.constant 0 : i32
      %dma_start3A_160 = tpu.memref_slice %arg13[%dma_start3A_158, %dma_start3A_159] : memref<10112x16xf32, #tpu.memory_space<vmem_shared>> -> memref<10112x16xf32, #tpu.memory_space<vmem_shared>>
      tpu.enqueue_indirect_dma source(%dma_start3A_160 : memref<10112x16xf32, #tpu.memory_space<vmem_shared>>) target(%dma_start3A_154 : memref<128x16xf32, #tpu.memory_space<vmem>>) offsets(%dma_start3A_157 : memref<128xi32, #tpu.memory_space<vmem>>) semaphore(%arg14 : memref<!tpu.dma_semaphore, #tpu.memory_space<semaphore_mem>>)
      %add3A_161 = arith.constant 2 : i32
      %add3A_162 = arith.addi %mul3A_132, %add3A_161 : i32
      %dma_start3A_163 = arith.constant 2 : i32
      %dma_start3A_164 = arith.constant 0 : i32
      %dma_start3A_165 = arith.constant 0 : i32
      %dma_start3A_166 = tpu.memref_slice %arg7[%dma_start3A_163, %dma_start3A_164, %dma_start3A_165] : memref<8x128x16xf32, #tpu.memory_space<vmem>> -> memref<1x128x16xf32, #tpu.memory_space<vmem>>
      %dma_start3A_167 = tpu.memref_squeeze %dma_start3A_166 : memref<1x128x16xf32, #tpu.memory_space<vmem>> -> memref<128x16xf32, #tpu.memory_space<vmem>>
      %dma_start3A_168 = arith.constant 0 : i32
      %dma_start3A_169 = tpu.memref_slice %arg5[%add3A_162, %dma_start3A_168] : memref<96x128xi32, #tpu.memory_space<vmem>> -> memref<1x128xi32, #tpu.memory_space<vmem>>
      %dma_start3A_170 = tpu.memref_squeeze %dma_start3A_169 : memref<1x128xi32, #tpu.memory_space<vmem>> -> memref<128xi32, #tpu.memory_space<vmem>>
      %dma_start3A_171 = arith.constant 0 : i32
      %dma_start3A_172 = arith.constant 0 : i32
      %dma_start3A_173 = tpu.memref_slice %arg13[%dma_start3A_171, %dma_start3A_172] : memref<10112x16xf32, #tpu.memory_space<vmem_shared>> -> memref<10112x16xf32, #tpu.memory_space<vmem_shared>>
      tpu.enqueue_indirect_dma source(%dma_start3A_173 : memref<10112x16xf32, #tpu.memory_space<vmem_shared>>) target(%dma_start3A_167 : memref<128x16xf32, #tpu.memory_space<vmem>>) offsets(%dma_start3A_170 : memref<128xi32, #tpu.memory_space<vmem>>) semaphore(%arg14 : memref<!tpu.dma_semaphore, #tpu.memory_space<semaphore_mem>>)
      %add3A_174 = arith.constant 3 : i32
      %add3A_175 = arith.addi %mul3A_132, %add3A_174 : i32
      %dma_start3A_176 = arith.constant 3 : i32
      %dma_start3A_177 = arith.constant 0 : i32
      %dma_start3A_178 = arith.constant 0 : i32
      %dma_start3A_179 = tpu.memref_slice %arg7[%dma_start3A_176, %dma_start3A_177, %dma_start3A_178] : memref<8x128x16xf32, #tpu.memory_space<vmem>> -> memref<1x128x16xf32, #tpu.memory_space<vmem>>
      %dma_start3A_180 = tpu.memref_squeeze %dma_start3A_179 : memref<1x128x16xf32, #tpu.memory_space<vmem>> -> memref<128x16xf32, #tpu.memory_space<vmem>>
      %dma_start3A_181 = arith.constant 0 : i32
      %dma_start3A_182 = tpu.memref_slice %arg5[%add3A_175, %dma_start3A_181] : memref<96x128xi32, #tpu.memory_space<vmem>> -> memref<1x128xi32, #tpu.memory_space<vmem>>
      %dma_start3A_183 = tpu.memref_squeeze %dma_start3A_182 : memref<1x128xi32, #tpu.memory_space<vmem>> -> memref<128xi32, #tpu.memory_space<vmem>>
      %dma_start3A_184 = arith.constant 0 : i32
      %dma_start3A_185 = arith.constant 0 : i32
      %dma_start3A_186 = tpu.memref_slice %arg13[%dma_start3A_184, %dma_start3A_185] : memref<10112x16xf32, #tpu.memory_space<vmem_shared>> -> memref<10112x16xf32, #tpu.memory_space<vmem_shared>>
      tpu.enqueue_indirect_dma source(%dma_start3A_186 : memref<10112x16xf32, #tpu.memory_space<vmem_shared>>) target(%dma_start3A_180 : memref<128x16xf32, #tpu.memory_space<vmem>>) offsets(%dma_start3A_183 : memref<128xi32, #tpu.memory_space<vmem>>) semaphore(%arg14 : memref<!tpu.dma_semaphore, #tpu.memory_space<semaphore_mem>>)
      %add3A_187 = arith.constant 4 : i32
      %add3A_188 = arith.addi %mul3A_132, %add3A_187 : i32
      %dma_start3A_189 = arith.constant 4 : i32
      %dma_start3A_190 = arith.constant 0 : i32
      %dma_start3A_191 = arith.constant 0 : i32
      %dma_start3A_192 = tpu.memref_slice %arg7[%dma_start3A_189, %dma_start3A_190, %dma_start3A_191] : memref<8x128x16xf32, #tpu.memory_space<vmem>> -> memref<1x128x16xf32, #tpu.memory_space<vmem>>
      %dma_start3A_193 = tpu.memref_squeeze %dma_start3A_192 : memref<1x128x16xf32, #tpu.memory_space<vmem>> -> memref<128x16xf32, #tpu.memory_space<vmem>>
      %dma_start3A_194 = arith.constant 0 : i32
      %dma_start3A_195 = tpu.memref_slice %arg5[%add3A_188, %dma_start3A_194] : memref<96x128xi32, #tpu.memory_space<vmem>> -> memref<1x128xi32, #tpu.memory_space<vmem>>
      %dma_start3A_196 = tpu.memref_squeeze %dma_start3A_195 : memref<1x128xi32, #tpu.memory_space<vmem>> -> memref<128xi32, #tpu.memory_space<vmem>>
      %dma_start3A_197 = arith.constant 0 : i32
      %dma_start3A_198 = arith.constant 0 : i32
      %dma_start3A_199 = tpu.memref_slice %arg13[%dma_start3A_197, %dma_start3A_198] : memref<10112x16xf32, #tpu.memory_space<vmem_shared>> -> memref<10112x16xf32, #tpu.memory_space<vmem_shared>>
      tpu.enqueue_indirect_dma source(%dma_start3A_199 : memref<10112x16xf32, #tpu.memory_space<vmem_shared>>) target(%dma_start3A_193 : memref<128x16xf32, #tpu.memory_space<vmem>>) offsets(%dma_start3A_196 : memref<128xi32, #tpu.memory_space<vmem>>) semaphore(%arg14 : memref<!tpu.dma_semaphore, #tpu.memory_space<semaphore_mem>>)
      %add3A_200 = arith.constant 5 : i32
      %add3A_201 = arith.addi %mul3A_132, %add3A_200 : i32
      %dma_start3A_202 = arith.constant 5 : i32
      %dma_start3A_203 = arith.constant 0 : i32
      %dma_start3A_204 = arith.constant 0 : i32
      %dma_start3A_205 = tpu.memref_slice %arg7[%dma_start3A_202, %dma_start3A_203, %dma_start3A_204] : memref<8x128x16xf32, #tpu.memory_space<vmem>> -> memref<1x128x16xf32, #tpu.memory_space<vmem>>
      %dma_start3A_206 = tpu.memref_squeeze %dma_start3A_205 : memref<1x128x16xf32, #tpu.memory_space<vmem>> -> memref<128x16xf32, #tpu.memory_space<vmem>>
      %dma_start3A_207 = arith.constant 0 : i32
      %dma_start3A_208 = tpu.memref_slice %arg5[%add3A_201, %dma_start3A_207] : memref<96x128xi32, #tpu.memory_space<vmem>> -> memref<1x128xi32, #tpu.memory_space<vmem>>
      %dma_start3A_209 = tpu.memref_squeeze %dma_start3A_208 : memref<1x128xi32, #tpu.memory_space<vmem>> -> memref<128xi32, #tpu.memory_space<vmem>>
      %dma_start3A_210 = arith.constant 0 : i32
      %dma_start3A_211 = arith.constant 0 : i32
      %dma_start3A_212 = tpu.memref_slice %arg13[%dma_start3A_210, %dma_start3A_211] : memref<10112x16xf32, #tpu.memory_space<vmem_shared>> -> memref<10112x16xf32, #tpu.memory_space<vmem_shared>>
      tpu.enqueue_indirect_dma source(%dma_start3A_212 : memref<10112x16xf32, #tpu.memory_space<vmem_shared>>) target(%dma_start3A_206 : memref<128x16xf32, #tpu.memory_space<vmem>>) offsets(%dma_start3A_209 : memref<128xi32, #tpu.memory_space<vmem>>) semaphore(%arg14 : memref<!tpu.dma_semaphore, #tpu.memory_space<semaphore_mem>>)
      %add3A_213 = arith.constant 6 : i32
      %add3A_214 = arith.addi %mul3A_132, %add3A_213 : i32
      %dma_start3A_215 = arith.constant 6 : i32
      %dma_start3A_216 = arith.constant 0 : i32
      %dma_start3A_217 = arith.constant 0 : i32
      %dma_start3A_218 = tpu.memref_slice %arg7[%dma_start3A_215, %dma_start3A_216, %dma_start3A_217] : memref<8x128x16xf32, #tpu.memory_space<vmem>> -> memref<1x128x16xf32, #tpu.memory_space<vmem>>
      %dma_start3A_219 = tpu.memref_squeeze %dma_start3A_218 : memref<1x128x16xf32, #tpu.memory_space<vmem>> -> memref<128x16xf32, #tpu.memory_space<vmem>>
      %dma_start3A_220 = arith.constant 0 : i32
      %dma_start3A_221 = tpu.memref_slice %arg5[%add3A_214, %dma_start3A_220] : memref<96x128xi32, #tpu.memory_space<vmem>> -> memref<1x128xi32, #tpu.memory_space<vmem>>
      %dma_start3A_222 = tpu.memref_squeeze %dma_start3A_221 : memref<1x128xi32, #tpu.memory_space<vmem>> -> memref<128xi32, #tpu.memory_space<vmem>>
      %dma_start3A_223 = arith.constant 0 : i32
      %dma_start3A_224 = arith.constant 0 : i32
      %dma_start3A_225 = tpu.memref_slice %arg13[%dma_start3A_223, %dma_start3A_224] : memref<10112x16xf32, #tpu.memory_space<vmem_shared>> -> memref<10112x16xf32, #tpu.memory_space<vmem_shared>>
      tpu.enqueue_indirect_dma source(%dma_start3A_225 : memref<10112x16xf32, #tpu.memory_space<vmem_shared>>) target(%dma_start3A_219 : memref<128x16xf32, #tpu.memory_space<vmem>>) offsets(%dma_start3A_222 : memref<128xi32, #tpu.memory_space<vmem>>) semaphore(%arg14 : memref<!tpu.dma_semaphore, #tpu.memory_space<semaphore_mem>>)
      %add3A_226 = arith.constant 7 : i32
      %add3A_227 = arith.addi %mul3A_132, %add3A_226 : i32
      %dma_start3A_228 = arith.constant 7 : i32
      %dma_start3A_229 = arith.constant 0 : i32
      %dma_start3A_230 = arith.constant 0 : i32
      %dma_start3A_231 = tpu.memref_slice %arg7[%dma_start3A_228, %dma_start3A_229, %dma_start3A_230] : memref<8x128x16xf32, #tpu.memory_space<vmem>> -> memref<1x128x16xf32, #tpu.memory_space<vmem>>
      %dma_start3A_232 = tpu.memref_squeeze %dma_start3A_231 : memref<1x128x16xf32, #tpu.memory_space<vmem>> -> memref<128x16xf32, #tpu.memory_space<vmem>>
      %dma_start3A_233 = arith.constant 0 : i32
      %dma_start3A_234 = tpu.memref_slice %arg5[%add3A_227, %dma_start3A_233] : memref<96x128xi32, #tpu.memory_space<vmem>> -> memref<1x128xi32, #tpu.memory_space<vmem>>
      %dma_start3A_235 = tpu.memref_squeeze %dma_start3A_234 : memref<1x128xi32, #tpu.memory_space<vmem>> -> memref<128xi32, #tpu.memory_space<vmem>>
      %dma_start3A_236 = arith.constant 0 : i32
      %dma_start3A_237 = arith.constant 0 : i32
      %dma_start3A_238 = tpu.memref_slice %arg13[%dma_start3A_236, %dma_start3A_237] : memref<10112x16xf32, #tpu.memory_space<vmem_shared>> -> memref<10112x16xf32, #tpu.memory_space<vmem_shared>>
      tpu.enqueue_indirect_dma source(%dma_start3A_238 : memref<10112x16xf32, #tpu.memory_space<vmem_shared>>) target(%dma_start3A_232 : memref<128x16xf32, #tpu.memory_space<vmem>>) offsets(%dma_start3A_235 : memref<128xi32, #tpu.memory_space<vmem>>) semaphore(%arg14 : memref<!tpu.dma_semaphore, #tpu.memory_space<semaphore_mem>>)
      %add3A_239 = arith.constant 0 : i32
      %add3A_240 = arith.addi %add3A_134, %add3A_239 : i32
      %dma_start3A_241 = arith.constant 0 : i32
      %dma_start3A_242 = arith.constant 0 : i32
      %dma_start3A_243 = arith.constant 0 : i32
      %dma_start3A_244 = tpu.memref_slice %arg8[%dma_start3A_241, %dma_start3A_242, %dma_start3A_243] : memref<8x128x16xf32, #tpu.memory_space<vmem>> -> memref<1x128x16xf32, #tpu.memory_space<vmem>>
      %dma_start3A_245 = tpu.memref_squeeze %dma_start3A_244 : memref<1x128x16xf32, #tpu.memory_space<vmem>> -> memref<128x16xf32, #tpu.memory_space<vmem>>
      %dma_start3A_246 = arith.constant 0 : i32
      %dma_start3A_247 = tpu.memref_slice %arg5[%add3A_240, %dma_start3A_246] : memref<96x128xi32, #tpu.memory_space<vmem>> -> memref<1x128xi32, #tpu.memory_space<vmem>>
      %dma_start3A_248 = tpu.memref_squeeze %dma_start3A_247 : memref<1x128xi32, #tpu.memory_space<vmem>> -> memref<128xi32, #tpu.memory_space<vmem>>
      %dma_start3A_249 = arith.constant 0 : i32
      %dma_start3A_250 = arith.constant 0 : i32
      %dma_start3A_251 = tpu.memref_slice %arg13[%dma_start3A_249, %dma_start3A_250] : memref<10112x16xf32, #tpu.memory_space<vmem_shared>> -> memref<10112x16xf32, #tpu.memory_space<vmem_shared>>
      tpu.enqueue_indirect_dma source(%dma_start3A_251 : memref<10112x16xf32, #tpu.memory_space<vmem_shared>>) target(%dma_start3A_245 : memref<128x16xf32, #tpu.memory_space<vmem>>) offsets(%dma_start3A_248 : memref<128xi32, #tpu.memory_space<vmem>>) semaphore(%arg14 : memref<!tpu.dma_semaphore, #tpu.memory_space<semaphore_mem>>)
      %add3A_252 = arith.constant 1 : i32
      %add3A_253 = arith.addi %add3A_134, %add3A_252 : i32
      %dma_start3A_254 = arith.constant 1 : i32
      %dma_start3A_255 = arith.constant 0 : i32
      %dma_start3A_256 = arith.constant 0 : i32
      %dma_start3A_257 = tpu.memref_slice %arg8[%dma_start3A_254, %dma_start3A_255, %dma_start3A_256] : memref<8x128x16xf32, #tpu.memory_space<vmem>> -> memref<1x128x16xf32, #tpu.memory_space<vmem>>
      %dma_start3A_258 = tpu.memref_squeeze %dma_start3A_257 : memref<1x128x16xf32, #tpu.memory_space<vmem>> -> memref<128x16xf32, #tpu.memory_space<vmem>>
      %dma_start3A_259 = arith.constant 0 : i32
      %dma_start3A_260 = tpu.memref_slice %arg5[%add3A_253, %dma_start3A_259] : memref<96x128xi32, #tpu.memory_space<vmem>> -> memref<1x128xi32, #tpu.memory_space<vmem>>
      %dma_start3A_261 = tpu.memref_squeeze %dma_start3A_260 : memref<1x128xi32, #tpu.memory_space<vmem>> -> memref<128xi32, #tpu.memory_space<vmem>>
      %dma_start3A_262 = arith.constant 0 : i32
      %dma_start3A_263 = arith.constant 0 : i32
      %dma_start3A_264 = tpu.memref_slice %arg13[%dma_start3A_262, %dma_start3A_263] : memref<10112x16xf32, #tpu.memory_space<vmem_shared>> -> memref<10112x16xf32, #tpu.memory_space<vmem_shared>>
      tpu.enqueue_indirect_dma source(%dma_start3A_264 : memref<10112x16xf32, #tpu.memory_space<vmem_shared>>) target(%dma_start3A_258 : memref<128x16xf32, #tpu.memory_space<vmem>>) offsets(%dma_start3A_261 : memref<128xi32, #tpu.memory_space<vmem>>) semaphore(%arg14 : memref<!tpu.dma_semaphore, #tpu.memory_space<semaphore_mem>>)
      %add3A_265 = arith.constant 2 : i32
      %add3A_266 = arith.addi %add3A_134, %add3A_265 : i32
      %dma_start3A_267 = arith.constant 2 : i32
      %dma_start3A_268 = arith.constant 0 : i32
      %dma_start3A_269 = arith.constant 0 : i32
      %dma_start3A_270 = tpu.memref_slice %arg8[%dma_start3A_267, %dma_start3A_268, %dma_start3A_269] : memref<8x128x16xf32, #tpu.memory_space<vmem>> -> memref<1x128x16xf32, #tpu.memory_space<vmem>>
      %dma_start3A_271 = tpu.memref_squeeze %dma_start3A_270 : memref<1x128x16xf32, #tpu.memory_space<vmem>> -> memref<128x16xf32, #tpu.memory_space<vmem>>
      %dma_start3A_272 = arith.constant 0 : i32
      %dma_start3A_273 = tpu.memref_slice %arg5[%add3A_266, %dma_start3A_272] : memref<96x128xi32, #tpu.memory_space<vmem>> -> memref<1x128xi32, #tpu.memory_space<vmem>>
      %dma_start3A_274 = tpu.memref_squeeze %dma_start3A_273 : memref<1x128xi32, #tpu.memory_space<vmem>> -> memref<128xi32, #tpu.memory_space<vmem>>
      %dma_start3A_275 = arith.constant 0 : i32
      %dma_start3A_276 = arith.constant 0 : i32
      %dma_start3A_277 = tpu.memref_slice %arg13[%dma_start3A_275, %dma_start3A_276] : memref<10112x16xf32, #tpu.memory_space<vmem_shared>> -> memref<10112x16xf32, #tpu.memory_space<vmem_shared>>
      tpu.enqueue_indirect_dma source(%dma_start3A_277 : memref<10112x16xf32, #tpu.memory_space<vmem_shared>>) target(%dma_start3A_271 : memref<128x16xf32, #tpu.memory_space<vmem>>) offsets(%dma_start3A_274 : memref<128xi32, #tpu.memory_space<vmem>>) semaphore(%arg14 : memref<!tpu.dma_semaphore, #tpu.memory_space<semaphore_mem>>)
      %add3A_278 = arith.constant 3 : i32
      %add3A_279 = arith.addi %add3A_134, %add3A_278 : i32
      %dma_start3A_280 = arith.constant 3 : i32
      %dma_start3A_281 = arith.constant 0 : i32
      %dma_start3A_282 = arith.constant 0 : i32
      %dma_start3A_283 = tpu.memref_slice %arg8[%dma_start3A_280, %dma_start3A_281, %dma_start3A_282] : memref<8x128x16xf32, #tpu.memory_space<vmem>> -> memref<1x128x16xf32, #tpu.memory_space<vmem>>
      %dma_start3A_284 = tpu.memref_squeeze %dma_start3A_283 : memref<1x128x16xf32, #tpu.memory_space<vmem>> -> memref<128x16xf32, #tpu.memory_space<vmem>>
      %dma_start3A_285 = arith.constant 0 : i32
      %dma_start3A_286 = tpu.memref_slice %arg5[%add3A_279, %dma_start3A_285] : memref<96x128xi32, #tpu.memory_space<vmem>> -> memref<1x128xi32, #tpu.memory_space<vmem>>
      %dma_start3A_287 = tpu.memref_squeeze %dma_start3A_286 : memref<1x128xi32, #tpu.memory_space<vmem>> -> memref<128xi32, #tpu.memory_space<vmem>>
      %dma_start3A_288 = arith.constant 0 : i32
      %dma_start3A_289 = arith.constant 0 : i32
      %dma_start3A_290 = tpu.memref_slice %arg13[%dma_start3A_288, %dma_start3A_289] : memref<10112x16xf32, #tpu.memory_space<vmem_shared>> -> memref<10112x16xf32, #tpu.memory_space<vmem_shared>>
      tpu.enqueue_indirect_dma source(%dma_start3A_290 : memref<10112x16xf32, #tpu.memory_space<vmem_shared>>) target(%dma_start3A_284 : memref<128x16xf32, #tpu.memory_space<vmem>>) offsets(%dma_start3A_287 : memref<128xi32, #tpu.memory_space<vmem>>) semaphore(%arg14 : memref<!tpu.dma_semaphore, #tpu.memory_space<semaphore_mem>>)
      %add3A_291 = arith.constant 4 : i32
      %add3A_292 = arith.addi %add3A_134, %add3A_291 : i32
      %dma_start3A_293 = arith.constant 4 : i32
      %dma_start3A_294 = arith.constant 0 : i32
      %dma_start3A_295 = arith.constant 0 : i32
      %dma_start3A_296 = tpu.memref_slice %arg8[%dma_start3A_293, %dma_start3A_294, %dma_start3A_295] : memref<8x128x16xf32, #tpu.memory_space<vmem>> -> memref<1x128x16xf32, #tpu.memory_space<vmem>>
      %dma_start3A_297 = tpu.memref_squeeze %dma_start3A_296 : memref<1x128x16xf32, #tpu.memory_space<vmem>> -> memref<128x16xf32, #tpu.memory_space<vmem>>
      %dma_start3A_298 = arith.constant 0 : i32
      %dma_start3A_299 = tpu.memref_slice %arg5[%add3A_292, %dma_start3A_298] : memref<96x128xi32, #tpu.memory_space<vmem>> -> memref<1x128xi32, #tpu.memory_space<vmem>>
      %dma_start3A_300 = tpu.memref_squeeze %dma_start3A_299 : memref<1x128xi32, #tpu.memory_space<vmem>> -> memref<128xi32, #tpu.memory_space<vmem>>
      %dma_start3A_301 = arith.constant 0 : i32
      %dma_start3A_302 = arith.constant 0 : i32
      %dma_start3A_303 = tpu.memref_slice %arg13[%dma_start3A_301, %dma_start3A_302] : memref<10112x16xf32, #tpu.memory_space<vmem_shared>> -> memref<10112x16xf32, #tpu.memory_space<vmem_shared>>
      tpu.enqueue_indirect_dma source(%dma_start3A_303 : memref<10112x16xf32, #tpu.memory_space<vmem_shared>>) target(%dma_start3A_297 : memref<128x16xf32, #tpu.memory_space<vmem>>) offsets(%dma_start3A_300 : memref<128xi32, #tpu.memory_space<vmem>>) semaphore(%arg14 : memref<!tpu.dma_semaphore, #tpu.memory_space<semaphore_mem>>)
      %add3A_304 = arith.constant 5 : i32
      %add3A_305 = arith.addi %add3A_134, %add3A_304 : i32
      %dma_start3A_306 = arith.constant 5 : i32
      %dma_start3A_307 = arith.constant 0 : i32
      %dma_start3A_308 = arith.constant 0 : i32
      %dma_start3A_309 = tpu.memref_slice %arg8[%dma_start3A_306, %dma_start3A_307, %dma_start3A_308] : memref<8x128x16xf32, #tpu.memory_space<vmem>> -> memref<1x128x16xf32, #tpu.memory_space<vmem>>
      %dma_start3A_310 = tpu.memref_squeeze %dma_start3A_309 : memref<1x128x16xf32, #tpu.memory_space<vmem>> -> memref<128x16xf32, #tpu.memory_space<vmem>>
      %dma_start3A_311 = arith.constant 0 : i32
      %dma_start3A_312 = tpu.memref_slice %arg5[%add3A_305, %dma_start3A_311] : memref<96x128xi32, #tpu.memory_space<vmem>> -> memref<1x128xi32, #tpu.memory_space<vmem>>
      %dma_start3A_313 = tpu.memref_squeeze %dma_start3A_312 : memref<1x128xi32, #tpu.memory_space<vmem>> -> memref<128xi32, #tpu.memory_space<vmem>>
      %dma_start3A_314 = arith.constant 0 : i32
      %dma_start3A_315 = arith.constant 0 : i32
      %dma_start3A_316 = tpu.memref_slice %arg13[%dma_start3A_314, %dma_start3A_315] : memref<10112x16xf32, #tpu.memory_space<vmem_shared>> -> memref<10112x16xf32, #tpu.memory_space<vmem_shared>>
      tpu.enqueue_indirect_dma source(%dma_start3A_316 : memref<10112x16xf32, #tpu.memory_space<vmem_shared>>) target(%dma_start3A_310 : memref<128x16xf32, #tpu.memory_space<vmem>>) offsets(%dma_start3A_313 : memref<128xi32, #tpu.memory_space<vmem>>) semaphore(%arg14 : memref<!tpu.dma_semaphore, #tpu.memory_space<semaphore_mem>>)
      %add3A_317 = arith.constant 6 : i32
      %add3A_318 = arith.addi %add3A_134, %add3A_317 : i32
      %dma_start3A_319 = arith.constant 6 : i32
      %dma_start3A_320 = arith.constant 0 : i32
      %dma_start3A_321 = arith.constant 0 : i32
      %dma_start3A_322 = tpu.memref_slice %arg8[%dma_start3A_319, %dma_start3A_320, %dma_start3A_321] : memref<8x128x16xf32, #tpu.memory_space<vmem>> -> memref<1x128x16xf32, #tpu.memory_space<vmem>>
      %dma_start3A_323 = tpu.memref_squeeze %dma_start3A_322 : memref<1x128x16xf32, #tpu.memory_space<vmem>> -> memref<128x16xf32, #tpu.memory_space<vmem>>
      %dma_start3A_324 = arith.constant 0 : i32
      %dma_start3A_325 = tpu.memref_slice %arg5[%add3A_318, %dma_start3A_324] : memref<96x128xi32, #tpu.memory_space<vmem>> -> memref<1x128xi32, #tpu.memory_space<vmem>>
      %dma_start3A_326 = tpu.memref_squeeze %dma_start3A_325 : memref<1x128xi32, #tpu.memory_space<vmem>> -> memref<128xi32, #tpu.memory_space<vmem>>
      %dma_start3A_327 = arith.constant 0 : i32
      %dma_start3A_328 = arith.constant 0 : i32
      %dma_start3A_329 = tpu.memref_slice %arg13[%dma_start3A_327, %dma_start3A_328] : memref<10112x16xf32, #tpu.memory_space<vmem_shared>> -> memref<10112x16xf32, #tpu.memory_space<vmem_shared>>
      tpu.enqueue_indirect_dma source(%dma_start3A_329 : memref<10112x16xf32, #tpu.memory_space<vmem_shared>>) target(%dma_start3A_323 : memref<128x16xf32, #tpu.memory_space<vmem>>) offsets(%dma_start3A_326 : memref<128xi32, #tpu.memory_space<vmem>>) semaphore(%arg14 : memref<!tpu.dma_semaphore, #tpu.memory_space<semaphore_mem>>)
      %add3A_330 = arith.constant 7 : i32
      %add3A_331 = arith.addi %add3A_134, %add3A_330 : i32
      %dma_start3A_332 = arith.constant 7 : i32
      %dma_start3A_333 = arith.constant 0 : i32
      %dma_start3A_334 = arith.constant 0 : i32
      %dma_start3A_335 = tpu.memref_slice %arg8[%dma_start3A_332, %dma_start3A_333, %dma_start3A_334] : memref<8x128x16xf32, #tpu.memory_space<vmem>> -> memref<1x128x16xf32, #tpu.memory_space<vmem>>
      %dma_start3A_336 = tpu.memref_squeeze %dma_start3A_335 : memref<1x128x16xf32, #tpu.memory_space<vmem>> -> memref<128x16xf32, #tpu.memory_space<vmem>>
      %dma_start3A_337 = arith.constant 0 : i32
      %dma_start3A_338 = tpu.memref_slice %arg5[%add3A_331, %dma_start3A_337] : memref<96x128xi32, #tpu.memory_space<vmem>> -> memref<1x128xi32, #tpu.memory_space<vmem>>
      %dma_start3A_339 = tpu.memref_squeeze %dma_start3A_338 : memref<1x128xi32, #tpu.memory_space<vmem>> -> memref<128xi32, #tpu.memory_space<vmem>>
      %dma_start3A_340 = arith.constant 0 : i32
      %dma_start3A_341 = arith.constant 0 : i32
      %dma_start3A_342 = tpu.memref_slice %arg13[%dma_start3A_340, %dma_start3A_341] : memref<10112x16xf32, #tpu.memory_space<vmem_shared>> -> memref<10112x16xf32, #tpu.memory_space<vmem_shared>>
      tpu.enqueue_indirect_dma source(%dma_start3A_342 : memref<10112x16xf32, #tpu.memory_space<vmem_shared>>) target(%dma_start3A_336 : memref<128x16xf32, #tpu.memory_space<vmem>>) offsets(%dma_start3A_339 : memref<128xi32, #tpu.memory_space<vmem>>) semaphore(%arg14 : memref<!tpu.dma_semaphore, #tpu.memory_space<semaphore_mem>>)
      %dma_wait3A_343 = arith.constant 0 : i32
      %dma_wait3A_344 = arith.constant 0 : i32
      %dma_wait3A_345 = arith.constant 0 : i32
      %dma_wait3A_346 = tpu.memref_slice %arg7[%dma_wait3A_343, %dma_wait3A_344, %dma_wait3A_345] : memref<8x128x16xf32, #tpu.memory_space<vmem>> -> memref<1x128x16xf32, #tpu.memory_space<vmem>>
      %dma_wait3A_347 = tpu.memref_squeeze %dma_wait3A_346 : memref<1x128x16xf32, #tpu.memory_space<vmem>> -> memref<128x16xf32, #tpu.memory_space<vmem>>
      %dma_wait3A_348 = arith.constant 0 : i32
      %dma_wait3A_349 = tpu.memref_slice %arg5[%add3A_136, %dma_wait3A_348] : memref<96x128xi32, #tpu.memory_space<vmem>> -> memref<1x128xi32, #tpu.memory_space<vmem>>
      %dma_wait3A_350 = tpu.memref_squeeze %dma_wait3A_349 : memref<1x128xi32, #tpu.memory_space<vmem>> -> memref<128xi32, #tpu.memory_space<vmem>>
      %dma_wait3A_351 = arith.constant 0 : i32
      %dma_wait3A_352 = arith.constant 0 : i32
      %dma_wait3A_353 = tpu.memref_slice %arg13[%dma_wait3A_351, %dma_wait3A_352] : memref<10112x16xf32, #tpu.memory_space<vmem_shared>> -> memref<10112x16xf32, #tpu.memory_space<vmem_shared>>
      tpu.wait_indirect_dma semaphore(%arg14 : memref<!tpu.dma_semaphore, #tpu.memory_space<semaphore_mem>>) src(%dma_wait3A_353 : memref<10112x16xf32, #tpu.memory_space<vmem_shared>>) dst(%dma_wait3A_347 : memref<128x16xf32, #tpu.memory_space<vmem>>)
      %dma_wait3A_354 = arith.constant 1 : i32
      %dma_wait3A_355 = arith.constant 0 : i32
      %dma_wait3A_356 = arith.constant 0 : i32
      %dma_wait3A_357 = tpu.memref_slice %arg7[%dma_wait3A_354, %dma_wait3A_355, %dma_wait3A_356] : memref<8x128x16xf32, #tpu.memory_space<vmem>> -> memref<1x128x16xf32, #tpu.memory_space<vmem>>
      %dma_wait3A_358 = tpu.memref_squeeze %dma_wait3A_357 : memref<1x128x16xf32, #tpu.memory_space<vmem>> -> memref<128x16xf32, #tpu.memory_space<vmem>>
      %dma_wait3A_359 = arith.constant 0 : i32
      %dma_wait3A_360 = tpu.memref_slice %arg5[%add3A_149, %dma_wait3A_359] : memref<96x128xi32, #tpu.memory_space<vmem>> -> memref<1x128xi32, #tpu.memory_space<vmem>>
      %dma_wait3A_361 = tpu.memref_squeeze %dma_wait3A_360 : memref<1x128xi32, #tpu.memory_space<vmem>> -> memref<128xi32, #tpu.memory_space<vmem>>
      %dma_wait3A_362 = arith.constant 0 : i32
      %dma_wait3A_363 = arith.constant 0 : i32
      %dma_wait3A_364 = tpu.memref_slice %arg13[%dma_wait3A_362, %dma_wait3A_363] : memref<10112x16xf32, #tpu.memory_space<vmem_shared>> -> memref<10112x16xf32, #tpu.memory_space<vmem_shared>>
      tpu.wait_indirect_dma semaphore(%arg14 : memref<!tpu.dma_semaphore, #tpu.memory_space<semaphore_mem>>) src(%dma_wait3A_364 : memref<10112x16xf32, #tpu.memory_space<vmem_shared>>) dst(%dma_wait3A_358 : memref<128x16xf32, #tpu.memory_space<vmem>>)
      %dma_wait3A_365 = arith.constant 2 : i32
      %dma_wait3A_366 = arith.constant 0 : i32
      %dma_wait3A_367 = arith.constant 0 : i32
      %dma_wait3A_368 = tpu.memref_slice %arg7[%dma_wait3A_365, %dma_wait3A_366, %dma_wait3A_367] : memref<8x128x16xf32, #tpu.memory_space<vmem>> -> memref<1x128x16xf32, #tpu.memory_space<vmem>>
      %dma_wait3A_369 = tpu.memref_squeeze %dma_wait3A_368 : memref<1x128x16xf32, #tpu.memory_space<vmem>> -> memref<128x16xf32, #tpu.memory_space<vmem>>
      %dma_wait3A_370 = arith.constant 0 : i32
      %dma_wait3A_371 = tpu.memref_slice %arg5[%add3A_162, %dma_wait3A_370] : memref<96x128xi32, #tpu.memory_space<vmem>> -> memref<1x128xi32, #tpu.memory_space<vmem>>
      %dma_wait3A_372 = tpu.memref_squeeze %dma_wait3A_371 : memref<1x128xi32, #tpu.memory_space<vmem>> -> memref<128xi32, #tpu.memory_space<vmem>>
      %dma_wait3A_373 = arith.constant 0 : i32
      %dma_wait3A_374 = arith.constant 0 : i32
      %dma_wait3A_375 = tpu.memref_slice %arg13[%dma_wait3A_373, %dma_wait3A_374] : memref<10112x16xf32, #tpu.memory_space<vmem_shared>> -> memref<10112x16xf32, #tpu.memory_space<vmem_shared>>
      tpu.wait_indirect_dma semaphore(%arg14 : memref<!tpu.dma_semaphore, #tpu.memory_space<semaphore_mem>>) src(%dma_wait3A_375 : memref<10112x16xf32, #tpu.memory_space<vmem_shared>>) dst(%dma_wait3A_369 : memref<128x16xf32, #tpu.memory_space<vmem>>)
      %dma_wait3A_376 = arith.constant 3 : i32
      %dma_wait3A_377 = arith.constant 0 : i32
      %dma_wait3A_378 = arith.constant 0 : i32
      %dma_wait3A_379 = tpu.memref_slice %arg7[%dma_wait3A_376, %dma_wait3A_377, %dma_wait3A_378] : memref<8x128x16xf32, #tpu.memory_space<vmem>> -> memref<1x128x16xf32, #tpu.memory_space<vmem>>
      %dma_wait3A_380 = tpu.memref_squeeze %dma_wait3A_379 : memref<1x128x16xf32, #tpu.memory_space<vmem>> -> memref<128x16xf32, #tpu.memory_space<vmem>>
      %dma_wait3A_381 = arith.constant 0 : i32
      %dma_wait3A_382 = tpu.memref_slice %arg5[%add3A_175, %dma_wait3A_381] : memref<96x128xi32, #tpu.memory_space<vmem>> -> memref<1x128xi32, #tpu.memory_space<vmem>>
      %dma_wait3A_383 = tpu.memref_squeeze %dma_wait3A_382 : memref<1x128xi32, #tpu.memory_space<vmem>> -> memref<128xi32, #tpu.memory_space<vmem>>
      %dma_wait3A_384 = arith.constant 0 : i32
      %dma_wait3A_385 = arith.constant 0 : i32
      %dma_wait3A_386 = tpu.memref_slice %arg13[%dma_wait3A_384, %dma_wait3A_385] : memref<10112x16xf32, #tpu.memory_space<vmem_shared>> -> memref<10112x16xf32, #tpu.memory_space<vmem_shared>>
      tpu.wait_indirect_dma semaphore(%arg14 : memref<!tpu.dma_semaphore, #tpu.memory_space<semaphore_mem>>) src(%dma_wait3A_386 : memref<10112x16xf32, #tpu.memory_space<vmem_shared>>) dst(%dma_wait3A_380 : memref<128x16xf32, #tpu.memory_space<vmem>>)
      %dma_wait3A_387 = arith.constant 4 : i32
      %dma_wait3A_388 = arith.constant 0 : i32
      %dma_wait3A_389 = arith.constant 0 : i32
      %dma_wait3A_390 = tpu.memref_slice %arg7[%dma_wait3A_387, %dma_wait3A_388, %dma_wait3A_389] : memref<8x128x16xf32, #tpu.memory_space<vmem>> -> memref<1x128x16xf32, #tpu.memory_space<vmem>>
      %dma_wait3A_391 = tpu.memref_squeeze %dma_wait3A_390 : memref<1x128x16xf32, #tpu.memory_space<vmem>> -> memref<128x16xf32, #tpu.memory_space<vmem>>
      %dma_wait3A_392 = arith.constant 0 : i32
      %dma_wait3A_393 = tpu.memref_slice %arg5[%add3A_188, %dma_wait3A_392] : memref<96x128xi32, #tpu.memory_space<vmem>> -> memref<1x128xi32, #tpu.memory_space<vmem>>
      %dma_wait3A_394 = tpu.memref_squeeze %dma_wait3A_393 : memref<1x128xi32, #tpu.memory_space<vmem>> -> memref<128xi32, #tpu.memory_space<vmem>>
      %dma_wait3A_395 = arith.constant 0 : i32
      %dma_wait3A_396 = arith.constant 0 : i32
      %dma_wait3A_397 = tpu.memref_slice %arg13[%dma_wait3A_395, %dma_wait3A_396] : memref<10112x16xf32, #tpu.memory_space<vmem_shared>> -> memref<10112x16xf32, #tpu.memory_space<vmem_shared>>
      tpu.wait_indirect_dma semaphore(%arg14 : memref<!tpu.dma_semaphore, #tpu.memory_space<semaphore_mem>>) src(%dma_wait3A_397 : memref<10112x16xf32, #tpu.memory_space<vmem_shared>>) dst(%dma_wait3A_391 : memref<128x16xf32, #tpu.memory_space<vmem>>)
      %dma_wait3A_398 = arith.constant 5 : i32
      %dma_wait3A_399 = arith.constant 0 : i32
      %dma_wait3A_400 = arith.constant 0 : i32
      %dma_wait3A_401 = tpu.memref_slice %arg7[%dma_wait3A_398, %dma_wait3A_399, %dma_wait3A_400] : memref<8x128x16xf32, #tpu.memory_space<vmem>> -> memref<1x128x16xf32, #tpu.memory_space<vmem>>
      %dma_wait3A_402 = tpu.memref_squeeze %dma_wait3A_401 : memref<1x128x16xf32, #tpu.memory_space<vmem>> -> memref<128x16xf32, #tpu.memory_space<vmem>>
      %dma_wait3A_403 = arith.constant 0 : i32
      %dma_wait3A_404 = tpu.memref_slice %arg5[%add3A_201, %dma_wait3A_403] : memref<96x128xi32, #tpu.memory_space<vmem>> -> memref<1x128xi32, #tpu.memory_space<vmem>>
      %dma_wait3A_405 = tpu.memref_squeeze %dma_wait3A_404 : memref<1x128xi32, #tpu.memory_space<vmem>> -> memref<128xi32, #tpu.memory_space<vmem>>
      %dma_wait3A_406 = arith.constant 0 : i32
      %dma_wait3A_407 = arith.constant 0 : i32
      %dma_wait3A_408 = tpu.memref_slice %arg13[%dma_wait3A_406, %dma_wait3A_407] : memref<10112x16xf32, #tpu.memory_space<vmem_shared>> -> memref<10112x16xf32, #tpu.memory_space<vmem_shared>>
      tpu.wait_indirect_dma semaphore(%arg14 : memref<!tpu.dma_semaphore, #tpu.memory_space<semaphore_mem>>) src(%dma_wait3A_408 : memref<10112x16xf32, #tpu.memory_space<vmem_shared>>) dst(%dma_wait3A_402 : memref<128x16xf32, #tpu.memory_space<vmem>>)
      %dma_wait3A_409 = arith.constant 6 : i32
      %dma_wait3A_410 = arith.constant 0 : i32
      %dma_wait3A_411 = arith.constant 0 : i32
      %dma_wait3A_412 = tpu.memref_slice %arg7[%dma_wait3A_409, %dma_wait3A_410, %dma_wait3A_411] : memref<8x128x16xf32, #tpu.memory_space<vmem>> -> memref<1x128x16xf32, #tpu.memory_space<vmem>>
      %dma_wait3A_413 = tpu.memref_squeeze %dma_wait3A_412 : memref<1x128x16xf32, #tpu.memory_space<vmem>> -> memref<128x16xf32, #tpu.memory_space<vmem>>
      %dma_wait3A_414 = arith.constant 0 : i32
      %dma_wait3A_415 = tpu.memref_slice %arg5[%add3A_214, %dma_wait3A_414] : memref<96x128xi32, #tpu.memory_space<vmem>> -> memref<1x128xi32, #tpu.memory_space<vmem>>
      %dma_wait3A_416 = tpu.memref_squeeze %dma_wait3A_415 : memref<1x128xi32, #tpu.memory_space<vmem>> -> memref<128xi32, #tpu.memory_space<vmem>>
      %dma_wait3A_417 = arith.constant 0 : i32
      %dma_wait3A_418 = arith.constant 0 : i32
      %dma_wait3A_419 = tpu.memref_slice %arg13[%dma_wait3A_417, %dma_wait3A_418] : memref<10112x16xf32, #tpu.memory_space<vmem_shared>> -> memref<10112x16xf32, #tpu.memory_space<vmem_shared>>
      tpu.wait_indirect_dma semaphore(%arg14 : memref<!tpu.dma_semaphore, #tpu.memory_space<semaphore_mem>>) src(%dma_wait3A_419 : memref<10112x16xf32, #tpu.memory_space<vmem_shared>>) dst(%dma_wait3A_413 : memref<128x16xf32, #tpu.memory_space<vmem>>)
      %dma_wait3A_420 = arith.constant 7 : i32
      %dma_wait3A_421 = arith.constant 0 : i32
      %dma_wait3A_422 = arith.constant 0 : i32
      %dma_wait3A_423 = tpu.memref_slice %arg7[%dma_wait3A_420, %dma_wait3A_421, %dma_wait3A_422] : memref<8x128x16xf32, #tpu.memory_space<vmem>> -> memref<1x128x16xf32, #tpu.memory_space<vmem>>
      %dma_wait3A_424 = tpu.memref_squeeze %dma_wait3A_423 : memref<1x128x16xf32, #tpu.memory_space<vmem>> -> memref<128x16xf32, #tpu.memory_space<vmem>>
      %dma_wait3A_425 = arith.constant 0 : i32
      %dma_wait3A_426 = tpu.memref_slice %arg5[%add3A_227, %dma_wait3A_425] : memref<96x128xi32, #tpu.memory_space<vmem>> -> memref<1x128xi32, #tpu.memory_space<vmem>>
      %dma_wait3A_427 = tpu.memref_squeeze %dma_wait3A_426 : memref<1x128xi32, #tpu.memory_space<vmem>> -> memref<128xi32, #tpu.memory_space<vmem>>
      %dma_wait3A_428 = arith.constant 0 : i32
      %dma_wait3A_429 = arith.constant 0 : i32
      %dma_wait3A_430 = tpu.memref_slice %arg13[%dma_wait3A_428, %dma_wait3A_429] : memref<10112x16xf32, #tpu.memory_space<vmem_shared>> -> memref<10112x16xf32, #tpu.memory_space<vmem_shared>>
      tpu.wait_indirect_dma semaphore(%arg14 : memref<!tpu.dma_semaphore, #tpu.memory_space<semaphore_mem>>) src(%dma_wait3A_430 : memref<10112x16xf32, #tpu.memory_space<vmem_shared>>) dst(%dma_wait3A_424 : memref<128x16xf32, #tpu.memory_space<vmem>>)
      %add3A_431 = arith.constant 0 : i32
      %add3A_432 = arith.addi %mul3A_132, %add3A_431 : i32
      %dma_start3A_433 = arith.constant 0 : i32
      %dma_start3A_434 = arith.constant 0 : i32
      %dma_start3A_435 = arith.constant 0 : i32
      %dma_start3A_436 = tpu.memref_slice %arg7[%dma_start3A_433, %dma_start3A_434, %dma_start3A_435] : memref<8x128x16xf32, #tpu.memory_space<vmem>> -> memref<1x128x16xf32, #tpu.memory_space<vmem>>
      %dma_start3A_437 = tpu.memref_squeeze %dma_start3A_436 : memref<1x128x16xf32, #tpu.memory_space<vmem>> -> memref<128x16xf32, #tpu.memory_space<vmem>>
      %dma_start3A_438 = arith.constant 0 : i32
      %dma_start3A_439 = tpu.memref_slice %arg6[%add3A_432, %dma_start3A_438] : memref<96x128xi32, #tpu.memory_space<vmem>> -> memref<1x128xi32, #tpu.memory_space<vmem>>
      %dma_start3A_440 = tpu.memref_squeeze %dma_start3A_439 : memref<1x128xi32, #tpu.memory_space<vmem>> -> memref<128xi32, #tpu.memory_space<vmem>>
      %dma_start3A_441 = arith.constant 0 : i32
      %dma_start3A_442 = arith.constant 0 : i32
      %dma_start3A_443 = tpu.memref_slice %arg12[%dma_start3A_441, %dma_start3A_442] : memref<10112x16xf32, #tpu.memory_space<vmem_shared>> -> memref<10112x16xf32, #tpu.memory_space<vmem_shared>>
      tpu.enqueue_indirect_dma source(%dma_start3A_437 : memref<128x16xf32, #tpu.memory_space<vmem>>) target(%dma_start3A_443 : memref<10112x16xf32, #tpu.memory_space<vmem_shared>>) offsets(%dma_start3A_440 : memref<128xi32, #tpu.memory_space<vmem>>) semaphore(%arg15 : memref<!tpu.dma_semaphore, #tpu.memory_space<semaphore_mem>>) {add = true}
      %add3A_444 = arith.constant 1 : i32
      %add3A_445 = arith.addi %mul3A_132, %add3A_444 : i32
      %dma_start3A_446 = arith.constant 1 : i32
      %dma_start3A_447 = arith.constant 0 : i32
      %dma_start3A_448 = arith.constant 0 : i32
      %dma_start3A_449 = tpu.memref_slice %arg7[%dma_start3A_446, %dma_start3A_447, %dma_start3A_448] : memref<8x128x16xf32, #tpu.memory_space<vmem>> -> memref<1x128x16xf32, #tpu.memory_space<vmem>>
      %dma_start3A_450 = tpu.memref_squeeze %dma_start3A_449 : memref<1x128x16xf32, #tpu.memory_space<vmem>> -> memref<128x16xf32, #tpu.memory_space<vmem>>
      %dma_start3A_451 = arith.constant 0 : i32
      %dma_start3A_452 = tpu.memref_slice %arg6[%add3A_445, %dma_start3A_451] : memref<96x128xi32, #tpu.memory_space<vmem>> -> memref<1x128xi32, #tpu.memory_space<vmem>>
      %dma_start3A_453 = tpu.memref_squeeze %dma_start3A_452 : memref<1x128xi32, #tpu.memory_space<vmem>> -> memref<128xi32, #tpu.memory_space<vmem>>
      %dma_start3A_454 = arith.constant 0 : i32
      %dma_start3A_455 = arith.constant 0 : i32
      %dma_start3A_456 = tpu.memref_slice %arg12[%dma_start3A_454, %dma_start3A_455] : memref<10112x16xf32, #tpu.memory_space<vmem_shared>> -> memref<10112x16xf32, #tpu.memory_space<vmem_shared>>
      tpu.enqueue_indirect_dma source(%dma_start3A_450 : memref<128x16xf32, #tpu.memory_space<vmem>>) target(%dma_start3A_456 : memref<10112x16xf32, #tpu.memory_space<vmem_shared>>) offsets(%dma_start3A_453 : memref<128xi32, #tpu.memory_space<vmem>>) semaphore(%arg15 : memref<!tpu.dma_semaphore, #tpu.memory_space<semaphore_mem>>) {add = true}
      %add3A_457 = arith.constant 2 : i32
      %add3A_458 = arith.addi %mul3A_132, %add3A_457 : i32
      %dma_start3A_459 = arith.constant 2 : i32
      %dma_start3A_460 = arith.constant 0 : i32
      %dma_start3A_461 = arith.constant 0 : i32
      %dma_start3A_462 = tpu.memref_slice %arg7[%dma_start3A_459, %dma_start3A_460, %dma_start3A_461] : memref<8x128x16xf32, #tpu.memory_space<vmem>> -> memref<1x128x16xf32, #tpu.memory_space<vmem>>
      %dma_start3A_463 = tpu.memref_squeeze %dma_start3A_462 : memref<1x128x16xf32, #tpu.memory_space<vmem>> -> memref<128x16xf32, #tpu.memory_space<vmem>>
      %dma_start3A_464 = arith.constant 0 : i32
      %dma_start3A_465 = tpu.memref_slice %arg6[%add3A_458, %dma_start3A_464] : memref<96x128xi32, #tpu.memory_space<vmem>> -> memref<1x128xi32, #tpu.memory_space<vmem>>
      %dma_start3A_466 = tpu.memref_squeeze %dma_start3A_465 : memref<1x128xi32, #tpu.memory_space<vmem>> -> memref<128xi32, #tpu.memory_space<vmem>>
      %dma_start3A_467 = arith.constant 0 : i32
      %dma_start3A_468 = arith.constant 0 : i32
      %dma_start3A_469 = tpu.memref_slice %arg12[%dma_start3A_467, %dma_start3A_468] : memref<10112x16xf32, #tpu.memory_space<vmem_shared>> -> memref<10112x16xf32, #tpu.memory_space<vmem_shared>>
      tpu.enqueue_indirect_dma source(%dma_start3A_463 : memref<128x16xf32, #tpu.memory_space<vmem>>) target(%dma_start3A_469 : memref<10112x16xf32, #tpu.memory_space<vmem_shared>>) offsets(%dma_start3A_466 : memref<128xi32, #tpu.memory_space<vmem>>) semaphore(%arg15 : memref<!tpu.dma_semaphore, #tpu.memory_space<semaphore_mem>>) {add = true}
      %add3A_470 = arith.constant 3 : i32
      %add3A_471 = arith.addi %mul3A_132, %add3A_470 : i32
      %dma_start3A_472 = arith.constant 3 : i32
      %dma_start3A_473 = arith.constant 0 : i32
      %dma_start3A_474 = arith.constant 0 : i32
      %dma_start3A_475 = tpu.memref_slice %arg7[%dma_start3A_472, %dma_start3A_473, %dma_start3A_474] : memref<8x128x16xf32, #tpu.memory_space<vmem>> -> memref<1x128x16xf32, #tpu.memory_space<vmem>>
      %dma_start3A_476 = tpu.memref_squeeze %dma_start3A_475 : memref<1x128x16xf32, #tpu.memory_space<vmem>> -> memref<128x16xf32, #tpu.memory_space<vmem>>
      %dma_start3A_477 = arith.constant 0 : i32
      %dma_start3A_478 = tpu.memref_slice %arg6[%add3A_471, %dma_start3A_477] : memref<96x128xi32, #tpu.memory_space<vmem>> -> memref<1x128xi32, #tpu.memory_space<vmem>>
      %dma_start3A_479 = tpu.memref_squeeze %dma_start3A_478 : memref<1x128xi32, #tpu.memory_space<vmem>> -> memref<128xi32, #tpu.memory_space<vmem>>
      %dma_start3A_480 = arith.constant 0 : i32
      %dma_start3A_481 = arith.constant 0 : i32
      %dma_start3A_482 = tpu.memref_slice %arg12[%dma_start3A_480, %dma_start3A_481] : memref<10112x16xf32, #tpu.memory_space<vmem_shared>> -> memref<10112x16xf32, #tpu.memory_space<vmem_shared>>
      tpu.enqueue_indirect_dma source(%dma_start3A_476 : memref<128x16xf32, #tpu.memory_space<vmem>>) target(%dma_start3A_482 : memref<10112x16xf32, #tpu.memory_space<vmem_shared>>) offsets(%dma_start3A_479 : memref<128xi32, #tpu.memory_space<vmem>>) semaphore(%arg15 : memref<!tpu.dma_semaphore, #tpu.memory_space<semaphore_mem>>) {add = true}
      %add3A_483 = arith.constant 4 : i32
      %add3A_484 = arith.addi %mul3A_132, %add3A_483 : i32
      %dma_start3A_485 = arith.constant 4 : i32
      %dma_start3A_486 = arith.constant 0 : i32
      %dma_start3A_487 = arith.constant 0 : i32
      %dma_start3A_488 = tpu.memref_slice %arg7[%dma_start3A_485, %dma_start3A_486, %dma_start3A_487] : memref<8x128x16xf32, #tpu.memory_space<vmem>> -> memref<1x128x16xf32, #tpu.memory_space<vmem>>
      %dma_start3A_489 = tpu.memref_squeeze %dma_start3A_488 : memref<1x128x16xf32, #tpu.memory_space<vmem>> -> memref<128x16xf32, #tpu.memory_space<vmem>>
      %dma_start3A_490 = arith.constant 0 : i32
      %dma_start3A_491 = tpu.memref_slice %arg6[%add3A_484, %dma_start3A_490] : memref<96x128xi32, #tpu.memory_space<vmem>> -> memref<1x128xi32, #tpu.memory_space<vmem>>
      %dma_start3A_492 = tpu.memref_squeeze %dma_start3A_491 : memref<1x128xi32, #tpu.memory_space<vmem>> -> memref<128xi32, #tpu.memory_space<vmem>>
      %dma_start3A_493 = arith.constant 0 : i32
      %dma_start3A_494 = arith.constant 0 : i32
      %dma_start3A_495 = tpu.memref_slice %arg12[%dma_start3A_493, %dma_start3A_494] : memref<10112x16xf32, #tpu.memory_space<vmem_shared>> -> memref<10112x16xf32, #tpu.memory_space<vmem_shared>>
      tpu.enqueue_indirect_dma source(%dma_start3A_489 : memref<128x16xf32, #tpu.memory_space<vmem>>) target(%dma_start3A_495 : memref<10112x16xf32, #tpu.memory_space<vmem_shared>>) offsets(%dma_start3A_492 : memref<128xi32, #tpu.memory_space<vmem>>) semaphore(%arg15 : memref<!tpu.dma_semaphore, #tpu.memory_space<semaphore_mem>>) {add = true}
      %add3A_496 = arith.constant 5 : i32
      %add3A_497 = arith.addi %mul3A_132, %add3A_496 : i32
      %dma_start3A_498 = arith.constant 5 : i32
      %dma_start3A_499 = arith.constant 0 : i32
      %dma_start3A_500 = arith.constant 0 : i32
      %dma_start3A_501 = tpu.memref_slice %arg7[%dma_start3A_498, %dma_start3A_499, %dma_start3A_500] : memref<8x128x16xf32, #tpu.memory_space<vmem>> -> memref<1x128x16xf32, #tpu.memory_space<vmem>>
      %dma_start3A_502 = tpu.memref_squeeze %dma_start3A_501 : memref<1x128x16xf32, #tpu.memory_space<vmem>> -> memref<128x16xf32, #tpu.memory_space<vmem>>
      %dma_start3A_503 = arith.constant 0 : i32
      %dma_start3A_504 = tpu.memref_slice %arg6[%add3A_497, %dma_start3A_503] : memref<96x128xi32, #tpu.memory_space<vmem>> -> memref<1x128xi32, #tpu.memory_space<vmem>>
      %dma_start3A_505 = tpu.memref_squeeze %dma_start3A_504 : memref<1x128xi32, #tpu.memory_space<vmem>> -> memref<128xi32, #tpu.memory_space<vmem>>
      %dma_start3A_506 = arith.constant 0 : i32
      %dma_start3A_507 = arith.constant 0 : i32
      %dma_start3A_508 = tpu.memref_slice %arg12[%dma_start3A_506, %dma_start3A_507] : memref<10112x16xf32, #tpu.memory_space<vmem_shared>> -> memref<10112x16xf32, #tpu.memory_space<vmem_shared>>
      tpu.enqueue_indirect_dma source(%dma_start3A_502 : memref<128x16xf32, #tpu.memory_space<vmem>>) target(%dma_start3A_508 : memref<10112x16xf32, #tpu.memory_space<vmem_shared>>) offsets(%dma_start3A_505 : memref<128xi32, #tpu.memory_space<vmem>>) semaphore(%arg15 : memref<!tpu.dma_semaphore, #tpu.memory_space<semaphore_mem>>) {add = true}
      %add3A_509 = arith.constant 6 : i32
      %add3A_510 = arith.addi %mul3A_132, %add3A_509 : i32
      %dma_start3A_511 = arith.constant 6 : i32
      %dma_start3A_512 = arith.constant 0 : i32
      %dma_start3A_513 = arith.constant 0 : i32
      %dma_start3A_514 = tpu.memref_slice %arg7[%dma_start3A_511, %dma_start3A_512, %dma_start3A_513] : memref<8x128x16xf32, #tpu.memory_space<vmem>> -> memref<1x128x16xf32, #tpu.memory_space<vmem>>
      %dma_start3A_515 = tpu.memref_squeeze %dma_start3A_514 : memref<1x128x16xf32, #tpu.memory_space<vmem>> -> memref<128x16xf32, #tpu.memory_space<vmem>>
      %dma_start3A_516 = arith.constant 0 : i32
      %dma_start3A_517 = tpu.memref_slice %arg6[%add3A_510, %dma_start3A_516] : memref<96x128xi32, #tpu.memory_space<vmem>> -> memref<1x128xi32, #tpu.memory_space<vmem>>
      %dma_start3A_518 = tpu.memref_squeeze %dma_start3A_517 : memref<1x128xi32, #tpu.memory_space<vmem>> -> memref<128xi32, #tpu.memory_space<vmem>>
      %dma_start3A_519 = arith.constant 0 : i32
      %dma_start3A_520 = arith.constant 0 : i32
      %dma_start3A_521 = tpu.memref_slice %arg12[%dma_start3A_519, %dma_start3A_520] : memref<10112x16xf32, #tpu.memory_space<vmem_shared>> -> memref<10112x16xf32, #tpu.memory_space<vmem_shared>>
      tpu.enqueue_indirect_dma source(%dma_start3A_515 : memref<128x16xf32, #tpu.memory_space<vmem>>) target(%dma_start3A_521 : memref<10112x16xf32, #tpu.memory_space<vmem_shared>>) offsets(%dma_start3A_518 : memref<128xi32, #tpu.memory_space<vmem>>) semaphore(%arg15 : memref<!tpu.dma_semaphore, #tpu.memory_space<semaphore_mem>>) {add = true}
      %add3A_522 = arith.constant 7 : i32
      %add3A_523 = arith.addi %mul3A_132, %add3A_522 : i32
      %dma_start3A_524 = arith.constant 7 : i32
      %dma_start3A_525 = arith.constant 0 : i32
      %dma_start3A_526 = arith.constant 0 : i32
      %dma_start3A_527 = tpu.memref_slice %arg7[%dma_start3A_524, %dma_start3A_525, %dma_start3A_526] : memref<8x128x16xf32, #tpu.memory_space<vmem>> -> memref<1x128x16xf32, #tpu.memory_space<vmem>>
      %dma_start3A_528 = tpu.memref_squeeze %dma_start3A_527 : memref<1x128x16xf32, #tpu.memory_space<vmem>> -> memref<128x16xf32, #tpu.memory_space<vmem>>
      %dma_start3A_529 = arith.constant 0 : i32
      %dma_start3A_530 = tpu.memref_slice %arg6[%add3A_523, %dma_start3A_529] : memref<96x128xi32, #tpu.memory_space<vmem>> -> memref<1x128xi32, #tpu.memory_space<vmem>>
      %dma_start3A_531 = tpu.memref_squeeze %dma_start3A_530 : memref<1x128xi32, #tpu.memory_space<vmem>> -> memref<128xi32, #tpu.memory_space<vmem>>
      %dma_start3A_532 = arith.constant 0 : i32
      %dma_start3A_533 = arith.constant 0 : i32
      %dma_start3A_534 = tpu.memref_slice %arg12[%dma_start3A_532, %dma_start3A_533] : memref<10112x16xf32, #tpu.memory_space<vmem_shared>> -> memref<10112x16xf32, #tpu.memory_space<vmem_shared>>
      tpu.enqueue_indirect_dma source(%dma_start3A_528 : memref<128x16xf32, #tpu.memory_space<vmem>>) target(%dma_start3A_534 : memref<10112x16xf32, #tpu.memory_space<vmem_shared>>) offsets(%dma_start3A_531 : memref<128xi32, #tpu.memory_space<vmem>>) semaphore(%arg15 : memref<!tpu.dma_semaphore, #tpu.memory_space<semaphore_mem>>) {add = true}
      %dma_wait3A_535 = arith.constant 0 : i32
      %dma_wait3A_536 = arith.constant 0 : i32
      %dma_wait3A_537 = arith.constant 0 : i32
      %dma_wait3A_538 = tpu.memref_slice %arg8[%dma_wait3A_535, %dma_wait3A_536, %dma_wait3A_537] : memref<8x128x16xf32, #tpu.memory_space<vmem>> -> memref<1x128x16xf32, #tpu.memory_space<vmem>>
      %dma_wait3A_539 = tpu.memref_squeeze %dma_wait3A_538 : memref<1x128x16xf32, #tpu.memory_space<vmem>> -> memref<128x16xf32, #tpu.memory_space<vmem>>
      %dma_wait3A_540 = arith.constant 0 : i32
      %dma_wait3A_541 = tpu.memref_slice %arg5[%add3A_240, %dma_wait3A_540] : memref<96x128xi32, #tpu.memory_space<vmem>> -> memref<1x128xi32, #tpu.memory_space<vmem>>
      %dma_wait3A_542 = tpu.memref_squeeze %dma_wait3A_541 : memref<1x128xi32, #tpu.memory_space<vmem>> -> memref<128xi32, #tpu.memory_space<vmem>>
      %dma_wait3A_543 = arith.constant 0 : i32
      %dma_wait3A_544 = arith.constant 0 : i32
      %dma_wait3A_545 = tpu.memref_slice %arg13[%dma_wait3A_543, %dma_wait3A_544] : memref<10112x16xf32, #tpu.memory_space<vmem_shared>> -> memref<10112x16xf32, #tpu.memory_space<vmem_shared>>
      tpu.wait_indirect_dma semaphore(%arg14 : memref<!tpu.dma_semaphore, #tpu.memory_space<semaphore_mem>>) src(%dma_wait3A_545 : memref<10112x16xf32, #tpu.memory_space<vmem_shared>>) dst(%dma_wait3A_539 : memref<128x16xf32, #tpu.memory_space<vmem>>)
      %dma_wait3A_546 = arith.constant 1 : i32
      %dma_wait3A_547 = arith.constant 0 : i32
      %dma_wait3A_548 = arith.constant 0 : i32
      %dma_wait3A_549 = tpu.memref_slice %arg8[%dma_wait3A_546, %dma_wait3A_547, %dma_wait3A_548] : memref<8x128x16xf32, #tpu.memory_space<vmem>> -> memref<1x128x16xf32, #tpu.memory_space<vmem>>
      %dma_wait3A_550 = tpu.memref_squeeze %dma_wait3A_549 : memref<1x128x16xf32, #tpu.memory_space<vmem>> -> memref<128x16xf32, #tpu.memory_space<vmem>>
      %dma_wait3A_551 = arith.constant 0 : i32
      %dma_wait3A_552 = tpu.memref_slice %arg5[%add3A_253, %dma_wait3A_551] : memref<96x128xi32, #tpu.memory_space<vmem>> -> memref<1x128xi32, #tpu.memory_space<vmem>>
      %dma_wait3A_553 = tpu.memref_squeeze %dma_wait3A_552 : memref<1x128xi32, #tpu.memory_space<vmem>> -> memref<128xi32, #tpu.memory_space<vmem>>
      %dma_wait3A_554 = arith.constant 0 : i32
      %dma_wait3A_555 = arith.constant 0 : i32
      %dma_wait3A_556 = tpu.memref_slice %arg13[%dma_wait3A_554, %dma_wait3A_555] : memref<10112x16xf32, #tpu.memory_space<vmem_shared>> -> memref<10112x16xf32, #tpu.memory_space<vmem_shared>>
      tpu.wait_indirect_dma semaphore(%arg14 : memref<!tpu.dma_semaphore, #tpu.memory_space<semaphore_mem>>) src(%dma_wait3A_556 : memref<10112x16xf32, #tpu.memory_space<vmem_shared>>) dst(%dma_wait3A_550 : memref<128x16xf32, #tpu.memory_space<vmem>>)
      %dma_wait3A_557 = arith.constant 2 : i32
      %dma_wait3A_558 = arith.constant 0 : i32
      %dma_wait3A_559 = arith.constant 0 : i32
      %dma_wait3A_560 = tpu.memref_slice %arg8[%dma_wait3A_557, %dma_wait3A_558, %dma_wait3A_559] : memref<8x128x16xf32, #tpu.memory_space<vmem>> -> memref<1x128x16xf32, #tpu.memory_space<vmem>>
      %dma_wait3A_561 = tpu.memref_squeeze %dma_wait3A_560 : memref<1x128x16xf32, #tpu.memory_space<vmem>> -> memref<128x16xf32, #tpu.memory_space<vmem>>
      %dma_wait3A_562 = arith.constant 0 : i32
      %dma_wait3A_563 = tpu.memref_slice %arg5[%add3A_266, %dma_wait3A_562] : memref<96x128xi32, #tpu.memory_space<vmem>> -> memref<1x128xi32, #tpu.memory_space<vmem>>
      %dma_wait3A_564 = tpu.memref_squeeze %dma_wait3A_563 : memref<1x128xi32, #tpu.memory_space<vmem>> -> memref<128xi32, #tpu.memory_space<vmem>>
      %dma_wait3A_565 = arith.constant 0 : i32
      %dma_wait3A_566 = arith.constant 0 : i32
      %dma_wait3A_567 = tpu.memref_slice %arg13[%dma_wait3A_565, %dma_wait3A_566] : memref<10112x16xf32, #tpu.memory_space<vmem_shared>> -> memref<10112x16xf32, #tpu.memory_space<vmem_shared>>
      tpu.wait_indirect_dma semaphore(%arg14 : memref<!tpu.dma_semaphore, #tpu.memory_space<semaphore_mem>>) src(%dma_wait3A_567 : memref<10112x16xf32, #tpu.memory_space<vmem_shared>>) dst(%dma_wait3A_561 : memref<128x16xf32, #tpu.memory_space<vmem>>)
      %dma_wait3A_568 = arith.constant 3 : i32
      %dma_wait3A_569 = arith.constant 0 : i32
      %dma_wait3A_570 = arith.constant 0 : i32
      %dma_wait3A_571 = tpu.memref_slice %arg8[%dma_wait3A_568, %dma_wait3A_569, %dma_wait3A_570] : memref<8x128x16xf32, #tpu.memory_space<vmem>> -> memref<1x128x16xf32, #tpu.memory_space<vmem>>
      %dma_wait3A_572 = tpu.memref_squeeze %dma_wait3A_571 : memref<1x128x16xf32, #tpu.memory_space<vmem>> -> memref<128x16xf32, #tpu.memory_space<vmem>>
      %dma_wait3A_573 = arith.constant 0 : i32
      %dma_wait3A_574 = tpu.memref_slice %arg5[%add3A_279, %dma_wait3A_573] : memref<96x128xi32, #tpu.memory_space<vmem>> -> memref<1x128xi32, #tpu.memory_space<vmem>>
      %dma_wait3A_575 = tpu.memref_squeeze %dma_wait3A_574 : memref<1x128xi32, #tpu.memory_space<vmem>> -> memref<128xi32, #tpu.memory_space<vmem>>
      %dma_wait3A_576 = arith.constant 0 : i32
      %dma_wait3A_577 = arith.constant 0 : i32
      %dma_wait3A_578 = tpu.memref_slice %arg13[%dma_wait3A_576, %dma_wait3A_577] : memref<10112x16xf32, #tpu.memory_space<vmem_shared>> -> memref<10112x16xf32, #tpu.memory_space<vmem_shared>>
      tpu.wait_indirect_dma semaphore(%arg14 : memref<!tpu.dma_semaphore, #tpu.memory_space<semaphore_mem>>) src(%dma_wait3A_578 : memref<10112x16xf32, #tpu.memory_space<vmem_shared>>) dst(%dma_wait3A_572 : memref<128x16xf32, #tpu.memory_space<vmem>>)
      %dma_wait3A_579 = arith.constant 4 : i32
      %dma_wait3A_580 = arith.constant 0 : i32
      %dma_wait3A_581 = arith.constant 0 : i32
      %dma_wait3A_582 = tpu.memref_slice %arg8[%dma_wait3A_579, %dma_wait3A_580, %dma_wait3A_581] : memref<8x128x16xf32, #tpu.memory_space<vmem>> -> memref<1x128x16xf32, #tpu.memory_space<vmem>>
      %dma_wait3A_583 = tpu.memref_squeeze %dma_wait3A_582 : memref<1x128x16xf32, #tpu.memory_space<vmem>> -> memref<128x16xf32, #tpu.memory_space<vmem>>
      %dma_wait3A_584 = arith.constant 0 : i32
      %dma_wait3A_585 = tpu.memref_slice %arg5[%add3A_292, %dma_wait3A_584] : memref<96x128xi32, #tpu.memory_space<vmem>> -> memref<1x128xi32, #tpu.memory_space<vmem>>
      %dma_wait3A_586 = tpu.memref_squeeze %dma_wait3A_585 : memref<1x128xi32, #tpu.memory_space<vmem>> -> memref<128xi32, #tpu.memory_space<vmem>>
      %dma_wait3A_587 = arith.constant 0 : i32
      %dma_wait3A_588 = arith.constant 0 : i32
      %dma_wait3A_589 = tpu.memref_slice %arg13[%dma_wait3A_587, %dma_wait3A_588] : memref<10112x16xf32, #tpu.memory_space<vmem_shared>> -> memref<10112x16xf32, #tpu.memory_space<vmem_shared>>
      tpu.wait_indirect_dma semaphore(%arg14 : memref<!tpu.dma_semaphore, #tpu.memory_space<semaphore_mem>>) src(%dma_wait3A_589 : memref<10112x16xf32, #tpu.memory_space<vmem_shared>>) dst(%dma_wait3A_583 : memref<128x16xf32, #tpu.memory_space<vmem>>)
      %dma_wait3A_590 = arith.constant 5 : i32
      %dma_wait3A_591 = arith.constant 0 : i32
      %dma_wait3A_592 = arith.constant 0 : i32
      %dma_wait3A_593 = tpu.memref_slice %arg8[%dma_wait3A_590, %dma_wait3A_591, %dma_wait3A_592] : memref<8x128x16xf32, #tpu.memory_space<vmem>> -> memref<1x128x16xf32, #tpu.memory_space<vmem>>
      %dma_wait3A_594 = tpu.memref_squeeze %dma_wait3A_593 : memref<1x128x16xf32, #tpu.memory_space<vmem>> -> memref<128x16xf32, #tpu.memory_space<vmem>>
      %dma_wait3A_595 = arith.constant 0 : i32
      %dma_wait3A_596 = tpu.memref_slice %arg5[%add3A_305, %dma_wait3A_595] : memref<96x128xi32, #tpu.memory_space<vmem>> -> memref<1x128xi32, #tpu.memory_space<vmem>>
      %dma_wait3A_597 = tpu.memref_squeeze %dma_wait3A_596 : memref<1x128xi32, #tpu.memory_space<vmem>> -> memref<128xi32, #tpu.memory_space<vmem>>
      %dma_wait3A_598 = arith.constant 0 : i32
      %dma_wait3A_599 = arith.constant 0 : i32
      %dma_wait3A_600 = tpu.memref_slice %arg13[%dma_wait3A_598, %dma_wait3A_599] : memref<10112x16xf32, #tpu.memory_space<vmem_shared>> -> memref<10112x16xf32, #tpu.memory_space<vmem_shared>>
      tpu.wait_indirect_dma semaphore(%arg14 : memref<!tpu.dma_semaphore, #tpu.memory_space<semaphore_mem>>) src(%dma_wait3A_600 : memref<10112x16xf32, #tpu.memory_space<vmem_shared>>) dst(%dma_wait3A_594 : memref<128x16xf32, #tpu.memory_space<vmem>>)
      %dma_wait3A_601 = arith.constant 6 : i32
      %dma_wait3A_602 = arith.constant 0 : i32
      %dma_wait3A_603 = arith.constant 0 : i32
      %dma_wait3A_604 = tpu.memref_slice %arg8[%dma_wait3A_601, %dma_wait3A_602, %dma_wait3A_603] : memref<8x128x16xf32, #tpu.memory_space<vmem>> -> memref<1x128x16xf32, #tpu.memory_space<vmem>>
      %dma_wait3A_605 = tpu.memref_squeeze %dma_wait3A_604 : memref<1x128x16xf32, #tpu.memory_space<vmem>> -> memref<128x16xf32, #tpu.memory_space<vmem>>
      %dma_wait3A_606 = arith.constant 0 : i32
      %dma_wait3A_607 = tpu.memref_slice %arg5[%add3A_318, %dma_wait3A_606] : memref<96x128xi32, #tpu.memory_space<vmem>> -> memref<1x128xi32, #tpu.memory_space<vmem>>
      %dma_wait3A_608 = tpu.memref_squeeze %dma_wait3A_607 : memref<1x128xi32, #tpu.memory_space<vmem>> -> memref<128xi32, #tpu.memory_space<vmem>>
      %dma_wait3A_609 = arith.constant 0 : i32
      %dma_wait3A_610 = arith.constant 0 : i32
      %dma_wait3A_611 = tpu.memref_slice %arg13[%dma_wait3A_609, %dma_wait3A_610] : memref<10112x16xf32, #tpu.memory_space<vmem_shared>> -> memref<10112x16xf32, #tpu.memory_space<vmem_shared>>
      tpu.wait_indirect_dma semaphore(%arg14 : memref<!tpu.dma_semaphore, #tpu.memory_space<semaphore_mem>>) src(%dma_wait3A_611 : memref<10112x16xf32, #tpu.memory_space<vmem_shared>>) dst(%dma_wait3A_605 : memref<128x16xf32, #tpu.memory_space<vmem>>)
      %dma_wait3A_612 = arith.constant 7 : i32
      %dma_wait3A_613 = arith.constant 0 : i32
      %dma_wait3A_614 = arith.constant 0 : i32
      %dma_wait3A_615 = tpu.memref_slice %arg8[%dma_wait3A_612, %dma_wait3A_613, %dma_wait3A_614] : memref<8x128x16xf32, #tpu.memory_space<vmem>> -> memref<1x128x16xf32, #tpu.memory_space<vmem>>
      %dma_wait3A_616 = tpu.memref_squeeze %dma_wait3A_615 : memref<1x128x16xf32, #tpu.memory_space<vmem>> -> memref<128x16xf32, #tpu.memory_space<vmem>>
      %dma_wait3A_617 = arith.constant 0 : i32
      %dma_wait3A_618 = tpu.memref_slice %arg5[%add3A_331, %dma_wait3A_617] : memref<96x128xi32, #tpu.memory_space<vmem>> -> memref<1x128xi32, #tpu.memory_space<vmem>>
      %dma_wait3A_619 = tpu.memref_squeeze %dma_wait3A_618 : memref<1x128xi32, #tpu.memory_space<vmem>> -> memref<128xi32, #tpu.memory_space<vmem>>
      %dma_wait3A_620 = arith.constant 0 : i32
      %dma_wait3A_621 = arith.constant 0 : i32
      %dma_wait3A_622 = tpu.memref_slice %arg13[%dma_wait3A_620, %dma_wait3A_621] : memref<10112x16xf32, #tpu.memory_space<vmem_shared>> -> memref<10112x16xf32, #tpu.memory_space<vmem_shared>>
      tpu.wait_indirect_dma semaphore(%arg14 : memref<!tpu.dma_semaphore, #tpu.memory_space<semaphore_mem>>) src(%dma_wait3A_622 : memref<10112x16xf32, #tpu.memory_space<vmem_shared>>) dst(%dma_wait3A_616 : memref<128x16xf32, #tpu.memory_space<vmem>>)
      %add3A_623 = arith.constant 0 : i32
      %add3A_624 = arith.addi %add3A_134, %add3A_623 : i32
      %dma_start3A_625 = arith.constant 0 : i32
      %dma_start3A_626 = arith.constant 0 : i32
      %dma_start3A_627 = arith.constant 0 : i32
      %dma_start3A_628 = tpu.memref_slice %arg8[%dma_start3A_625, %dma_start3A_626, %dma_start3A_627] : memref<8x128x16xf32, #tpu.memory_space<vmem>> -> memref<1x128x16xf32, #tpu.memory_space<vmem>>
      %dma_start3A_629 = tpu.memref_squeeze %dma_start3A_628 : memref<1x128x16xf32, #tpu.memory_space<vmem>> -> memref<128x16xf32, #tpu.memory_space<vmem>>
      %dma_start3A_630 = arith.constant 0 : i32
      %dma_start3A_631 = tpu.memref_slice %arg6[%add3A_624, %dma_start3A_630] : memref<96x128xi32, #tpu.memory_space<vmem>> -> memref<1x128xi32, #tpu.memory_space<vmem>>
      %dma_start3A_632 = tpu.memref_squeeze %dma_start3A_631 : memref<1x128xi32, #tpu.memory_space<vmem>> -> memref<128xi32, #tpu.memory_space<vmem>>
      %dma_start3A_633 = arith.constant 0 : i32
      %dma_start3A_634 = arith.constant 0 : i32
      %dma_start3A_635 = tpu.memref_slice %arg12[%dma_start3A_633, %dma_start3A_634] : memref<10112x16xf32, #tpu.memory_space<vmem_shared>> -> memref<10112x16xf32, #tpu.memory_space<vmem_shared>>
      tpu.enqueue_indirect_dma source(%dma_start3A_629 : memref<128x16xf32, #tpu.memory_space<vmem>>) target(%dma_start3A_635 : memref<10112x16xf32, #tpu.memory_space<vmem_shared>>) offsets(%dma_start3A_632 : memref<128xi32, #tpu.memory_space<vmem>>) semaphore(%arg15 : memref<!tpu.dma_semaphore, #tpu.memory_space<semaphore_mem>>) {add = true}
      %add3A_636 = arith.constant 1 : i32
      %add3A_637 = arith.addi %add3A_134, %add3A_636 : i32
      %dma_start3A_638 = arith.constant 1 : i32
      %dma_start3A_639 = arith.constant 0 : i32
      %dma_start3A_640 = arith.constant 0 : i32
      %dma_start3A_641 = tpu.memref_slice %arg8[%dma_start3A_638, %dma_start3A_639, %dma_start3A_640] : memref<8x128x16xf32, #tpu.memory_space<vmem>> -> memref<1x128x16xf32, #tpu.memory_space<vmem>>
      %dma_start3A_642 = tpu.memref_squeeze %dma_start3A_641 : memref<1x128x16xf32, #tpu.memory_space<vmem>> -> memref<128x16xf32, #tpu.memory_space<vmem>>
      %dma_start3A_643 = arith.constant 0 : i32
      %dma_start3A_644 = tpu.memref_slice %arg6[%add3A_637, %dma_start3A_643] : memref<96x128xi32, #tpu.memory_space<vmem>> -> memref<1x128xi32, #tpu.memory_space<vmem>>
      %dma_start3A_645 = tpu.memref_squeeze %dma_start3A_644 : memref<1x128xi32, #tpu.memory_space<vmem>> -> memref<128xi32, #tpu.memory_space<vmem>>
      %dma_start3A_646 = arith.constant 0 : i32
      %dma_start3A_647 = arith.constant 0 : i32
      %dma_start3A_648 = tpu.memref_slice %arg12[%dma_start3A_646, %dma_start3A_647] : memref<10112x16xf32, #tpu.memory_space<vmem_shared>> -> memref<10112x16xf32, #tpu.memory_space<vmem_shared>>
      tpu.enqueue_indirect_dma source(%dma_start3A_642 : memref<128x16xf32, #tpu.memory_space<vmem>>) target(%dma_start3A_648 : memref<10112x16xf32, #tpu.memory_space<vmem_shared>>) offsets(%dma_start3A_645 : memref<128xi32, #tpu.memory_space<vmem>>) semaphore(%arg15 : memref<!tpu.dma_semaphore, #tpu.memory_space<semaphore_mem>>) {add = true}
      %add3A_649 = arith.constant 2 : i32
      %add3A_650 = arith.addi %add3A_134, %add3A_649 : i32
      %dma_start3A_651 = arith.constant 2 : i32
      %dma_start3A_652 = arith.constant 0 : i32
      %dma_start3A_653 = arith.constant 0 : i32
      %dma_start3A_654 = tpu.memref_slice %arg8[%dma_start3A_651, %dma_start3A_652, %dma_start3A_653] : memref<8x128x16xf32, #tpu.memory_space<vmem>> -> memref<1x128x16xf32, #tpu.memory_space<vmem>>
      %dma_start3A_655 = tpu.memref_squeeze %dma_start3A_654 : memref<1x128x16xf32, #tpu.memory_space<vmem>> -> memref<128x16xf32, #tpu.memory_space<vmem>>
      %dma_start3A_656 = arith.constant 0 : i32
      %dma_start3A_657 = tpu.memref_slice %arg6[%add3A_650, %dma_start3A_656] : memref<96x128xi32, #tpu.memory_space<vmem>> -> memref<1x128xi32, #tpu.memory_space<vmem>>
      %dma_start3A_658 = tpu.memref_squeeze %dma_start3A_657 : memref<1x128xi32, #tpu.memory_space<vmem>> -> memref<128xi32, #tpu.memory_space<vmem>>
      %dma_start3A_659 = arith.constant 0 : i32
      %dma_start3A_660 = arith.constant 0 : i32
      %dma_start3A_661 = tpu.memref_slice %arg12[%dma_start3A_659, %dma_start3A_660] : memref<10112x16xf32, #tpu.memory_space<vmem_shared>> -> memref<10112x16xf32, #tpu.memory_space<vmem_shared>>
      tpu.enqueue_indirect_dma source(%dma_start3A_655 : memref<128x16xf32, #tpu.memory_space<vmem>>) target(%dma_start3A_661 : memref<10112x16xf32, #tpu.memory_space<vmem_shared>>) offsets(%dma_start3A_658 : memref<128xi32, #tpu.memory_space<vmem>>) semaphore(%arg15 : memref<!tpu.dma_semaphore, #tpu.memory_space<semaphore_mem>>) {add = true}
      %add3A_662 = arith.constant 3 : i32
      %add3A_663 = arith.addi %add3A_134, %add3A_662 : i32
      %dma_start3A_664 = arith.constant 3 : i32
      %dma_start3A_665 = arith.constant 0 : i32
      %dma_start3A_666 = arith.constant 0 : i32
      %dma_start3A_667 = tpu.memref_slice %arg8[%dma_start3A_664, %dma_start3A_665, %dma_start3A_666] : memref<8x128x16xf32, #tpu.memory_space<vmem>> -> memref<1x128x16xf32, #tpu.memory_space<vmem>>
      %dma_start3A_668 = tpu.memref_squeeze %dma_start3A_667 : memref<1x128x16xf32, #tpu.memory_space<vmem>> -> memref<128x16xf32, #tpu.memory_space<vmem>>
      %dma_start3A_669 = arith.constant 0 : i32
      %dma_start3A_670 = tpu.memref_slice %arg6[%add3A_663, %dma_start3A_669] : memref<96x128xi32, #tpu.memory_space<vmem>> -> memref<1x128xi32, #tpu.memory_space<vmem>>
      %dma_start3A_671 = tpu.memref_squeeze %dma_start3A_670 : memref<1x128xi32, #tpu.memory_space<vmem>> -> memref<128xi32, #tpu.memory_space<vmem>>
      %dma_start3A_672 = arith.constant 0 : i32
      %dma_start3A_673 = arith.constant 0 : i32
      %dma_start3A_674 = tpu.memref_slice %arg12[%dma_start3A_672, %dma_start3A_673] : memref<10112x16xf32, #tpu.memory_space<vmem_shared>> -> memref<10112x16xf32, #tpu.memory_space<vmem_shared>>
      tpu.enqueue_indirect_dma source(%dma_start3A_668 : memref<128x16xf32, #tpu.memory_space<vmem>>) target(%dma_start3A_674 : memref<10112x16xf32, #tpu.memory_space<vmem_shared>>) offsets(%dma_start3A_671 : memref<128xi32, #tpu.memory_space<vmem>>) semaphore(%arg15 : memref<!tpu.dma_semaphore, #tpu.memory_space<semaphore_mem>>) {add = true}
      %add3A_675 = arith.constant 4 : i32
      %add3A_676 = arith.addi %add3A_134, %add3A_675 : i32
      %dma_start3A_677 = arith.constant 4 : i32
      %dma_start3A_678 = arith.constant 0 : i32
      %dma_start3A_679 = arith.constant 0 : i32
      %dma_start3A_680 = tpu.memref_slice %arg8[%dma_start3A_677, %dma_start3A_678, %dma_start3A_679] : memref<8x128x16xf32, #tpu.memory_space<vmem>> -> memref<1x128x16xf32, #tpu.memory_space<vmem>>
      %dma_start3A_681 = tpu.memref_squeeze %dma_start3A_680 : memref<1x128x16xf32, #tpu.memory_space<vmem>> -> memref<128x16xf32, #tpu.memory_space<vmem>>
      %dma_start3A_682 = arith.constant 0 : i32
      %dma_start3A_683 = tpu.memref_slice %arg6[%add3A_676, %dma_start3A_682] : memref<96x128xi32, #tpu.memory_space<vmem>> -> memref<1x128xi32, #tpu.memory_space<vmem>>
      %dma_start3A_684 = tpu.memref_squeeze %dma_start3A_683 : memref<1x128xi32, #tpu.memory_space<vmem>> -> memref<128xi32, #tpu.memory_space<vmem>>
      %dma_start3A_685 = arith.constant 0 : i32
      %dma_start3A_686 = arith.constant 0 : i32
      %dma_start3A_687 = tpu.memref_slice %arg12[%dma_start3A_685, %dma_start3A_686] : memref<10112x16xf32, #tpu.memory_space<vmem_shared>> -> memref<10112x16xf32, #tpu.memory_space<vmem_shared>>
      tpu.enqueue_indirect_dma source(%dma_start3A_681 : memref<128x16xf32, #tpu.memory_space<vmem>>) target(%dma_start3A_687 : memref<10112x16xf32, #tpu.memory_space<vmem_shared>>) offsets(%dma_start3A_684 : memref<128xi32, #tpu.memory_space<vmem>>) semaphore(%arg15 : memref<!tpu.dma_semaphore, #tpu.memory_space<semaphore_mem>>) {add = true}
      %add3A_688 = arith.constant 5 : i32
      %add3A_689 = arith.addi %add3A_134, %add3A_688 : i32
      %dma_start3A_690 = arith.constant 5 : i32
      %dma_start3A_691 = arith.constant 0 : i32
      %dma_start3A_692 = arith.constant 0 : i32
      %dma_start3A_693 = tpu.memref_slice %arg8[%dma_start3A_690, %dma_start3A_691, %dma_start3A_692] : memref<8x128x16xf32, #tpu.memory_space<vmem>> -> memref<1x128x16xf32, #tpu.memory_space<vmem>>
      %dma_start3A_694 = tpu.memref_squeeze %dma_start3A_693 : memref<1x128x16xf32, #tpu.memory_space<vmem>> -> memref<128x16xf32, #tpu.memory_space<vmem>>
      %dma_start3A_695 = arith.constant 0 : i32
      %dma_start3A_696 = tpu.memref_slice %arg6[%add3A_689, %dma_start3A_695] : memref<96x128xi32, #tpu.memory_space<vmem>> -> memref<1x128xi32, #tpu.memory_space<vmem>>
      %dma_start3A_697 = tpu.memref_squeeze %dma_start3A_696 : memref<1x128xi32, #tpu.memory_space<vmem>> -> memref<128xi32, #tpu.memory_space<vmem>>
      %dma_start3A_698 = arith.constant 0 : i32
      %dma_start3A_699 = arith.constant 0 : i32
      %dma_start3A_700 = tpu.memref_slice %arg12[%dma_start3A_698, %dma_start3A_699] : memref<10112x16xf32, #tpu.memory_space<vmem_shared>> -> memref<10112x16xf32, #tpu.memory_space<vmem_shared>>
      tpu.enqueue_indirect_dma source(%dma_start3A_694 : memref<128x16xf32, #tpu.memory_space<vmem>>) target(%dma_start3A_700 : memref<10112x16xf32, #tpu.memory_space<vmem_shared>>) offsets(%dma_start3A_697 : memref<128xi32, #tpu.memory_space<vmem>>) semaphore(%arg15 : memref<!tpu.dma_semaphore, #tpu.memory_space<semaphore_mem>>) {add = true}
      %add3A_701 = arith.constant 6 : i32
      %add3A_702 = arith.addi %add3A_134, %add3A_701 : i32
      %dma_start3A_703 = arith.constant 6 : i32
      %dma_start3A_704 = arith.constant 0 : i32
      %dma_start3A_705 = arith.constant 0 : i32
      %dma_start3A_706 = tpu.memref_slice %arg8[%dma_start3A_703, %dma_start3A_704, %dma_start3A_705] : memref<8x128x16xf32, #tpu.memory_space<vmem>> -> memref<1x128x16xf32, #tpu.memory_space<vmem>>
      %dma_start3A_707 = tpu.memref_squeeze %dma_start3A_706 : memref<1x128x16xf32, #tpu.memory_space<vmem>> -> memref<128x16xf32, #tpu.memory_space<vmem>>
      %dma_start3A_708 = arith.constant 0 : i32
      %dma_start3A_709 = tpu.memref_slice %arg6[%add3A_702, %dma_start3A_708] : memref<96x128xi32, #tpu.memory_space<vmem>> -> memref<1x128xi32, #tpu.memory_space<vmem>>
      %dma_start3A_710 = tpu.memref_squeeze %dma_start3A_709 : memref<1x128xi32, #tpu.memory_space<vmem>> -> memref<128xi32, #tpu.memory_space<vmem>>
      %dma_start3A_711 = arith.constant 0 : i32
      %dma_start3A_712 = arith.constant 0 : i32
      %dma_start3A_713 = tpu.memref_slice %arg12[%dma_start3A_711, %dma_start3A_712] : memref<10112x16xf32, #tpu.memory_space<vmem_shared>> -> memref<10112x16xf32, #tpu.memory_space<vmem_shared>>
      tpu.enqueue_indirect_dma source(%dma_start3A_707 : memref<128x16xf32, #tpu.memory_space<vmem>>) target(%dma_start3A_713 : memref<10112x16xf32, #tpu.memory_space<vmem_shared>>) offsets(%dma_start3A_710 : memref<128xi32, #tpu.memory_space<vmem>>) semaphore(%arg15 : memref<!tpu.dma_semaphore, #tpu.memory_space<semaphore_mem>>) {add = true}
      %add3A_714 = arith.constant 7 : i32
      %add3A_715 = arith.addi %add3A_134, %add3A_714 : i32
      %dma_start3A_716 = arith.constant 7 : i32
      %dma_start3A_717 = arith.constant 0 : i32
      %dma_start3A_718 = arith.constant 0 : i32
      %dma_start3A_719 = tpu.memref_slice %arg8[%dma_start3A_716, %dma_start3A_717, %dma_start3A_718] : memref<8x128x16xf32, #tpu.memory_space<vmem>> -> memref<1x128x16xf32, #tpu.memory_space<vmem>>
      %dma_start3A_720 = tpu.memref_squeeze %dma_start3A_719 : memref<1x128x16xf32, #tpu.memory_space<vmem>> -> memref<128x16xf32, #tpu.memory_space<vmem>>
      %dma_start3A_721 = arith.constant 0 : i32
      %dma_start3A_722 = tpu.memref_slice %arg6[%add3A_715, %dma_start3A_721] : memref<96x128xi32, #tpu.memory_space<vmem>> -> memref<1x128xi32, #tpu.memory_space<vmem>>
      %dma_start3A_723 = tpu.memref_squeeze %dma_start3A_722 : memref<1x128xi32, #tpu.memory_space<vmem>> -> memref<128xi32, #tpu.memory_space<vmem>>
      %dma_start3A_724 = arith.constant 0 : i32
      %dma_start3A_725 = arith.constant 0 : i32
      %dma_start3A_726 = tpu.memref_slice %arg12[%dma_start3A_724, %dma_start3A_725] : memref<10112x16xf32, #tpu.memory_space<vmem_shared>> -> memref<10112x16xf32, #tpu.memory_space<vmem_shared>>
      tpu.enqueue_indirect_dma source(%dma_start3A_720 : memref<128x16xf32, #tpu.memory_space<vmem>>) target(%dma_start3A_726 : memref<10112x16xf32, #tpu.memory_space<vmem_shared>>) offsets(%dma_start3A_723 : memref<128xi32, #tpu.memory_space<vmem>>) semaphore(%arg15 : memref<!tpu.dma_semaphore, #tpu.memory_space<semaphore_mem>>) {add = true}
      %dma_wait3A_727 = arith.constant 0 : i32
      %dma_wait3A_728 = arith.constant 0 : i32
      %dma_wait3A_729 = arith.constant 0 : i32
      %dma_wait3A_730 = tpu.memref_slice %arg7[%dma_wait3A_727, %dma_wait3A_728, %dma_wait3A_729] : memref<8x128x16xf32, #tpu.memory_space<vmem>> -> memref<1x128x16xf32, #tpu.memory_space<vmem>>
      %dma_wait3A_731 = tpu.memref_squeeze %dma_wait3A_730 : memref<1x128x16xf32, #tpu.memory_space<vmem>> -> memref<128x16xf32, #tpu.memory_space<vmem>>
      %dma_wait3A_732 = arith.constant 0 : i32
      %dma_wait3A_733 = tpu.memref_slice %arg6[%add3A_432, %dma_wait3A_732] : memref<96x128xi32, #tpu.memory_space<vmem>> -> memref<1x128xi32, #tpu.memory_space<vmem>>
      %dma_wait3A_734 = tpu.memref_squeeze %dma_wait3A_733 : memref<1x128xi32, #tpu.memory_space<vmem>> -> memref<128xi32, #tpu.memory_space<vmem>>
      %dma_wait3A_735 = arith.constant 0 : i32
      %dma_wait3A_736 = arith.constant 0 : i32
      %dma_wait3A_737 = tpu.memref_slice %arg12[%dma_wait3A_735, %dma_wait3A_736] : memref<10112x16xf32, #tpu.memory_space<vmem_shared>> -> memref<10112x16xf32, #tpu.memory_space<vmem_shared>>
      tpu.wait_indirect_dma semaphore(%arg15 : memref<!tpu.dma_semaphore, #tpu.memory_space<semaphore_mem>>) src(%dma_wait3A_731 : memref<128x16xf32, #tpu.memory_space<vmem>>) dst(%dma_wait3A_737 : memref<10112x16xf32, #tpu.memory_space<vmem_shared>>)
      %dma_wait3A_738 = arith.constant 1 : i32
      %dma_wait3A_739 = arith.constant 0 : i32
      %dma_wait3A_740 = arith.constant 0 : i32
      %dma_wait3A_741 = tpu.memref_slice %arg7[%dma_wait3A_738, %dma_wait3A_739, %dma_wait3A_740] : memref<8x128x16xf32, #tpu.memory_space<vmem>> -> memref<1x128x16xf32, #tpu.memory_space<vmem>>
      %dma_wait3A_742 = tpu.memref_squeeze %dma_wait3A_741 : memref<1x128x16xf32, #tpu.memory_space<vmem>> -> memref<128x16xf32, #tpu.memory_space<vmem>>
      %dma_wait3A_743 = arith.constant 0 : i32
      %dma_wait3A_744 = tpu.memref_slice %arg6[%add3A_445, %dma_wait3A_743] : memref<96x128xi32, #tpu.memory_space<vmem>> -> memref<1x128xi32, #tpu.memory_space<vmem>>
      %dma_wait3A_745 = tpu.memref_squeeze %dma_wait3A_744 : memref<1x128xi32, #tpu.memory_space<vmem>> -> memref<128xi32, #tpu.memory_space<vmem>>
      %dma_wait3A_746 = arith.constant 0 : i32
      %dma_wait3A_747 = arith.constant 0 : i32
      %dma_wait3A_748 = tpu.memref_slice %arg12[%dma_wait3A_746, %dma_wait3A_747] : memref<10112x16xf32, #tpu.memory_space<vmem_shared>> -> memref<10112x16xf32, #tpu.memory_space<vmem_shared>>
      tpu.wait_indirect_dma semaphore(%arg15 : memref<!tpu.dma_semaphore, #tpu.memory_space<semaphore_mem>>) src(%dma_wait3A_742 : memref<128x16xf32, #tpu.memory_space<vmem>>) dst(%dma_wait3A_748 : memref<10112x16xf32, #tpu.memory_space<vmem_shared>>)
      %dma_wait3A_749 = arith.constant 2 : i32
      %dma_wait3A_750 = arith.constant 0 : i32
      %dma_wait3A_751 = arith.constant 0 : i32
      %dma_wait3A_752 = tpu.memref_slice %arg7[%dma_wait3A_749, %dma_wait3A_750, %dma_wait3A_751] : memref<8x128x16xf32, #tpu.memory_space<vmem>> -> memref<1x128x16xf32, #tpu.memory_space<vmem>>
      %dma_wait3A_753 = tpu.memref_squeeze %dma_wait3A_752 : memref<1x128x16xf32, #tpu.memory_space<vmem>> -> memref<128x16xf32, #tpu.memory_space<vmem>>
      %dma_wait3A_754 = arith.constant 0 : i32
      %dma_wait3A_755 = tpu.memref_slice %arg6[%add3A_458, %dma_wait3A_754] : memref<96x128xi32, #tpu.memory_space<vmem>> -> memref<1x128xi32, #tpu.memory_space<vmem>>
      %dma_wait3A_756 = tpu.memref_squeeze %dma_wait3A_755 : memref<1x128xi32, #tpu.memory_space<vmem>> -> memref<128xi32, #tpu.memory_space<vmem>>
      %dma_wait3A_757 = arith.constant 0 : i32
      %dma_wait3A_758 = arith.constant 0 : i32
      %dma_wait3A_759 = tpu.memref_slice %arg12[%dma_wait3A_757, %dma_wait3A_758] : memref<10112x16xf32, #tpu.memory_space<vmem_shared>> -> memref<10112x16xf32, #tpu.memory_space<vmem_shared>>
      tpu.wait_indirect_dma semaphore(%arg15 : memref<!tpu.dma_semaphore, #tpu.memory_space<semaphore_mem>>) src(%dma_wait3A_753 : memref<128x16xf32, #tpu.memory_space<vmem>>) dst(%dma_wait3A_759 : memref<10112x16xf32, #tpu.memory_space<vmem_shared>>)
      %dma_wait3A_760 = arith.constant 3 : i32
      %dma_wait3A_761 = arith.constant 0 : i32
      %dma_wait3A_762 = arith.constant 0 : i32
      %dma_wait3A_763 = tpu.memref_slice %arg7[%dma_wait3A_760, %dma_wait3A_761, %dma_wait3A_762] : memref<8x128x16xf32, #tpu.memory_space<vmem>> -> memref<1x128x16xf32, #tpu.memory_space<vmem>>
      %dma_wait3A_764 = tpu.memref_squeeze %dma_wait3A_763 : memref<1x128x16xf32, #tpu.memory_space<vmem>> -> memref<128x16xf32, #tpu.memory_space<vmem>>
      %dma_wait3A_765 = arith.constant 0 : i32
      %dma_wait3A_766 = tpu.memref_slice %arg6[%add3A_471, %dma_wait3A_765] : memref<96x128xi32, #tpu.memory_space<vmem>> -> memref<1x128xi32, #tpu.memory_space<vmem>>
      %dma_wait3A_767 = tpu.memref_squeeze %dma_wait3A_766 : memref<1x128xi32, #tpu.memory_space<vmem>> -> memref<128xi32, #tpu.memory_space<vmem>>
      %dma_wait3A_768 = arith.constant 0 : i32
      %dma_wait3A_769 = arith.constant 0 : i32
      %dma_wait3A_770 = tpu.memref_slice %arg12[%dma_wait3A_768, %dma_wait3A_769] : memref<10112x16xf32, #tpu.memory_space<vmem_shared>> -> memref<10112x16xf32, #tpu.memory_space<vmem_shared>>
      tpu.wait_indirect_dma semaphore(%arg15 : memref<!tpu.dma_semaphore, #tpu.memory_space<semaphore_mem>>) src(%dma_wait3A_764 : memref<128x16xf32, #tpu.memory_space<vmem>>) dst(%dma_wait3A_770 : memref<10112x16xf32, #tpu.memory_space<vmem_shared>>)
      %dma_wait3A_771 = arith.constant 4 : i32
      %dma_wait3A_772 = arith.constant 0 : i32
      %dma_wait3A_773 = arith.constant 0 : i32
      %dma_wait3A_774 = tpu.memref_slice %arg7[%dma_wait3A_771, %dma_wait3A_772, %dma_wait3A_773] : memref<8x128x16xf32, #tpu.memory_space<vmem>> -> memref<1x128x16xf32, #tpu.memory_space<vmem>>
      %dma_wait3A_775 = tpu.memref_squeeze %dma_wait3A_774 : memref<1x128x16xf32, #tpu.memory_space<vmem>> -> memref<128x16xf32, #tpu.memory_space<vmem>>
      %dma_wait3A_776 = arith.constant 0 : i32
      %dma_wait3A_777 = tpu.memref_slice %arg6[%add3A_484, %dma_wait3A_776] : memref<96x128xi32, #tpu.memory_space<vmem>> -> memref<1x128xi32, #tpu.memory_space<vmem>>
      %dma_wait3A_778 = tpu.memref_squeeze %dma_wait3A_777 : memref<1x128xi32, #tpu.memory_space<vmem>> -> memref<128xi32, #tpu.memory_space<vmem>>
      %dma_wait3A_779 = arith.constant 0 : i32
      %dma_wait3A_780 = arith.constant 0 : i32
      %dma_wait3A_781 = tpu.memref_slice %arg12[%dma_wait3A_779, %dma_wait3A_780] : memref<10112x16xf32, #tpu.memory_space<vmem_shared>> -> memref<10112x16xf32, #tpu.memory_space<vmem_shared>>
      tpu.wait_indirect_dma semaphore(%arg15 : memref<!tpu.dma_semaphore, #tpu.memory_space<semaphore_mem>>) src(%dma_wait3A_775 : memref<128x16xf32, #tpu.memory_space<vmem>>) dst(%dma_wait3A_781 : memref<10112x16xf32, #tpu.memory_space<vmem_shared>>)
      %dma_wait3A_782 = arith.constant 5 : i32
      %dma_wait3A_783 = arith.constant 0 : i32
      %dma_wait3A_784 = arith.constant 0 : i32
      %dma_wait3A_785 = tpu.memref_slice %arg7[%dma_wait3A_782, %dma_wait3A_783, %dma_wait3A_784] : memref<8x128x16xf32, #tpu.memory_space<vmem>> -> memref<1x128x16xf32, #tpu.memory_space<vmem>>
      %dma_wait3A_786 = tpu.memref_squeeze %dma_wait3A_785 : memref<1x128x16xf32, #tpu.memory_space<vmem>> -> memref<128x16xf32, #tpu.memory_space<vmem>>
      %dma_wait3A_787 = arith.constant 0 : i32
      %dma_wait3A_788 = tpu.memref_slice %arg6[%add3A_497, %dma_wait3A_787] : memref<96x128xi32, #tpu.memory_space<vmem>> -> memref<1x128xi32, #tpu.memory_space<vmem>>
      %dma_wait3A_789 = tpu.memref_squeeze %dma_wait3A_788 : memref<1x128xi32, #tpu.memory_space<vmem>> -> memref<128xi32, #tpu.memory_space<vmem>>
      %dma_wait3A_790 = arith.constant 0 : i32
      %dma_wait3A_791 = arith.constant 0 : i32
      %dma_wait3A_792 = tpu.memref_slice %arg12[%dma_wait3A_790, %dma_wait3A_791] : memref<10112x16xf32, #tpu.memory_space<vmem_shared>> -> memref<10112x16xf32, #tpu.memory_space<vmem_shared>>
      tpu.wait_indirect_dma semaphore(%arg15 : memref<!tpu.dma_semaphore, #tpu.memory_space<semaphore_mem>>) src(%dma_wait3A_786 : memref<128x16xf32, #tpu.memory_space<vmem>>) dst(%dma_wait3A_792 : memref<10112x16xf32, #tpu.memory_space<vmem_shared>>)
      %dma_wait3A_793 = arith.constant 6 : i32
      %dma_wait3A_794 = arith.constant 0 : i32
      %dma_wait3A_795 = arith.constant 0 : i32
      %dma_wait3A_796 = tpu.memref_slice %arg7[%dma_wait3A_793, %dma_wait3A_794, %dma_wait3A_795] : memref<8x128x16xf32, #tpu.memory_space<vmem>> -> memref<1x128x16xf32, #tpu.memory_space<vmem>>
      %dma_wait3A_797 = tpu.memref_squeeze %dma_wait3A_796 : memref<1x128x16xf32, #tpu.memory_space<vmem>> -> memref<128x16xf32, #tpu.memory_space<vmem>>
      %dma_wait3A_798 = arith.constant 0 : i32
      %dma_wait3A_799 = tpu.memref_slice %arg6[%add3A_510, %dma_wait3A_798] : memref<96x128xi32, #tpu.memory_space<vmem>> -> memref<1x128xi32, #tpu.memory_space<vmem>>
      %dma_wait3A_800 = tpu.memref_squeeze %dma_wait3A_799 : memref<1x128xi32, #tpu.memory_space<vmem>> -> memref<128xi32, #tpu.memory_space<vmem>>
      %dma_wait3A_801 = arith.constant 0 : i32
      %dma_wait3A_802 = arith.constant 0 : i32
      %dma_wait3A_803 = tpu.memref_slice %arg12[%dma_wait3A_801, %dma_wait3A_802] : memref<10112x16xf32, #tpu.memory_space<vmem_shared>> -> memref<10112x16xf32, #tpu.memory_space<vmem_shared>>
      tpu.wait_indirect_dma semaphore(%arg15 : memref<!tpu.dma_semaphore, #tpu.memory_space<semaphore_mem>>) src(%dma_wait3A_797 : memref<128x16xf32, #tpu.memory_space<vmem>>) dst(%dma_wait3A_803 : memref<10112x16xf32, #tpu.memory_space<vmem_shared>>)
      %dma_wait3A_804 = arith.constant 7 : i32
      %dma_wait3A_805 = arith.constant 0 : i32
      %dma_wait3A_806 = arith.constant 0 : i32
      %dma_wait3A_807 = tpu.memref_slice %arg7[%dma_wait3A_804, %dma_wait3A_805, %dma_wait3A_806] : memref<8x128x16xf32, #tpu.memory_space<vmem>> -> memref<1x128x16xf32, #tpu.memory_space<vmem>>
      %dma_wait3A_808 = tpu.memref_squeeze %dma_wait3A_807 : memref<1x128x16xf32, #tpu.memory_space<vmem>> -> memref<128x16xf32, #tpu.memory_space<vmem>>
      %dma_wait3A_809 = arith.constant 0 : i32
      %dma_wait3A_810 = tpu.memref_slice %arg6[%add3A_523, %dma_wait3A_809] : memref<96x128xi32, #tpu.memory_space<vmem>> -> memref<1x128xi32, #tpu.memory_space<vmem>>
      %dma_wait3A_811 = tpu.memref_squeeze %dma_wait3A_810 : memref<1x128xi32, #tpu.memory_space<vmem>> -> memref<128xi32, #tpu.memory_space<vmem>>
      %dma_wait3A_812 = arith.constant 0 : i32
      %dma_wait3A_813 = arith.constant 0 : i32
      %dma_wait3A_814 = tpu.memref_slice %arg12[%dma_wait3A_812, %dma_wait3A_813] : memref<10112x16xf32, #tpu.memory_space<vmem_shared>> -> memref<10112x16xf32, #tpu.memory_space<vmem_shared>>
      tpu.wait_indirect_dma semaphore(%arg15 : memref<!tpu.dma_semaphore, #tpu.memory_space<semaphore_mem>>) src(%dma_wait3A_808 : memref<128x16xf32, #tpu.memory_space<vmem>>) dst(%dma_wait3A_814 : memref<10112x16xf32, #tpu.memory_space<vmem_shared>>)
      %dma_wait3A_815 = arith.constant 0 : i32
      %dma_wait3A_816 = arith.constant 0 : i32
      %dma_wait3A_817 = arith.constant 0 : i32
      %dma_wait3A_818 = tpu.memref_slice %arg8[%dma_wait3A_815, %dma_wait3A_816, %dma_wait3A_817] : memref<8x128x16xf32, #tpu.memory_space<vmem>> -> memref<1x128x16xf32, #tpu.memory_space<vmem>>
      %dma_wait3A_819 = tpu.memref_squeeze %dma_wait3A_818 : memref<1x128x16xf32, #tpu.memory_space<vmem>> -> memref<128x16xf32, #tpu.memory_space<vmem>>
      %dma_wait3A_820 = arith.constant 0 : i32
      %dma_wait3A_821 = tpu.memref_slice %arg6[%add3A_624, %dma_wait3A_820] : memref<96x128xi32, #tpu.memory_space<vmem>> -> memref<1x128xi32, #tpu.memory_space<vmem>>
      %dma_wait3A_822 = tpu.memref_squeeze %dma_wait3A_821 : memref<1x128xi32, #tpu.memory_space<vmem>> -> memref<128xi32, #tpu.memory_space<vmem>>
      %dma_wait3A_823 = arith.constant 0 : i32
      %dma_wait3A_824 = arith.constant 0 : i32
      %dma_wait3A_825 = tpu.memref_slice %arg12[%dma_wait3A_823, %dma_wait3A_824] : memref<10112x16xf32, #tpu.memory_space<vmem_shared>> -> memref<10112x16xf32, #tpu.memory_space<vmem_shared>>
      tpu.wait_indirect_dma semaphore(%arg15 : memref<!tpu.dma_semaphore, #tpu.memory_space<semaphore_mem>>) src(%dma_wait3A_819 : memref<128x16xf32, #tpu.memory_space<vmem>>) dst(%dma_wait3A_825 : memref<10112x16xf32, #tpu.memory_space<vmem_shared>>)
      %dma_wait3A_826 = arith.constant 1 : i32
      %dma_wait3A_827 = arith.constant 0 : i32
      %dma_wait3A_828 = arith.constant 0 : i32
      %dma_wait3A_829 = tpu.memref_slice %arg8[%dma_wait3A_826, %dma_wait3A_827, %dma_wait3A_828] : memref<8x128x16xf32, #tpu.memory_space<vmem>> -> memref<1x128x16xf32, #tpu.memory_space<vmem>>
      %dma_wait3A_830 = tpu.memref_squeeze %dma_wait3A_829 : memref<1x128x16xf32, #tpu.memory_space<vmem>> -> memref<128x16xf32, #tpu.memory_space<vmem>>
      %dma_wait3A_831 = arith.constant 0 : i32
      %dma_wait3A_832 = tpu.memref_slice %arg6[%add3A_637, %dma_wait3A_831] : memref<96x128xi32, #tpu.memory_space<vmem>> -> memref<1x128xi32, #tpu.memory_space<vmem>>
      %dma_wait3A_833 = tpu.memref_squeeze %dma_wait3A_832 : memref<1x128xi32, #tpu.memory_space<vmem>> -> memref<128xi32, #tpu.memory_space<vmem>>
      %dma_wait3A_834 = arith.constant 0 : i32
      %dma_wait3A_835 = arith.constant 0 : i32
      %dma_wait3A_836 = tpu.memref_slice %arg12[%dma_wait3A_834, %dma_wait3A_835] : memref<10112x16xf32, #tpu.memory_space<vmem_shared>> -> memref<10112x16xf32, #tpu.memory_space<vmem_shared>>
      tpu.wait_indirect_dma semaphore(%arg15 : memref<!tpu.dma_semaphore, #tpu.memory_space<semaphore_mem>>) src(%dma_wait3A_830 : memref<128x16xf32, #tpu.memory_space<vmem>>) dst(%dma_wait3A_836 : memref<10112x16xf32, #tpu.memory_space<vmem_shared>>)
      %dma_wait3A_837 = arith.constant 2 : i32
      %dma_wait3A_838 = arith.constant 0 : i32
      %dma_wait3A_839 = arith.constant 0 : i32
      %dma_wait3A_840 = tpu.memref_slice %arg8[%dma_wait3A_837, %dma_wait3A_838, %dma_wait3A_839] : memref<8x128x16xf32, #tpu.memory_space<vmem>> -> memref<1x128x16xf32, #tpu.memory_space<vmem>>
      %dma_wait3A_841 = tpu.memref_squeeze %dma_wait3A_840 : memref<1x128x16xf32, #tpu.memory_space<vmem>> -> memref<128x16xf32, #tpu.memory_space<vmem>>
      %dma_wait3A_842 = arith.constant 0 : i32
      %dma_wait3A_843 = tpu.memref_slice %arg6[%add3A_650, %dma_wait3A_842] : memref<96x128xi32, #tpu.memory_space<vmem>> -> memref<1x128xi32, #tpu.memory_space<vmem>>
      %dma_wait3A_844 = tpu.memref_squeeze %dma_wait3A_843 : memref<1x128xi32, #tpu.memory_space<vmem>> -> memref<128xi32, #tpu.memory_space<vmem>>
      %dma_wait3A_845 = arith.constant 0 : i32
      %dma_wait3A_846 = arith.constant 0 : i32
      %dma_wait3A_847 = tpu.memref_slice %arg12[%dma_wait3A_845, %dma_wait3A_846] : memref<10112x16xf32, #tpu.memory_space<vmem_shared>> -> memref<10112x16xf32, #tpu.memory_space<vmem_shared>>
      tpu.wait_indirect_dma semaphore(%arg15 : memref<!tpu.dma_semaphore, #tpu.memory_space<semaphore_mem>>) src(%dma_wait3A_841 : memref<128x16xf32, #tpu.memory_space<vmem>>) dst(%dma_wait3A_847 : memref<10112x16xf32, #tpu.memory_space<vmem_shared>>)
      %dma_wait3A_848 = arith.constant 3 : i32
      %dma_wait3A_849 = arith.constant 0 : i32
      %dma_wait3A_850 = arith.constant 0 : i32
      %dma_wait3A_851 = tpu.memref_slice %arg8[%dma_wait3A_848, %dma_wait3A_849, %dma_wait3A_850] : memref<8x128x16xf32, #tpu.memory_space<vmem>> -> memref<1x128x16xf32, #tpu.memory_space<vmem>>
      %dma_wait3A_852 = tpu.memref_squeeze %dma_wait3A_851 : memref<1x128x16xf32, #tpu.memory_space<vmem>> -> memref<128x16xf32, #tpu.memory_space<vmem>>
      %dma_wait3A_853 = arith.constant 0 : i32
      %dma_wait3A_854 = tpu.memref_slice %arg6[%add3A_663, %dma_wait3A_853] : memref<96x128xi32, #tpu.memory_space<vmem>> -> memref<1x128xi32, #tpu.memory_space<vmem>>
      %dma_wait3A_855 = tpu.memref_squeeze %dma_wait3A_854 : memref<1x128xi32, #tpu.memory_space<vmem>> -> memref<128xi32, #tpu.memory_space<vmem>>
      %dma_wait3A_856 = arith.constant 0 : i32
      %dma_wait3A_857 = arith.constant 0 : i32
      %dma_wait3A_858 = tpu.memref_slice %arg12[%dma_wait3A_856, %dma_wait3A_857] : memref<10112x16xf32, #tpu.memory_space<vmem_shared>> -> memref<10112x16xf32, #tpu.memory_space<vmem_shared>>
      tpu.wait_indirect_dma semaphore(%arg15 : memref<!tpu.dma_semaphore, #tpu.memory_space<semaphore_mem>>) src(%dma_wait3A_852 : memref<128x16xf32, #tpu.memory_space<vmem>>) dst(%dma_wait3A_858 : memref<10112x16xf32, #tpu.memory_space<vmem_shared>>)
      %dma_wait3A_859 = arith.constant 4 : i32
      %dma_wait3A_860 = arith.constant 0 : i32
      %dma_wait3A_861 = arith.constant 0 : i32
      %dma_wait3A_862 = tpu.memref_slice %arg8[%dma_wait3A_859, %dma_wait3A_860, %dma_wait3A_861] : memref<8x128x16xf32, #tpu.memory_space<vmem>> -> memref<1x128x16xf32, #tpu.memory_space<vmem>>
      %dma_wait3A_863 = tpu.memref_squeeze %dma_wait3A_862 : memref<1x128x16xf32, #tpu.memory_space<vmem>> -> memref<128x16xf32, #tpu.memory_space<vmem>>
      %dma_wait3A_864 = arith.constant 0 : i32
      %dma_wait3A_865 = tpu.memref_slice %arg6[%add3A_676, %dma_wait3A_864] : memref<96x128xi32, #tpu.memory_space<vmem>> -> memref<1x128xi32, #tpu.memory_space<vmem>>
      %dma_wait3A_866 = tpu.memref_squeeze %dma_wait3A_865 : memref<1x128xi32, #tpu.memory_space<vmem>> -> memref<128xi32, #tpu.memory_space<vmem>>
      %dma_wait3A_867 = arith.constant 0 : i32
      %dma_wait3A_868 = arith.constant 0 : i32
      %dma_wait3A_869 = tpu.memref_slice %arg12[%dma_wait3A_867, %dma_wait3A_868] : memref<10112x16xf32, #tpu.memory_space<vmem_shared>> -> memref<10112x16xf32, #tpu.memory_space<vmem_shared>>
      tpu.wait_indirect_dma semaphore(%arg15 : memref<!tpu.dma_semaphore, #tpu.memory_space<semaphore_mem>>) src(%dma_wait3A_863 : memref<128x16xf32, #tpu.memory_space<vmem>>) dst(%dma_wait3A_869 : memref<10112x16xf32, #tpu.memory_space<vmem_shared>>)
      %dma_wait3A_870 = arith.constant 5 : i32
      %dma_wait3A_871 = arith.constant 0 : i32
      %dma_wait3A_872 = arith.constant 0 : i32
      %dma_wait3A_873 = tpu.memref_slice %arg8[%dma_wait3A_870, %dma_wait3A_871, %dma_wait3A_872] : memref<8x128x16xf32, #tpu.memory_space<vmem>> -> memref<1x128x16xf32, #tpu.memory_space<vmem>>
      %dma_wait3A_874 = tpu.memref_squeeze %dma_wait3A_873 : memref<1x128x16xf32, #tpu.memory_space<vmem>> -> memref<128x16xf32, #tpu.memory_space<vmem>>
      %dma_wait3A_875 = arith.constant 0 : i32
      %dma_wait3A_876 = tpu.memref_slice %arg6[%add3A_689, %dma_wait3A_875] : memref<96x128xi32, #tpu.memory_space<vmem>> -> memref<1x128xi32, #tpu.memory_space<vmem>>
      %dma_wait3A_877 = tpu.memref_squeeze %dma_wait3A_876 : memref<1x128xi32, #tpu.memory_space<vmem>> -> memref<128xi32, #tpu.memory_space<vmem>>
      %dma_wait3A_878 = arith.constant 0 : i32
      %dma_wait3A_879 = arith.constant 0 : i32
      %dma_wait3A_880 = tpu.memref_slice %arg12[%dma_wait3A_878, %dma_wait3A_879] : memref<10112x16xf32, #tpu.memory_space<vmem_shared>> -> memref<10112x16xf32, #tpu.memory_space<vmem_shared>>
      tpu.wait_indirect_dma semaphore(%arg15 : memref<!tpu.dma_semaphore, #tpu.memory_space<semaphore_mem>>) src(%dma_wait3A_874 : memref<128x16xf32, #tpu.memory_space<vmem>>) dst(%dma_wait3A_880 : memref<10112x16xf32, #tpu.memory_space<vmem_shared>>)
      %dma_wait3A_881 = arith.constant 6 : i32
      %dma_wait3A_882 = arith.constant 0 : i32
      %dma_wait3A_883 = arith.constant 0 : i32
      %dma_wait3A_884 = tpu.memref_slice %arg8[%dma_wait3A_881, %dma_wait3A_882, %dma_wait3A_883] : memref<8x128x16xf32, #tpu.memory_space<vmem>> -> memref<1x128x16xf32, #tpu.memory_space<vmem>>
      %dma_wait3A_885 = tpu.memref_squeeze %dma_wait3A_884 : memref<1x128x16xf32, #tpu.memory_space<vmem>> -> memref<128x16xf32, #tpu.memory_space<vmem>>
      %dma_wait3A_886 = arith.constant 0 : i32
      %dma_wait3A_887 = tpu.memref_slice %arg6[%add3A_702, %dma_wait3A_886] : memref<96x128xi32, #tpu.memory_space<vmem>> -> memref<1x128xi32, #tpu.memory_space<vmem>>
      %dma_wait3A_888 = tpu.memref_squeeze %dma_wait3A_887 : memref<1x128xi32, #tpu.memory_space<vmem>> -> memref<128xi32, #tpu.memory_space<vmem>>
      %dma_wait3A_889 = arith.constant 0 : i32
      %dma_wait3A_890 = arith.constant 0 : i32
      %dma_wait3A_891 = tpu.memref_slice %arg12[%dma_wait3A_889, %dma_wait3A_890] : memref<10112x16xf32, #tpu.memory_space<vmem_shared>> -> memref<10112x16xf32, #tpu.memory_space<vmem_shared>>
      tpu.wait_indirect_dma semaphore(%arg15 : memref<!tpu.dma_semaphore, #tpu.memory_space<semaphore_mem>>) src(%dma_wait3A_885 : memref<128x16xf32, #tpu.memory_space<vmem>>) dst(%dma_wait3A_891 : memref<10112x16xf32, #tpu.memory_space<vmem_shared>>)
      %dma_wait3A_892 = arith.constant 7 : i32
      %dma_wait3A_893 = arith.constant 0 : i32
      %dma_wait3A_894 = arith.constant 0 : i32
      %dma_wait3A_895 = tpu.memref_slice %arg8[%dma_wait3A_892, %dma_wait3A_893, %dma_wait3A_894] : memref<8x128x16xf32, #tpu.memory_space<vmem>> -> memref<1x128x16xf32, #tpu.memory_space<vmem>>
      %dma_wait3A_896 = tpu.memref_squeeze %dma_wait3A_895 : memref<1x128x16xf32, #tpu.memory_space<vmem>> -> memref<128x16xf32, #tpu.memory_space<vmem>>
      %dma_wait3A_897 = arith.constant 0 : i32
      %dma_wait3A_898 = tpu.memref_slice %arg6[%add3A_715, %dma_wait3A_897] : memref<96x128xi32, #tpu.memory_space<vmem>> -> memref<1x128xi32, #tpu.memory_space<vmem>>
      %dma_wait3A_899 = tpu.memref_squeeze %dma_wait3A_898 : memref<1x128xi32, #tpu.memory_space<vmem>> -> memref<128xi32, #tpu.memory_space<vmem>>
      %dma_wait3A_900 = arith.constant 0 : i32
      %dma_wait3A_901 = arith.constant 0 : i32
      %dma_wait3A_902 = tpu.memref_slice %arg12[%dma_wait3A_900, %dma_wait3A_901] : memref<10112x16xf32, #tpu.memory_space<vmem_shared>> -> memref<10112x16xf32, #tpu.memory_space<vmem_shared>>
      tpu.wait_indirect_dma semaphore(%arg15 : memref<!tpu.dma_semaphore, #tpu.memory_space<semaphore_mem>>) src(%dma_wait3A_896 : memref<128x16xf32, #tpu.memory_space<vmem>>) dst(%dma_wait3A_902 : memref<10112x16xf32, #tpu.memory_space<vmem_shared>>)
    }
    %barrier3A_123 = arith.constant 0 : index
    tpu.barrier barrier_id(%barrier3A_123)
    %mul3A_124 = arith.constant 625 : i32
    %mul3A_125 = arith.muli %arg1, %mul3A_124 : i32
    "tpu.region"() ({
      %run_scoped3A = tpu.sem_alloc : memref<!tpu.dma_semaphore, #tpu.memory_space<semaphore_mem>>
      %dma_start3A_128 = arith.constant 0 : i32
      %dma_start3A_129 = arith.constant 0 : i32
      %dma_start3A_130 = tpu.memref_slice %arg10[%dma_start3A_128, %dma_start3A_129] : memref<626x16xf32, #tpu.memory_space<vmem>> -> memref<625x16xf32, #tpu.memory_space<vmem>>
      %dma_start3A_131 = arith.constant 0 : i32
      %dma_start3A_132 = tpu.memref_slice %arg12[%mul3A_125, %dma_start3A_131] : memref<10112x16xf32, #tpu.memory_space<vmem_shared>> -> memref<625x16xf32, #tpu.memory_space<vmem_shared>>
      %dma_start3A_133 = arith.constant 0 : i32
      %dma_start3A_134 = arith.constant 0 : i32
      %dma_start3A_135 = tpu.memref_slice %arg10[%dma_start3A_133, %dma_start3A_134] : memref<626x16xf32, #tpu.memory_space<vmem>> -> memref<625x16xf32, #tpu.memory_space<vmem>>
      %dma_start3A_136 = arith.constant 0 : i32
      %dma_start3A_137 = tpu.memref_slice %arg12[%mul3A_125, %dma_start3A_136] : memref<10112x16xf32, #tpu.memory_space<vmem_shared>> -> memref<625x16xf32, #tpu.memory_space<vmem_shared>>
      tpu.enqueue_dma source(%dma_start3A_137 : memref<625x16xf32, #tpu.memory_space<vmem_shared>>) target(%dma_start3A_135 : memref<625x16xf32, #tpu.memory_space<vmem>>) target_semaphore(%run_scoped3A : memref<!tpu.dma_semaphore, #tpu.memory_space<semaphore_mem>>)
      %dma_wait3A_138 = arith.constant 0 : i32
      %dma_wait3A_139 = arith.constant 0 : i32
      %dma_wait3A_140 = tpu.memref_slice %arg10[%dma_wait3A_138, %dma_wait3A_139] : memref<626x16xf32, #tpu.memory_space<vmem>> -> memref<625x16xf32, #tpu.memory_space<vmem>>
      %dma_wait3A_141 = arith.constant 0 : i32
      %dma_wait3A_142 = tpu.memref_slice %arg12[%mul3A_125, %dma_wait3A_141] : memref<10112x16xf32, #tpu.memory_space<vmem_shared>> -> memref<625x16xf32, #tpu.memory_space<vmem_shared>>
      %dma_wait3A_143 = arith.constant 0 : i32
      %dma_wait3A_144 = arith.constant 0 : i32
      %dma_wait3A_145 = tpu.memref_slice %arg10[%dma_wait3A_143, %dma_wait3A_144] : memref<626x16xf32, #tpu.memory_space<vmem>> -> memref<625x16xf32, #tpu.memory_space<vmem>>
      %dma_wait3A_146 = arith.constant 0 : i32
      %dma_wait3A_147 = tpu.memref_slice %arg12[%mul3A_125, %dma_wait3A_146] : memref<10112x16xf32, #tpu.memory_space<vmem_shared>> -> memref<625x16xf32, #tpu.memory_space<vmem_shared>>
      tpu.wait_dma2 semaphore(%run_scoped3A : memref<!tpu.dma_semaphore, #tpu.memory_space<semaphore_mem>>) src(%dma_wait3A_147 : memref<625x16xf32, #tpu.memory_space<vmem_shared>>) dst(%dma_wait3A_145 : memref<625x16xf32, #tpu.memory_space<vmem>>)
      tpu.yield
    }) : () -> ()
    %mul3A_126 = arith.constant 625 : i32
    %mul3A_127 = arith.muli %arg1, %mul3A_126 : i32
    "tpu.region"() ({
      %run_scoped3A = tpu.sem_alloc : memref<!tpu.dma_semaphore, #tpu.memory_space<semaphore_mem>>
      %dma_start3A_128 = arith.constant 0 : i32
      %dma_start3A_129 = arith.constant 0 : i32
      %dma_start3A_130 = tpu.memref_slice %arg10[%dma_start3A_128, %dma_start3A_129] : memref<626x16xf32, #tpu.memory_space<vmem>> -> memref<625x16xf32, #tpu.memory_space<vmem>>
      %dma_start3A_131 = arith.constant 0 : i32
      %dma_start3A_132 = tpu.memref_slice %arg4[%arg0, %mul3A_127, %dma_start3A_131] : memref<2x10000x16xf32, #tpu.memory_space<hbm>> -> memref<1x625x16xf32, #tpu.memory_space<hbm>>
      %dma_start3A_133 = tpu.memref_squeeze %dma_start3A_132 : memref<1x625x16xf32, #tpu.memory_space<hbm>> -> memref<625x16xf32, #tpu.memory_space<hbm>>
      %dma_start3A_134 = arith.constant 0 : i32
      %dma_start3A_135 = tpu.memref_slice %arg4[%arg0, %mul3A_127, %dma_start3A_134] : memref<2x10000x16xf32, #tpu.memory_space<hbm>> -> memref<1x625x16xf32, #tpu.memory_space<hbm>>
      %dma_start3A_136 = tpu.memref_squeeze %dma_start3A_135 : memref<1x625x16xf32, #tpu.memory_space<hbm>> -> memref<625x16xf32, #tpu.memory_space<hbm>>
      %dma_start3A_137 = arith.constant 0 : i32
      %dma_start3A_138 = arith.constant 0 : i32
      %dma_start3A_139 = tpu.memref_slice %arg10[%dma_start3A_137, %dma_start3A_138] : memref<626x16xf32, #tpu.memory_space<vmem>> -> memref<625x16xf32, #tpu.memory_space<vmem>>
      tpu.enqueue_dma source(%dma_start3A_139 : memref<625x16xf32, #tpu.memory_space<vmem>>) target(%dma_start3A_136 : memref<625x16xf32, #tpu.memory_space<hbm>>) target_semaphore(%run_scoped3A : memref<!tpu.dma_semaphore, #tpu.memory_space<semaphore_mem>>)
      %dma_wait3A_140 = arith.constant 0 : i32
      %dma_wait3A_141 = arith.constant 0 : i32
      %dma_wait3A_142 = tpu.memref_slice %arg10[%dma_wait3A_140, %dma_wait3A_141] : memref<626x16xf32, #tpu.memory_space<vmem>> -> memref<625x16xf32, #tpu.memory_space<vmem>>
      %dma_wait3A_143 = arith.constant 0 : i32
      %dma_wait3A_144 = tpu.memref_slice %arg4[%arg0, %mul3A_127, %dma_wait3A_143] : memref<2x10000x16xf32, #tpu.memory_space<hbm>> -> memref<1x625x16xf32, #tpu.memory_space<hbm>>
      %dma_wait3A_145 = tpu.memref_squeeze %dma_wait3A_144 : memref<1x625x16xf32, #tpu.memory_space<hbm>> -> memref<625x16xf32, #tpu.memory_space<hbm>>
      %dma_wait3A_146 = arith.constant 0 : i32
      %dma_wait3A_147 = tpu.memref_slice %arg4[%arg0, %mul3A_127, %dma_wait3A_146] : memref<2x10000x16xf32, #tpu.memory_space<hbm>> -> memref<1x625x16xf32, #tpu.memory_space<hbm>>
      %dma_wait3A_148 = tpu.memref_squeeze %dma_wait3A_147 : memref<1x625x16xf32, #tpu.memory_space<hbm>> -> memref<625x16xf32, #tpu.memory_space<hbm>>
      %dma_wait3A_149 = arith.constant 0 : i32
      %dma_wait3A_150 = arith.constant 0 : i32
      %dma_wait3A_151 = tpu.memref_slice %arg10[%dma_wait3A_149, %dma_wait3A_150] : memref<626x16xf32, #tpu.memory_space<vmem>> -> memref<625x16xf32, #tpu.memory_space<vmem>>
      tpu.wait_dma2 semaphore(%run_scoped3A : memref<!tpu.dma_semaphore, #tpu.memory_space<semaphore_mem>>) src(%dma_wait3A_151 : memref<625x16xf32, #tpu.memory_space<vmem>>) dst(%dma_wait3A_148 : memref<625x16xf32, #tpu.memory_space<hbm>>)
      tpu.yield
    }) : () -> ()
    return
  }
}

#map = affine_map<(d0, d1) -> (0, 0)>
#map1 = affine_map<(d0, d1) -> (0, 0, 0)>
module attributes {stable_mosaic.version = 14 : i64} {
  func.func @spmm(%arg0: i32, %arg1: i32, %arg2: memref<10000x16xf32, #tpu.memory_space<hbm>>, %arg3: memref<2x2656x128xi32, #tpu.memory_space<hbm>>, %arg4: memref<2x10016x16xf32, #tpu.memory_space<hbm>>, %arg5: memref<96x128xi32, #tpu.memory_space<vmem>>, %arg6: memref<96x128xi32, #tpu.memory_space<vmem>>, %arg7: memref<8x128x16xf32, #tpu.memory_space<vmem>>, %arg8: memref<8x128x16xf32, #tpu.memory_space<vmem>>, %arg9: memref<632x16xf32, #tpu.memory_space<vmem>>, %arg10: memref<625x16xf32, #tpu.memory_space<vmem>>, %arg11: memref<625x16xf32, #tpu.memory_space<vmem>>, %arg12: memref<10112x16xf32, #tpu.memory_space<vmem_shared>>, %arg13: memref<10112x16xf32, #tpu.memory_space<vmem_shared>>, %arg14: memref<!tpu.dma_semaphore, #tpu.memory_space<semaphore_mem>>, %arg15: memref<!tpu.dma_semaphore, #tpu.memory_space<semaphore_mem>>) attributes {dimension_semantics = [#tpu.dimension_semantics<core_parallel>, #tpu.dimension_semantics<subcore_parallel>], iteration_bounds = array<i64: 2, 16>, scalar_prefetch = 0 : i64, scratch_operands = 11 : i64, tpu.core_type = #tpu.core_type<sc_vector_subcore>, window_params = [{transform_indices = #map}, {transform_indices = #map1}, {transform_indices = #map1}]} {
    %eq3A = arith.constant 0 : i32
    %eq3A_0 = arith.cmpi eq, %arg0, %eq3A : i32
    %mul3A = arith.constant 96 : i32
    %mul3A_1 = arith.muli %arg1, %mul3A : i32
    %mul3A_2 = arith.constant 64 : i32
    %mul3A_3 = arith.muli %arg1, %mul3A_2 : i32
    %add3A = arith.constant 1536 : i32
    %add3A_4 = arith.addi %add3A, %mul3A_3 : i32
    %select_n3A = arith.select %eq3A_0, %mul3A_1, %add3A_4 : i32
    %eq3A_5 = arith.constant 0 : i32
    %eq3A_6 = arith.cmpi eq, %arg0, %eq3A_5 : i32
    %select_n3A_7 = arith.constant 4 : i32
    %select_n3A_8 = arith.constant 6 : i32
    %select_n3A_9 = arith.select %eq3A_6, %select_n3A_8, %select_n3A_7 : i32
    %dma_start3A = arith.constant 0 : i32
    %dma_start3A_10 = arith.constant 0 : i32
    %dma_start3A_11 = tpu.memref_slice %arg3[%dma_start3A, %select_n3A, %dma_start3A_10] : memref<2x2656x128xi32, #tpu.memory_space<hbm>> -> memref<1x96x128xi32, #tpu.memory_space<hbm>>
    %dma_start3A_12 = tpu.memref_squeeze %dma_start3A_11 : memref<1x96x128xi32, #tpu.memory_space<hbm>> -> memref<96x128xi32, #tpu.memory_space<hbm>>
    %dma_start3A_13 = arith.constant 0 : i32
    %dma_start3A_14 = tpu.memref_slice %arg3[%dma_start3A, %select_n3A, %dma_start3A_13] : memref<2x2656x128xi32, #tpu.memory_space<hbm>> -> memref<1x96x128xi32, #tpu.memory_space<hbm>>
    %dma_start3A_15 = tpu.memref_squeeze %dma_start3A_14 : memref<1x96x128xi32, #tpu.memory_space<hbm>> -> memref<96x128xi32, #tpu.memory_space<hbm>>
    tpu.enqueue_dma source(%dma_start3A_15 : memref<96x128xi32, #tpu.memory_space<hbm>>) target(%arg5 : memref<96x128xi32, #tpu.memory_space<vmem>>) target_semaphore(%arg14 : memref<!tpu.dma_semaphore, #tpu.memory_space<semaphore_mem>>)
    %dma_start3A_16 = arith.constant 1 : i32
    %dma_start3A_17 = arith.constant 0 : i32
    %dma_start3A_18 = tpu.memref_slice %arg3[%dma_start3A_16, %select_n3A, %dma_start3A_17] : memref<2x2656x128xi32, #tpu.memory_space<hbm>> -> memref<1x96x128xi32, #tpu.memory_space<hbm>>
    %dma_start3A_19 = tpu.memref_squeeze %dma_start3A_18 : memref<1x96x128xi32, #tpu.memory_space<hbm>> -> memref<96x128xi32, #tpu.memory_space<hbm>>
    %dma_start3A_20 = arith.constant 0 : i32
    %dma_start3A_21 = tpu.memref_slice %arg3[%dma_start3A_16, %select_n3A, %dma_start3A_20] : memref<2x2656x128xi32, #tpu.memory_space<hbm>> -> memref<1x96x128xi32, #tpu.memory_space<hbm>>
    %dma_start3A_22 = tpu.memref_squeeze %dma_start3A_21 : memref<1x96x128xi32, #tpu.memory_space<hbm>> -> memref<96x128xi32, #tpu.memory_space<hbm>>
    tpu.enqueue_dma source(%dma_start3A_22 : memref<96x128xi32, #tpu.memory_space<hbm>>) target(%arg6 : memref<96x128xi32, #tpu.memory_space<vmem>>) target_semaphore(%arg14 : memref<!tpu.dma_semaphore, #tpu.memory_space<semaphore_mem>>)
    %mul3A_23 = arith.constant 625 : i32
    %mul3A_24 = arith.muli %arg1, %mul3A_23 : i32
    %dma_start3A_25 = arith.constant 0 : i32
    %dma_start3A_26 = tpu.memref_slice %arg2[%mul3A_24, %dma_start3A_25] : memref<10000x16xf32, #tpu.memory_space<hbm>> -> memref<625x16xf32, #tpu.memory_space<hbm>>
    %dma_start3A_27 = arith.constant 0 : i32
    %dma_start3A_28 = tpu.memref_slice %arg2[%mul3A_24, %dma_start3A_27] : memref<10000x16xf32, #tpu.memory_space<hbm>> -> memref<625x16xf32, #tpu.memory_space<hbm>>
    tpu.enqueue_dma source(%dma_start3A_28 : memref<625x16xf32, #tpu.memory_space<hbm>>) target(%arg10 : memref<625x16xf32, #tpu.memory_space<vmem>>) target_semaphore(%arg14 : memref<!tpu.dma_semaphore, #tpu.memory_space<semaphore_mem>>)
    %scan3A = arith.constant 0 : i32
    %scan3A_29 = arith.constant 0 : i32
    %scan3A_30 = arith.constant 632 : i32
    %scan3A_31 = arith.addi %scan3A_29, %scan3A_30 : i32
    %scan3A_32 = arith.constant 8 : i32
    scf.for %scan3A_67 = %scan3A_29 to %scan3A_31 step %scan3A_32  : i32 {
      %broadcast_in_dim3A = arith.constant 0.000000e+00 : f32
      %broadcast_in_dim3A_68 = vector.broadcast %broadcast_in_dim3A : f32 to vector<16xf32>
      %swap3A = arith.index_cast %scan3A_67 : i32 to index
      %swap3A_69 = arith.constant 0 : index
      %swap3A_70 = tpu.vector_load %arg9[%swap3A, %swap3A_69] {strides = array<i32>} : memref<632x16xf32, #tpu.memory_space<vmem>>, vector<1x16xf32>,
      %swap3A_71 = vector.shape_cast %swap3A_70 : vector<1x16xf32> to vector<16xf32>
      %swap3A_72 = vector.shape_cast %broadcast_in_dim3A_68 : vector<16xf32> to vector<1x16xf32>
      tpu.vector_store %arg9[%swap3A, %swap3A_69], %swap3A_72 {strides = array<i32>} : memref<632x16xf32, #tpu.memory_space<vmem>>, vector<1x16xf32>,
      %scan3A_73 = arith.constant 1 : i32
      %scan3A_74 = arith.addi %scan3A_67, %scan3A_73 : i32
      %broadcast_in_dim3A_75 = arith.constant 0.000000e+00 : f32
      %broadcast_in_dim3A_76 = vector.broadcast %broadcast_in_dim3A_75 : f32 to vector<16xf32>
      %swap3A_77 = arith.index_cast %scan3A_74 : i32 to index
      %swap3A_78 = arith.constant 0 : index
      %swap3A_79 = tpu.vector_load %arg9[%swap3A_77, %swap3A_78] {strides = array<i32>} : memref<632x16xf32, #tpu.memory_space<vmem>>, vector<1x16xf32>,
      %swap3A_80 = vector.shape_cast %swap3A_79 : vector<1x16xf32> to vector<16xf32>
      %swap3A_81 = vector.shape_cast %broadcast_in_dim3A_76 : vector<16xf32> to vector<1x16xf32>
      tpu.vector_store %arg9[%swap3A_77, %swap3A_78], %swap3A_81 {strides = array<i32>} : memref<632x16xf32, #tpu.memory_space<vmem>>, vector<1x16xf32>,
      %scan3A_82 = arith.constant 2 : i32
      %scan3A_83 = arith.addi %scan3A_67, %scan3A_82 : i32
      %broadcast_in_dim3A_84 = arith.constant 0.000000e+00 : f32
      %broadcast_in_dim3A_85 = vector.broadcast %broadcast_in_dim3A_84 : f32 to vector<16xf32>
      %swap3A_86 = arith.index_cast %scan3A_83 : i32 to index
      %swap3A_87 = arith.constant 0 : index
      %swap3A_88 = tpu.vector_load %arg9[%swap3A_86, %swap3A_87] {strides = array<i32>} : memref<632x16xf32, #tpu.memory_space<vmem>>, vector<1x16xf32>,
      %swap3A_89 = vector.shape_cast %swap3A_88 : vector<1x16xf32> to vector<16xf32>
      %swap3A_90 = vector.shape_cast %broadcast_in_dim3A_85 : vector<16xf32> to vector<1x16xf32>
      tpu.vector_store %arg9[%swap3A_86, %swap3A_87], %swap3A_90 {strides = array<i32>} : memref<632x16xf32, #tpu.memory_space<vmem>>, vector<1x16xf32>,
      %scan3A_91 = arith.constant 3 : i32
      %scan3A_92 = arith.addi %scan3A_67, %scan3A_91 : i32
      %broadcast_in_dim3A_93 = arith.constant 0.000000e+00 : f32
      %broadcast_in_dim3A_94 = vector.broadcast %broadcast_in_dim3A_93 : f32 to vector<16xf32>
      %swap3A_95 = arith.index_cast %scan3A_92 : i32 to index
      %swap3A_96 = arith.constant 0 : index
      %swap3A_97 = tpu.vector_load %arg9[%swap3A_95, %swap3A_96] {strides = array<i32>} : memref<632x16xf32, #tpu.memory_space<vmem>>, vector<1x16xf32>,
      %swap3A_98 = vector.shape_cast %swap3A_97 : vector<1x16xf32> to vector<16xf32>
      %swap3A_99 = vector.shape_cast %broadcast_in_dim3A_94 : vector<16xf32> to vector<1x16xf32>
      tpu.vector_store %arg9[%swap3A_95, %swap3A_96], %swap3A_99 {strides = array<i32>} : memref<632x16xf32, #tpu.memory_space<vmem>>, vector<1x16xf32>,
      %scan3A_100 = arith.constant 4 : i32
      %scan3A_101 = arith.addi %scan3A_67, %scan3A_100 : i32
      %broadcast_in_dim3A_102 = arith.constant 0.000000e+00 : f32
      %broadcast_in_dim3A_103 = vector.broadcast %broadcast_in_dim3A_102 : f32 to vector<16xf32>
      %swap3A_104 = arith.index_cast %scan3A_101 : i32 to index
      %swap3A_105 = arith.constant 0 : index
      %swap3A_106 = tpu.vector_load %arg9[%swap3A_104, %swap3A_105] {strides = array<i32>} : memref<632x16xf32, #tpu.memory_space<vmem>>, vector<1x16xf32>,
      %swap3A_107 = vector.shape_cast %swap3A_106 : vector<1x16xf32> to vector<16xf32>
      %swap3A_108 = vector.shape_cast %broadcast_in_dim3A_103 : vector<16xf32> to vector<1x16xf32>
      tpu.vector_store %arg9[%swap3A_104, %swap3A_105], %swap3A_108 {strides = array<i32>} : memref<632x16xf32, #tpu.memory_space<vmem>>, vector<1x16xf32>,
      %scan3A_109 = arith.constant 5 : i32
      %scan3A_110 = arith.addi %scan3A_67, %scan3A_109 : i32
      %broadcast_in_dim3A_111 = arith.constant 0.000000e+00 : f32
      %broadcast_in_dim3A_112 = vector.broadcast %broadcast_in_dim3A_111 : f32 to vector<16xf32>
      %swap3A_113 = arith.index_cast %scan3A_110 : i32 to index
      %swap3A_114 = arith.constant 0 : index
      %swap3A_115 = tpu.vector_load %arg9[%swap3A_113, %swap3A_114] {strides = array<i32>} : memref<632x16xf32, #tpu.memory_space<vmem>>, vector<1x16xf32>,
      %swap3A_116 = vector.shape_cast %swap3A_115 : vector<1x16xf32> to vector<16xf32>
      %swap3A_117 = vector.shape_cast %broadcast_in_dim3A_112 : vector<16xf32> to vector<1x16xf32>
      tpu.vector_store %arg9[%swap3A_113, %swap3A_114], %swap3A_117 {strides = array<i32>} : memref<632x16xf32, #tpu.memory_space<vmem>>, vector<1x16xf32>,
      %scan3A_118 = arith.constant 6 : i32
      %scan3A_119 = arith.addi %scan3A_67, %scan3A_118 : i32
      %broadcast_in_dim3A_120 = arith.constant 0.000000e+00 : f32
      %broadcast_in_dim3A_121 = vector.broadcast %broadcast_in_dim3A_120 : f32 to vector<16xf32>
      %swap3A_122 = arith.index_cast %scan3A_119 : i32 to index
      %swap3A_123 = arith.constant 0 : index
      %swap3A_124 = tpu.vector_load %arg9[%swap3A_122, %swap3A_123] {strides = array<i32>} : memref<632x16xf32, #tpu.memory_space<vmem>>, vector<1x16xf32>,
      %swap3A_125 = vector.shape_cast %swap3A_124 : vector<1x16xf32> to vector<16xf32>
      %swap3A_126 = vector.shape_cast %broadcast_in_dim3A_121 : vector<16xf32> to vector<1x16xf32>
      tpu.vector_store %arg9[%swap3A_122, %swap3A_123], %swap3A_126 {strides = array<i32>} : memref<632x16xf32, #tpu.memory_space<vmem>>, vector<1x16xf32>,
      %scan3A_127 = arith.constant 7 : i32
      %scan3A_128 = arith.addi %scan3A_67, %scan3A_127 : i32
      %broadcast_in_dim3A_129 = arith.constant 0.000000e+00 : f32
      %broadcast_in_dim3A_130 = vector.broadcast %broadcast_in_dim3A_129 : f32 to vector<16xf32>
      %swap3A_131 = arith.index_cast %scan3A_128 : i32 to index
      %swap3A_132 = arith.constant 0 : index
      %swap3A_133 = tpu.vector_load %arg9[%swap3A_131, %swap3A_132] {strides = array<i32>} : memref<632x16xf32, #tpu.memory_space<vmem>>, vector<1x16xf32>,
      %swap3A_134 = vector.shape_cast %swap3A_133 : vector<1x16xf32> to vector<16xf32>
      %swap3A_135 = vector.shape_cast %broadcast_in_dim3A_130 : vector<16xf32> to vector<1x16xf32>
      tpu.vector_store %arg9[%swap3A_131, %swap3A_132], %swap3A_135 {strides = array<i32>} : memref<632x16xf32, #tpu.memory_space<vmem>>, vector<1x16xf32>,
    }
    %scan3A_33 = arith.constant 632 : i32
    %mul3A_34 = arith.constant 632 : i32
    %mul3A_35 = arith.muli %arg1, %mul3A_34 : i32
    "tpu.region"() ({
      %run_scoped3A = tpu.sem_alloc : memref<!tpu.dma_semaphore, #tpu.memory_space<semaphore_mem>>
      %dma_start3A_67 = arith.constant 0 : i32
      %dma_start3A_68 = tpu.memref_slice %arg12[%mul3A_35, %dma_start3A_67] : memref<10112x16xf32, #tpu.memory_space<vmem_shared>> -> memref<632x16xf32, #tpu.memory_space<vmem_shared>>
      %dma_start3A_69 = arith.constant 0 : i32
      %dma_start3A_70 = tpu.memref_slice %arg12[%mul3A_35, %dma_start3A_69] : memref<10112x16xf32, #tpu.memory_space<vmem_shared>> -> memref<632x16xf32, #tpu.memory_space<vmem_shared>>
      tpu.enqueue_dma source(%arg9 : memref<632x16xf32, #tpu.memory_space<vmem>>) target(%dma_start3A_70 : memref<632x16xf32, #tpu.memory_space<vmem_shared>>) target_semaphore(%run_scoped3A : memref<!tpu.dma_semaphore, #tpu.memory_space<semaphore_mem>>)
      %dma_wait3A_71 = arith.constant 0 : i32
      %dma_wait3A_72 = tpu.memref_slice %arg12[%mul3A_35, %dma_wait3A_71] : memref<10112x16xf32, #tpu.memory_space<vmem_shared>> -> memref<632x16xf32, #tpu.memory_space<vmem_shared>>
      %dma_wait3A_73 = arith.constant 0 : i32
      %dma_wait3A_74 = tpu.memref_slice %arg12[%mul3A_35, %dma_wait3A_73] : memref<10112x16xf32, #tpu.memory_space<vmem_shared>> -> memref<632x16xf32, #tpu.memory_space<vmem_shared>>
      tpu.wait_dma2 semaphore(%run_scoped3A : memref<!tpu.dma_semaphore, #tpu.memory_space<semaphore_mem>>) src(%arg9 : memref<632x16xf32, #tpu.memory_space<vmem>>) dst(%dma_wait3A_74 : memref<632x16xf32, #tpu.memory_space<vmem_shared>>)
      tpu.yield
    }) : () -> ()
    %dma_wait3A = arith.constant 0 : i32
    %dma_wait3A_36 = arith.constant 0 : i32
    %dma_wait3A_37 = tpu.memref_slice %arg3[%dma_wait3A, %select_n3A, %dma_wait3A_36] : memref<2x2656x128xi32, #tpu.memory_space<hbm>> -> memref<1x96x128xi32, #tpu.memory_space<hbm>>
    %dma_wait3A_38 = tpu.memref_squeeze %dma_wait3A_37 : memref<1x96x128xi32, #tpu.memory_space<hbm>> -> memref<96x128xi32, #tpu.memory_space<hbm>>
    %dma_wait3A_39 = arith.constant 0 : i32
    %dma_wait3A_40 = tpu.memref_slice %arg3[%dma_wait3A, %select_n3A, %dma_wait3A_39] : memref<2x2656x128xi32, #tpu.memory_space<hbm>> -> memref<1x96x128xi32, #tpu.memory_space<hbm>>
    %dma_wait3A_41 = tpu.memref_squeeze %dma_wait3A_40 : memref<1x96x128xi32, #tpu.memory_space<hbm>> -> memref<96x128xi32, #tpu.memory_space<hbm>>
    tpu.wait_dma2 semaphore(%arg14 : memref<!tpu.dma_semaphore, #tpu.memory_space<semaphore_mem>>) src(%dma_wait3A_41 : memref<96x128xi32, #tpu.memory_space<hbm>>) dst(%arg5 : memref<96x128xi32, #tpu.memory_space<vmem>>)
    %dma_wait3A_42 = arith.constant 1 : i32
    %dma_wait3A_43 = arith.constant 0 : i32
    %dma_wait3A_44 = tpu.memref_slice %arg3[%dma_wait3A_42, %select_n3A, %dma_wait3A_43] : memref<2x2656x128xi32, #tpu.memory_space<hbm>> -> memref<1x96x128xi32, #tpu.memory_space<hbm>>
    %dma_wait3A_45 = tpu.memref_squeeze %dma_wait3A_44 : memref<1x96x128xi32, #tpu.memory_space<hbm>> -> memref<96x128xi32, #tpu.memory_space<hbm>>
    %dma_wait3A_46 = arith.constant 0 : i32
    %dma_wait3A_47 = tpu.memref_slice %arg3[%dma_wait3A_42, %select_n3A, %dma_wait3A_46] : memref<2x2656x128xi32, #tpu.memory_space<hbm>> -> memref<1x96x128xi32, #tpu.memory_space<hbm>>
    %dma_wait3A_48 = tpu.memref_squeeze %dma_wait3A_47 : memref<1x96x128xi32, #tpu.memory_space<hbm>> -> memref<96x128xi32, #tpu.memory_space<hbm>>
    tpu.wait_dma2 semaphore(%arg14 : memref<!tpu.dma_semaphore, #tpu.memory_space<semaphore_mem>>) src(%dma_wait3A_48 : memref<96x128xi32, #tpu.memory_space<hbm>>) dst(%arg6 : memref<96x128xi32, #tpu.memory_space<vmem>>)
    %dma_wait3A_49 = arith.constant 0 : i32
    %dma_wait3A_50 = tpu.memref_slice %arg2[%mul3A_24, %dma_wait3A_49] : memref<10000x16xf32, #tpu.memory_space<hbm>> -> memref<625x16xf32, #tpu.memory_space<hbm>>
    %dma_wait3A_51 = arith.constant 0 : i32
    %dma_wait3A_52 = tpu.memref_slice %arg2[%mul3A_24, %dma_wait3A_51] : memref<10000x16xf32, #tpu.memory_space<hbm>> -> memref<625x16xf32, #tpu.memory_space<hbm>>
    tpu.wait_dma2 semaphore(%arg14 : memref<!tpu.dma_semaphore, #tpu.memory_space<semaphore_mem>>) src(%dma_wait3A_52 : memref<625x16xf32, #tpu.memory_space<hbm>>) dst(%arg10 : memref<625x16xf32, #tpu.memory_space<vmem>>)
    "tpu.region"() ({
      %run_scoped3A = tpu.sem_alloc : memref<!tpu.dma_semaphore, #tpu.memory_space<semaphore_mem>>
      %dma_start3A_67 = arith.constant 0 : i32
      %dma_start3A_68 = tpu.memref_slice %arg13[%mul3A_24, %dma_start3A_67] : memref<10112x16xf32, #tpu.memory_space<vmem_shared>> -> memref<625x16xf32, #tpu.memory_space<vmem_shared>>
      %dma_start3A_69 = arith.constant 0 : i32
      %dma_start3A_70 = tpu.memref_slice %arg13[%mul3A_24, %dma_start3A_69] : memref<10112x16xf32, #tpu.memory_space<vmem_shared>> -> memref<625x16xf32, #tpu.memory_space<vmem_shared>>
      tpu.enqueue_dma source(%arg10 : memref<625x16xf32, #tpu.memory_space<vmem>>) target(%dma_start3A_70 : memref<625x16xf32, #tpu.memory_space<vmem_shared>>) target_semaphore(%run_scoped3A : memref<!tpu.dma_semaphore, #tpu.memory_space<semaphore_mem>>)
      %dma_wait3A_71 = arith.constant 0 : i32
      %dma_wait3A_72 = tpu.memref_slice %arg13[%mul3A_24, %dma_wait3A_71] : memref<10112x16xf32, #tpu.memory_space<vmem_shared>> -> memref<625x16xf32, #tpu.memory_space<vmem_shared>>
      %dma_wait3A_73 = arith.constant 0 : i32
      %dma_wait3A_74 = tpu.memref_slice %arg13[%mul3A_24, %dma_wait3A_73] : memref<10112x16xf32, #tpu.memory_space<vmem_shared>> -> memref<625x16xf32, #tpu.memory_space<vmem_shared>>
      tpu.wait_dma2 semaphore(%run_scoped3A : memref<!tpu.dma_semaphore, #tpu.memory_space<semaphore_mem>>) src(%arg10 : memref<625x16xf32, #tpu.memory_space<vmem>>) dst(%dma_wait3A_74 : memref<625x16xf32, #tpu.memory_space<vmem_shared>>)
      tpu.yield
    }) : () -> ()
    %barrier3A = arith.constant 0 : index
    tpu.barrier barrier_id(%barrier3A)
    %while3A = arith.constant 0 : i32
    %while3A_53 = arith.constant 0 : i32
    %while3A_54 = arith.subi %select_n3A_9, %while3A_53 : i32
    %while3A_55 = arith.addi %while3A_53, %while3A_54 : i32
    %while3A_56 = arith.constant 1 : i32
    %while3A_57 = arith.divsi %while3A_54, %while3A_56 : i32
    %while3A_58 = arith.muli %while3A_57, %while3A_56 : i32
    %while3A_59 = arith.addi %while3A_53, %while3A_58 : i32
    %while3A_60 = arith.constant 1 : i32
    scf.for %while3A_67 = %while3A_53 to %while3A_59 step %while3A_60  : i32 {
      %mul3A_68 = arith.constant 2 : i32
      %mul3A_69 = arith.muli %mul3A_68, %while3A_67 : i32
      %mul3A_70 = arith.constant 8 : i32
      %mul3A_71 = arith.muli %mul3A_69, %mul3A_70 : i32
      %add3A_72 = arith.constant 8 : i32
      %add3A_73 = arith.addi %mul3A_71, %add3A_72 : i32
      %add3A_74 = arith.constant 0 : i32
      %add3A_75 = arith.addi %mul3A_71, %add3A_74 : i32
      %dma_start3A_76 = arith.constant 0 : i32
      %dma_start3A_77 = arith.constant 0 : i32
      %dma_start3A_78 = arith.constant 0 : i32
      %dma_start3A_79 = tpu.memref_slice %arg7[%dma_start3A_76, %dma_start3A_77, %dma_start3A_78] : memref<8x128x16xf32, #tpu.memory_space<vmem>> -> memref<1x128x16xf32, #tpu.memory_space<vmem>>
      %dma_start3A_80 = tpu.memref_squeeze %dma_start3A_79 : memref<1x128x16xf32, #tpu.memory_space<vmem>> -> memref<128x16xf32, #tpu.memory_space<vmem>>
      %dma_start3A_81 = arith.constant 0 : i32
      %dma_start3A_82 = tpu.memref_slice %arg5[%add3A_75, %dma_start3A_81] : memref<96x128xi32, #tpu.memory_space<vmem>> -> memref<1x128xi32, #tpu.memory_space<vmem>>
      %dma_start3A_83 = tpu.memref_squeeze %dma_start3A_82 : memref<1x128xi32, #tpu.memory_space<vmem>> -> memref<128xi32, #tpu.memory_space<vmem>>
      %dma_start3A_84 = arith.constant 0 : i32
      %dma_start3A_85 = arith.constant 0 : i32
      %dma_start3A_86 = tpu.memref_slice %arg13[%dma_start3A_84, %dma_start3A_85] : memref<10112x16xf32, #tpu.memory_space<vmem_shared>> -> memref<10112x16xf32, #tpu.memory_space<vmem_shared>>
      tpu.enqueue_indirect_dma source(%dma_start3A_86 : memref<10112x16xf32, #tpu.memory_space<vmem_shared>>) target(%dma_start3A_80 : memref<128x16xf32, #tpu.memory_space<vmem>>) offsets(%dma_start3A_83 : memref<128xi32, #tpu.memory_space<vmem>>) semaphore(%arg14 : memref<!tpu.dma_semaphore, #tpu.memory_space<semaphore_mem>>)
      %add3A_87 = arith.constant 1 : i32
      %add3A_88 = arith.addi %mul3A_71, %add3A_87 : i32
      %dma_start3A_89 = arith.constant 1 : i32
      %dma_start3A_90 = arith.constant 0 : i32
      %dma_start3A_91 = arith.constant 0 : i32
      %dma_start3A_92 = tpu.memref_slice %arg7[%dma_start3A_89, %dma_start3A_90, %dma_start3A_91] : memref<8x128x16xf32, #tpu.memory_space<vmem>> -> memref<1x128x16xf32, #tpu.memory_space<vmem>>
      %dma_start3A_93 = tpu.memref_squeeze %dma_start3A_92 : memref<1x128x16xf32, #tpu.memory_space<vmem>> -> memref<128x16xf32, #tpu.memory_space<vmem>>
      %dma_start3A_94 = arith.constant 0 : i32
      %dma_start3A_95 = tpu.memref_slice %arg5[%add3A_88, %dma_start3A_94] : memref<96x128xi32, #tpu.memory_space<vmem>> -> memref<1x128xi32, #tpu.memory_space<vmem>>
      %dma_start3A_96 = tpu.memref_squeeze %dma_start3A_95 : memref<1x128xi32, #tpu.memory_space<vmem>> -> memref<128xi32, #tpu.memory_space<vmem>>
      %dma_start3A_97 = arith.constant 0 : i32
      %dma_start3A_98 = arith.constant 0 : i32
      %dma_start3A_99 = tpu.memref_slice %arg13[%dma_start3A_97, %dma_start3A_98] : memref<10112x16xf32, #tpu.memory_space<vmem_shared>> -> memref<10112x16xf32, #tpu.memory_space<vmem_shared>>
      tpu.enqueue_indirect_dma source(%dma_start3A_99 : memref<10112x16xf32, #tpu.memory_space<vmem_shared>>) target(%dma_start3A_93 : memref<128x16xf32, #tpu.memory_space<vmem>>) offsets(%dma_start3A_96 : memref<128xi32, #tpu.memory_space<vmem>>) semaphore(%arg14 : memref<!tpu.dma_semaphore, #tpu.memory_space<semaphore_mem>>)
      %add3A_100 = arith.constant 2 : i32
      %add3A_101 = arith.addi %mul3A_71, %add3A_100 : i32
      %dma_start3A_102 = arith.constant 2 : i32
      %dma_start3A_103 = arith.constant 0 : i32
      %dma_start3A_104 = arith.constant 0 : i32
      %dma_start3A_105 = tpu.memref_slice %arg7[%dma_start3A_102, %dma_start3A_103, %dma_start3A_104] : memref<8x128x16xf32, #tpu.memory_space<vmem>> -> memref<1x128x16xf32, #tpu.memory_space<vmem>>
      %dma_start3A_106 = tpu.memref_squeeze %dma_start3A_105 : memref<1x128x16xf32, #tpu.memory_space<vmem>> -> memref<128x16xf32, #tpu.memory_space<vmem>>
      %dma_start3A_107 = arith.constant 0 : i32
      %dma_start3A_108 = tpu.memref_slice %arg5[%add3A_101, %dma_start3A_107] : memref<96x128xi32, #tpu.memory_space<vmem>> -> memref<1x128xi32, #tpu.memory_space<vmem>>
      %dma_start3A_109 = tpu.memref_squeeze %dma_start3A_108 : memref<1x128xi32, #tpu.memory_space<vmem>> -> memref<128xi32, #tpu.memory_space<vmem>>
      %dma_start3A_110 = arith.constant 0 : i32
      %dma_start3A_111 = arith.constant 0 : i32
      %dma_start3A_112 = tpu.memref_slice %arg13[%dma_start3A_110, %dma_start3A_111] : memref<10112x16xf32, #tpu.memory_space<vmem_shared>> -> memref<10112x16xf32, #tpu.memory_space<vmem_shared>>
      tpu.enqueue_indirect_dma source(%dma_start3A_112 : memref<10112x16xf32, #tpu.memory_space<vmem_shared>>) target(%dma_start3A_106 : memref<128x16xf32, #tpu.memory_space<vmem>>) offsets(%dma_start3A_109 : memref<128xi32, #tpu.memory_space<vmem>>) semaphore(%arg14 : memref<!tpu.dma_semaphore, #tpu.memory_space<semaphore_mem>>)
      %add3A_113 = arith.constant 3 : i32
      %add3A_114 = arith.addi %mul3A_71, %add3A_113 : i32
      %dma_start3A_115 = arith.constant 3 : i32
      %dma_start3A_116 = arith.constant 0 : i32
      %dma_start3A_117 = arith.constant 0 : i32
      %dma_start3A_118 = tpu.memref_slice %arg7[%dma_start3A_115, %dma_start3A_116, %dma_start3A_117] : memref<8x128x16xf32, #tpu.memory_space<vmem>> -> memref<1x128x16xf32, #tpu.memory_space<vmem>>
      %dma_start3A_119 = tpu.memref_squeeze %dma_start3A_118 : memref<1x128x16xf32, #tpu.memory_space<vmem>> -> memref<128x16xf32, #tpu.memory_space<vmem>>
      %dma_start3A_120 = arith.constant 0 : i32
      %dma_start3A_121 = tpu.memref_slice %arg5[%add3A_114, %dma_start3A_120] : memref<96x128xi32, #tpu.memory_space<vmem>> -> memref<1x128xi32, #tpu.memory_space<vmem>>
      %dma_start3A_122 = tpu.memref_squeeze %dma_start3A_121 : memref<1x128xi32, #tpu.memory_space<vmem>> -> memref<128xi32, #tpu.memory_space<vmem>>
      %dma_start3A_123 = arith.constant 0 : i32
      %dma_start3A_124 = arith.constant 0 : i32
      %dma_start3A_125 = tpu.memref_slice %arg13[%dma_start3A_123, %dma_start3A_124] : memref<10112x16xf32, #tpu.memory_space<vmem_shared>> -> memref<10112x16xf32, #tpu.memory_space<vmem_shared>>
      tpu.enqueue_indirect_dma source(%dma_start3A_125 : memref<10112x16xf32, #tpu.memory_space<vmem_shared>>) target(%dma_start3A_119 : memref<128x16xf32, #tpu.memory_space<vmem>>) offsets(%dma_start3A_122 : memref<128xi32, #tpu.memory_space<vmem>>) semaphore(%arg14 : memref<!tpu.dma_semaphore, #tpu.memory_space<semaphore_mem>>)
      %add3A_126 = arith.constant 4 : i32
      %add3A_127 = arith.addi %mul3A_71, %add3A_126 : i32
      %dma_start3A_128 = arith.constant 4 : i32
      %dma_start3A_129 = arith.constant 0 : i32
      %dma_start3A_130 = arith.constant 0 : i32
      %dma_start3A_131 = tpu.memref_slice %arg7[%dma_start3A_128, %dma_start3A_129, %dma_start3A_130] : memref<8x128x16xf32, #tpu.memory_space<vmem>> -> memref<1x128x16xf32, #tpu.memory_space<vmem>>
      %dma_start3A_132 = tpu.memref_squeeze %dma_start3A_131 : memref<1x128x16xf32, #tpu.memory_space<vmem>> -> memref<128x16xf32, #tpu.memory_space<vmem>>
      %dma_start3A_133 = arith.constant 0 : i32
      %dma_start3A_134 = tpu.memref_slice %arg5[%add3A_127, %dma_start3A_133] : memref<96x128xi32, #tpu.memory_space<vmem>> -> memref<1x128xi32, #tpu.memory_space<vmem>>
      %dma_start3A_135 = tpu.memref_squeeze %dma_start3A_134 : memref<1x128xi32, #tpu.memory_space<vmem>> -> memref<128xi32, #tpu.memory_space<vmem>>
      %dma_start3A_136 = arith.constant 0 : i32
      %dma_start3A_137 = arith.constant 0 : i32
      %dma_start3A_138 = tpu.memref_slice %arg13[%dma_start3A_136, %dma_start3A_137] : memref<10112x16xf32, #tpu.memory_space<vmem_shared>> -> memref<10112x16xf32, #tpu.memory_space<vmem_shared>>
      tpu.enqueue_indirect_dma source(%dma_start3A_138 : memref<10112x16xf32, #tpu.memory_space<vmem_shared>>) target(%dma_start3A_132 : memref<128x16xf32, #tpu.memory_space<vmem>>) offsets(%dma_start3A_135 : memref<128xi32, #tpu.memory_space<vmem>>) semaphore(%arg14 : memref<!tpu.dma_semaphore, #tpu.memory_space<semaphore_mem>>)
      %add3A_139 = arith.constant 5 : i32
      %add3A_140 = arith.addi %mul3A_71, %add3A_139 : i32
      %dma_start3A_141 = arith.constant 5 : i32
      %dma_start3A_142 = arith.constant 0 : i32
      %dma_start3A_143 = arith.constant 0 : i32
      %dma_start3A_144 = tpu.memref_slice %arg7[%dma_start3A_141, %dma_start3A_142, %dma_start3A_143] : memref<8x128x16xf32, #tpu.memory_space<vmem>> -> memref<1x128x16xf32, #tpu.memory_space<vmem>>
      %dma_start3A_145 = tpu.memref_squeeze %dma_start3A_144 : memref<1x128x16xf32, #tpu.memory_space<vmem>> -> memref<128x16xf32, #tpu.memory_space<vmem>>
      %dma_start3A_146 = arith.constant 0 : i32
      %dma_start3A_147 = tpu.memref_slice %arg5[%add3A_140, %dma_start3A_146] : memref<96x128xi32, #tpu.memory_space<vmem>> -> memref<1x128xi32, #tpu.memory_space<vmem>>
      %dma_start3A_148 = tpu.memref_squeeze %dma_start3A_147 : memref<1x128xi32, #tpu.memory_space<vmem>> -> memref<128xi32, #tpu.memory_space<vmem>>
      %dma_start3A_149 = arith.constant 0 : i32
      %dma_start3A_150 = arith.constant 0 : i32
      %dma_start3A_151 = tpu.memref_slice %arg13[%dma_start3A_149, %dma_start3A_150] : memref<10112x16xf32, #tpu.memory_space<vmem_shared>> -> memref<10112x16xf32, #tpu.memory_space<vmem_shared>>
      tpu.enqueue_indirect_dma source(%dma_start3A_151 : memref<10112x16xf32, #tpu.memory_space<vmem_shared>>) target(%dma_start3A_145 : memref<128x16xf32, #tpu.memory_space<vmem>>) offsets(%dma_start3A_148 : memref<128xi32, #tpu.memory_space<vmem>>) semaphore(%arg14 : memref<!tpu.dma_semaphore, #tpu.memory_space<semaphore_mem>>)
      %add3A_152 = arith.constant 6 : i32
      %add3A_153 = arith.addi %mul3A_71, %add3A_152 : i32
      %dma_start3A_154 = arith.constant 6 : i32
      %dma_start3A_155 = arith.constant 0 : i32
      %dma_start3A_156 = arith.constant 0 : i32
      %dma_start3A_157 = tpu.memref_slice %arg7[%dma_start3A_154, %dma_start3A_155, %dma_start3A_156] : memref<8x128x16xf32, #tpu.memory_space<vmem>> -> memref<1x128x16xf32, #tpu.memory_space<vmem>>
      %dma_start3A_158 = tpu.memref_squeeze %dma_start3A_157 : memref<1x128x16xf32, #tpu.memory_space<vmem>> -> memref<128x16xf32, #tpu.memory_space<vmem>>
      %dma_start3A_159 = arith.constant 0 : i32
      %dma_start3A_160 = tpu.memref_slice %arg5[%add3A_153, %dma_start3A_159] : memref<96x128xi32, #tpu.memory_space<vmem>> -> memref<1x128xi32, #tpu.memory_space<vmem>>
      %dma_start3A_161 = tpu.memref_squeeze %dma_start3A_160 : memref<1x128xi32, #tpu.memory_space<vmem>> -> memref<128xi32, #tpu.memory_space<vmem>>
      %dma_start3A_162 = arith.constant 0 : i32
      %dma_start3A_163 = arith.constant 0 : i32
      %dma_start3A_164 = tpu.memref_slice %arg13[%dma_start3A_162, %dma_start3A_163] : memref<10112x16xf32, #tpu.memory_space<vmem_shared>> -> memref<10112x16xf32, #tpu.memory_space<vmem_shared>>
      tpu.enqueue_indirect_dma source(%dma_start3A_164 : memref<10112x16xf32, #tpu.memory_space<vmem_shared>>) target(%dma_start3A_158 : memref<128x16xf32, #tpu.memory_space<vmem>>) offsets(%dma_start3A_161 : memref<128xi32, #tpu.memory_space<vmem>>) semaphore(%arg14 : memref<!tpu.dma_semaphore, #tpu.memory_space<semaphore_mem>>)
      %add3A_165 = arith.constant 7 : i32
      %add3A_166 = arith.addi %mul3A_71, %add3A_165 : i32
      %dma_start3A_167 = arith.constant 7 : i32
      %dma_start3A_168 = arith.constant 0 : i32
      %dma_start3A_169 = arith.constant 0 : i32
      %dma_start3A_170 = tpu.memref_slice %arg7[%dma_start3A_167, %dma_start3A_168, %dma_start3A_169] : memref<8x128x16xf32, #tpu.memory_space<vmem>> -> memref<1x128x16xf32, #tpu.memory_space<vmem>>
      %dma_start3A_171 = tpu.memref_squeeze %dma_start3A_170 : memref<1x128x16xf32, #tpu.memory_space<vmem>> -> memref<128x16xf32, #tpu.memory_space<vmem>>
      %dma_start3A_172 = arith.constant 0 : i32
      %dma_start3A_173 = tpu.memref_slice %arg5[%add3A_166, %dma_start3A_172] : memref<96x128xi32, #tpu.memory_space<vmem>> -> memref<1x128xi32, #tpu.memory_space<vmem>>
      %dma_start3A_174 = tpu.memref_squeeze %dma_start3A_173 : memref<1x128xi32, #tpu.memory_space<vmem>> -> memref<128xi32, #tpu.memory_space<vmem>>
      %dma_start3A_175 = arith.constant 0 : i32
      %dma_start3A_176 = arith.constant 0 : i32
      %dma_start3A_177 = tpu.memref_slice %arg13[%dma_start3A_175, %dma_start3A_176] : memref<10112x16xf32, #tpu.memory_space<vmem_shared>> -> memref<10112x16xf32, #tpu.memory_space<vmem_shared>>
      tpu.enqueue_indirect_dma source(%dma_start3A_177 : memref<10112x16xf32, #tpu.memory_space<vmem_shared>>) target(%dma_start3A_171 : memref<128x16xf32, #tpu.memory_space<vmem>>) offsets(%dma_start3A_174 : memref<128xi32, #tpu.memory_space<vmem>>) semaphore(%arg14 : memref<!tpu.dma_semaphore, #tpu.memory_space<semaphore_mem>>)
      %add3A_178 = arith.constant 0 : i32
      %add3A_179 = arith.addi %add3A_73, %add3A_178 : i32
      %dma_start3A_180 = arith.constant 0 : i32
      %dma_start3A_181 = arith.constant 0 : i32
      %dma_start3A_182 = arith.constant 0 : i32
      %dma_start3A_183 = tpu.memref_slice %arg8[%dma_start3A_180, %dma_start3A_181, %dma_start3A_182] : memref<8x128x16xf32, #tpu.memory_space<vmem>> -> memref<1x128x16xf32, #tpu.memory_space<vmem>>
      %dma_start3A_184 = tpu.memref_squeeze %dma_start3A_183 : memref<1x128x16xf32, #tpu.memory_space<vmem>> -> memref<128x16xf32, #tpu.memory_space<vmem>>
      %dma_start3A_185 = arith.constant 0 : i32
      %dma_start3A_186 = tpu.memref_slice %arg5[%add3A_179, %dma_start3A_185] : memref<96x128xi32, #tpu.memory_space<vmem>> -> memref<1x128xi32, #tpu.memory_space<vmem>>
      %dma_start3A_187 = tpu.memref_squeeze %dma_start3A_186 : memref<1x128xi32, #tpu.memory_space<vmem>> -> memref<128xi32, #tpu.memory_space<vmem>>
      %dma_start3A_188 = arith.constant 0 : i32
      %dma_start3A_189 = arith.constant 0 : i32
      %dma_start3A_190 = tpu.memref_slice %arg13[%dma_start3A_188, %dma_start3A_189] : memref<10112x16xf32, #tpu.memory_space<vmem_shared>> -> memref<10112x16xf32, #tpu.memory_space<vmem_shared>>
      tpu.enqueue_indirect_dma source(%dma_start3A_190 : memref<10112x16xf32, #tpu.memory_space<vmem_shared>>) target(%dma_start3A_184 : memref<128x16xf32, #tpu.memory_space<vmem>>) offsets(%dma_start3A_187 : memref<128xi32, #tpu.memory_space<vmem>>) semaphore(%arg14 : memref<!tpu.dma_semaphore, #tpu.memory_space<semaphore_mem>>)
      %add3A_191 = arith.constant 1 : i32
      %add3A_192 = arith.addi %add3A_73, %add3A_191 : i32
      %dma_start3A_193 = arith.constant 1 : i32
      %dma_start3A_194 = arith.constant 0 : i32
      %dma_start3A_195 = arith.constant 0 : i32
      %dma_start3A_196 = tpu.memref_slice %arg8[%dma_start3A_193, %dma_start3A_194, %dma_start3A_195] : memref<8x128x16xf32, #tpu.memory_space<vmem>> -> memref<1x128x16xf32, #tpu.memory_space<vmem>>
      %dma_start3A_197 = tpu.memref_squeeze %dma_start3A_196 : memref<1x128x16xf32, #tpu.memory_space<vmem>> -> memref<128x16xf32, #tpu.memory_space<vmem>>
      %dma_start3A_198 = arith.constant 0 : i32
      %dma_start3A_199 = tpu.memref_slice %arg5[%add3A_192, %dma_start3A_198] : memref<96x128xi32, #tpu.memory_space<vmem>> -> memref<1x128xi32, #tpu.memory_space<vmem>>
      %dma_start3A_200 = tpu.memref_squeeze %dma_start3A_199 : memref<1x128xi32, #tpu.memory_space<vmem>> -> memref<128xi32, #tpu.memory_space<vmem>>
      %dma_start3A_201 = arith.constant 0 : i32
      %dma_start3A_202 = arith.constant 0 : i32
      %dma_start3A_203 = tpu.memref_slice %arg13[%dma_start3A_201, %dma_start3A_202] : memref<10112x16xf32, #tpu.memory_space<vmem_shared>> -> memref<10112x16xf32, #tpu.memory_space<vmem_shared>>
      tpu.enqueue_indirect_dma source(%dma_start3A_203 : memref<10112x16xf32, #tpu.memory_space<vmem_shared>>) target(%dma_start3A_197 : memref<128x16xf32, #tpu.memory_space<vmem>>) offsets(%dma_start3A_200 : memref<128xi32, #tpu.memory_space<vmem>>) semaphore(%arg14 : memref<!tpu.dma_semaphore, #tpu.memory_space<semaphore_mem>>)
      %add3A_204 = arith.constant 2 : i32
      %add3A_205 = arith.addi %add3A_73, %add3A_204 : i32
      %dma_start3A_206 = arith.constant 2 : i32
      %dma_start3A_207 = arith.constant 0 : i32
      %dma_start3A_208 = arith.constant 0 : i32
      %dma_start3A_209 = tpu.memref_slice %arg8[%dma_start3A_206, %dma_start3A_207, %dma_start3A_208] : memref<8x128x16xf32, #tpu.memory_space<vmem>> -> memref<1x128x16xf32, #tpu.memory_space<vmem>>
      %dma_start3A_210 = tpu.memref_squeeze %dma_start3A_209 : memref<1x128x16xf32, #tpu.memory_space<vmem>> -> memref<128x16xf32, #tpu.memory_space<vmem>>
      %dma_start3A_211 = arith.constant 0 : i32
      %dma_start3A_212 = tpu.memref_slice %arg5[%add3A_205, %dma_start3A_211] : memref<96x128xi32, #tpu.memory_space<vmem>> -> memref<1x128xi32, #tpu.memory_space<vmem>>
      %dma_start3A_213 = tpu.memref_squeeze %dma_start3A_212 : memref<1x128xi32, #tpu.memory_space<vmem>> -> memref<128xi32, #tpu.memory_space<vmem>>
      %dma_start3A_214 = arith.constant 0 : i32
      %dma_start3A_215 = arith.constant 0 : i32
      %dma_start3A_216 = tpu.memref_slice %arg13[%dma_start3A_214, %dma_start3A_215] : memref<10112x16xf32, #tpu.memory_space<vmem_shared>> -> memref<10112x16xf32, #tpu.memory_space<vmem_shared>>
      tpu.enqueue_indirect_dma source(%dma_start3A_216 : memref<10112x16xf32, #tpu.memory_space<vmem_shared>>) target(%dma_start3A_210 : memref<128x16xf32, #tpu.memory_space<vmem>>) offsets(%dma_start3A_213 : memref<128xi32, #tpu.memory_space<vmem>>) semaphore(%arg14 : memref<!tpu.dma_semaphore, #tpu.memory_space<semaphore_mem>>)
      %add3A_217 = arith.constant 3 : i32
      %add3A_218 = arith.addi %add3A_73, %add3A_217 : i32
      %dma_start3A_219 = arith.constant 3 : i32
      %dma_start3A_220 = arith.constant 0 : i32
      %dma_start3A_221 = arith.constant 0 : i32
      %dma_start3A_222 = tpu.memref_slice %arg8[%dma_start3A_219, %dma_start3A_220, %dma_start3A_221] : memref<8x128x16xf32, #tpu.memory_space<vmem>> -> memref<1x128x16xf32, #tpu.memory_space<vmem>>
      %dma_start3A_223 = tpu.memref_squeeze %dma_start3A_222 : memref<1x128x16xf32, #tpu.memory_space<vmem>> -> memref<128x16xf32, #tpu.memory_space<vmem>>
      %dma_start3A_224 = arith.constant 0 : i32
      %dma_start3A_225 = tpu.memref_slice %arg5[%add3A_218, %dma_start3A_224] : memref<96x128xi32, #tpu.memory_space<vmem>> -> memref<1x128xi32, #tpu.memory_space<vmem>>
      %dma_start3A_226 = tpu.memref_squeeze %dma_start3A_225 : memref<1x128xi32, #tpu.memory_space<vmem>> -> memref<128xi32, #tpu.memory_space<vmem>>
      %dma_start3A_227 = arith.constant 0 : i32
      %dma_start3A_228 = arith.constant 0 : i32
      %dma_start3A_229 = tpu.memref_slice %arg13[%dma_start3A_227, %dma_start3A_228] : memref<10112x16xf32, #tpu.memory_space<vmem_shared>> -> memref<10112x16xf32, #tpu.memory_space<vmem_shared>>
      tpu.enqueue_indirect_dma source(%dma_start3A_229 : memref<10112x16xf32, #tpu.memory_space<vmem_shared>>) target(%dma_start3A_223 : memref<128x16xf32, #tpu.memory_space<vmem>>) offsets(%dma_start3A_226 : memref<128xi32, #tpu.memory_space<vmem>>) semaphore(%arg14 : memref<!tpu.dma_semaphore, #tpu.memory_space<semaphore_mem>>)
      %add3A_230 = arith.constant 4 : i32
      %add3A_231 = arith.addi %add3A_73, %add3A_230 : i32
      %dma_start3A_232 = arith.constant 4 : i32
      %dma_start3A_233 = arith.constant 0 : i32
      %dma_start3A_234 = arith.constant 0 : i32
      %dma_start3A_235 = tpu.memref_slice %arg8[%dma_start3A_232, %dma_start3A_233, %dma_start3A_234] : memref<8x128x16xf32, #tpu.memory_space<vmem>> -> memref<1x128x16xf32, #tpu.memory_space<vmem>>
      %dma_start3A_236 = tpu.memref_squeeze %dma_start3A_235 : memref<1x128x16xf32, #tpu.memory_space<vmem>> -> memref<128x16xf32, #tpu.memory_space<vmem>>
      %dma_start3A_237 = arith.constant 0 : i32
      %dma_start3A_238 = tpu.memref_slice %arg5[%add3A_231, %dma_start3A_237] : memref<96x128xi32, #tpu.memory_space<vmem>> -> memref<1x128xi32, #tpu.memory_space<vmem>>
      %dma_start3A_239 = tpu.memref_squeeze %dma_start3A_238 : memref<1x128xi32, #tpu.memory_space<vmem>> -> memref<128xi32, #tpu.memory_space<vmem>>
      %dma_start3A_240 = arith.constant 0 : i32
      %dma_start3A_241 = arith.constant 0 : i32
      %dma_start3A_242 = tpu.memref_slice %arg13[%dma_start3A_240, %dma_start3A_241] : memref<10112x16xf32, #tpu.memory_space<vmem_shared>> -> memref<10112x16xf32, #tpu.memory_space<vmem_shared>>
      tpu.enqueue_indirect_dma source(%dma_start3A_242 : memref<10112x16xf32, #tpu.memory_space<vmem_shared>>) target(%dma_start3A_236 : memref<128x16xf32, #tpu.memory_space<vmem>>) offsets(%dma_start3A_239 : memref<128xi32, #tpu.memory_space<vmem>>) semaphore(%arg14 : memref<!tpu.dma_semaphore, #tpu.memory_space<semaphore_mem>>)
      %add3A_243 = arith.constant 5 : i32
      %add3A_244 = arith.addi %add3A_73, %add3A_243 : i32
      %dma_start3A_245 = arith.constant 5 : i32
      %dma_start3A_246 = arith.constant 0 : i32
      %dma_start3A_247 = arith.constant 0 : i32
      %dma_start3A_248 = tpu.memref_slice %arg8[%dma_start3A_245, %dma_start3A_246, %dma_start3A_247] : memref<8x128x16xf32, #tpu.memory_space<vmem>> -> memref<1x128x16xf32, #tpu.memory_space<vmem>>
      %dma_start3A_249 = tpu.memref_squeeze %dma_start3A_248 : memref<1x128x16xf32, #tpu.memory_space<vmem>> -> memref<128x16xf32, #tpu.memory_space<vmem>>
      %dma_start3A_250 = arith.constant 0 : i32
      %dma_start3A_251 = tpu.memref_slice %arg5[%add3A_244, %dma_start3A_250] : memref<96x128xi32, #tpu.memory_space<vmem>> -> memref<1x128xi32, #tpu.memory_space<vmem>>
      %dma_start3A_252 = tpu.memref_squeeze %dma_start3A_251 : memref<1x128xi32, #tpu.memory_space<vmem>> -> memref<128xi32, #tpu.memory_space<vmem>>
      %dma_start3A_253 = arith.constant 0 : i32
      %dma_start3A_254 = arith.constant 0 : i32
      %dma_start3A_255 = tpu.memref_slice %arg13[%dma_start3A_253, %dma_start3A_254] : memref<10112x16xf32, #tpu.memory_space<vmem_shared>> -> memref<10112x16xf32, #tpu.memory_space<vmem_shared>>
      tpu.enqueue_indirect_dma source(%dma_start3A_255 : memref<10112x16xf32, #tpu.memory_space<vmem_shared>>) target(%dma_start3A_249 : memref<128x16xf32, #tpu.memory_space<vmem>>) offsets(%dma_start3A_252 : memref<128xi32, #tpu.memory_space<vmem>>) semaphore(%arg14 : memref<!tpu.dma_semaphore, #tpu.memory_space<semaphore_mem>>)
      %add3A_256 = arith.constant 6 : i32
      %add3A_257 = arith.addi %add3A_73, %add3A_256 : i32
      %dma_start3A_258 = arith.constant 6 : i32
      %dma_start3A_259 = arith.constant 0 : i32
      %dma_start3A_260 = arith.constant 0 : i32
      %dma_start3A_261 = tpu.memref_slice %arg8[%dma_start3A_258, %dma_start3A_259, %dma_start3A_260] : memref<8x128x16xf32, #tpu.memory_space<vmem>> -> memref<1x128x16xf32, #tpu.memory_space<vmem>>
      %dma_start3A_262 = tpu.memref_squeeze %dma_start3A_261 : memref<1x128x16xf32, #tpu.memory_space<vmem>> -> memref<128x16xf32, #tpu.memory_space<vmem>>
      %dma_start3A_263 = arith.constant 0 : i32
      %dma_start3A_264 = tpu.memref_slice %arg5[%add3A_257, %dma_start3A_263] : memref<96x128xi32, #tpu.memory_space<vmem>> -> memref<1x128xi32, #tpu.memory_space<vmem>>
      %dma_start3A_265 = tpu.memref_squeeze %dma_start3A_264 : memref<1x128xi32, #tpu.memory_space<vmem>> -> memref<128xi32, #tpu.memory_space<vmem>>
      %dma_start3A_266 = arith.constant 0 : i32
      %dma_start3A_267 = arith.constant 0 : i32
      %dma_start3A_268 = tpu.memref_slice %arg13[%dma_start3A_266, %dma_start3A_267] : memref<10112x16xf32, #tpu.memory_space<vmem_shared>> -> memref<10112x16xf32, #tpu.memory_space<vmem_shared>>
      tpu.enqueue_indirect_dma source(%dma_start3A_268 : memref<10112x16xf32, #tpu.memory_space<vmem_shared>>) target(%dma_start3A_262 : memref<128x16xf32, #tpu.memory_space<vmem>>) offsets(%dma_start3A_265 : memref<128xi32, #tpu.memory_space<vmem>>) semaphore(%arg14 : memref<!tpu.dma_semaphore, #tpu.memory_space<semaphore_mem>>)
      %add3A_269 = arith.constant 7 : i32
      %add3A_270 = arith.addi %add3A_73, %add3A_269 : i32
      %dma_start3A_271 = arith.constant 7 : i32
      %dma_start3A_272 = arith.constant 0 : i32
      %dma_start3A_273 = arith.constant 0 : i32
      %dma_start3A_274 = tpu.memref_slice %arg8[%dma_start3A_271, %dma_start3A_272, %dma_start3A_273] : memref<8x128x16xf32, #tpu.memory_space<vmem>> -> memref<1x128x16xf32, #tpu.memory_space<vmem>>
      %dma_start3A_275 = tpu.memref_squeeze %dma_start3A_274 : memref<1x128x16xf32, #tpu.memory_space<vmem>> -> memref<128x16xf32, #tpu.memory_space<vmem>>
      %dma_start3A_276 = arith.constant 0 : i32
      %dma_start3A_277 = tpu.memref_slice %arg5[%add3A_270, %dma_start3A_276] : memref<96x128xi32, #tpu.memory_space<vmem>> -> memref<1x128xi32, #tpu.memory_space<vmem>>
      %dma_start3A_278 = tpu.memref_squeeze %dma_start3A_277 : memref<1x128xi32, #tpu.memory_space<vmem>> -> memref<128xi32, #tpu.memory_space<vmem>>
      %dma_start3A_279 = arith.constant 0 : i32
      %dma_start3A_280 = arith.constant 0 : i32
      %dma_start3A_281 = tpu.memref_slice %arg13[%dma_start3A_279, %dma_start3A_280] : memref<10112x16xf32, #tpu.memory_space<vmem_shared>> -> memref<10112x16xf32, #tpu.memory_space<vmem_shared>>
      tpu.enqueue_indirect_dma source(%dma_start3A_281 : memref<10112x16xf32, #tpu.memory_space<vmem_shared>>) target(%dma_start3A_275 : memref<128x16xf32, #tpu.memory_space<vmem>>) offsets(%dma_start3A_278 : memref<128xi32, #tpu.memory_space<vmem>>) semaphore(%arg14 : memref<!tpu.dma_semaphore, #tpu.memory_space<semaphore_mem>>)
      %dma_wait3A_282 = arith.constant 0 : i32
      %dma_wait3A_283 = arith.constant 0 : i32
      %dma_wait3A_284 = arith.constant 0 : i32
      %dma_wait3A_285 = tpu.memref_slice %arg7[%dma_wait3A_282, %dma_wait3A_283, %dma_wait3A_284] : memref<8x128x16xf32, #tpu.memory_space<vmem>> -> memref<1x128x16xf32, #tpu.memory_space<vmem>>
      %dma_wait3A_286 = tpu.memref_squeeze %dma_wait3A_285 : memref<1x128x16xf32, #tpu.memory_space<vmem>> -> memref<128x16xf32, #tpu.memory_space<vmem>>
      %dma_wait3A_287 = arith.constant 0 : i32
      %dma_wait3A_288 = tpu.memref_slice %arg5[%add3A_75, %dma_wait3A_287] : memref<96x128xi32, #tpu.memory_space<vmem>> -> memref<1x128xi32, #tpu.memory_space<vmem>>
      %dma_wait3A_289 = tpu.memref_squeeze %dma_wait3A_288 : memref<1x128xi32, #tpu.memory_space<vmem>> -> memref<128xi32, #tpu.memory_space<vmem>>
      %dma_wait3A_290 = arith.constant 0 : i32
      %dma_wait3A_291 = arith.constant 0 : i32
      %dma_wait3A_292 = tpu.memref_slice %arg13[%dma_wait3A_290, %dma_wait3A_291] : memref<10112x16xf32, #tpu.memory_space<vmem_shared>> -> memref<10112x16xf32, #tpu.memory_space<vmem_shared>>
      tpu.wait_indirect_dma semaphore(%arg14 : memref<!tpu.dma_semaphore, #tpu.memory_space<semaphore_mem>>) src(%dma_wait3A_292 : memref<10112x16xf32, #tpu.memory_space<vmem_shared>>) dst(%dma_wait3A_286 : memref<128x16xf32, #tpu.memory_space<vmem>>)
      %dma_wait3A_293 = arith.constant 1 : i32
      %dma_wait3A_294 = arith.constant 0 : i32
      %dma_wait3A_295 = arith.constant 0 : i32
      %dma_wait3A_296 = tpu.memref_slice %arg7[%dma_wait3A_293, %dma_wait3A_294, %dma_wait3A_295] : memref<8x128x16xf32, #tpu.memory_space<vmem>> -> memref<1x128x16xf32, #tpu.memory_space<vmem>>
      %dma_wait3A_297 = tpu.memref_squeeze %dma_wait3A_296 : memref<1x128x16xf32, #tpu.memory_space<vmem>> -> memref<128x16xf32, #tpu.memory_space<vmem>>
      %dma_wait3A_298 = arith.constant 0 : i32
      %dma_wait3A_299 = tpu.memref_slice %arg5[%add3A_88, %dma_wait3A_298] : memref<96x128xi32, #tpu.memory_space<vmem>> -> memref<1x128xi32, #tpu.memory_space<vmem>>
      %dma_wait3A_300 = tpu.memref_squeeze %dma_wait3A_299 : memref<1x128xi32, #tpu.memory_space<vmem>> -> memref<128xi32, #tpu.memory_space<vmem>>
      %dma_wait3A_301 = arith.constant 0 : i32
      %dma_wait3A_302 = arith.constant 0 : i32
      %dma_wait3A_303 = tpu.memref_slice %arg13[%dma_wait3A_301, %dma_wait3A_302] : memref<10112x16xf32, #tpu.memory_space<vmem_shared>> -> memref<10112x16xf32, #tpu.memory_space<vmem_shared>>
      tpu.wait_indirect_dma semaphore(%arg14 : memref<!tpu.dma_semaphore, #tpu.memory_space<semaphore_mem>>) src(%dma_wait3A_303 : memref<10112x16xf32, #tpu.memory_space<vmem_shared>>) dst(%dma_wait3A_297 : memref<128x16xf32, #tpu.memory_space<vmem>>)
      %dma_wait3A_304 = arith.constant 2 : i32
      %dma_wait3A_305 = arith.constant 0 : i32
      %dma_wait3A_306 = arith.constant 0 : i32
      %dma_wait3A_307 = tpu.memref_slice %arg7[%dma_wait3A_304, %dma_wait3A_305, %dma_wait3A_306] : memref<8x128x16xf32, #tpu.memory_space<vmem>> -> memref<1x128x16xf32, #tpu.memory_space<vmem>>
      %dma_wait3A_308 = tpu.memref_squeeze %dma_wait3A_307 : memref<1x128x16xf32, #tpu.memory_space<vmem>> -> memref<128x16xf32, #tpu.memory_space<vmem>>
      %dma_wait3A_309 = arith.constant 0 : i32
      %dma_wait3A_310 = tpu.memref_slice %arg5[%add3A_101, %dma_wait3A_309] : memref<96x128xi32, #tpu.memory_space<vmem>> -> memref<1x128xi32, #tpu.memory_space<vmem>>
      %dma_wait3A_311 = tpu.memref_squeeze %dma_wait3A_310 : memref<1x128xi32, #tpu.memory_space<vmem>> -> memref<128xi32, #tpu.memory_space<vmem>>
      %dma_wait3A_312 = arith.constant 0 : i32
      %dma_wait3A_313 = arith.constant 0 : i32
      %dma_wait3A_314 = tpu.memref_slice %arg13[%dma_wait3A_312, %dma_wait3A_313] : memref<10112x16xf32, #tpu.memory_space<vmem_shared>> -> memref<10112x16xf32, #tpu.memory_space<vmem_shared>>
      tpu.wait_indirect_dma semaphore(%arg14 : memref<!tpu.dma_semaphore, #tpu.memory_space<semaphore_mem>>) src(%dma_wait3A_314 : memref<10112x16xf32, #tpu.memory_space<vmem_shared>>) dst(%dma_wait3A_308 : memref<128x16xf32, #tpu.memory_space<vmem>>)
      %dma_wait3A_315 = arith.constant 3 : i32
      %dma_wait3A_316 = arith.constant 0 : i32
      %dma_wait3A_317 = arith.constant 0 : i32
      %dma_wait3A_318 = tpu.memref_slice %arg7[%dma_wait3A_315, %dma_wait3A_316, %dma_wait3A_317] : memref<8x128x16xf32, #tpu.memory_space<vmem>> -> memref<1x128x16xf32, #tpu.memory_space<vmem>>
      %dma_wait3A_319 = tpu.memref_squeeze %dma_wait3A_318 : memref<1x128x16xf32, #tpu.memory_space<vmem>> -> memref<128x16xf32, #tpu.memory_space<vmem>>
      %dma_wait3A_320 = arith.constant 0 : i32
      %dma_wait3A_321 = tpu.memref_slice %arg5[%add3A_114, %dma_wait3A_320] : memref<96x128xi32, #tpu.memory_space<vmem>> -> memref<1x128xi32, #tpu.memory_space<vmem>>
      %dma_wait3A_322 = tpu.memref_squeeze %dma_wait3A_321 : memref<1x128xi32, #tpu.memory_space<vmem>> -> memref<128xi32, #tpu.memory_space<vmem>>
      %dma_wait3A_323 = arith.constant 0 : i32
      %dma_wait3A_324 = arith.constant 0 : i32
      %dma_wait3A_325 = tpu.memref_slice %arg13[%dma_wait3A_323, %dma_wait3A_324] : memref<10112x16xf32, #tpu.memory_space<vmem_shared>> -> memref<10112x16xf32, #tpu.memory_space<vmem_shared>>
      tpu.wait_indirect_dma semaphore(%arg14 : memref<!tpu.dma_semaphore, #tpu.memory_space<semaphore_mem>>) src(%dma_wait3A_325 : memref<10112x16xf32, #tpu.memory_space<vmem_shared>>) dst(%dma_wait3A_319 : memref<128x16xf32, #tpu.memory_space<vmem>>)
      %dma_wait3A_326 = arith.constant 4 : i32
      %dma_wait3A_327 = arith.constant 0 : i32
      %dma_wait3A_328 = arith.constant 0 : i32
      %dma_wait3A_329 = tpu.memref_slice %arg7[%dma_wait3A_326, %dma_wait3A_327, %dma_wait3A_328] : memref<8x128x16xf32, #tpu.memory_space<vmem>> -> memref<1x128x16xf32, #tpu.memory_space<vmem>>
      %dma_wait3A_330 = tpu.memref_squeeze %dma_wait3A_329 : memref<1x128x16xf32, #tpu.memory_space<vmem>> -> memref<128x16xf32, #tpu.memory_space<vmem>>
      %dma_wait3A_331 = arith.constant 0 : i32
      %dma_wait3A_332 = tpu.memref_slice %arg5[%add3A_127, %dma_wait3A_331] : memref<96x128xi32, #tpu.memory_space<vmem>> -> memref<1x128xi32, #tpu.memory_space<vmem>>
      %dma_wait3A_333 = tpu.memref_squeeze %dma_wait3A_332 : memref<1x128xi32, #tpu.memory_space<vmem>> -> memref<128xi32, #tpu.memory_space<vmem>>
      %dma_wait3A_334 = arith.constant 0 : i32
      %dma_wait3A_335 = arith.constant 0 : i32
      %dma_wait3A_336 = tpu.memref_slice %arg13[%dma_wait3A_334, %dma_wait3A_335] : memref<10112x16xf32, #tpu.memory_space<vmem_shared>> -> memref<10112x16xf32, #tpu.memory_space<vmem_shared>>
      tpu.wait_indirect_dma semaphore(%arg14 : memref<!tpu.dma_semaphore, #tpu.memory_space<semaphore_mem>>) src(%dma_wait3A_336 : memref<10112x16xf32, #tpu.memory_space<vmem_shared>>) dst(%dma_wait3A_330 : memref<128x16xf32, #tpu.memory_space<vmem>>)
      %dma_wait3A_337 = arith.constant 5 : i32
      %dma_wait3A_338 = arith.constant 0 : i32
      %dma_wait3A_339 = arith.constant 0 : i32
      %dma_wait3A_340 = tpu.memref_slice %arg7[%dma_wait3A_337, %dma_wait3A_338, %dma_wait3A_339] : memref<8x128x16xf32, #tpu.memory_space<vmem>> -> memref<1x128x16xf32, #tpu.memory_space<vmem>>
      %dma_wait3A_341 = tpu.memref_squeeze %dma_wait3A_340 : memref<1x128x16xf32, #tpu.memory_space<vmem>> -> memref<128x16xf32, #tpu.memory_space<vmem>>
      %dma_wait3A_342 = arith.constant 0 : i32
      %dma_wait3A_343 = tpu.memref_slice %arg5[%add3A_140, %dma_wait3A_342] : memref<96x128xi32, #tpu.memory_space<vmem>> -> memref<1x128xi32, #tpu.memory_space<vmem>>
      %dma_wait3A_344 = tpu.memref_squeeze %dma_wait3A_343 : memref<1x128xi32, #tpu.memory_space<vmem>> -> memref<128xi32, #tpu.memory_space<vmem>>
      %dma_wait3A_345 = arith.constant 0 : i32
      %dma_wait3A_346 = arith.constant 0 : i32
      %dma_wait3A_347 = tpu.memref_slice %arg13[%dma_wait3A_345, %dma_wait3A_346] : memref<10112x16xf32, #tpu.memory_space<vmem_shared>> -> memref<10112x16xf32, #tpu.memory_space<vmem_shared>>
      tpu.wait_indirect_dma semaphore(%arg14 : memref<!tpu.dma_semaphore, #tpu.memory_space<semaphore_mem>>) src(%dma_wait3A_347 : memref<10112x16xf32, #tpu.memory_space<vmem_shared>>) dst(%dma_wait3A_341 : memref<128x16xf32, #tpu.memory_space<vmem>>)
      %dma_wait3A_348 = arith.constant 6 : i32
      %dma_wait3A_349 = arith.constant 0 : i32
      %dma_wait3A_350 = arith.constant 0 : i32
      %dma_wait3A_351 = tpu.memref_slice %arg7[%dma_wait3A_348, %dma_wait3A_349, %dma_wait3A_350] : memref<8x128x16xf32, #tpu.memory_space<vmem>> -> memref<1x128x16xf32, #tpu.memory_space<vmem>>
      %dma_wait3A_352 = tpu.memref_squeeze %dma_wait3A_351 : memref<1x128x16xf32, #tpu.memory_space<vmem>> -> memref<128x16xf32, #tpu.memory_space<vmem>>
      %dma_wait3A_353 = arith.constant 0 : i32
      %dma_wait3A_354 = tpu.memref_slice %arg5[%add3A_153, %dma_wait3A_353] : memref<96x128xi32, #tpu.memory_space<vmem>> -> memref<1x128xi32, #tpu.memory_space<vmem>>
      %dma_wait3A_355 = tpu.memref_squeeze %dma_wait3A_354 : memref<1x128xi32, #tpu.memory_space<vmem>> -> memref<128xi32, #tpu.memory_space<vmem>>
      %dma_wait3A_356 = arith.constant 0 : i32
      %dma_wait3A_357 = arith.constant 0 : i32
      %dma_wait3A_358 = tpu.memref_slice %arg13[%dma_wait3A_356, %dma_wait3A_357] : memref<10112x16xf32, #tpu.memory_space<vmem_shared>> -> memref<10112x16xf32, #tpu.memory_space<vmem_shared>>
      tpu.wait_indirect_dma semaphore(%arg14 : memref<!tpu.dma_semaphore, #tpu.memory_space<semaphore_mem>>) src(%dma_wait3A_358 : memref<10112x16xf32, #tpu.memory_space<vmem_shared>>) dst(%dma_wait3A_352 : memref<128x16xf32, #tpu.memory_space<vmem>>)
      %dma_wait3A_359 = arith.constant 7 : i32
      %dma_wait3A_360 = arith.constant 0 : i32
      %dma_wait3A_361 = arith.constant 0 : i32
      %dma_wait3A_362 = tpu.memref_slice %arg7[%dma_wait3A_359, %dma_wait3A_360, %dma_wait3A_361] : memref<8x128x16xf32, #tpu.memory_space<vmem>> -> memref<1x128x16xf32, #tpu.memory_space<vmem>>
      %dma_wait3A_363 = tpu.memref_squeeze %dma_wait3A_362 : memref<1x128x16xf32, #tpu.memory_space<vmem>> -> memref<128x16xf32, #tpu.memory_space<vmem>>
      %dma_wait3A_364 = arith.constant 0 : i32
      %dma_wait3A_365 = tpu.memref_slice %arg5[%add3A_166, %dma_wait3A_364] : memref<96x128xi32, #tpu.memory_space<vmem>> -> memref<1x128xi32, #tpu.memory_space<vmem>>
      %dma_wait3A_366 = tpu.memref_squeeze %dma_wait3A_365 : memref<1x128xi32, #tpu.memory_space<vmem>> -> memref<128xi32, #tpu.memory_space<vmem>>
      %dma_wait3A_367 = arith.constant 0 : i32
      %dma_wait3A_368 = arith.constant 0 : i32
      %dma_wait3A_369 = tpu.memref_slice %arg13[%dma_wait3A_367, %dma_wait3A_368] : memref<10112x16xf32, #tpu.memory_space<vmem_shared>> -> memref<10112x16xf32, #tpu.memory_space<vmem_shared>>
      tpu.wait_indirect_dma semaphore(%arg14 : memref<!tpu.dma_semaphore, #tpu.memory_space<semaphore_mem>>) src(%dma_wait3A_369 : memref<10112x16xf32, #tpu.memory_space<vmem_shared>>) dst(%dma_wait3A_363 : memref<128x16xf32, #tpu.memory_space<vmem>>)
      %add3A_370 = arith.constant 0 : i32
      %add3A_371 = arith.addi %mul3A_71, %add3A_370 : i32
      %dma_start3A_372 = arith.constant 0 : i32
      %dma_start3A_373 = arith.constant 0 : i32
      %dma_start3A_374 = arith.constant 0 : i32
      %dma_start3A_375 = tpu.memref_slice %arg7[%dma_start3A_372, %dma_start3A_373, %dma_start3A_374] : memref<8x128x16xf32, #tpu.memory_space<vmem>> -> memref<1x128x16xf32, #tpu.memory_space<vmem>>
      %dma_start3A_376 = tpu.memref_squeeze %dma_start3A_375 : memref<1x128x16xf32, #tpu.memory_space<vmem>> -> memref<128x16xf32, #tpu.memory_space<vmem>>
      %dma_start3A_377 = arith.constant 0 : i32
      %dma_start3A_378 = tpu.memref_slice %arg6[%add3A_371, %dma_start3A_377] : memref<96x128xi32, #tpu.memory_space<vmem>> -> memref<1x128xi32, #tpu.memory_space<vmem>>
      %dma_start3A_379 = tpu.memref_squeeze %dma_start3A_378 : memref<1x128xi32, #tpu.memory_space<vmem>> -> memref<128xi32, #tpu.memory_space<vmem>>
      %dma_start3A_380 = arith.constant 0 : i32
      %dma_start3A_381 = arith.constant 0 : i32
      %dma_start3A_382 = tpu.memref_slice %arg12[%dma_start3A_380, %dma_start3A_381] : memref<10112x16xf32, #tpu.memory_space<vmem_shared>> -> memref<10112x16xf32, #tpu.memory_space<vmem_shared>>
      tpu.enqueue_indirect_dma source(%dma_start3A_376 : memref<128x16xf32, #tpu.memory_space<vmem>>) target(%dma_start3A_382 : memref<10112x16xf32, #tpu.memory_space<vmem_shared>>) offsets(%dma_start3A_379 : memref<128xi32, #tpu.memory_space<vmem>>) semaphore(%arg15 : memref<!tpu.dma_semaphore, #tpu.memory_space<semaphore_mem>>) {add = true}
      %add3A_383 = arith.constant 1 : i32
      %add3A_384 = arith.addi %mul3A_71, %add3A_383 : i32
      %dma_start3A_385 = arith.constant 1 : i32
      %dma_start3A_386 = arith.constant 0 : i32
      %dma_start3A_387 = arith.constant 0 : i32
      %dma_start3A_388 = tpu.memref_slice %arg7[%dma_start3A_385, %dma_start3A_386, %dma_start3A_387] : memref<8x128x16xf32, #tpu.memory_space<vmem>> -> memref<1x128x16xf32, #tpu.memory_space<vmem>>
      %dma_start3A_389 = tpu.memref_squeeze %dma_start3A_388 : memref<1x128x16xf32, #tpu.memory_space<vmem>> -> memref<128x16xf32, #tpu.memory_space<vmem>>
      %dma_start3A_390 = arith.constant 0 : i32
      %dma_start3A_391 = tpu.memref_slice %arg6[%add3A_384, %dma_start3A_390] : memref<96x128xi32, #tpu.memory_space<vmem>> -> memref<1x128xi32, #tpu.memory_space<vmem>>
      %dma_start3A_392 = tpu.memref_squeeze %dma_start3A_391 : memref<1x128xi32, #tpu.memory_space<vmem>> -> memref<128xi32, #tpu.memory_space<vmem>>
      %dma_start3A_393 = arith.constant 0 : i32
      %dma_start3A_394 = arith.constant 0 : i32
      %dma_start3A_395 = tpu.memref_slice %arg12[%dma_start3A_393, %dma_start3A_394] : memref<10112x16xf32, #tpu.memory_space<vmem_shared>> -> memref<10112x16xf32, #tpu.memory_space<vmem_shared>>
      tpu.enqueue_indirect_dma source(%dma_start3A_389 : memref<128x16xf32, #tpu.memory_space<vmem>>) target(%dma_start3A_395 : memref<10112x16xf32, #tpu.memory_space<vmem_shared>>) offsets(%dma_start3A_392 : memref<128xi32, #tpu.memory_space<vmem>>) semaphore(%arg15 : memref<!tpu.dma_semaphore, #tpu.memory_space<semaphore_mem>>) {add = true}
      %add3A_396 = arith.constant 2 : i32
      %add3A_397 = arith.addi %mul3A_71, %add3A_396 : i32
      %dma_start3A_398 = arith.constant 2 : i32
      %dma_start3A_399 = arith.constant 0 : i32
      %dma_start3A_400 = arith.constant 0 : i32
      %dma_start3A_401 = tpu.memref_slice %arg7[%dma_start3A_398, %dma_start3A_399, %dma_start3A_400] : memref<8x128x16xf32, #tpu.memory_space<vmem>> -> memref<1x128x16xf32, #tpu.memory_space<vmem>>
      %dma_start3A_402 = tpu.memref_squeeze %dma_start3A_401 : memref<1x128x16xf32, #tpu.memory_space<vmem>> -> memref<128x16xf32, #tpu.memory_space<vmem>>
      %dma_start3A_403 = arith.constant 0 : i32
      %dma_start3A_404 = tpu.memref_slice %arg6[%add3A_397, %dma_start3A_403] : memref<96x128xi32, #tpu.memory_space<vmem>> -> memref<1x128xi32, #tpu.memory_space<vmem>>
      %dma_start3A_405 = tpu.memref_squeeze %dma_start3A_404 : memref<1x128xi32, #tpu.memory_space<vmem>> -> memref<128xi32, #tpu.memory_space<vmem>>
      %dma_start3A_406 = arith.constant 0 : i32
      %dma_start3A_407 = arith.constant 0 : i32
      %dma_start3A_408 = tpu.memref_slice %arg12[%dma_start3A_406, %dma_start3A_407] : memref<10112x16xf32, #tpu.memory_space<vmem_shared>> -> memref<10112x16xf32, #tpu.memory_space<vmem_shared>>
      tpu.enqueue_indirect_dma source(%dma_start3A_402 : memref<128x16xf32, #tpu.memory_space<vmem>>) target(%dma_start3A_408 : memref<10112x16xf32, #tpu.memory_space<vmem_shared>>) offsets(%dma_start3A_405 : memref<128xi32, #tpu.memory_space<vmem>>) semaphore(%arg15 : memref<!tpu.dma_semaphore, #tpu.memory_space<semaphore_mem>>) {add = true}
      %add3A_409 = arith.constant 3 : i32
      %add3A_410 = arith.addi %mul3A_71, %add3A_409 : i32
      %dma_start3A_411 = arith.constant 3 : i32
      %dma_start3A_412 = arith.constant 0 : i32
      %dma_start3A_413 = arith.constant 0 : i32
      %dma_start3A_414 = tpu.memref_slice %arg7[%dma_start3A_411, %dma_start3A_412, %dma_start3A_413] : memref<8x128x16xf32, #tpu.memory_space<vmem>> -> memref<1x128x16xf32, #tpu.memory_space<vmem>>
      %dma_start3A_415 = tpu.memref_squeeze %dma_start3A_414 : memref<1x128x16xf32, #tpu.memory_space<vmem>> -> memref<128x16xf32, #tpu.memory_space<vmem>>
      %dma_start3A_416 = arith.constant 0 : i32
      %dma_start3A_417 = tpu.memref_slice %arg6[%add3A_410, %dma_start3A_416] : memref<96x128xi32, #tpu.memory_space<vmem>> -> memref<1x128xi32, #tpu.memory_space<vmem>>
      %dma_start3A_418 = tpu.memref_squeeze %dma_start3A_417 : memref<1x128xi32, #tpu.memory_space<vmem>> -> memref<128xi32, #tpu.memory_space<vmem>>
      %dma_start3A_419 = arith.constant 0 : i32
      %dma_start3A_420 = arith.constant 0 : i32
      %dma_start3A_421 = tpu.memref_slice %arg12[%dma_start3A_419, %dma_start3A_420] : memref<10112x16xf32, #tpu.memory_space<vmem_shared>> -> memref<10112x16xf32, #tpu.memory_space<vmem_shared>>
      tpu.enqueue_indirect_dma source(%dma_start3A_415 : memref<128x16xf32, #tpu.memory_space<vmem>>) target(%dma_start3A_421 : memref<10112x16xf32, #tpu.memory_space<vmem_shared>>) offsets(%dma_start3A_418 : memref<128xi32, #tpu.memory_space<vmem>>) semaphore(%arg15 : memref<!tpu.dma_semaphore, #tpu.memory_space<semaphore_mem>>) {add = true}
      %add3A_422 = arith.constant 4 : i32
      %add3A_423 = arith.addi %mul3A_71, %add3A_422 : i32
      %dma_start3A_424 = arith.constant 4 : i32
      %dma_start3A_425 = arith.constant 0 : i32
      %dma_start3A_426 = arith.constant 0 : i32
      %dma_start3A_427 = tpu.memref_slice %arg7[%dma_start3A_424, %dma_start3A_425, %dma_start3A_426] : memref<8x128x16xf32, #tpu.memory_space<vmem>> -> memref<1x128x16xf32, #tpu.memory_space<vmem>>
      %dma_start3A_428 = tpu.memref_squeeze %dma_start3A_427 : memref<1x128x16xf32, #tpu.memory_space<vmem>> -> memref<128x16xf32, #tpu.memory_space<vmem>>
      %dma_start3A_429 = arith.constant 0 : i32
      %dma_start3A_430 = tpu.memref_slice %arg6[%add3A_423, %dma_start3A_429] : memref<96x128xi32, #tpu.memory_space<vmem>> -> memref<1x128xi32, #tpu.memory_space<vmem>>
      %dma_start3A_431 = tpu.memref_squeeze %dma_start3A_430 : memref<1x128xi32, #tpu.memory_space<vmem>> -> memref<128xi32, #tpu.memory_space<vmem>>
      %dma_start3A_432 = arith.constant 0 : i32
      %dma_start3A_433 = arith.constant 0 : i32
      %dma_start3A_434 = tpu.memref_slice %arg12[%dma_start3A_432, %dma_start3A_433] : memref<10112x16xf32, #tpu.memory_space<vmem_shared>> -> memref<10112x16xf32, #tpu.memory_space<vmem_shared>>
      tpu.enqueue_indirect_dma source(%dma_start3A_428 : memref<128x16xf32, #tpu.memory_space<vmem>>) target(%dma_start3A_434 : memref<10112x16xf32, #tpu.memory_space<vmem_shared>>) offsets(%dma_start3A_431 : memref<128xi32, #tpu.memory_space<vmem>>) semaphore(%arg15 : memref<!tpu.dma_semaphore, #tpu.memory_space<semaphore_mem>>) {add = true}
      %add3A_435 = arith.constant 5 : i32
      %add3A_436 = arith.addi %mul3A_71, %add3A_435 : i32
      %dma_start3A_437 = arith.constant 5 : i32
      %dma_start3A_438 = arith.constant 0 : i32
      %dma_start3A_439 = arith.constant 0 : i32
      %dma_start3A_440 = tpu.memref_slice %arg7[%dma_start3A_437, %dma_start3A_438, %dma_start3A_439] : memref<8x128x16xf32, #tpu.memory_space<vmem>> -> memref<1x128x16xf32, #tpu.memory_space<vmem>>
      %dma_start3A_441 = tpu.memref_squeeze %dma_start3A_440 : memref<1x128x16xf32, #tpu.memory_space<vmem>> -> memref<128x16xf32, #tpu.memory_space<vmem>>
      %dma_start3A_442 = arith.constant 0 : i32
      %dma_start3A_443 = tpu.memref_slice %arg6[%add3A_436, %dma_start3A_442] : memref<96x128xi32, #tpu.memory_space<vmem>> -> memref<1x128xi32, #tpu.memory_space<vmem>>
      %dma_start3A_444 = tpu.memref_squeeze %dma_start3A_443 : memref<1x128xi32, #tpu.memory_space<vmem>> -> memref<128xi32, #tpu.memory_space<vmem>>
      %dma_start3A_445 = arith.constant 0 : i32
      %dma_start3A_446 = arith.constant 0 : i32
      %dma_start3A_447 = tpu.memref_slice %arg12[%dma_start3A_445, %dma_start3A_446] : memref<10112x16xf32, #tpu.memory_space<vmem_shared>> -> memref<10112x16xf32, #tpu.memory_space<vmem_shared>>
      tpu.enqueue_indirect_dma source(%dma_start3A_441 : memref<128x16xf32, #tpu.memory_space<vmem>>) target(%dma_start3A_447 : memref<10112x16xf32, #tpu.memory_space<vmem_shared>>) offsets(%dma_start3A_444 : memref<128xi32, #tpu.memory_space<vmem>>) semaphore(%arg15 : memref<!tpu.dma_semaphore, #tpu.memory_space<semaphore_mem>>) {add = true}
      %add3A_448 = arith.constant 6 : i32
      %add3A_449 = arith.addi %mul3A_71, %add3A_448 : i32
      %dma_start3A_450 = arith.constant 6 : i32
      %dma_start3A_451 = arith.constant 0 : i32
      %dma_start3A_452 = arith.constant 0 : i32
      %dma_start3A_453 = tpu.memref_slice %arg7[%dma_start3A_450, %dma_start3A_451, %dma_start3A_452] : memref<8x128x16xf32, #tpu.memory_space<vmem>> -> memref<1x128x16xf32, #tpu.memory_space<vmem>>
      %dma_start3A_454 = tpu.memref_squeeze %dma_start3A_453 : memref<1x128x16xf32, #tpu.memory_space<vmem>> -> memref<128x16xf32, #tpu.memory_space<vmem>>
      %dma_start3A_455 = arith.constant 0 : i32
      %dma_start3A_456 = tpu.memref_slice %arg6[%add3A_449, %dma_start3A_455] : memref<96x128xi32, #tpu.memory_space<vmem>> -> memref<1x128xi32, #tpu.memory_space<vmem>>
      %dma_start3A_457 = tpu.memref_squeeze %dma_start3A_456 : memref<1x128xi32, #tpu.memory_space<vmem>> -> memref<128xi32, #tpu.memory_space<vmem>>
      %dma_start3A_458 = arith.constant 0 : i32
      %dma_start3A_459 = arith.constant 0 : i32
      %dma_start3A_460 = tpu.memref_slice %arg12[%dma_start3A_458, %dma_start3A_459] : memref<10112x16xf32, #tpu.memory_space<vmem_shared>> -> memref<10112x16xf32, #tpu.memory_space<vmem_shared>>
      tpu.enqueue_indirect_dma source(%dma_start3A_454 : memref<128x16xf32, #tpu.memory_space<vmem>>) target(%dma_start3A_460 : memref<10112x16xf32, #tpu.memory_space<vmem_shared>>) offsets(%dma_start3A_457 : memref<128xi32, #tpu.memory_space<vmem>>) semaphore(%arg15 : memref<!tpu.dma_semaphore, #tpu.memory_space<semaphore_mem>>) {add = true}
      %add3A_461 = arith.constant 7 : i32
      %add3A_462 = arith.addi %mul3A_71, %add3A_461 : i32
      %dma_start3A_463 = arith.constant 7 : i32
      %dma_start3A_464 = arith.constant 0 : i32
      %dma_start3A_465 = arith.constant 0 : i32
      %dma_start3A_466 = tpu.memref_slice %arg7[%dma_start3A_463, %dma_start3A_464, %dma_start3A_465] : memref<8x128x16xf32, #tpu.memory_space<vmem>> -> memref<1x128x16xf32, #tpu.memory_space<vmem>>
      %dma_start3A_467 = tpu.memref_squeeze %dma_start3A_466 : memref<1x128x16xf32, #tpu.memory_space<vmem>> -> memref<128x16xf32, #tpu.memory_space<vmem>>
      %dma_start3A_468 = arith.constant 0 : i32
      %dma_start3A_469 = tpu.memref_slice %arg6[%add3A_462, %dma_start3A_468] : memref<96x128xi32, #tpu.memory_space<vmem>> -> memref<1x128xi32, #tpu.memory_space<vmem>>
      %dma_start3A_470 = tpu.memref_squeeze %dma_start3A_469 : memref<1x128xi32, #tpu.memory_space<vmem>> -> memref<128xi32, #tpu.memory_space<vmem>>
      %dma_start3A_471 = arith.constant 0 : i32
      %dma_start3A_472 = arith.constant 0 : i32
      %dma_start3A_473 = tpu.memref_slice %arg12[%dma_start3A_471, %dma_start3A_472] : memref<10112x16xf32, #tpu.memory_space<vmem_shared>> -> memref<10112x16xf32, #tpu.memory_space<vmem_shared>>
      tpu.enqueue_indirect_dma source(%dma_start3A_467 : memref<128x16xf32, #tpu.memory_space<vmem>>) target(%dma_start3A_473 : memref<10112x16xf32, #tpu.memory_space<vmem_shared>>) offsets(%dma_start3A_470 : memref<128xi32, #tpu.memory_space<vmem>>) semaphore(%arg15 : memref<!tpu.dma_semaphore, #tpu.memory_space<semaphore_mem>>) {add = true}
      %dma_wait3A_474 = arith.constant 0 : i32
      %dma_wait3A_475 = arith.constant 0 : i32
      %dma_wait3A_476 = arith.constant 0 : i32
      %dma_wait3A_477 = tpu.memref_slice %arg8[%dma_wait3A_474, %dma_wait3A_475, %dma_wait3A_476] : memref<8x128x16xf32, #tpu.memory_space<vmem>> -> memref<1x128x16xf32, #tpu.memory_space<vmem>>
      %dma_wait3A_478 = tpu.memref_squeeze %dma_wait3A_477 : memref<1x128x16xf32, #tpu.memory_space<vmem>> -> memref<128x16xf32, #tpu.memory_space<vmem>>
      %dma_wait3A_479 = arith.constant 0 : i32
      %dma_wait3A_480 = tpu.memref_slice %arg5[%add3A_179, %dma_wait3A_479] : memref<96x128xi32, #tpu.memory_space<vmem>> -> memref<1x128xi32, #tpu.memory_space<vmem>>
      %dma_wait3A_481 = tpu.memref_squeeze %dma_wait3A_480 : memref<1x128xi32, #tpu.memory_space<vmem>> -> memref<128xi32, #tpu.memory_space<vmem>>
      %dma_wait3A_482 = arith.constant 0 : i32
      %dma_wait3A_483 = arith.constant 0 : i32
      %dma_wait3A_484 = tpu.memref_slice %arg13[%dma_wait3A_482, %dma_wait3A_483] : memref<10112x16xf32, #tpu.memory_space<vmem_shared>> -> memref<10112x16xf32, #tpu.memory_space<vmem_shared>>
      tpu.wait_indirect_dma semaphore(%arg14 : memref<!tpu.dma_semaphore, #tpu.memory_space<semaphore_mem>>) src(%dma_wait3A_484 : memref<10112x16xf32, #tpu.memory_space<vmem_shared>>) dst(%dma_wait3A_478 : memref<128x16xf32, #tpu.memory_space<vmem>>)
      %dma_wait3A_485 = arith.constant 1 : i32
      %dma_wait3A_486 = arith.constant 0 : i32
      %dma_wait3A_487 = arith.constant 0 : i32
      %dma_wait3A_488 = tpu.memref_slice %arg8[%dma_wait3A_485, %dma_wait3A_486, %dma_wait3A_487] : memref<8x128x16xf32, #tpu.memory_space<vmem>> -> memref<1x128x16xf32, #tpu.memory_space<vmem>>
      %dma_wait3A_489 = tpu.memref_squeeze %dma_wait3A_488 : memref<1x128x16xf32, #tpu.memory_space<vmem>> -> memref<128x16xf32, #tpu.memory_space<vmem>>
      %dma_wait3A_490 = arith.constant 0 : i32
      %dma_wait3A_491 = tpu.memref_slice %arg5[%add3A_192, %dma_wait3A_490] : memref<96x128xi32, #tpu.memory_space<vmem>> -> memref<1x128xi32, #tpu.memory_space<vmem>>
      %dma_wait3A_492 = tpu.memref_squeeze %dma_wait3A_491 : memref<1x128xi32, #tpu.memory_space<vmem>> -> memref<128xi32, #tpu.memory_space<vmem>>
      %dma_wait3A_493 = arith.constant 0 : i32
      %dma_wait3A_494 = arith.constant 0 : i32
      %dma_wait3A_495 = tpu.memref_slice %arg13[%dma_wait3A_493, %dma_wait3A_494] : memref<10112x16xf32, #tpu.memory_space<vmem_shared>> -> memref<10112x16xf32, #tpu.memory_space<vmem_shared>>
      tpu.wait_indirect_dma semaphore(%arg14 : memref<!tpu.dma_semaphore, #tpu.memory_space<semaphore_mem>>) src(%dma_wait3A_495 : memref<10112x16xf32, #tpu.memory_space<vmem_shared>>) dst(%dma_wait3A_489 : memref<128x16xf32, #tpu.memory_space<vmem>>)
      %dma_wait3A_496 = arith.constant 2 : i32
      %dma_wait3A_497 = arith.constant 0 : i32
      %dma_wait3A_498 = arith.constant 0 : i32
      %dma_wait3A_499 = tpu.memref_slice %arg8[%dma_wait3A_496, %dma_wait3A_497, %dma_wait3A_498] : memref<8x128x16xf32, #tpu.memory_space<vmem>> -> memref<1x128x16xf32, #tpu.memory_space<vmem>>
      %dma_wait3A_500 = tpu.memref_squeeze %dma_wait3A_499 : memref<1x128x16xf32, #tpu.memory_space<vmem>> -> memref<128x16xf32, #tpu.memory_space<vmem>>
      %dma_wait3A_501 = arith.constant 0 : i32
      %dma_wait3A_502 = tpu.memref_slice %arg5[%add3A_205, %dma_wait3A_501] : memref<96x128xi32, #tpu.memory_space<vmem>> -> memref<1x128xi32, #tpu.memory_space<vmem>>
      %dma_wait3A_503 = tpu.memref_squeeze %dma_wait3A_502 : memref<1x128xi32, #tpu.memory_space<vmem>> -> memref<128xi32, #tpu.memory_space<vmem>>
      %dma_wait3A_504 = arith.constant 0 : i32
      %dma_wait3A_505 = arith.constant 0 : i32
      %dma_wait3A_506 = tpu.memref_slice %arg13[%dma_wait3A_504, %dma_wait3A_505] : memref<10112x16xf32, #tpu.memory_space<vmem_shared>> -> memref<10112x16xf32, #tpu.memory_space<vmem_shared>>
      tpu.wait_indirect_dma semaphore(%arg14 : memref<!tpu.dma_semaphore, #tpu.memory_space<semaphore_mem>>) src(%dma_wait3A_506 : memref<10112x16xf32, #tpu.memory_space<vmem_shared>>) dst(%dma_wait3A_500 : memref<128x16xf32, #tpu.memory_space<vmem>>)
      %dma_wait3A_507 = arith.constant 3 : i32
      %dma_wait3A_508 = arith.constant 0 : i32
      %dma_wait3A_509 = arith.constant 0 : i32
      %dma_wait3A_510 = tpu.memref_slice %arg8[%dma_wait3A_507, %dma_wait3A_508, %dma_wait3A_509] : memref<8x128x16xf32, #tpu.memory_space<vmem>> -> memref<1x128x16xf32, #tpu.memory_space<vmem>>
      %dma_wait3A_511 = tpu.memref_squeeze %dma_wait3A_510 : memref<1x128x16xf32, #tpu.memory_space<vmem>> -> memref<128x16xf32, #tpu.memory_space<vmem>>
      %dma_wait3A_512 = arith.constant 0 : i32
      %dma_wait3A_513 = tpu.memref_slice %arg5[%add3A_218, %dma_wait3A_512] : memref<96x128xi32, #tpu.memory_space<vmem>> -> memref<1x128xi32, #tpu.memory_space<vmem>>
      %dma_wait3A_514 = tpu.memref_squeeze %dma_wait3A_513 : memref<1x128xi32, #tpu.memory_space<vmem>> -> memref<128xi32, #tpu.memory_space<vmem>>
      %dma_wait3A_515 = arith.constant 0 : i32
      %dma_wait3A_516 = arith.constant 0 : i32
      %dma_wait3A_517 = tpu.memref_slice %arg13[%dma_wait3A_515, %dma_wait3A_516] : memref<10112x16xf32, #tpu.memory_space<vmem_shared>> -> memref<10112x16xf32, #tpu.memory_space<vmem_shared>>
      tpu.wait_indirect_dma semaphore(%arg14 : memref<!tpu.dma_semaphore, #tpu.memory_space<semaphore_mem>>) src(%dma_wait3A_517 : memref<10112x16xf32, #tpu.memory_space<vmem_shared>>) dst(%dma_wait3A_511 : memref<128x16xf32, #tpu.memory_space<vmem>>)
      %dma_wait3A_518 = arith.constant 4 : i32
      %dma_wait3A_519 = arith.constant 0 : i32
      %dma_wait3A_520 = arith.constant 0 : i32
      %dma_wait3A_521 = tpu.memref_slice %arg8[%dma_wait3A_518, %dma_wait3A_519, %dma_wait3A_520] : memref<8x128x16xf32, #tpu.memory_space<vmem>> -> memref<1x128x16xf32, #tpu.memory_space<vmem>>
      %dma_wait3A_522 = tpu.memref_squeeze %dma_wait3A_521 : memref<1x128x16xf32, #tpu.memory_space<vmem>> -> memref<128x16xf32, #tpu.memory_space<vmem>>
      %dma_wait3A_523 = arith.constant 0 : i32
      %dma_wait3A_524 = tpu.memref_slice %arg5[%add3A_231, %dma_wait3A_523] : memref<96x128xi32, #tpu.memory_space<vmem>> -> memref<1x128xi32, #tpu.memory_space<vmem>>
      %dma_wait3A_525 = tpu.memref_squeeze %dma_wait3A_524 : memref<1x128xi32, #tpu.memory_space<vmem>> -> memref<128xi32, #tpu.memory_space<vmem>>
      %dma_wait3A_526 = arith.constant 0 : i32
      %dma_wait3A_527 = arith.constant 0 : i32
      %dma_wait3A_528 = tpu.memref_slice %arg13[%dma_wait3A_526, %dma_wait3A_527] : memref<10112x16xf32, #tpu.memory_space<vmem_shared>> -> memref<10112x16xf32, #tpu.memory_space<vmem_shared>>
      tpu.wait_indirect_dma semaphore(%arg14 : memref<!tpu.dma_semaphore, #tpu.memory_space<semaphore_mem>>) src(%dma_wait3A_528 : memref<10112x16xf32, #tpu.memory_space<vmem_shared>>) dst(%dma_wait3A_522 : memref<128x16xf32, #tpu.memory_space<vmem>>)
      %dma_wait3A_529 = arith.constant 5 : i32
      %dma_wait3A_530 = arith.constant 0 : i32
      %dma_wait3A_531 = arith.constant 0 : i32
      %dma_wait3A_532 = tpu.memref_slice %arg8[%dma_wait3A_529, %dma_wait3A_530, %dma_wait3A_531] : memref<8x128x16xf32, #tpu.memory_space<vmem>> -> memref<1x128x16xf32, #tpu.memory_space<vmem>>
      %dma_wait3A_533 = tpu.memref_squeeze %dma_wait3A_532 : memref<1x128x16xf32, #tpu.memory_space<vmem>> -> memref<128x16xf32, #tpu.memory_space<vmem>>
      %dma_wait3A_534 = arith.constant 0 : i32
      %dma_wait3A_535 = tpu.memref_slice %arg5[%add3A_244, %dma_wait3A_534] : memref<96x128xi32, #tpu.memory_space<vmem>> -> memref<1x128xi32, #tpu.memory_space<vmem>>
      %dma_wait3A_536 = tpu.memref_squeeze %dma_wait3A_535 : memref<1x128xi32, #tpu.memory_space<vmem>> -> memref<128xi32, #tpu.memory_space<vmem>>
      %dma_wait3A_537 = arith.constant 0 : i32
      %dma_wait3A_538 = arith.constant 0 : i32
      %dma_wait3A_539 = tpu.memref_slice %arg13[%dma_wait3A_537, %dma_wait3A_538] : memref<10112x16xf32, #tpu.memory_space<vmem_shared>> -> memref<10112x16xf32, #tpu.memory_space<vmem_shared>>
      tpu.wait_indirect_dma semaphore(%arg14 : memref<!tpu.dma_semaphore, #tpu.memory_space<semaphore_mem>>) src(%dma_wait3A_539 : memref<10112x16xf32, #tpu.memory_space<vmem_shared>>) dst(%dma_wait3A_533 : memref<128x16xf32, #tpu.memory_space<vmem>>)
      %dma_wait3A_540 = arith.constant 6 : i32
      %dma_wait3A_541 = arith.constant 0 : i32
      %dma_wait3A_542 = arith.constant 0 : i32
      %dma_wait3A_543 = tpu.memref_slice %arg8[%dma_wait3A_540, %dma_wait3A_541, %dma_wait3A_542] : memref<8x128x16xf32, #tpu.memory_space<vmem>> -> memref<1x128x16xf32, #tpu.memory_space<vmem>>
      %dma_wait3A_544 = tpu.memref_squeeze %dma_wait3A_543 : memref<1x128x16xf32, #tpu.memory_space<vmem>> -> memref<128x16xf32, #tpu.memory_space<vmem>>
      %dma_wait3A_545 = arith.constant 0 : i32
      %dma_wait3A_546 = tpu.memref_slice %arg5[%add3A_257, %dma_wait3A_545] : memref<96x128xi32, #tpu.memory_space<vmem>> -> memref<1x128xi32, #tpu.memory_space<vmem>>
      %dma_wait3A_547 = tpu.memref_squeeze %dma_wait3A_546 : memref<1x128xi32, #tpu.memory_space<vmem>> -> memref<128xi32, #tpu.memory_space<vmem>>
      %dma_wait3A_548 = arith.constant 0 : i32
      %dma_wait3A_549 = arith.constant 0 : i32
      %dma_wait3A_550 = tpu.memref_slice %arg13[%dma_wait3A_548, %dma_wait3A_549] : memref<10112x16xf32, #tpu.memory_space<vmem_shared>> -> memref<10112x16xf32, #tpu.memory_space<vmem_shared>>
      tpu.wait_indirect_dma semaphore(%arg14 : memref<!tpu.dma_semaphore, #tpu.memory_space<semaphore_mem>>) src(%dma_wait3A_550 : memref<10112x16xf32, #tpu.memory_space<vmem_shared>>) dst(%dma_wait3A_544 : memref<128x16xf32, #tpu.memory_space<vmem>>)
      %dma_wait3A_551 = arith.constant 7 : i32
      %dma_wait3A_552 = arith.constant 0 : i32
      %dma_wait3A_553 = arith.constant 0 : i32
      %dma_wait3A_554 = tpu.memref_slice %arg8[%dma_wait3A_551, %dma_wait3A_552, %dma_wait3A_553] : memref<8x128x16xf32, #tpu.memory_space<vmem>> -> memref<1x128x16xf32, #tpu.memory_space<vmem>>
      %dma_wait3A_555 = tpu.memref_squeeze %dma_wait3A_554 : memref<1x128x16xf32, #tpu.memory_space<vmem>> -> memref<128x16xf32, #tpu.memory_space<vmem>>
      %dma_wait3A_556 = arith.constant 0 : i32
      %dma_wait3A_557 = tpu.memref_slice %arg5[%add3A_270, %dma_wait3A_556] : memref<96x128xi32, #tpu.memory_space<vmem>> -> memref<1x128xi32, #tpu.memory_space<vmem>>
      %dma_wait3A_558 = tpu.memref_squeeze %dma_wait3A_557 : memref<1x128xi32, #tpu.memory_space<vmem>> -> memref<128xi32, #tpu.memory_space<vmem>>
      %dma_wait3A_559 = arith.constant 0 : i32
      %dma_wait3A_560 = arith.constant 0 : i32
      %dma_wait3A_561 = tpu.memref_slice %arg13[%dma_wait3A_559, %dma_wait3A_560] : memref<10112x16xf32, #tpu.memory_space<vmem_shared>> -> memref<10112x16xf32, #tpu.memory_space<vmem_shared>>
      tpu.wait_indirect_dma semaphore(%arg14 : memref<!tpu.dma_semaphore, #tpu.memory_space<semaphore_mem>>) src(%dma_wait3A_561 : memref<10112x16xf32, #tpu.memory_space<vmem_shared>>) dst(%dma_wait3A_555 : memref<128x16xf32, #tpu.memory_space<vmem>>)
      %add3A_562 = arith.constant 0 : i32
      %add3A_563 = arith.addi %add3A_73, %add3A_562 : i32
      %dma_start3A_564 = arith.constant 0 : i32
      %dma_start3A_565 = arith.constant 0 : i32
      %dma_start3A_566 = arith.constant 0 : i32
      %dma_start3A_567 = tpu.memref_slice %arg8[%dma_start3A_564, %dma_start3A_565, %dma_start3A_566] : memref<8x128x16xf32, #tpu.memory_space<vmem>> -> memref<1x128x16xf32, #tpu.memory_space<vmem>>
      %dma_start3A_568 = tpu.memref_squeeze %dma_start3A_567 : memref<1x128x16xf32, #tpu.memory_space<vmem>> -> memref<128x16xf32, #tpu.memory_space<vmem>>
      %dma_start3A_569 = arith.constant 0 : i32
      %dma_start3A_570 = tpu.memref_slice %arg6[%add3A_563, %dma_start3A_569] : memref<96x128xi32, #tpu.memory_space<vmem>> -> memref<1x128xi32, #tpu.memory_space<vmem>>
      %dma_start3A_571 = tpu.memref_squeeze %dma_start3A_570 : memref<1x128xi32, #tpu.memory_space<vmem>> -> memref<128xi32, #tpu.memory_space<vmem>>
      %dma_start3A_572 = arith.constant 0 : i32
      %dma_start3A_573 = arith.constant 0 : i32
      %dma_start3A_574 = tpu.memref_slice %arg12[%dma_start3A_572, %dma_start3A_573] : memref<10112x16xf32, #tpu.memory_space<vmem_shared>> -> memref<10112x16xf32, #tpu.memory_space<vmem_shared>>
      tpu.enqueue_indirect_dma source(%dma_start3A_568 : memref<128x16xf32, #tpu.memory_space<vmem>>) target(%dma_start3A_574 : memref<10112x16xf32, #tpu.memory_space<vmem_shared>>) offsets(%dma_start3A_571 : memref<128xi32, #tpu.memory_space<vmem>>) semaphore(%arg15 : memref<!tpu.dma_semaphore, #tpu.memory_space<semaphore_mem>>) {add = true}
      %add3A_575 = arith.constant 1 : i32
      %add3A_576 = arith.addi %add3A_73, %add3A_575 : i32
      %dma_start3A_577 = arith.constant 1 : i32
      %dma_start3A_578 = arith.constant 0 : i32
      %dma_start3A_579 = arith.constant 0 : i32
      %dma_start3A_580 = tpu.memref_slice %arg8[%dma_start3A_577, %dma_start3A_578, %dma_start3A_579] : memref<8x128x16xf32, #tpu.memory_space<vmem>> -> memref<1x128x16xf32, #tpu.memory_space<vmem>>
      %dma_start3A_581 = tpu.memref_squeeze %dma_start3A_580 : memref<1x128x16xf32, #tpu.memory_space<vmem>> -> memref<128x16xf32, #tpu.memory_space<vmem>>
      %dma_start3A_582 = arith.constant 0 : i32
      %dma_start3A_583 = tpu.memref_slice %arg6[%add3A_576, %dma_start3A_582] : memref<96x128xi32, #tpu.memory_space<vmem>> -> memref<1x128xi32, #tpu.memory_space<vmem>>
      %dma_start3A_584 = tpu.memref_squeeze %dma_start3A_583 : memref<1x128xi32, #tpu.memory_space<vmem>> -> memref<128xi32, #tpu.memory_space<vmem>>
      %dma_start3A_585 = arith.constant 0 : i32
      %dma_start3A_586 = arith.constant 0 : i32
      %dma_start3A_587 = tpu.memref_slice %arg12[%dma_start3A_585, %dma_start3A_586] : memref<10112x16xf32, #tpu.memory_space<vmem_shared>> -> memref<10112x16xf32, #tpu.memory_space<vmem_shared>>
      tpu.enqueue_indirect_dma source(%dma_start3A_581 : memref<128x16xf32, #tpu.memory_space<vmem>>) target(%dma_start3A_587 : memref<10112x16xf32, #tpu.memory_space<vmem_shared>>) offsets(%dma_start3A_584 : memref<128xi32, #tpu.memory_space<vmem>>) semaphore(%arg15 : memref<!tpu.dma_semaphore, #tpu.memory_space<semaphore_mem>>) {add = true}
      %add3A_588 = arith.constant 2 : i32
      %add3A_589 = arith.addi %add3A_73, %add3A_588 : i32
      %dma_start3A_590 = arith.constant 2 : i32
      %dma_start3A_591 = arith.constant 0 : i32
      %dma_start3A_592 = arith.constant 0 : i32
      %dma_start3A_593 = tpu.memref_slice %arg8[%dma_start3A_590, %dma_start3A_591, %dma_start3A_592] : memref<8x128x16xf32, #tpu.memory_space<vmem>> -> memref<1x128x16xf32, #tpu.memory_space<vmem>>
      %dma_start3A_594 = tpu.memref_squeeze %dma_start3A_593 : memref<1x128x16xf32, #tpu.memory_space<vmem>> -> memref<128x16xf32, #tpu.memory_space<vmem>>
      %dma_start3A_595 = arith.constant 0 : i32
      %dma_start3A_596 = tpu.memref_slice %arg6[%add3A_589, %dma_start3A_595] : memref<96x128xi32, #tpu.memory_space<vmem>> -> memref<1x128xi32, #tpu.memory_space<vmem>>
      %dma_start3A_597 = tpu.memref_squeeze %dma_start3A_596 : memref<1x128xi32, #tpu.memory_space<vmem>> -> memref<128xi32, #tpu.memory_space<vmem>>
      %dma_start3A_598 = arith.constant 0 : i32
      %dma_start3A_599 = arith.constant 0 : i32
      %dma_start3A_600 = tpu.memref_slice %arg12[%dma_start3A_598, %dma_start3A_599] : memref<10112x16xf32, #tpu.memory_space<vmem_shared>> -> memref<10112x16xf32, #tpu.memory_space<vmem_shared>>
      tpu.enqueue_indirect_dma source(%dma_start3A_594 : memref<128x16xf32, #tpu.memory_space<vmem>>) target(%dma_start3A_600 : memref<10112x16xf32, #tpu.memory_space<vmem_shared>>) offsets(%dma_start3A_597 : memref<128xi32, #tpu.memory_space<vmem>>) semaphore(%arg15 : memref<!tpu.dma_semaphore, #tpu.memory_space<semaphore_mem>>) {add = true}
      %add3A_601 = arith.constant 3 : i32
      %add3A_602 = arith.addi %add3A_73, %add3A_601 : i32
      %dma_start3A_603 = arith.constant 3 : i32
      %dma_start3A_604 = arith.constant 0 : i32
      %dma_start3A_605 = arith.constant 0 : i32
      %dma_start3A_606 = tpu.memref_slice %arg8[%dma_start3A_603, %dma_start3A_604, %dma_start3A_605] : memref<8x128x16xf32, #tpu.memory_space<vmem>> -> memref<1x128x16xf32, #tpu.memory_space<vmem>>
      %dma_start3A_607 = tpu.memref_squeeze %dma_start3A_606 : memref<1x128x16xf32, #tpu.memory_space<vmem>> -> memref<128x16xf32, #tpu.memory_space<vmem>>
      %dma_start3A_608 = arith.constant 0 : i32
      %dma_start3A_609 = tpu.memref_slice %arg6[%add3A_602, %dma_start3A_608] : memref<96x128xi32, #tpu.memory_space<vmem>> -> memref<1x128xi32, #tpu.memory_space<vmem>>
      %dma_start3A_610 = tpu.memref_squeeze %dma_start3A_609 : memref<1x128xi32, #tpu.memory_space<vmem>> -> memref<128xi32, #tpu.memory_space<vmem>>
      %dma_start3A_611 = arith.constant 0 : i32
      %dma_start3A_612 = arith.constant 0 : i32
      %dma_start3A_613 = tpu.memref_slice %arg12[%dma_start3A_611, %dma_start3A_612] : memref<10112x16xf32, #tpu.memory_space<vmem_shared>> -> memref<10112x16xf32, #tpu.memory_space<vmem_shared>>
      tpu.enqueue_indirect_dma source(%dma_start3A_607 : memref<128x16xf32, #tpu.memory_space<vmem>>) target(%dma_start3A_613 : memref<10112x16xf32, #tpu.memory_space<vmem_shared>>) offsets(%dma_start3A_610 : memref<128xi32, #tpu.memory_space<vmem>>) semaphore(%arg15 : memref<!tpu.dma_semaphore, #tpu.memory_space<semaphore_mem>>) {add = true}
      %add3A_614 = arith.constant 4 : i32
      %add3A_615 = arith.addi %add3A_73, %add3A_614 : i32
      %dma_start3A_616 = arith.constant 4 : i32
      %dma_start3A_617 = arith.constant 0 : i32
      %dma_start3A_618 = arith.constant 0 : i32
      %dma_start3A_619 = tpu.memref_slice %arg8[%dma_start3A_616, %dma_start3A_617, %dma_start3A_618] : memref<8x128x16xf32, #tpu.memory_space<vmem>> -> memref<1x128x16xf32, #tpu.memory_space<vmem>>
      %dma_start3A_620 = tpu.memref_squeeze %dma_start3A_619 : memref<1x128x16xf32, #tpu.memory_space<vmem>> -> memref<128x16xf32, #tpu.memory_space<vmem>>
      %dma_start3A_621 = arith.constant 0 : i32
      %dma_start3A_622 = tpu.memref_slice %arg6[%add3A_615, %dma_start3A_621] : memref<96x128xi32, #tpu.memory_space<vmem>> -> memref<1x128xi32, #tpu.memory_space<vmem>>
      %dma_start3A_623 = tpu.memref_squeeze %dma_start3A_622 : memref<1x128xi32, #tpu.memory_space<vmem>> -> memref<128xi32, #tpu.memory_space<vmem>>
      %dma_start3A_624 = arith.constant 0 : i32
      %dma_start3A_625 = arith.constant 0 : i32
      %dma_start3A_626 = tpu.memref_slice %arg12[%dma_start3A_624, %dma_start3A_625] : memref<10112x16xf32, #tpu.memory_space<vmem_shared>> -> memref<10112x16xf32, #tpu.memory_space<vmem_shared>>
      tpu.enqueue_indirect_dma source(%dma_start3A_620 : memref<128x16xf32, #tpu.memory_space<vmem>>) target(%dma_start3A_626 : memref<10112x16xf32, #tpu.memory_space<vmem_shared>>) offsets(%dma_start3A_623 : memref<128xi32, #tpu.memory_space<vmem>>) semaphore(%arg15 : memref<!tpu.dma_semaphore, #tpu.memory_space<semaphore_mem>>) {add = true}
      %add3A_627 = arith.constant 5 : i32
      %add3A_628 = arith.addi %add3A_73, %add3A_627 : i32
      %dma_start3A_629 = arith.constant 5 : i32
      %dma_start3A_630 = arith.constant 0 : i32
      %dma_start3A_631 = arith.constant 0 : i32
      %dma_start3A_632 = tpu.memref_slice %arg8[%dma_start3A_629, %dma_start3A_630, %dma_start3A_631] : memref<8x128x16xf32, #tpu.memory_space<vmem>> -> memref<1x128x16xf32, #tpu.memory_space<vmem>>
      %dma_start3A_633 = tpu.memref_squeeze %dma_start3A_632 : memref<1x128x16xf32, #tpu.memory_space<vmem>> -> memref<128x16xf32, #tpu.memory_space<vmem>>
      %dma_start3A_634 = arith.constant 0 : i32
      %dma_start3A_635 = tpu.memref_slice %arg6[%add3A_628, %dma_start3A_634] : memref<96x128xi32, #tpu.memory_space<vmem>> -> memref<1x128xi32, #tpu.memory_space<vmem>>
      %dma_start3A_636 = tpu.memref_squeeze %dma_start3A_635 : memref<1x128xi32, #tpu.memory_space<vmem>> -> memref<128xi32, #tpu.memory_space<vmem>>
      %dma_start3A_637 = arith.constant 0 : i32
      %dma_start3A_638 = arith.constant 0 : i32
      %dma_start3A_639 = tpu.memref_slice %arg12[%dma_start3A_637, %dma_start3A_638] : memref<10112x16xf32, #tpu.memory_space<vmem_shared>> -> memref<10112x16xf32, #tpu.memory_space<vmem_shared>>
      tpu.enqueue_indirect_dma source(%dma_start3A_633 : memref<128x16xf32, #tpu.memory_space<vmem>>) target(%dma_start3A_639 : memref<10112x16xf32, #tpu.memory_space<vmem_shared>>) offsets(%dma_start3A_636 : memref<128xi32, #tpu.memory_space<vmem>>) semaphore(%arg15 : memref<!tpu.dma_semaphore, #tpu.memory_space<semaphore_mem>>) {add = true}
      %add3A_640 = arith.constant 6 : i32
      %add3A_641 = arith.addi %add3A_73, %add3A_640 : i32
      %dma_start3A_642 = arith.constant 6 : i32
      %dma_start3A_643 = arith.constant 0 : i32
      %dma_start3A_644 = arith.constant 0 : i32
      %dma_start3A_645 = tpu.memref_slice %arg8[%dma_start3A_642, %dma_start3A_643, %dma_start3A_644] : memref<8x128x16xf32, #tpu.memory_space<vmem>> -> memref<1x128x16xf32, #tpu.memory_space<vmem>>
      %dma_start3A_646 = tpu.memref_squeeze %dma_start3A_645 : memref<1x128x16xf32, #tpu.memory_space<vmem>> -> memref<128x16xf32, #tpu.memory_space<vmem>>
      %dma_start3A_647 = arith.constant 0 : i32
      %dma_start3A_648 = tpu.memref_slice %arg6[%add3A_641, %dma_start3A_647] : memref<96x128xi32, #tpu.memory_space<vmem>> -> memref<1x128xi32, #tpu.memory_space<vmem>>
      %dma_start3A_649 = tpu.memref_squeeze %dma_start3A_648 : memref<1x128xi32, #tpu.memory_space<vmem>> -> memref<128xi32, #tpu.memory_space<vmem>>
      %dma_start3A_650 = arith.constant 0 : i32
      %dma_start3A_651 = arith.constant 0 : i32
      %dma_start3A_652 = tpu.memref_slice %arg12[%dma_start3A_650, %dma_start3A_651] : memref<10112x16xf32, #tpu.memory_space<vmem_shared>> -> memref<10112x16xf32, #tpu.memory_space<vmem_shared>>
      tpu.enqueue_indirect_dma source(%dma_start3A_646 : memref<128x16xf32, #tpu.memory_space<vmem>>) target(%dma_start3A_652 : memref<10112x16xf32, #tpu.memory_space<vmem_shared>>) offsets(%dma_start3A_649 : memref<128xi32, #tpu.memory_space<vmem>>) semaphore(%arg15 : memref<!tpu.dma_semaphore, #tpu.memory_space<semaphore_mem>>) {add = true}
      %add3A_653 = arith.constant 7 : i32
      %add3A_654 = arith.addi %add3A_73, %add3A_653 : i32
      %dma_start3A_655 = arith.constant 7 : i32
      %dma_start3A_656 = arith.constant 0 : i32
      %dma_start3A_657 = arith.constant 0 : i32
      %dma_start3A_658 = tpu.memref_slice %arg8[%dma_start3A_655, %dma_start3A_656, %dma_start3A_657] : memref<8x128x16xf32, #tpu.memory_space<vmem>> -> memref<1x128x16xf32, #tpu.memory_space<vmem>>
      %dma_start3A_659 = tpu.memref_squeeze %dma_start3A_658 : memref<1x128x16xf32, #tpu.memory_space<vmem>> -> memref<128x16xf32, #tpu.memory_space<vmem>>
      %dma_start3A_660 = arith.constant 0 : i32
      %dma_start3A_661 = tpu.memref_slice %arg6[%add3A_654, %dma_start3A_660] : memref<96x128xi32, #tpu.memory_space<vmem>> -> memref<1x128xi32, #tpu.memory_space<vmem>>
      %dma_start3A_662 = tpu.memref_squeeze %dma_start3A_661 : memref<1x128xi32, #tpu.memory_space<vmem>> -> memref<128xi32, #tpu.memory_space<vmem>>
      %dma_start3A_663 = arith.constant 0 : i32
      %dma_start3A_664 = arith.constant 0 : i32
      %dma_start3A_665 = tpu.memref_slice %arg12[%dma_start3A_663, %dma_start3A_664] : memref<10112x16xf32, #tpu.memory_space<vmem_shared>> -> memref<10112x16xf32, #tpu.memory_space<vmem_shared>>
      tpu.enqueue_indirect_dma source(%dma_start3A_659 : memref<128x16xf32, #tpu.memory_space<vmem>>) target(%dma_start3A_665 : memref<10112x16xf32, #tpu.memory_space<vmem_shared>>) offsets(%dma_start3A_662 : memref<128xi32, #tpu.memory_space<vmem>>) semaphore(%arg15 : memref<!tpu.dma_semaphore, #tpu.memory_space<semaphore_mem>>) {add = true}
      %dma_wait3A_666 = arith.constant 0 : i32
      %dma_wait3A_667 = arith.constant 0 : i32
      %dma_wait3A_668 = arith.constant 0 : i32
      %dma_wait3A_669 = tpu.memref_slice %arg7[%dma_wait3A_666, %dma_wait3A_667, %dma_wait3A_668] : memref<8x128x16xf32, #tpu.memory_space<vmem>> -> memref<1x128x16xf32, #tpu.memory_space<vmem>>
      %dma_wait3A_670 = tpu.memref_squeeze %dma_wait3A_669 : memref<1x128x16xf32, #tpu.memory_space<vmem>> -> memref<128x16xf32, #tpu.memory_space<vmem>>
      %dma_wait3A_671 = arith.constant 0 : i32
      %dma_wait3A_672 = tpu.memref_slice %arg6[%add3A_371, %dma_wait3A_671] : memref<96x128xi32, #tpu.memory_space<vmem>> -> memref<1x128xi32, #tpu.memory_space<vmem>>
      %dma_wait3A_673 = tpu.memref_squeeze %dma_wait3A_672 : memref<1x128xi32, #tpu.memory_space<vmem>> -> memref<128xi32, #tpu.memory_space<vmem>>
      %dma_wait3A_674 = arith.constant 0 : i32
      %dma_wait3A_675 = arith.constant 0 : i32
      %dma_wait3A_676 = tpu.memref_slice %arg12[%dma_wait3A_674, %dma_wait3A_675] : memref<10112x16xf32, #tpu.memory_space<vmem_shared>> -> memref<10112x16xf32, #tpu.memory_space<vmem_shared>>
      tpu.wait_indirect_dma semaphore(%arg15 : memref<!tpu.dma_semaphore, #tpu.memory_space<semaphore_mem>>) src(%dma_wait3A_670 : memref<128x16xf32, #tpu.memory_space<vmem>>) dst(%dma_wait3A_676 : memref<10112x16xf32, #tpu.memory_space<vmem_shared>>)
      %dma_wait3A_677 = arith.constant 1 : i32
      %dma_wait3A_678 = arith.constant 0 : i32
      %dma_wait3A_679 = arith.constant 0 : i32
      %dma_wait3A_680 = tpu.memref_slice %arg7[%dma_wait3A_677, %dma_wait3A_678, %dma_wait3A_679] : memref<8x128x16xf32, #tpu.memory_space<vmem>> -> memref<1x128x16xf32, #tpu.memory_space<vmem>>
      %dma_wait3A_681 = tpu.memref_squeeze %dma_wait3A_680 : memref<1x128x16xf32, #tpu.memory_space<vmem>> -> memref<128x16xf32, #tpu.memory_space<vmem>>
      %dma_wait3A_682 = arith.constant 0 : i32
      %dma_wait3A_683 = tpu.memref_slice %arg6[%add3A_384, %dma_wait3A_682] : memref<96x128xi32, #tpu.memory_space<vmem>> -> memref<1x128xi32, #tpu.memory_space<vmem>>
      %dma_wait3A_684 = tpu.memref_squeeze %dma_wait3A_683 : memref<1x128xi32, #tpu.memory_space<vmem>> -> memref<128xi32, #tpu.memory_space<vmem>>
      %dma_wait3A_685 = arith.constant 0 : i32
      %dma_wait3A_686 = arith.constant 0 : i32
      %dma_wait3A_687 = tpu.memref_slice %arg12[%dma_wait3A_685, %dma_wait3A_686] : memref<10112x16xf32, #tpu.memory_space<vmem_shared>> -> memref<10112x16xf32, #tpu.memory_space<vmem_shared>>
      tpu.wait_indirect_dma semaphore(%arg15 : memref<!tpu.dma_semaphore, #tpu.memory_space<semaphore_mem>>) src(%dma_wait3A_681 : memref<128x16xf32, #tpu.memory_space<vmem>>) dst(%dma_wait3A_687 : memref<10112x16xf32, #tpu.memory_space<vmem_shared>>)
      %dma_wait3A_688 = arith.constant 2 : i32
      %dma_wait3A_689 = arith.constant 0 : i32
      %dma_wait3A_690 = arith.constant 0 : i32
      %dma_wait3A_691 = tpu.memref_slice %arg7[%dma_wait3A_688, %dma_wait3A_689, %dma_wait3A_690] : memref<8x128x16xf32, #tpu.memory_space<vmem>> -> memref<1x128x16xf32, #tpu.memory_space<vmem>>
      %dma_wait3A_692 = tpu.memref_squeeze %dma_wait3A_691 : memref<1x128x16xf32, #tpu.memory_space<vmem>> -> memref<128x16xf32, #tpu.memory_space<vmem>>
      %dma_wait3A_693 = arith.constant 0 : i32
      %dma_wait3A_694 = tpu.memref_slice %arg6[%add3A_397, %dma_wait3A_693] : memref<96x128xi32, #tpu.memory_space<vmem>> -> memref<1x128xi32, #tpu.memory_space<vmem>>
      %dma_wait3A_695 = tpu.memref_squeeze %dma_wait3A_694 : memref<1x128xi32, #tpu.memory_space<vmem>> -> memref<128xi32, #tpu.memory_space<vmem>>
      %dma_wait3A_696 = arith.constant 0 : i32
      %dma_wait3A_697 = arith.constant 0 : i32
      %dma_wait3A_698 = tpu.memref_slice %arg12[%dma_wait3A_696, %dma_wait3A_697] : memref<10112x16xf32, #tpu.memory_space<vmem_shared>> -> memref<10112x16xf32, #tpu.memory_space<vmem_shared>>
      tpu.wait_indirect_dma semaphore(%arg15 : memref<!tpu.dma_semaphore, #tpu.memory_space<semaphore_mem>>) src(%dma_wait3A_692 : memref<128x16xf32, #tpu.memory_space<vmem>>) dst(%dma_wait3A_698 : memref<10112x16xf32, #tpu.memory_space<vmem_shared>>)
      %dma_wait3A_699 = arith.constant 3 : i32
      %dma_wait3A_700 = arith.constant 0 : i32
      %dma_wait3A_701 = arith.constant 0 : i32
      %dma_wait3A_702 = tpu.memref_slice %arg7[%dma_wait3A_699, %dma_wait3A_700, %dma_wait3A_701] : memref<8x128x16xf32, #tpu.memory_space<vmem>> -> memref<1x128x16xf32, #tpu.memory_space<vmem>>
      %dma_wait3A_703 = tpu.memref_squeeze %dma_wait3A_702 : memref<1x128x16xf32, #tpu.memory_space<vmem>> -> memref<128x16xf32, #tpu.memory_space<vmem>>
      %dma_wait3A_704 = arith.constant 0 : i32
      %dma_wait3A_705 = tpu.memref_slice %arg6[%add3A_410, %dma_wait3A_704] : memref<96x128xi32, #tpu.memory_space<vmem>> -> memref<1x128xi32, #tpu.memory_space<vmem>>
      %dma_wait3A_706 = tpu.memref_squeeze %dma_wait3A_705 : memref<1x128xi32, #tpu.memory_space<vmem>> -> memref<128xi32, #tpu.memory_space<vmem>>
      %dma_wait3A_707 = arith.constant 0 : i32
      %dma_wait3A_708 = arith.constant 0 : i32
      %dma_wait3A_709 = tpu.memref_slice %arg12[%dma_wait3A_707, %dma_wait3A_708] : memref<10112x16xf32, #tpu.memory_space<vmem_shared>> -> memref<10112x16xf32, #tpu.memory_space<vmem_shared>>
      tpu.wait_indirect_dma semaphore(%arg15 : memref<!tpu.dma_semaphore, #tpu.memory_space<semaphore_mem>>) src(%dma_wait3A_703 : memref<128x16xf32, #tpu.memory_space<vmem>>) dst(%dma_wait3A_709 : memref<10112x16xf32, #tpu.memory_space<vmem_shared>>)
      %dma_wait3A_710 = arith.constant 4 : i32
      %dma_wait3A_711 = arith.constant 0 : i32
      %dma_wait3A_712 = arith.constant 0 : i32
      %dma_wait3A_713 = tpu.memref_slice %arg7[%dma_wait3A_710, %dma_wait3A_711, %dma_wait3A_712] : memref<8x128x16xf32, #tpu.memory_space<vmem>> -> memref<1x128x16xf32, #tpu.memory_space<vmem>>
      %dma_wait3A_714 = tpu.memref_squeeze %dma_wait3A_713 : memref<1x128x16xf32, #tpu.memory_space<vmem>> -> memref<128x16xf32, #tpu.memory_space<vmem>>
      %dma_wait3A_715 = arith.constant 0 : i32
      %dma_wait3A_716 = tpu.memref_slice %arg6[%add3A_423, %dma_wait3A_715] : memref<96x128xi32, #tpu.memory_space<vmem>> -> memref<1x128xi32, #tpu.memory_space<vmem>>
      %dma_wait3A_717 = tpu.memref_squeeze %dma_wait3A_716 : memref<1x128xi32, #tpu.memory_space<vmem>> -> memref<128xi32, #tpu.memory_space<vmem>>
      %dma_wait3A_718 = arith.constant 0 : i32
      %dma_wait3A_719 = arith.constant 0 : i32
      %dma_wait3A_720 = tpu.memref_slice %arg12[%dma_wait3A_718, %dma_wait3A_719] : memref<10112x16xf32, #tpu.memory_space<vmem_shared>> -> memref<10112x16xf32, #tpu.memory_space<vmem_shared>>
      tpu.wait_indirect_dma semaphore(%arg15 : memref<!tpu.dma_semaphore, #tpu.memory_space<semaphore_mem>>) src(%dma_wait3A_714 : memref<128x16xf32, #tpu.memory_space<vmem>>) dst(%dma_wait3A_720 : memref<10112x16xf32, #tpu.memory_space<vmem_shared>>)
      %dma_wait3A_721 = arith.constant 5 : i32
      %dma_wait3A_722 = arith.constant 0 : i32
      %dma_wait3A_723 = arith.constant 0 : i32
      %dma_wait3A_724 = tpu.memref_slice %arg7[%dma_wait3A_721, %dma_wait3A_722, %dma_wait3A_723] : memref<8x128x16xf32, #tpu.memory_space<vmem>> -> memref<1x128x16xf32, #tpu.memory_space<vmem>>
      %dma_wait3A_725 = tpu.memref_squeeze %dma_wait3A_724 : memref<1x128x16xf32, #tpu.memory_space<vmem>> -> memref<128x16xf32, #tpu.memory_space<vmem>>
      %dma_wait3A_726 = arith.constant 0 : i32
      %dma_wait3A_727 = tpu.memref_slice %arg6[%add3A_436, %dma_wait3A_726] : memref<96x128xi32, #tpu.memory_space<vmem>> -> memref<1x128xi32, #tpu.memory_space<vmem>>
      %dma_wait3A_728 = tpu.memref_squeeze %dma_wait3A_727 : memref<1x128xi32, #tpu.memory_space<vmem>> -> memref<128xi32, #tpu.memory_space<vmem>>
      %dma_wait3A_729 = arith.constant 0 : i32
      %dma_wait3A_730 = arith.constant 0 : i32
      %dma_wait3A_731 = tpu.memref_slice %arg12[%dma_wait3A_729, %dma_wait3A_730] : memref<10112x16xf32, #tpu.memory_space<vmem_shared>> -> memref<10112x16xf32, #tpu.memory_space<vmem_shared>>
      tpu.wait_indirect_dma semaphore(%arg15 : memref<!tpu.dma_semaphore, #tpu.memory_space<semaphore_mem>>) src(%dma_wait3A_725 : memref<128x16xf32, #tpu.memory_space<vmem>>) dst(%dma_wait3A_731 : memref<10112x16xf32, #tpu.memory_space<vmem_shared>>)
      %dma_wait3A_732 = arith.constant 6 : i32
      %dma_wait3A_733 = arith.constant 0 : i32
      %dma_wait3A_734 = arith.constant 0 : i32
      %dma_wait3A_735 = tpu.memref_slice %arg7[%dma_wait3A_732, %dma_wait3A_733, %dma_wait3A_734] : memref<8x128x16xf32, #tpu.memory_space<vmem>> -> memref<1x128x16xf32, #tpu.memory_space<vmem>>
      %dma_wait3A_736 = tpu.memref_squeeze %dma_wait3A_735 : memref<1x128x16xf32, #tpu.memory_space<vmem>> -> memref<128x16xf32, #tpu.memory_space<vmem>>
      %dma_wait3A_737 = arith.constant 0 : i32
      %dma_wait3A_738 = tpu.memref_slice %arg6[%add3A_449, %dma_wait3A_737] : memref<96x128xi32, #tpu.memory_space<vmem>> -> memref<1x128xi32, #tpu.memory_space<vmem>>
      %dma_wait3A_739 = tpu.memref_squeeze %dma_wait3A_738 : memref<1x128xi32, #tpu.memory_space<vmem>> -> memref<128xi32, #tpu.memory_space<vmem>>
      %dma_wait3A_740 = arith.constant 0 : i32
      %dma_wait3A_741 = arith.constant 0 : i32
      %dma_wait3A_742 = tpu.memref_slice %arg12[%dma_wait3A_740, %dma_wait3A_741] : memref<10112x16xf32, #tpu.memory_space<vmem_shared>> -> memref<10112x16xf32, #tpu.memory_space<vmem_shared>>
      tpu.wait_indirect_dma semaphore(%arg15 : memref<!tpu.dma_semaphore, #tpu.memory_space<semaphore_mem>>) src(%dma_wait3A_736 : memref<128x16xf32, #tpu.memory_space<vmem>>) dst(%dma_wait3A_742 : memref<10112x16xf32, #tpu.memory_space<vmem_shared>>)
      %dma_wait3A_743 = arith.constant 7 : i32
      %dma_wait3A_744 = arith.constant 0 : i32
      %dma_wait3A_745 = arith.constant 0 : i32
      %dma_wait3A_746 = tpu.memref_slice %arg7[%dma_wait3A_743, %dma_wait3A_744, %dma_wait3A_745] : memref<8x128x16xf32, #tpu.memory_space<vmem>> -> memref<1x128x16xf32, #tpu.memory_space<vmem>>
      %dma_wait3A_747 = tpu.memref_squeeze %dma_wait3A_746 : memref<1x128x16xf32, #tpu.memory_space<vmem>> -> memref<128x16xf32, #tpu.memory_space<vmem>>
      %dma_wait3A_748 = arith.constant 0 : i32
      %dma_wait3A_749 = tpu.memref_slice %arg6[%add3A_462, %dma_wait3A_748] : memref<96x128xi32, #tpu.memory_space<vmem>> -> memref<1x128xi32, #tpu.memory_space<vmem>>
      %dma_wait3A_750 = tpu.memref_squeeze %dma_wait3A_749 : memref<1x128xi32, #tpu.memory_space<vmem>> -> memref<128xi32, #tpu.memory_space<vmem>>
      %dma_wait3A_751 = arith.constant 0 : i32
      %dma_wait3A_752 = arith.constant 0 : i32
      %dma_wait3A_753 = tpu.memref_slice %arg12[%dma_wait3A_751, %dma_wait3A_752] : memref<10112x16xf32, #tpu.memory_space<vmem_shared>> -> memref<10112x16xf32, #tpu.memory_space<vmem_shared>>
      tpu.wait_indirect_dma semaphore(%arg15 : memref<!tpu.dma_semaphore, #tpu.memory_space<semaphore_mem>>) src(%dma_wait3A_747 : memref<128x16xf32, #tpu.memory_space<vmem>>) dst(%dma_wait3A_753 : memref<10112x16xf32, #tpu.memory_space<vmem_shared>>)
      %dma_wait3A_754 = arith.constant 0 : i32
      %dma_wait3A_755 = arith.constant 0 : i32
      %dma_wait3A_756 = arith.constant 0 : i32
      %dma_wait3A_757 = tpu.memref_slice %arg8[%dma_wait3A_754, %dma_wait3A_755, %dma_wait3A_756] : memref<8x128x16xf32, #tpu.memory_space<vmem>> -> memref<1x128x16xf32, #tpu.memory_space<vmem>>
      %dma_wait3A_758 = tpu.memref_squeeze %dma_wait3A_757 : memref<1x128x16xf32, #tpu.memory_space<vmem>> -> memref<128x16xf32, #tpu.memory_space<vmem>>
      %dma_wait3A_759 = arith.constant 0 : i32
      %dma_wait3A_760 = tpu.memref_slice %arg6[%add3A_563, %dma_wait3A_759] : memref<96x128xi32, #tpu.memory_space<vmem>> -> memref<1x128xi32, #tpu.memory_space<vmem>>
      %dma_wait3A_761 = tpu.memref_squeeze %dma_wait3A_760 : memref<1x128xi32, #tpu.memory_space<vmem>> -> memref<128xi32, #tpu.memory_space<vmem>>
      %dma_wait3A_762 = arith.constant 0 : i32
      %dma_wait3A_763 = arith.constant 0 : i32
      %dma_wait3A_764 = tpu.memref_slice %arg12[%dma_wait3A_762, %dma_wait3A_763] : memref<10112x16xf32, #tpu.memory_space<vmem_shared>> -> memref<10112x16xf32, #tpu.memory_space<vmem_shared>>
      tpu.wait_indirect_dma semaphore(%arg15 : memref<!tpu.dma_semaphore, #tpu.memory_space<semaphore_mem>>) src(%dma_wait3A_758 : memref<128x16xf32, #tpu.memory_space<vmem>>) dst(%dma_wait3A_764 : memref<10112x16xf32, #tpu.memory_space<vmem_shared>>)
      %dma_wait3A_765 = arith.constant 1 : i32
      %dma_wait3A_766 = arith.constant 0 : i32
      %dma_wait3A_767 = arith.constant 0 : i32
      %dma_wait3A_768 = tpu.memref_slice %arg8[%dma_wait3A_765, %dma_wait3A_766, %dma_wait3A_767] : memref<8x128x16xf32, #tpu.memory_space<vmem>> -> memref<1x128x16xf32, #tpu.memory_space<vmem>>
      %dma_wait3A_769 = tpu.memref_squeeze %dma_wait3A_768 : memref<1x128x16xf32, #tpu.memory_space<vmem>> -> memref<128x16xf32, #tpu.memory_space<vmem>>
      %dma_wait3A_770 = arith.constant 0 : i32
      %dma_wait3A_771 = tpu.memref_slice %arg6[%add3A_576, %dma_wait3A_770] : memref<96x128xi32, #tpu.memory_space<vmem>> -> memref<1x128xi32, #tpu.memory_space<vmem>>
      %dma_wait3A_772 = tpu.memref_squeeze %dma_wait3A_771 : memref<1x128xi32, #tpu.memory_space<vmem>> -> memref<128xi32, #tpu.memory_space<vmem>>
      %dma_wait3A_773 = arith.constant 0 : i32
      %dma_wait3A_774 = arith.constant 0 : i32
      %dma_wait3A_775 = tpu.memref_slice %arg12[%dma_wait3A_773, %dma_wait3A_774] : memref<10112x16xf32, #tpu.memory_space<vmem_shared>> -> memref<10112x16xf32, #tpu.memory_space<vmem_shared>>
      tpu.wait_indirect_dma semaphore(%arg15 : memref<!tpu.dma_semaphore, #tpu.memory_space<semaphore_mem>>) src(%dma_wait3A_769 : memref<128x16xf32, #tpu.memory_space<vmem>>) dst(%dma_wait3A_775 : memref<10112x16xf32, #tpu.memory_space<vmem_shared>>)
      %dma_wait3A_776 = arith.constant 2 : i32
      %dma_wait3A_777 = arith.constant 0 : i32
      %dma_wait3A_778 = arith.constant 0 : i32
      %dma_wait3A_779 = tpu.memref_slice %arg8[%dma_wait3A_776, %dma_wait3A_777, %dma_wait3A_778] : memref<8x128x16xf32, #tpu.memory_space<vmem>> -> memref<1x128x16xf32, #tpu.memory_space<vmem>>
      %dma_wait3A_780 = tpu.memref_squeeze %dma_wait3A_779 : memref<1x128x16xf32, #tpu.memory_space<vmem>> -> memref<128x16xf32, #tpu.memory_space<vmem>>
      %dma_wait3A_781 = arith.constant 0 : i32
      %dma_wait3A_782 = tpu.memref_slice %arg6[%add3A_589, %dma_wait3A_781] : memref<96x128xi32, #tpu.memory_space<vmem>> -> memref<1x128xi32, #tpu.memory_space<vmem>>
      %dma_wait3A_783 = tpu.memref_squeeze %dma_wait3A_782 : memref<1x128xi32, #tpu.memory_space<vmem>> -> memref<128xi32, #tpu.memory_space<vmem>>
      %dma_wait3A_784 = arith.constant 0 : i32
      %dma_wait3A_785 = arith.constant 0 : i32
      %dma_wait3A_786 = tpu.memref_slice %arg12[%dma_wait3A_784, %dma_wait3A_785] : memref<10112x16xf32, #tpu.memory_space<vmem_shared>> -> memref<10112x16xf32, #tpu.memory_space<vmem_shared>>
      tpu.wait_indirect_dma semaphore(%arg15 : memref<!tpu.dma_semaphore, #tpu.memory_space<semaphore_mem>>) src(%dma_wait3A_780 : memref<128x16xf32, #tpu.memory_space<vmem>>) dst(%dma_wait3A_786 : memref<10112x16xf32, #tpu.memory_space<vmem_shared>>)
      %dma_wait3A_787 = arith.constant 3 : i32
      %dma_wait3A_788 = arith.constant 0 : i32
      %dma_wait3A_789 = arith.constant 0 : i32
      %dma_wait3A_790 = tpu.memref_slice %arg8[%dma_wait3A_787, %dma_wait3A_788, %dma_wait3A_789] : memref<8x128x16xf32, #tpu.memory_space<vmem>> -> memref<1x128x16xf32, #tpu.memory_space<vmem>>
      %dma_wait3A_791 = tpu.memref_squeeze %dma_wait3A_790 : memref<1x128x16xf32, #tpu.memory_space<vmem>> -> memref<128x16xf32, #tpu.memory_space<vmem>>
      %dma_wait3A_792 = arith.constant 0 : i32
      %dma_wait3A_793 = tpu.memref_slice %arg6[%add3A_602, %dma_wait3A_792] : memref<96x128xi32, #tpu.memory_space<vmem>> -> memref<1x128xi32, #tpu.memory_space<vmem>>
      %dma_wait3A_794 = tpu.memref_squeeze %dma_wait3A_793 : memref<1x128xi32, #tpu.memory_space<vmem>> -> memref<128xi32, #tpu.memory_space<vmem>>
      %dma_wait3A_795 = arith.constant 0 : i32
      %dma_wait3A_796 = arith.constant 0 : i32
      %dma_wait3A_797 = tpu.memref_slice %arg12[%dma_wait3A_795, %dma_wait3A_796] : memref<10112x16xf32, #tpu.memory_space<vmem_shared>> -> memref<10112x16xf32, #tpu.memory_space<vmem_shared>>
      tpu.wait_indirect_dma semaphore(%arg15 : memref<!tpu.dma_semaphore, #tpu.memory_space<semaphore_mem>>) src(%dma_wait3A_791 : memref<128x16xf32, #tpu.memory_space<vmem>>) dst(%dma_wait3A_797 : memref<10112x16xf32, #tpu.memory_space<vmem_shared>>)
      %dma_wait3A_798 = arith.constant 4 : i32
      %dma_wait3A_799 = arith.constant 0 : i32
      %dma_wait3A_800 = arith.constant 0 : i32
      %dma_wait3A_801 = tpu.memref_slice %arg8[%dma_wait3A_798, %dma_wait3A_799, %dma_wait3A_800] : memref<8x128x16xf32, #tpu.memory_space<vmem>> -> memref<1x128x16xf32, #tpu.memory_space<vmem>>
      %dma_wait3A_802 = tpu.memref_squeeze %dma_wait3A_801 : memref<1x128x16xf32, #tpu.memory_space<vmem>> -> memref<128x16xf32, #tpu.memory_space<vmem>>
      %dma_wait3A_803 = arith.constant 0 : i32
      %dma_wait3A_804 = tpu.memref_slice %arg6[%add3A_615, %dma_wait3A_803] : memref<96x128xi32, #tpu.memory_space<vmem>> -> memref<1x128xi32, #tpu.memory_space<vmem>>
      %dma_wait3A_805 = tpu.memref_squeeze %dma_wait3A_804 : memref<1x128xi32, #tpu.memory_space<vmem>> -> memref<128xi32, #tpu.memory_space<vmem>>
      %dma_wait3A_806 = arith.constant 0 : i32
      %dma_wait3A_807 = arith.constant 0 : i32
      %dma_wait3A_808 = tpu.memref_slice %arg12[%dma_wait3A_806, %dma_wait3A_807] : memref<10112x16xf32, #tpu.memory_space<vmem_shared>> -> memref<10112x16xf32, #tpu.memory_space<vmem_shared>>
      tpu.wait_indirect_dma semaphore(%arg15 : memref<!tpu.dma_semaphore, #tpu.memory_space<semaphore_mem>>) src(%dma_wait3A_802 : memref<128x16xf32, #tpu.memory_space<vmem>>) dst(%dma_wait3A_808 : memref<10112x16xf32, #tpu.memory_space<vmem_shared>>)
      %dma_wait3A_809 = arith.constant 5 : i32
      %dma_wait3A_810 = arith.constant 0 : i32
      %dma_wait3A_811 = arith.constant 0 : i32
      %dma_wait3A_812 = tpu.memref_slice %arg8[%dma_wait3A_809, %dma_wait3A_810, %dma_wait3A_811] : memref<8x128x16xf32, #tpu.memory_space<vmem>> -> memref<1x128x16xf32, #tpu.memory_space<vmem>>
      %dma_wait3A_813 = tpu.memref_squeeze %dma_wait3A_812 : memref<1x128x16xf32, #tpu.memory_space<vmem>> -> memref<128x16xf32, #tpu.memory_space<vmem>>
      %dma_wait3A_814 = arith.constant 0 : i32
      %dma_wait3A_815 = tpu.memref_slice %arg6[%add3A_628, %dma_wait3A_814] : memref<96x128xi32, #tpu.memory_space<vmem>> -> memref<1x128xi32, #tpu.memory_space<vmem>>
      %dma_wait3A_816 = tpu.memref_squeeze %dma_wait3A_815 : memref<1x128xi32, #tpu.memory_space<vmem>> -> memref<128xi32, #tpu.memory_space<vmem>>
      %dma_wait3A_817 = arith.constant 0 : i32
      %dma_wait3A_818 = arith.constant 0 : i32
      %dma_wait3A_819 = tpu.memref_slice %arg12[%dma_wait3A_817, %dma_wait3A_818] : memref<10112x16xf32, #tpu.memory_space<vmem_shared>> -> memref<10112x16xf32, #tpu.memory_space<vmem_shared>>
      tpu.wait_indirect_dma semaphore(%arg15 : memref<!tpu.dma_semaphore, #tpu.memory_space<semaphore_mem>>) src(%dma_wait3A_813 : memref<128x16xf32, #tpu.memory_space<vmem>>) dst(%dma_wait3A_819 : memref<10112x16xf32, #tpu.memory_space<vmem_shared>>)
      %dma_wait3A_820 = arith.constant 6 : i32
      %dma_wait3A_821 = arith.constant 0 : i32
      %dma_wait3A_822 = arith.constant 0 : i32
      %dma_wait3A_823 = tpu.memref_slice %arg8[%dma_wait3A_820, %dma_wait3A_821, %dma_wait3A_822] : memref<8x128x16xf32, #tpu.memory_space<vmem>> -> memref<1x128x16xf32, #tpu.memory_space<vmem>>
      %dma_wait3A_824 = tpu.memref_squeeze %dma_wait3A_823 : memref<1x128x16xf32, #tpu.memory_space<vmem>> -> memref<128x16xf32, #tpu.memory_space<vmem>>
      %dma_wait3A_825 = arith.constant 0 : i32
      %dma_wait3A_826 = tpu.memref_slice %arg6[%add3A_641, %dma_wait3A_825] : memref<96x128xi32, #tpu.memory_space<vmem>> -> memref<1x128xi32, #tpu.memory_space<vmem>>
      %dma_wait3A_827 = tpu.memref_squeeze %dma_wait3A_826 : memref<1x128xi32, #tpu.memory_space<vmem>> -> memref<128xi32, #tpu.memory_space<vmem>>
      %dma_wait3A_828 = arith.constant 0 : i32
      %dma_wait3A_829 = arith.constant 0 : i32
      %dma_wait3A_830 = tpu.memref_slice %arg12[%dma_wait3A_828, %dma_wait3A_829] : memref<10112x16xf32, #tpu.memory_space<vmem_shared>> -> memref<10112x16xf32, #tpu.memory_space<vmem_shared>>
      tpu.wait_indirect_dma semaphore(%arg15 : memref<!tpu.dma_semaphore, #tpu.memory_space<semaphore_mem>>) src(%dma_wait3A_824 : memref<128x16xf32, #tpu.memory_space<vmem>>) dst(%dma_wait3A_830 : memref<10112x16xf32, #tpu.memory_space<vmem_shared>>)
      %dma_wait3A_831 = arith.constant 7 : i32
      %dma_wait3A_832 = arith.constant 0 : i32
      %dma_wait3A_833 = arith.constant 0 : i32
      %dma_wait3A_834 = tpu.memref_slice %arg8[%dma_wait3A_831, %dma_wait3A_832, %dma_wait3A_833] : memref<8x128x16xf32, #tpu.memory_space<vmem>> -> memref<1x128x16xf32, #tpu.memory_space<vmem>>
      %dma_wait3A_835 = tpu.memref_squeeze %dma_wait3A_834 : memref<1x128x16xf32, #tpu.memory_space<vmem>> -> memref<128x16xf32, #tpu.memory_space<vmem>>
      %dma_wait3A_836 = arith.constant 0 : i32
      %dma_wait3A_837 = tpu.memref_slice %arg6[%add3A_654, %dma_wait3A_836] : memref<96x128xi32, #tpu.memory_space<vmem>> -> memref<1x128xi32, #tpu.memory_space<vmem>>
      %dma_wait3A_838 = tpu.memref_squeeze %dma_wait3A_837 : memref<1x128xi32, #tpu.memory_space<vmem>> -> memref<128xi32, #tpu.memory_space<vmem>>
      %dma_wait3A_839 = arith.constant 0 : i32
      %dma_wait3A_840 = arith.constant 0 : i32
      %dma_wait3A_841 = tpu.memref_slice %arg12[%dma_wait3A_839, %dma_wait3A_840] : memref<10112x16xf32, #tpu.memory_space<vmem_shared>> -> memref<10112x16xf32, #tpu.memory_space<vmem_shared>>
      tpu.wait_indirect_dma semaphore(%arg15 : memref<!tpu.dma_semaphore, #tpu.memory_space<semaphore_mem>>) src(%dma_wait3A_835 : memref<128x16xf32, #tpu.memory_space<vmem>>) dst(%dma_wait3A_841 : memref<10112x16xf32, #tpu.memory_space<vmem_shared>>)
    }
    %while3A_61 = arith.constant 1 : i32
    scf.for %while3A_67 = %while3A_59 to %while3A_55 step %while3A_61  : i32 {
      %mul3A_68 = arith.constant 2 : i32
      %mul3A_69 = arith.muli %mul3A_68, %while3A_67 : i32
      %mul3A_70 = arith.constant 8 : i32
      %mul3A_71 = arith.muli %mul3A_69, %mul3A_70 : i32
      %add3A_72 = arith.constant 8 : i32
      %add3A_73 = arith.addi %mul3A_71, %add3A_72 : i32
      %add3A_74 = arith.constant 0 : i32
      %add3A_75 = arith.addi %mul3A_71, %add3A_74 : i32
      %dma_start3A_76 = arith.constant 0 : i32
      %dma_start3A_77 = arith.constant 0 : i32
      %dma_start3A_78 = arith.constant 0 : i32
      %dma_start3A_79 = tpu.memref_slice %arg7[%dma_start3A_76, %dma_start3A_77, %dma_start3A_78] : memref<8x128x16xf32, #tpu.memory_space<vmem>> -> memref<1x128x16xf32, #tpu.memory_space<vmem>>
      %dma_start3A_80 = tpu.memref_squeeze %dma_start3A_79 : memref<1x128x16xf32, #tpu.memory_space<vmem>> -> memref<128x16xf32, #tpu.memory_space<vmem>>
      %dma_start3A_81 = arith.constant 0 : i32
      %dma_start3A_82 = tpu.memref_slice %arg5[%add3A_75, %dma_start3A_81] : memref<96x128xi32, #tpu.memory_space<vmem>> -> memref<1x128xi32, #tpu.memory_space<vmem>>
      %dma_start3A_83 = tpu.memref_squeeze %dma_start3A_82 : memref<1x128xi32, #tpu.memory_space<vmem>> -> memref<128xi32, #tpu.memory_space<vmem>>
      %dma_start3A_84 = arith.constant 0 : i32
      %dma_start3A_85 = arith.constant 0 : i32
      %dma_start3A_86 = tpu.memref_slice %arg13[%dma_start3A_84, %dma_start3A_85] : memref<10112x16xf32, #tpu.memory_space<vmem_shared>> -> memref<10112x16xf32, #tpu.memory_space<vmem_shared>>
      tpu.enqueue_indirect_dma source(%dma_start3A_86 : memref<10112x16xf32, #tpu.memory_space<vmem_shared>>) target(%dma_start3A_80 : memref<128x16xf32, #tpu.memory_space<vmem>>) offsets(%dma_start3A_83 : memref<128xi32, #tpu.memory_space<vmem>>) semaphore(%arg14 : memref<!tpu.dma_semaphore, #tpu.memory_space<semaphore_mem>>)
      %add3A_87 = arith.constant 1 : i32
      %add3A_88 = arith.addi %mul3A_71, %add3A_87 : i32
      %dma_start3A_89 = arith.constant 1 : i32
      %dma_start3A_90 = arith.constant 0 : i32
      %dma_start3A_91 = arith.constant 0 : i32
      %dma_start3A_92 = tpu.memref_slice %arg7[%dma_start3A_89, %dma_start3A_90, %dma_start3A_91] : memref<8x128x16xf32, #tpu.memory_space<vmem>> -> memref<1x128x16xf32, #tpu.memory_space<vmem>>
      %dma_start3A_93 = tpu.memref_squeeze %dma_start3A_92 : memref<1x128x16xf32, #tpu.memory_space<vmem>> -> memref<128x16xf32, #tpu.memory_space<vmem>>
      %dma_start3A_94 = arith.constant 0 : i32
      %dma_start3A_95 = tpu.memref_slice %arg5[%add3A_88, %dma_start3A_94] : memref<96x128xi32, #tpu.memory_space<vmem>> -> memref<1x128xi32, #tpu.memory_space<vmem>>
      %dma_start3A_96 = tpu.memref_squeeze %dma_start3A_95 : memref<1x128xi32, #tpu.memory_space<vmem>> -> memref<128xi32, #tpu.memory_space<vmem>>
      %dma_start3A_97 = arith.constant 0 : i32
      %dma_start3A_98 = arith.constant 0 : i32
      %dma_start3A_99 = tpu.memref_slice %arg13[%dma_start3A_97, %dma_start3A_98] : memref<10112x16xf32, #tpu.memory_space<vmem_shared>> -> memref<10112x16xf32, #tpu.memory_space<vmem_shared>>
      tpu.enqueue_indirect_dma source(%dma_start3A_99 : memref<10112x16xf32, #tpu.memory_space<vmem_shared>>) target(%dma_start3A_93 : memref<128x16xf32, #tpu.memory_space<vmem>>) offsets(%dma_start3A_96 : memref<128xi32, #tpu.memory_space<vmem>>) semaphore(%arg14 : memref<!tpu.dma_semaphore, #tpu.memory_space<semaphore_mem>>)
      %add3A_100 = arith.constant 2 : i32
      %add3A_101 = arith.addi %mul3A_71, %add3A_100 : i32
      %dma_start3A_102 = arith.constant 2 : i32
      %dma_start3A_103 = arith.constant 0 : i32
      %dma_start3A_104 = arith.constant 0 : i32
      %dma_start3A_105 = tpu.memref_slice %arg7[%dma_start3A_102, %dma_start3A_103, %dma_start3A_104] : memref<8x128x16xf32, #tpu.memory_space<vmem>> -> memref<1x128x16xf32, #tpu.memory_space<vmem>>
      %dma_start3A_106 = tpu.memref_squeeze %dma_start3A_105 : memref<1x128x16xf32, #tpu.memory_space<vmem>> -> memref<128x16xf32, #tpu.memory_space<vmem>>
      %dma_start3A_107 = arith.constant 0 : i32
      %dma_start3A_108 = tpu.memref_slice %arg5[%add3A_101, %dma_start3A_107] : memref<96x128xi32, #tpu.memory_space<vmem>> -> memref<1x128xi32, #tpu.memory_space<vmem>>
      %dma_start3A_109 = tpu.memref_squeeze %dma_start3A_108 : memref<1x128xi32, #tpu.memory_space<vmem>> -> memref<128xi32, #tpu.memory_space<vmem>>
      %dma_start3A_110 = arith.constant 0 : i32
      %dma_start3A_111 = arith.constant 0 : i32
      %dma_start3A_112 = tpu.memref_slice %arg13[%dma_start3A_110, %dma_start3A_111] : memref<10112x16xf32, #tpu.memory_space<vmem_shared>> -> memref<10112x16xf32, #tpu.memory_space<vmem_shared>>
      tpu.enqueue_indirect_dma source(%dma_start3A_112 : memref<10112x16xf32, #tpu.memory_space<vmem_shared>>) target(%dma_start3A_106 : memref<128x16xf32, #tpu.memory_space<vmem>>) offsets(%dma_start3A_109 : memref<128xi32, #tpu.memory_space<vmem>>) semaphore(%arg14 : memref<!tpu.dma_semaphore, #tpu.memory_space<semaphore_mem>>)
      %add3A_113 = arith.constant 3 : i32
      %add3A_114 = arith.addi %mul3A_71, %add3A_113 : i32
      %dma_start3A_115 = arith.constant 3 : i32
      %dma_start3A_116 = arith.constant 0 : i32
      %dma_start3A_117 = arith.constant 0 : i32
      %dma_start3A_118 = tpu.memref_slice %arg7[%dma_start3A_115, %dma_start3A_116, %dma_start3A_117] : memref<8x128x16xf32, #tpu.memory_space<vmem>> -> memref<1x128x16xf32, #tpu.memory_space<vmem>>
      %dma_start3A_119 = tpu.memref_squeeze %dma_start3A_118 : memref<1x128x16xf32, #tpu.memory_space<vmem>> -> memref<128x16xf32, #tpu.memory_space<vmem>>
      %dma_start3A_120 = arith.constant 0 : i32
      %dma_start3A_121 = tpu.memref_slice %arg5[%add3A_114, %dma_start3A_120] : memref<96x128xi32, #tpu.memory_space<vmem>> -> memref<1x128xi32, #tpu.memory_space<vmem>>
      %dma_start3A_122 = tpu.memref_squeeze %dma_start3A_121 : memref<1x128xi32, #tpu.memory_space<vmem>> -> memref<128xi32, #tpu.memory_space<vmem>>
      %dma_start3A_123 = arith.constant 0 : i32
      %dma_start3A_124 = arith.constant 0 : i32
      %dma_start3A_125 = tpu.memref_slice %arg13[%dma_start3A_123, %dma_start3A_124] : memref<10112x16xf32, #tpu.memory_space<vmem_shared>> -> memref<10112x16xf32, #tpu.memory_space<vmem_shared>>
      tpu.enqueue_indirect_dma source(%dma_start3A_125 : memref<10112x16xf32, #tpu.memory_space<vmem_shared>>) target(%dma_start3A_119 : memref<128x16xf32, #tpu.memory_space<vmem>>) offsets(%dma_start3A_122 : memref<128xi32, #tpu.memory_space<vmem>>) semaphore(%arg14 : memref<!tpu.dma_semaphore, #tpu.memory_space<semaphore_mem>>)
      %add3A_126 = arith.constant 4 : i32
      %add3A_127 = arith.addi %mul3A_71, %add3A_126 : i32
      %dma_start3A_128 = arith.constant 4 : i32
      %dma_start3A_129 = arith.constant 0 : i32
      %dma_start3A_130 = arith.constant 0 : i32
      %dma_start3A_131 = tpu.memref_slice %arg7[%dma_start3A_128, %dma_start3A_129, %dma_start3A_130] : memref<8x128x16xf32, #tpu.memory_space<vmem>> -> memref<1x128x16xf32, #tpu.memory_space<vmem>>
      %dma_start3A_132 = tpu.memref_squeeze %dma_start3A_131 : memref<1x128x16xf32, #tpu.memory_space<vmem>> -> memref<128x16xf32, #tpu.memory_space<vmem>>
      %dma_start3A_133 = arith.constant 0 : i32
      %dma_start3A_134 = tpu.memref_slice %arg5[%add3A_127, %dma_start3A_133] : memref<96x128xi32, #tpu.memory_space<vmem>> -> memref<1x128xi32, #tpu.memory_space<vmem>>
      %dma_start3A_135 = tpu.memref_squeeze %dma_start3A_134 : memref<1x128xi32, #tpu.memory_space<vmem>> -> memref<128xi32, #tpu.memory_space<vmem>>
      %dma_start3A_136 = arith.constant 0 : i32
      %dma_start3A_137 = arith.constant 0 : i32
      %dma_start3A_138 = tpu.memref_slice %arg13[%dma_start3A_136, %dma_start3A_137] : memref<10112x16xf32, #tpu.memory_space<vmem_shared>> -> memref<10112x16xf32, #tpu.memory_space<vmem_shared>>
      tpu.enqueue_indirect_dma source(%dma_start3A_138 : memref<10112x16xf32, #tpu.memory_space<vmem_shared>>) target(%dma_start3A_132 : memref<128x16xf32, #tpu.memory_space<vmem>>) offsets(%dma_start3A_135 : memref<128xi32, #tpu.memory_space<vmem>>) semaphore(%arg14 : memref<!tpu.dma_semaphore, #tpu.memory_space<semaphore_mem>>)
      %add3A_139 = arith.constant 5 : i32
      %add3A_140 = arith.addi %mul3A_71, %add3A_139 : i32
      %dma_start3A_141 = arith.constant 5 : i32
      %dma_start3A_142 = arith.constant 0 : i32
      %dma_start3A_143 = arith.constant 0 : i32
      %dma_start3A_144 = tpu.memref_slice %arg7[%dma_start3A_141, %dma_start3A_142, %dma_start3A_143] : memref<8x128x16xf32, #tpu.memory_space<vmem>> -> memref<1x128x16xf32, #tpu.memory_space<vmem>>
      %dma_start3A_145 = tpu.memref_squeeze %dma_start3A_144 : memref<1x128x16xf32, #tpu.memory_space<vmem>> -> memref<128x16xf32, #tpu.memory_space<vmem>>
      %dma_start3A_146 = arith.constant 0 : i32
      %dma_start3A_147 = tpu.memref_slice %arg5[%add3A_140, %dma_start3A_146] : memref<96x128xi32, #tpu.memory_space<vmem>> -> memref<1x128xi32, #tpu.memory_space<vmem>>
      %dma_start3A_148 = tpu.memref_squeeze %dma_start3A_147 : memref<1x128xi32, #tpu.memory_space<vmem>> -> memref<128xi32, #tpu.memory_space<vmem>>
      %dma_start3A_149 = arith.constant 0 : i32
      %dma_start3A_150 = arith.constant 0 : i32
      %dma_start3A_151 = tpu.memref_slice %arg13[%dma_start3A_149, %dma_start3A_150] : memref<10112x16xf32, #tpu.memory_space<vmem_shared>> -> memref<10112x16xf32, #tpu.memory_space<vmem_shared>>
      tpu.enqueue_indirect_dma source(%dma_start3A_151 : memref<10112x16xf32, #tpu.memory_space<vmem_shared>>) target(%dma_start3A_145 : memref<128x16xf32, #tpu.memory_space<vmem>>) offsets(%dma_start3A_148 : memref<128xi32, #tpu.memory_space<vmem>>) semaphore(%arg14 : memref<!tpu.dma_semaphore, #tpu.memory_space<semaphore_mem>>)
      %add3A_152 = arith.constant 6 : i32
      %add3A_153 = arith.addi %mul3A_71, %add3A_152 : i32
      %dma_start3A_154 = arith.constant 6 : i32
      %dma_start3A_155 = arith.constant 0 : i32
      %dma_start3A_156 = arith.constant 0 : i32
      %dma_start3A_157 = tpu.memref_slice %arg7[%dma_start3A_154, %dma_start3A_155, %dma_start3A_156] : memref<8x128x16xf32, #tpu.memory_space<vmem>> -> memref<1x128x16xf32, #tpu.memory_space<vmem>>
      %dma_start3A_158 = tpu.memref_squeeze %dma_start3A_157 : memref<1x128x16xf32, #tpu.memory_space<vmem>> -> memref<128x16xf32, #tpu.memory_space<vmem>>
      %dma_start3A_159 = arith.constant 0 : i32
      %dma_start3A_160 = tpu.memref_slice %arg5[%add3A_153, %dma_start3A_159] : memref<96x128xi32, #tpu.memory_space<vmem>> -> memref<1x128xi32, #tpu.memory_space<vmem>>
      %dma_start3A_161 = tpu.memref_squeeze %dma_start3A_160 : memref<1x128xi32, #tpu.memory_space<vmem>> -> memref<128xi32, #tpu.memory_space<vmem>>
      %dma_start3A_162 = arith.constant 0 : i32
      %dma_start3A_163 = arith.constant 0 : i32
      %dma_start3A_164 = tpu.memref_slice %arg13[%dma_start3A_162, %dma_start3A_163] : memref<10112x16xf32, #tpu.memory_space<vmem_shared>> -> memref<10112x16xf32, #tpu.memory_space<vmem_shared>>
      tpu.enqueue_indirect_dma source(%dma_start3A_164 : memref<10112x16xf32, #tpu.memory_space<vmem_shared>>) target(%dma_start3A_158 : memref<128x16xf32, #tpu.memory_space<vmem>>) offsets(%dma_start3A_161 : memref<128xi32, #tpu.memory_space<vmem>>) semaphore(%arg14 : memref<!tpu.dma_semaphore, #tpu.memory_space<semaphore_mem>>)
      %add3A_165 = arith.constant 7 : i32
      %add3A_166 = arith.addi %mul3A_71, %add3A_165 : i32
      %dma_start3A_167 = arith.constant 7 : i32
      %dma_start3A_168 = arith.constant 0 : i32
      %dma_start3A_169 = arith.constant 0 : i32
      %dma_start3A_170 = tpu.memref_slice %arg7[%dma_start3A_167, %dma_start3A_168, %dma_start3A_169] : memref<8x128x16xf32, #tpu.memory_space<vmem>> -> memref<1x128x16xf32, #tpu.memory_space<vmem>>
      %dma_start3A_171 = tpu.memref_squeeze %dma_start3A_170 : memref<1x128x16xf32, #tpu.memory_space<vmem>> -> memref<128x16xf32, #tpu.memory_space<vmem>>
      %dma_start3A_172 = arith.constant 0 : i32
      %dma_start3A_173 = tpu.memref_slice %arg5[%add3A_166, %dma_start3A_172] : memref<96x128xi32, #tpu.memory_space<vmem>> -> memref<1x128xi32, #tpu.memory_space<vmem>>
      %dma_start3A_174 = tpu.memref_squeeze %dma_start3A_173 : memref<1x128xi32, #tpu.memory_space<vmem>> -> memref<128xi32, #tpu.memory_space<vmem>>
      %dma_start3A_175 = arith.constant 0 : i32
      %dma_start3A_176 = arith.constant 0 : i32
      %dma_start3A_177 = tpu.memref_slice %arg13[%dma_start3A_175, %dma_start3A_176] : memref<10112x16xf32, #tpu.memory_space<vmem_shared>> -> memref<10112x16xf32, #tpu.memory_space<vmem_shared>>
      tpu.enqueue_indirect_dma source(%dma_start3A_177 : memref<10112x16xf32, #tpu.memory_space<vmem_shared>>) target(%dma_start3A_171 : memref<128x16xf32, #tpu.memory_space<vmem>>) offsets(%dma_start3A_174 : memref<128xi32, #tpu.memory_space<vmem>>) semaphore(%arg14 : memref<!tpu.dma_semaphore, #tpu.memory_space<semaphore_mem>>)
      %add3A_178 = arith.constant 0 : i32
      %add3A_179 = arith.addi %add3A_73, %add3A_178 : i32
      %dma_start3A_180 = arith.constant 0 : i32
      %dma_start3A_181 = arith.constant 0 : i32
      %dma_start3A_182 = arith.constant 0 : i32
      %dma_start3A_183 = tpu.memref_slice %arg8[%dma_start3A_180, %dma_start3A_181, %dma_start3A_182] : memref<8x128x16xf32, #tpu.memory_space<vmem>> -> memref<1x128x16xf32, #tpu.memory_space<vmem>>
      %dma_start3A_184 = tpu.memref_squeeze %dma_start3A_183 : memref<1x128x16xf32, #tpu.memory_space<vmem>> -> memref<128x16xf32, #tpu.memory_space<vmem>>
      %dma_start3A_185 = arith.constant 0 : i32
      %dma_start3A_186 = tpu.memref_slice %arg5[%add3A_179, %dma_start3A_185] : memref<96x128xi32, #tpu.memory_space<vmem>> -> memref<1x128xi32, #tpu.memory_space<vmem>>
      %dma_start3A_187 = tpu.memref_squeeze %dma_start3A_186 : memref<1x128xi32, #tpu.memory_space<vmem>> -> memref<128xi32, #tpu.memory_space<vmem>>
      %dma_start3A_188 = arith.constant 0 : i32
      %dma_start3A_189 = arith.constant 0 : i32
      %dma_start3A_190 = tpu.memref_slice %arg13[%dma_start3A_188, %dma_start3A_189] : memref<10112x16xf32, #tpu.memory_space<vmem_shared>> -> memref<10112x16xf32, #tpu.memory_space<vmem_shared>>
      tpu.enqueue_indirect_dma source(%dma_start3A_190 : memref<10112x16xf32, #tpu.memory_space<vmem_shared>>) target(%dma_start3A_184 : memref<128x16xf32, #tpu.memory_space<vmem>>) offsets(%dma_start3A_187 : memref<128xi32, #tpu.memory_space<vmem>>) semaphore(%arg14 : memref<!tpu.dma_semaphore, #tpu.memory_space<semaphore_mem>>)
      %add3A_191 = arith.constant 1 : i32
      %add3A_192 = arith.addi %add3A_73, %add3A_191 : i32
      %dma_start3A_193 = arith.constant 1 : i32
      %dma_start3A_194 = arith.constant 0 : i32
      %dma_start3A_195 = arith.constant 0 : i32
      %dma_start3A_196 = tpu.memref_slice %arg8[%dma_start3A_193, %dma_start3A_194, %dma_start3A_195] : memref<8x128x16xf32, #tpu.memory_space<vmem>> -> memref<1x128x16xf32, #tpu.memory_space<vmem>>
      %dma_start3A_197 = tpu.memref_squeeze %dma_start3A_196 : memref<1x128x16xf32, #tpu.memory_space<vmem>> -> memref<128x16xf32, #tpu.memory_space<vmem>>
      %dma_start3A_198 = arith.constant 0 : i32
      %dma_start3A_199 = tpu.memref_slice %arg5[%add3A_192, %dma_start3A_198] : memref<96x128xi32, #tpu.memory_space<vmem>> -> memref<1x128xi32, #tpu.memory_space<vmem>>
      %dma_start3A_200 = tpu.memref_squeeze %dma_start3A_199 : memref<1x128xi32, #tpu.memory_space<vmem>> -> memref<128xi32, #tpu.memory_space<vmem>>
      %dma_start3A_201 = arith.constant 0 : i32
      %dma_start3A_202 = arith.constant 0 : i32
      %dma_start3A_203 = tpu.memref_slice %arg13[%dma_start3A_201, %dma_start3A_202] : memref<10112x16xf32, #tpu.memory_space<vmem_shared>> -> memref<10112x16xf32, #tpu.memory_space<vmem_shared>>
      tpu.enqueue_indirect_dma source(%dma_start3A_203 : memref<10112x16xf32, #tpu.memory_space<vmem_shared>>) target(%dma_start3A_197 : memref<128x16xf32, #tpu.memory_space<vmem>>) offsets(%dma_start3A_200 : memref<128xi32, #tpu.memory_space<vmem>>) semaphore(%arg14 : memref<!tpu.dma_semaphore, #tpu.memory_space<semaphore_mem>>)
      %add3A_204 = arith.constant 2 : i32
      %add3A_205 = arith.addi %add3A_73, %add3A_204 : i32
      %dma_start3A_206 = arith.constant 2 : i32
      %dma_start3A_207 = arith.constant 0 : i32
      %dma_start3A_208 = arith.constant 0 : i32
      %dma_start3A_209 = tpu.memref_slice %arg8[%dma_start3A_206, %dma_start3A_207, %dma_start3A_208] : memref<8x128x16xf32, #tpu.memory_space<vmem>> -> memref<1x128x16xf32, #tpu.memory_space<vmem>>
      %dma_start3A_210 = tpu.memref_squeeze %dma_start3A_209 : memref<1x128x16xf32, #tpu.memory_space<vmem>> -> memref<128x16xf32, #tpu.memory_space<vmem>>
      %dma_start3A_211 = arith.constant 0 : i32
      %dma_start3A_212 = tpu.memref_slice %arg5[%add3A_205, %dma_start3A_211] : memref<96x128xi32, #tpu.memory_space<vmem>> -> memref<1x128xi32, #tpu.memory_space<vmem>>
      %dma_start3A_213 = tpu.memref_squeeze %dma_start3A_212 : memref<1x128xi32, #tpu.memory_space<vmem>> -> memref<128xi32, #tpu.memory_space<vmem>>
      %dma_start3A_214 = arith.constant 0 : i32
      %dma_start3A_215 = arith.constant 0 : i32
      %dma_start3A_216 = tpu.memref_slice %arg13[%dma_start3A_214, %dma_start3A_215] : memref<10112x16xf32, #tpu.memory_space<vmem_shared>> -> memref<10112x16xf32, #tpu.memory_space<vmem_shared>>
      tpu.enqueue_indirect_dma source(%dma_start3A_216 : memref<10112x16xf32, #tpu.memory_space<vmem_shared>>) target(%dma_start3A_210 : memref<128x16xf32, #tpu.memory_space<vmem>>) offsets(%dma_start3A_213 : memref<128xi32, #tpu.memory_space<vmem>>) semaphore(%arg14 : memref<!tpu.dma_semaphore, #tpu.memory_space<semaphore_mem>>)
      %add3A_217 = arith.constant 3 : i32
      %add3A_218 = arith.addi %add3A_73, %add3A_217 : i32
      %dma_start3A_219 = arith.constant 3 : i32
      %dma_start3A_220 = arith.constant 0 : i32
      %dma_start3A_221 = arith.constant 0 : i32
      %dma_start3A_222 = tpu.memref_slice %arg8[%dma_start3A_219, %dma_start3A_220, %dma_start3A_221] : memref<8x128x16xf32, #tpu.memory_space<vmem>> -> memref<1x128x16xf32, #tpu.memory_space<vmem>>
      %dma_start3A_223 = tpu.memref_squeeze %dma_start3A_222 : memref<1x128x16xf32, #tpu.memory_space<vmem>> -> memref<128x16xf32, #tpu.memory_space<vmem>>
      %dma_start3A_224 = arith.constant 0 : i32
      %dma_start3A_225 = tpu.memref_slice %arg5[%add3A_218, %dma_start3A_224] : memref<96x128xi32, #tpu.memory_space<vmem>> -> memref<1x128xi32, #tpu.memory_space<vmem>>
      %dma_start3A_226 = tpu.memref_squeeze %dma_start3A_225 : memref<1x128xi32, #tpu.memory_space<vmem>> -> memref<128xi32, #tpu.memory_space<vmem>>
      %dma_start3A_227 = arith.constant 0 : i32
      %dma_start3A_228 = arith.constant 0 : i32
      %dma_start3A_229 = tpu.memref_slice %arg13[%dma_start3A_227, %dma_start3A_228] : memref<10112x16xf32, #tpu.memory_space<vmem_shared>> -> memref<10112x16xf32, #tpu.memory_space<vmem_shared>>
      tpu.enqueue_indirect_dma source(%dma_start3A_229 : memref<10112x16xf32, #tpu.memory_space<vmem_shared>>) target(%dma_start3A_223 : memref<128x16xf32, #tpu.memory_space<vmem>>) offsets(%dma_start3A_226 : memref<128xi32, #tpu.memory_space<vmem>>) semaphore(%arg14 : memref<!tpu.dma_semaphore, #tpu.memory_space<semaphore_mem>>)
      %add3A_230 = arith.constant 4 : i32
      %add3A_231 = arith.addi %add3A_73, %add3A_230 : i32
      %dma_start3A_232 = arith.constant 4 : i32
      %dma_start3A_233 = arith.constant 0 : i32
      %dma_start3A_234 = arith.constant 0 : i32
      %dma_start3A_235 = tpu.memref_slice %arg8[%dma_start3A_232, %dma_start3A_233, %dma_start3A_234] : memref<8x128x16xf32, #tpu.memory_space<vmem>> -> memref<1x128x16xf32, #tpu.memory_space<vmem>>
      %dma_start3A_236 = tpu.memref_squeeze %dma_start3A_235 : memref<1x128x16xf32, #tpu.memory_space<vmem>> -> memref<128x16xf32, #tpu.memory_space<vmem>>
      %dma_start3A_237 = arith.constant 0 : i32
      %dma_start3A_238 = tpu.memref_slice %arg5[%add3A_231, %dma_start3A_237] : memref<96x128xi32, #tpu.memory_space<vmem>> -> memref<1x128xi32, #tpu.memory_space<vmem>>
      %dma_start3A_239 = tpu.memref_squeeze %dma_start3A_238 : memref<1x128xi32, #tpu.memory_space<vmem>> -> memref<128xi32, #tpu.memory_space<vmem>>
      %dma_start3A_240 = arith.constant 0 : i32
      %dma_start3A_241 = arith.constant 0 : i32
      %dma_start3A_242 = tpu.memref_slice %arg13[%dma_start3A_240, %dma_start3A_241] : memref<10112x16xf32, #tpu.memory_space<vmem_shared>> -> memref<10112x16xf32, #tpu.memory_space<vmem_shared>>
      tpu.enqueue_indirect_dma source(%dma_start3A_242 : memref<10112x16xf32, #tpu.memory_space<vmem_shared>>) target(%dma_start3A_236 : memref<128x16xf32, #tpu.memory_space<vmem>>) offsets(%dma_start3A_239 : memref<128xi32, #tpu.memory_space<vmem>>) semaphore(%arg14 : memref<!tpu.dma_semaphore, #tpu.memory_space<semaphore_mem>>)
      %add3A_243 = arith.constant 5 : i32
      %add3A_244 = arith.addi %add3A_73, %add3A_243 : i32
      %dma_start3A_245 = arith.constant 5 : i32
      %dma_start3A_246 = arith.constant 0 : i32
      %dma_start3A_247 = arith.constant 0 : i32
      %dma_start3A_248 = tpu.memref_slice %arg8[%dma_start3A_245, %dma_start3A_246, %dma_start3A_247] : memref<8x128x16xf32, #tpu.memory_space<vmem>> -> memref<1x128x16xf32, #tpu.memory_space<vmem>>
      %dma_start3A_249 = tpu.memref_squeeze %dma_start3A_248 : memref<1x128x16xf32, #tpu.memory_space<vmem>> -> memref<128x16xf32, #tpu.memory_space<vmem>>
      %dma_start3A_250 = arith.constant 0 : i32
      %dma_start3A_251 = tpu.memref_slice %arg5[%add3A_244, %dma_start3A_250] : memref<96x128xi32, #tpu.memory_space<vmem>> -> memref<1x128xi32, #tpu.memory_space<vmem>>
      %dma_start3A_252 = tpu.memref_squeeze %dma_start3A_251 : memref<1x128xi32, #tpu.memory_space<vmem>> -> memref<128xi32, #tpu.memory_space<vmem>>
      %dma_start3A_253 = arith.constant 0 : i32
      %dma_start3A_254 = arith.constant 0 : i32
      %dma_start3A_255 = tpu.memref_slice %arg13[%dma_start3A_253, %dma_start3A_254] : memref<10112x16xf32, #tpu.memory_space<vmem_shared>> -> memref<10112x16xf32, #tpu.memory_space<vmem_shared>>
      tpu.enqueue_indirect_dma source(%dma_start3A_255 : memref<10112x16xf32, #tpu.memory_space<vmem_shared>>) target(%dma_start3A_249 : memref<128x16xf32, #tpu.memory_space<vmem>>) offsets(%dma_start3A_252 : memref<128xi32, #tpu.memory_space<vmem>>) semaphore(%arg14 : memref<!tpu.dma_semaphore, #tpu.memory_space<semaphore_mem>>)
      %add3A_256 = arith.constant 6 : i32
      %add3A_257 = arith.addi %add3A_73, %add3A_256 : i32
      %dma_start3A_258 = arith.constant 6 : i32
      %dma_start3A_259 = arith.constant 0 : i32
      %dma_start3A_260 = arith.constant 0 : i32
      %dma_start3A_261 = tpu.memref_slice %arg8[%dma_start3A_258, %dma_start3A_259, %dma_start3A_260] : memref<8x128x16xf32, #tpu.memory_space<vmem>> -> memref<1x128x16xf32, #tpu.memory_space<vmem>>
      %dma_start3A_262 = tpu.memref_squeeze %dma_start3A_261 : memref<1x128x16xf32, #tpu.memory_space<vmem>> -> memref<128x16xf32, #tpu.memory_space<vmem>>
      %dma_start3A_263 = arith.constant 0 : i32
      %dma_start3A_264 = tpu.memref_slice %arg5[%add3A_257, %dma_start3A_263] : memref<96x128xi32, #tpu.memory_space<vmem>> -> memref<1x128xi32, #tpu.memory_space<vmem>>
      %dma_start3A_265 = tpu.memref_squeeze %dma_start3A_264 : memref<1x128xi32, #tpu.memory_space<vmem>> -> memref<128xi32, #tpu.memory_space<vmem>>
      %dma_start3A_266 = arith.constant 0 : i32
      %dma_start3A_267 = arith.constant 0 : i32
      %dma_start3A_268 = tpu.memref_slice %arg13[%dma_start3A_266, %dma_start3A_267] : memref<10112x16xf32, #tpu.memory_space<vmem_shared>> -> memref<10112x16xf32, #tpu.memory_space<vmem_shared>>
      tpu.enqueue_indirect_dma source(%dma_start3A_268 : memref<10112x16xf32, #tpu.memory_space<vmem_shared>>) target(%dma_start3A_262 : memref<128x16xf32, #tpu.memory_space<vmem>>) offsets(%dma_start3A_265 : memref<128xi32, #tpu.memory_space<vmem>>) semaphore(%arg14 : memref<!tpu.dma_semaphore, #tpu.memory_space<semaphore_mem>>)
      %add3A_269 = arith.constant 7 : i32
      %add3A_270 = arith.addi %add3A_73, %add3A_269 : i32
      %dma_start3A_271 = arith.constant 7 : i32
      %dma_start3A_272 = arith.constant 0 : i32
      %dma_start3A_273 = arith.constant 0 : i32
      %dma_start3A_274 = tpu.memref_slice %arg8[%dma_start3A_271, %dma_start3A_272, %dma_start3A_273] : memref<8x128x16xf32, #tpu.memory_space<vmem>> -> memref<1x128x16xf32, #tpu.memory_space<vmem>>
      %dma_start3A_275 = tpu.memref_squeeze %dma_start3A_274 : memref<1x128x16xf32, #tpu.memory_space<vmem>> -> memref<128x16xf32, #tpu.memory_space<vmem>>
      %dma_start3A_276 = arith.constant 0 : i32
      %dma_start3A_277 = tpu.memref_slice %arg5[%add3A_270, %dma_start3A_276] : memref<96x128xi32, #tpu.memory_space<vmem>> -> memref<1x128xi32, #tpu.memory_space<vmem>>
      %dma_start3A_278 = tpu.memref_squeeze %dma_start3A_277 : memref<1x128xi32, #tpu.memory_space<vmem>> -> memref<128xi32, #tpu.memory_space<vmem>>
      %dma_start3A_279 = arith.constant 0 : i32
      %dma_start3A_280 = arith.constant 0 : i32
      %dma_start3A_281 = tpu.memref_slice %arg13[%dma_start3A_279, %dma_start3A_280] : memref<10112x16xf32, #tpu.memory_space<vmem_shared>> -> memref<10112x16xf32, #tpu.memory_space<vmem_shared>>
      tpu.enqueue_indirect_dma source(%dma_start3A_281 : memref<10112x16xf32, #tpu.memory_space<vmem_shared>>) target(%dma_start3A_275 : memref<128x16xf32, #tpu.memory_space<vmem>>) offsets(%dma_start3A_278 : memref<128xi32, #tpu.memory_space<vmem>>) semaphore(%arg14 : memref<!tpu.dma_semaphore, #tpu.memory_space<semaphore_mem>>)
      %dma_wait3A_282 = arith.constant 0 : i32
      %dma_wait3A_283 = arith.constant 0 : i32
      %dma_wait3A_284 = arith.constant 0 : i32
      %dma_wait3A_285 = tpu.memref_slice %arg7[%dma_wait3A_282, %dma_wait3A_283, %dma_wait3A_284] : memref<8x128x16xf32, #tpu.memory_space<vmem>> -> memref<1x128x16xf32, #tpu.memory_space<vmem>>
      %dma_wait3A_286 = tpu.memref_squeeze %dma_wait3A_285 : memref<1x128x16xf32, #tpu.memory_space<vmem>> -> memref<128x16xf32, #tpu.memory_space<vmem>>
      %dma_wait3A_287 = arith.constant 0 : i32
      %dma_wait3A_288 = tpu.memref_slice %arg5[%add3A_75, %dma_wait3A_287] : memref<96x128xi32, #tpu.memory_space<vmem>> -> memref<1x128xi32, #tpu.memory_space<vmem>>
      %dma_wait3A_289 = tpu.memref_squeeze %dma_wait3A_288 : memref<1x128xi32, #tpu.memory_space<vmem>> -> memref<128xi32, #tpu.memory_space<vmem>>
      %dma_wait3A_290 = arith.constant 0 : i32
      %dma_wait3A_291 = arith.constant 0 : i32
      %dma_wait3A_292 = tpu.memref_slice %arg13[%dma_wait3A_290, %dma_wait3A_291] : memref<10112x16xf32, #tpu.memory_space<vmem_shared>> -> memref<10112x16xf32, #tpu.memory_space<vmem_shared>>
      tpu.wait_indirect_dma semaphore(%arg14 : memref<!tpu.dma_semaphore, #tpu.memory_space<semaphore_mem>>) src(%dma_wait3A_292 : memref<10112x16xf32, #tpu.memory_space<vmem_shared>>) dst(%dma_wait3A_286 : memref<128x16xf32, #tpu.memory_space<vmem>>)
      %dma_wait3A_293 = arith.constant 1 : i32
      %dma_wait3A_294 = arith.constant 0 : i32
      %dma_wait3A_295 = arith.constant 0 : i32
      %dma_wait3A_296 = tpu.memref_slice %arg7[%dma_wait3A_293, %dma_wait3A_294, %dma_wait3A_295] : memref<8x128x16xf32, #tpu.memory_space<vmem>> -> memref<1x128x16xf32, #tpu.memory_space<vmem>>
      %dma_wait3A_297 = tpu.memref_squeeze %dma_wait3A_296 : memref<1x128x16xf32, #tpu.memory_space<vmem>> -> memref<128x16xf32, #tpu.memory_space<vmem>>
      %dma_wait3A_298 = arith.constant 0 : i32
      %dma_wait3A_299 = tpu.memref_slice %arg5[%add3A_88, %dma_wait3A_298] : memref<96x128xi32, #tpu.memory_space<vmem>> -> memref<1x128xi32, #tpu.memory_space<vmem>>
      %dma_wait3A_300 = tpu.memref_squeeze %dma_wait3A_299 : memref<1x128xi32, #tpu.memory_space<vmem>> -> memref<128xi32, #tpu.memory_space<vmem>>
      %dma_wait3A_301 = arith.constant 0 : i32
      %dma_wait3A_302 = arith.constant 0 : i32
      %dma_wait3A_303 = tpu.memref_slice %arg13[%dma_wait3A_301, %dma_wait3A_302] : memref<10112x16xf32, #tpu.memory_space<vmem_shared>> -> memref<10112x16xf32, #tpu.memory_space<vmem_shared>>
      tpu.wait_indirect_dma semaphore(%arg14 : memref<!tpu.dma_semaphore, #tpu.memory_space<semaphore_mem>>) src(%dma_wait3A_303 : memref<10112x16xf32, #tpu.memory_space<vmem_shared>>) dst(%dma_wait3A_297 : memref<128x16xf32, #tpu.memory_space<vmem>>)
      %dma_wait3A_304 = arith.constant 2 : i32
      %dma_wait3A_305 = arith.constant 0 : i32
      %dma_wait3A_306 = arith.constant 0 : i32
      %dma_wait3A_307 = tpu.memref_slice %arg7[%dma_wait3A_304, %dma_wait3A_305, %dma_wait3A_306] : memref<8x128x16xf32, #tpu.memory_space<vmem>> -> memref<1x128x16xf32, #tpu.memory_space<vmem>>
      %dma_wait3A_308 = tpu.memref_squeeze %dma_wait3A_307 : memref<1x128x16xf32, #tpu.memory_space<vmem>> -> memref<128x16xf32, #tpu.memory_space<vmem>>
      %dma_wait3A_309 = arith.constant 0 : i32
      %dma_wait3A_310 = tpu.memref_slice %arg5[%add3A_101, %dma_wait3A_309] : memref<96x128xi32, #tpu.memory_space<vmem>> -> memref<1x128xi32, #tpu.memory_space<vmem>>
      %dma_wait3A_311 = tpu.memref_squeeze %dma_wait3A_310 : memref<1x128xi32, #tpu.memory_space<vmem>> -> memref<128xi32, #tpu.memory_space<vmem>>
      %dma_wait3A_312 = arith.constant 0 : i32
      %dma_wait3A_313 = arith.constant 0 : i32
      %dma_wait3A_314 = tpu.memref_slice %arg13[%dma_wait3A_312, %dma_wait3A_313] : memref<10112x16xf32, #tpu.memory_space<vmem_shared>> -> memref<10112x16xf32, #tpu.memory_space<vmem_shared>>
      tpu.wait_indirect_dma semaphore(%arg14 : memref<!tpu.dma_semaphore, #tpu.memory_space<semaphore_mem>>) src(%dma_wait3A_314 : memref<10112x16xf32, #tpu.memory_space<vmem_shared>>) dst(%dma_wait3A_308 : memref<128x16xf32, #tpu.memory_space<vmem>>)
      %dma_wait3A_315 = arith.constant 3 : i32
      %dma_wait3A_316 = arith.constant 0 : i32
      %dma_wait3A_317 = arith.constant 0 : i32
      %dma_wait3A_318 = tpu.memref_slice %arg7[%dma_wait3A_315, %dma_wait3A_316, %dma_wait3A_317] : memref<8x128x16xf32, #tpu.memory_space<vmem>> -> memref<1x128x16xf32, #tpu.memory_space<vmem>>
      %dma_wait3A_319 = tpu.memref_squeeze %dma_wait3A_318 : memref<1x128x16xf32, #tpu.memory_space<vmem>> -> memref<128x16xf32, #tpu.memory_space<vmem>>
      %dma_wait3A_320 = arith.constant 0 : i32
      %dma_wait3A_321 = tpu.memref_slice %arg5[%add3A_114, %dma_wait3A_320] : memref<96x128xi32, #tpu.memory_space<vmem>> -> memref<1x128xi32, #tpu.memory_space<vmem>>
      %dma_wait3A_322 = tpu.memref_squeeze %dma_wait3A_321 : memref<1x128xi32, #tpu.memory_space<vmem>> -> memref<128xi32, #tpu.memory_space<vmem>>
      %dma_wait3A_323 = arith.constant 0 : i32
      %dma_wait3A_324 = arith.constant 0 : i32
      %dma_wait3A_325 = tpu.memref_slice %arg13[%dma_wait3A_323, %dma_wait3A_324] : memref<10112x16xf32, #tpu.memory_space<vmem_shared>> -> memref<10112x16xf32, #tpu.memory_space<vmem_shared>>
      tpu.wait_indirect_dma semaphore(%arg14 : memref<!tpu.dma_semaphore, #tpu.memory_space<semaphore_mem>>) src(%dma_wait3A_325 : memref<10112x16xf32, #tpu.memory_space<vmem_shared>>) dst(%dma_wait3A_319 : memref<128x16xf32, #tpu.memory_space<vmem>>)
      %dma_wait3A_326 = arith.constant 4 : i32
      %dma_wait3A_327 = arith.constant 0 : i32
      %dma_wait3A_328 = arith.constant 0 : i32
      %dma_wait3A_329 = tpu.memref_slice %arg7[%dma_wait3A_326, %dma_wait3A_327, %dma_wait3A_328] : memref<8x128x16xf32, #tpu.memory_space<vmem>> -> memref<1x128x16xf32, #tpu.memory_space<vmem>>
      %dma_wait3A_330 = tpu.memref_squeeze %dma_wait3A_329 : memref<1x128x16xf32, #tpu.memory_space<vmem>> -> memref<128x16xf32, #tpu.memory_space<vmem>>
      %dma_wait3A_331 = arith.constant 0 : i32
      %dma_wait3A_332 = tpu.memref_slice %arg5[%add3A_127, %dma_wait3A_331] : memref<96x128xi32, #tpu.memory_space<vmem>> -> memref<1x128xi32, #tpu.memory_space<vmem>>
      %dma_wait3A_333 = tpu.memref_squeeze %dma_wait3A_332 : memref<1x128xi32, #tpu.memory_space<vmem>> -> memref<128xi32, #tpu.memory_space<vmem>>
      %dma_wait3A_334 = arith.constant 0 : i32
      %dma_wait3A_335 = arith.constant 0 : i32
      %dma_wait3A_336 = tpu.memref_slice %arg13[%dma_wait3A_334, %dma_wait3A_335] : memref<10112x16xf32, #tpu.memory_space<vmem_shared>> -> memref<10112x16xf32, #tpu.memory_space<vmem_shared>>
      tpu.wait_indirect_dma semaphore(%arg14 : memref<!tpu.dma_semaphore, #tpu.memory_space<semaphore_mem>>) src(%dma_wait3A_336 : memref<10112x16xf32, #tpu.memory_space<vmem_shared>>) dst(%dma_wait3A_330 : memref<128x16xf32, #tpu.memory_space<vmem>>)
      %dma_wait3A_337 = arith.constant 5 : i32
      %dma_wait3A_338 = arith.constant 0 : i32
      %dma_wait3A_339 = arith.constant 0 : i32
      %dma_wait3A_340 = tpu.memref_slice %arg7[%dma_wait3A_337, %dma_wait3A_338, %dma_wait3A_339] : memref<8x128x16xf32, #tpu.memory_space<vmem>> -> memref<1x128x16xf32, #tpu.memory_space<vmem>>
      %dma_wait3A_341 = tpu.memref_squeeze %dma_wait3A_340 : memref<1x128x16xf32, #tpu.memory_space<vmem>> -> memref<128x16xf32, #tpu.memory_space<vmem>>
      %dma_wait3A_342 = arith.constant 0 : i32
      %dma_wait3A_343 = tpu.memref_slice %arg5[%add3A_140, %dma_wait3A_342] : memref<96x128xi32, #tpu.memory_space<vmem>> -> memref<1x128xi32, #tpu.memory_space<vmem>>
      %dma_wait3A_344 = tpu.memref_squeeze %dma_wait3A_343 : memref<1x128xi32, #tpu.memory_space<vmem>> -> memref<128xi32, #tpu.memory_space<vmem>>
      %dma_wait3A_345 = arith.constant 0 : i32
      %dma_wait3A_346 = arith.constant 0 : i32
      %dma_wait3A_347 = tpu.memref_slice %arg13[%dma_wait3A_345, %dma_wait3A_346] : memref<10112x16xf32, #tpu.memory_space<vmem_shared>> -> memref<10112x16xf32, #tpu.memory_space<vmem_shared>>
      tpu.wait_indirect_dma semaphore(%arg14 : memref<!tpu.dma_semaphore, #tpu.memory_space<semaphore_mem>>) src(%dma_wait3A_347 : memref<10112x16xf32, #tpu.memory_space<vmem_shared>>) dst(%dma_wait3A_341 : memref<128x16xf32, #tpu.memory_space<vmem>>)
      %dma_wait3A_348 = arith.constant 6 : i32
      %dma_wait3A_349 = arith.constant 0 : i32
      %dma_wait3A_350 = arith.constant 0 : i32
      %dma_wait3A_351 = tpu.memref_slice %arg7[%dma_wait3A_348, %dma_wait3A_349, %dma_wait3A_350] : memref<8x128x16xf32, #tpu.memory_space<vmem>> -> memref<1x128x16xf32, #tpu.memory_space<vmem>>
      %dma_wait3A_352 = tpu.memref_squeeze %dma_wait3A_351 : memref<1x128x16xf32, #tpu.memory_space<vmem>> -> memref<128x16xf32, #tpu.memory_space<vmem>>
      %dma_wait3A_353 = arith.constant 0 : i32
      %dma_wait3A_354 = tpu.memref_slice %arg5[%add3A_153, %dma_wait3A_353] : memref<96x128xi32, #tpu.memory_space<vmem>> -> memref<1x128xi32, #tpu.memory_space<vmem>>
      %dma_wait3A_355 = tpu.memref_squeeze %dma_wait3A_354 : memref<1x128xi32, #tpu.memory_space<vmem>> -> memref<128xi32, #tpu.memory_space<vmem>>
      %dma_wait3A_356 = arith.constant 0 : i32
      %dma_wait3A_357 = arith.constant 0 : i32
      %dma_wait3A_358 = tpu.memref_slice %arg13[%dma_wait3A_356, %dma_wait3A_357] : memref<10112x16xf32, #tpu.memory_space<vmem_shared>> -> memref<10112x16xf32, #tpu.memory_space<vmem_shared>>
      tpu.wait_indirect_dma semaphore(%arg14 : memref<!tpu.dma_semaphore, #tpu.memory_space<semaphore_mem>>) src(%dma_wait3A_358 : memref<10112x16xf32, #tpu.memory_space<vmem_shared>>) dst(%dma_wait3A_352 : memref<128x16xf32, #tpu.memory_space<vmem>>)
      %dma_wait3A_359 = arith.constant 7 : i32
      %dma_wait3A_360 = arith.constant 0 : i32
      %dma_wait3A_361 = arith.constant 0 : i32
      %dma_wait3A_362 = tpu.memref_slice %arg7[%dma_wait3A_359, %dma_wait3A_360, %dma_wait3A_361] : memref<8x128x16xf32, #tpu.memory_space<vmem>> -> memref<1x128x16xf32, #tpu.memory_space<vmem>>
      %dma_wait3A_363 = tpu.memref_squeeze %dma_wait3A_362 : memref<1x128x16xf32, #tpu.memory_space<vmem>> -> memref<128x16xf32, #tpu.memory_space<vmem>>
      %dma_wait3A_364 = arith.constant 0 : i32
      %dma_wait3A_365 = tpu.memref_slice %arg5[%add3A_166, %dma_wait3A_364] : memref<96x128xi32, #tpu.memory_space<vmem>> -> memref<1x128xi32, #tpu.memory_space<vmem>>
      %dma_wait3A_366 = tpu.memref_squeeze %dma_wait3A_365 : memref<1x128xi32, #tpu.memory_space<vmem>> -> memref<128xi32, #tpu.memory_space<vmem>>
      %dma_wait3A_367 = arith.constant 0 : i32
      %dma_wait3A_368 = arith.constant 0 : i32
      %dma_wait3A_369 = tpu.memref_slice %arg13[%dma_wait3A_367, %dma_wait3A_368] : memref<10112x16xf32, #tpu.memory_space<vmem_shared>> -> memref<10112x16xf32, #tpu.memory_space<vmem_shared>>
      tpu.wait_indirect_dma semaphore(%arg14 : memref<!tpu.dma_semaphore, #tpu.memory_space<semaphore_mem>>) src(%dma_wait3A_369 : memref<10112x16xf32, #tpu.memory_space<vmem_shared>>) dst(%dma_wait3A_363 : memref<128x16xf32, #tpu.memory_space<vmem>>)
      %add3A_370 = arith.constant 0 : i32
      %add3A_371 = arith.addi %mul3A_71, %add3A_370 : i32
      %dma_start3A_372 = arith.constant 0 : i32
      %dma_start3A_373 = arith.constant 0 : i32
      %dma_start3A_374 = arith.constant 0 : i32
      %dma_start3A_375 = tpu.memref_slice %arg7[%dma_start3A_372, %dma_start3A_373, %dma_start3A_374] : memref<8x128x16xf32, #tpu.memory_space<vmem>> -> memref<1x128x16xf32, #tpu.memory_space<vmem>>
      %dma_start3A_376 = tpu.memref_squeeze %dma_start3A_375 : memref<1x128x16xf32, #tpu.memory_space<vmem>> -> memref<128x16xf32, #tpu.memory_space<vmem>>
      %dma_start3A_377 = arith.constant 0 : i32
      %dma_start3A_378 = tpu.memref_slice %arg6[%add3A_371, %dma_start3A_377] : memref<96x128xi32, #tpu.memory_space<vmem>> -> memref<1x128xi32, #tpu.memory_space<vmem>>
      %dma_start3A_379 = tpu.memref_squeeze %dma_start3A_378 : memref<1x128xi32, #tpu.memory_space<vmem>> -> memref<128xi32, #tpu.memory_space<vmem>>
      %dma_start3A_380 = arith.constant 0 : i32
      %dma_start3A_381 = arith.constant 0 : i32
      %dma_start3A_382 = tpu.memref_slice %arg12[%dma_start3A_380, %dma_start3A_381] : memref<10112x16xf32, #tpu.memory_space<vmem_shared>> -> memref<10112x16xf32, #tpu.memory_space<vmem_shared>>
      tpu.enqueue_indirect_dma source(%dma_start3A_376 : memref<128x16xf32, #tpu.memory_space<vmem>>) target(%dma_start3A_382 : memref<10112x16xf32, #tpu.memory_space<vmem_shared>>) offsets(%dma_start3A_379 : memref<128xi32, #tpu.memory_space<vmem>>) semaphore(%arg15 : memref<!tpu.dma_semaphore, #tpu.memory_space<semaphore_mem>>) {add = true}
      %add3A_383 = arith.constant 1 : i32
      %add3A_384 = arith.addi %mul3A_71, %add3A_383 : i32
      %dma_start3A_385 = arith.constant 1 : i32
      %dma_start3A_386 = arith.constant 0 : i32
      %dma_start3A_387 = arith.constant 0 : i32
      %dma_start3A_388 = tpu.memref_slice %arg7[%dma_start3A_385, %dma_start3A_386, %dma_start3A_387] : memref<8x128x16xf32, #tpu.memory_space<vmem>> -> memref<1x128x16xf32, #tpu.memory_space<vmem>>
      %dma_start3A_389 = tpu.memref_squeeze %dma_start3A_388 : memref<1x128x16xf32, #tpu.memory_space<vmem>> -> memref<128x16xf32, #tpu.memory_space<vmem>>
      %dma_start3A_390 = arith.constant 0 : i32
      %dma_start3A_391 = tpu.memref_slice %arg6[%add3A_384, %dma_start3A_390] : memref<96x128xi32, #tpu.memory_space<vmem>> -> memref<1x128xi32, #tpu.memory_space<vmem>>
      %dma_start3A_392 = tpu.memref_squeeze %dma_start3A_391 : memref<1x128xi32, #tpu.memory_space<vmem>> -> memref<128xi32, #tpu.memory_space<vmem>>
      %dma_start3A_393 = arith.constant 0 : i32
      %dma_start3A_394 = arith.constant 0 : i32
      %dma_start3A_395 = tpu.memref_slice %arg12[%dma_start3A_393, %dma_start3A_394] : memref<10112x16xf32, #tpu.memory_space<vmem_shared>> -> memref<10112x16xf32, #tpu.memory_space<vmem_shared>>
      tpu.enqueue_indirect_dma source(%dma_start3A_389 : memref<128x16xf32, #tpu.memory_space<vmem>>) target(%dma_start3A_395 : memref<10112x16xf32, #tpu.memory_space<vmem_shared>>) offsets(%dma_start3A_392 : memref<128xi32, #tpu.memory_space<vmem>>) semaphore(%arg15 : memref<!tpu.dma_semaphore, #tpu.memory_space<semaphore_mem>>) {add = true}
      %add3A_396 = arith.constant 2 : i32
      %add3A_397 = arith.addi %mul3A_71, %add3A_396 : i32
      %dma_start3A_398 = arith.constant 2 : i32
      %dma_start3A_399 = arith.constant 0 : i32
      %dma_start3A_400 = arith.constant 0 : i32
      %dma_start3A_401 = tpu.memref_slice %arg7[%dma_start3A_398, %dma_start3A_399, %dma_start3A_400] : memref<8x128x16xf32, #tpu.memory_space<vmem>> -> memref<1x128x16xf32, #tpu.memory_space<vmem>>
      %dma_start3A_402 = tpu.memref_squeeze %dma_start3A_401 : memref<1x128x16xf32, #tpu.memory_space<vmem>> -> memref<128x16xf32, #tpu.memory_space<vmem>>
      %dma_start3A_403 = arith.constant 0 : i32
      %dma_start3A_404 = tpu.memref_slice %arg6[%add3A_397, %dma_start3A_403] : memref<96x128xi32, #tpu.memory_space<vmem>> -> memref<1x128xi32, #tpu.memory_space<vmem>>
      %dma_start3A_405 = tpu.memref_squeeze %dma_start3A_404 : memref<1x128xi32, #tpu.memory_space<vmem>> -> memref<128xi32, #tpu.memory_space<vmem>>
      %dma_start3A_406 = arith.constant 0 : i32
      %dma_start3A_407 = arith.constant 0 : i32
      %dma_start3A_408 = tpu.memref_slice %arg12[%dma_start3A_406, %dma_start3A_407] : memref<10112x16xf32, #tpu.memory_space<vmem_shared>> -> memref<10112x16xf32, #tpu.memory_space<vmem_shared>>
      tpu.enqueue_indirect_dma source(%dma_start3A_402 : memref<128x16xf32, #tpu.memory_space<vmem>>) target(%dma_start3A_408 : memref<10112x16xf32, #tpu.memory_space<vmem_shared>>) offsets(%dma_start3A_405 : memref<128xi32, #tpu.memory_space<vmem>>) semaphore(%arg15 : memref<!tpu.dma_semaphore, #tpu.memory_space<semaphore_mem>>) {add = true}
      %add3A_409 = arith.constant 3 : i32
      %add3A_410 = arith.addi %mul3A_71, %add3A_409 : i32
      %dma_start3A_411 = arith.constant 3 : i32
      %dma_start3A_412 = arith.constant 0 : i32
      %dma_start3A_413 = arith.constant 0 : i32
      %dma_start3A_414 = tpu.memref_slice %arg7[%dma_start3A_411, %dma_start3A_412, %dma_start3A_413] : memref<8x128x16xf32, #tpu.memory_space<vmem>> -> memref<1x128x16xf32, #tpu.memory_space<vmem>>
      %dma_start3A_415 = tpu.memref_squeeze %dma_start3A_414 : memref<1x128x16xf32, #tpu.memory_space<vmem>> -> memref<128x16xf32, #tpu.memory_space<vmem>>
      %dma_start3A_416 = arith.constant 0 : i32
      %dma_start3A_417 = tpu.memref_slice %arg6[%add3A_410, %dma_start3A_416] : memref<96x128xi32, #tpu.memory_space<vmem>> -> memref<1x128xi32, #tpu.memory_space<vmem>>
      %dma_start3A_418 = tpu.memref_squeeze %dma_start3A_417 : memref<1x128xi32, #tpu.memory_space<vmem>> -> memref<128xi32, #tpu.memory_space<vmem>>
      %dma_start3A_419 = arith.constant 0 : i32
      %dma_start3A_420 = arith.constant 0 : i32
      %dma_start3A_421 = tpu.memref_slice %arg12[%dma_start3A_419, %dma_start3A_420] : memref<10112x16xf32, #tpu.memory_space<vmem_shared>> -> memref<10112x16xf32, #tpu.memory_space<vmem_shared>>
      tpu.enqueue_indirect_dma source(%dma_start3A_415 : memref<128x16xf32, #tpu.memory_space<vmem>>) target(%dma_start3A_421 : memref<10112x16xf32, #tpu.memory_space<vmem_shared>>) offsets(%dma_start3A_418 : memref<128xi32, #tpu.memory_space<vmem>>) semaphore(%arg15 : memref<!tpu.dma_semaphore, #tpu.memory_space<semaphore_mem>>) {add = true}
      %add3A_422 = arith.constant 4 : i32
      %add3A_423 = arith.addi %mul3A_71, %add3A_422 : i32
      %dma_start3A_424 = arith.constant 4 : i32
      %dma_start3A_425 = arith.constant 0 : i32
      %dma_start3A_426 = arith.constant 0 : i32
      %dma_start3A_427 = tpu.memref_slice %arg7[%dma_start3A_424, %dma_start3A_425, %dma_start3A_426] : memref<8x128x16xf32, #tpu.memory_space<vmem>> -> memref<1x128x16xf32, #tpu.memory_space<vmem>>
      %dma_start3A_428 = tpu.memref_squeeze %dma_start3A_427 : memref<1x128x16xf32, #tpu.memory_space<vmem>> -> memref<128x16xf32, #tpu.memory_space<vmem>>
      %dma_start3A_429 = arith.constant 0 : i32
      %dma_start3A_430 = tpu.memref_slice %arg6[%add3A_423, %dma_start3A_429] : memref<96x128xi32, #tpu.memory_space<vmem>> -> memref<1x128xi32, #tpu.memory_space<vmem>>
      %dma_start3A_431 = tpu.memref_squeeze %dma_start3A_430 : memref<1x128xi32, #tpu.memory_space<vmem>> -> memref<128xi32, #tpu.memory_space<vmem>>
      %dma_start3A_432 = arith.constant 0 : i32
      %dma_start3A_433 = arith.constant 0 : i32
      %dma_start3A_434 = tpu.memref_slice %arg12[%dma_start3A_432, %dma_start3A_433] : memref<10112x16xf32, #tpu.memory_space<vmem_shared>> -> memref<10112x16xf32, #tpu.memory_space<vmem_shared>>
      tpu.enqueue_indirect_dma source(%dma_start3A_428 : memref<128x16xf32, #tpu.memory_space<vmem>>) target(%dma_start3A_434 : memref<10112x16xf32, #tpu.memory_space<vmem_shared>>) offsets(%dma_start3A_431 : memref<128xi32, #tpu.memory_space<vmem>>) semaphore(%arg15 : memref<!tpu.dma_semaphore, #tpu.memory_space<semaphore_mem>>) {add = true}
      %add3A_435 = arith.constant 5 : i32
      %add3A_436 = arith.addi %mul3A_71, %add3A_435 : i32
      %dma_start3A_437 = arith.constant 5 : i32
      %dma_start3A_438 = arith.constant 0 : i32
      %dma_start3A_439 = arith.constant 0 : i32
      %dma_start3A_440 = tpu.memref_slice %arg7[%dma_start3A_437, %dma_start3A_438, %dma_start3A_439] : memref<8x128x16xf32, #tpu.memory_space<vmem>> -> memref<1x128x16xf32, #tpu.memory_space<vmem>>
      %dma_start3A_441 = tpu.memref_squeeze %dma_start3A_440 : memref<1x128x16xf32, #tpu.memory_space<vmem>> -> memref<128x16xf32, #tpu.memory_space<vmem>>
      %dma_start3A_442 = arith.constant 0 : i32
      %dma_start3A_443 = tpu.memref_slice %arg6[%add3A_436, %dma_start3A_442] : memref<96x128xi32, #tpu.memory_space<vmem>> -> memref<1x128xi32, #tpu.memory_space<vmem>>
      %dma_start3A_444 = tpu.memref_squeeze %dma_start3A_443 : memref<1x128xi32, #tpu.memory_space<vmem>> -> memref<128xi32, #tpu.memory_space<vmem>>
      %dma_start3A_445 = arith.constant 0 : i32
      %dma_start3A_446 = arith.constant 0 : i32
      %dma_start3A_447 = tpu.memref_slice %arg12[%dma_start3A_445, %dma_start3A_446] : memref<10112x16xf32, #tpu.memory_space<vmem_shared>> -> memref<10112x16xf32, #tpu.memory_space<vmem_shared>>
      tpu.enqueue_indirect_dma source(%dma_start3A_441 : memref<128x16xf32, #tpu.memory_space<vmem>>) target(%dma_start3A_447 : memref<10112x16xf32, #tpu.memory_space<vmem_shared>>) offsets(%dma_start3A_444 : memref<128xi32, #tpu.memory_space<vmem>>) semaphore(%arg15 : memref<!tpu.dma_semaphore, #tpu.memory_space<semaphore_mem>>) {add = true}
      %add3A_448 = arith.constant 6 : i32
      %add3A_449 = arith.addi %mul3A_71, %add3A_448 : i32
      %dma_start3A_450 = arith.constant 6 : i32
      %dma_start3A_451 = arith.constant 0 : i32
      %dma_start3A_452 = arith.constant 0 : i32
      %dma_start3A_453 = tpu.memref_slice %arg7[%dma_start3A_450, %dma_start3A_451, %dma_start3A_452] : memref<8x128x16xf32, #tpu.memory_space<vmem>> -> memref<1x128x16xf32, #tpu.memory_space<vmem>>
      %dma_start3A_454 = tpu.memref_squeeze %dma_start3A_453 : memref<1x128x16xf32, #tpu.memory_space<vmem>> -> memref<128x16xf32, #tpu.memory_space<vmem>>
      %dma_start3A_455 = arith.constant 0 : i32
      %dma_start3A_456 = tpu.memref_slice %arg6[%add3A_449, %dma_start3A_455] : memref<96x128xi32, #tpu.memory_space<vmem>> -> memref<1x128xi32, #tpu.memory_space<vmem>>
      %dma_start3A_457 = tpu.memref_squeeze %dma_start3A_456 : memref<1x128xi32, #tpu.memory_space<vmem>> -> memref<128xi32, #tpu.memory_space<vmem>>
      %dma_start3A_458 = arith.constant 0 : i32
      %dma_start3A_459 = arith.constant 0 : i32
      %dma_start3A_460 = tpu.memref_slice %arg12[%dma_start3A_458, %dma_start3A_459] : memref<10112x16xf32, #tpu.memory_space<vmem_shared>> -> memref<10112x16xf32, #tpu.memory_space<vmem_shared>>
      tpu.enqueue_indirect_dma source(%dma_start3A_454 : memref<128x16xf32, #tpu.memory_space<vmem>>) target(%dma_start3A_460 : memref<10112x16xf32, #tpu.memory_space<vmem_shared>>) offsets(%dma_start3A_457 : memref<128xi32, #tpu.memory_space<vmem>>) semaphore(%arg15 : memref<!tpu.dma_semaphore, #tpu.memory_space<semaphore_mem>>) {add = true}
      %add3A_461 = arith.constant 7 : i32
      %add3A_462 = arith.addi %mul3A_71, %add3A_461 : i32
      %dma_start3A_463 = arith.constant 7 : i32
      %dma_start3A_464 = arith.constant 0 : i32
      %dma_start3A_465 = arith.constant 0 : i32
      %dma_start3A_466 = tpu.memref_slice %arg7[%dma_start3A_463, %dma_start3A_464, %dma_start3A_465] : memref<8x128x16xf32, #tpu.memory_space<vmem>> -> memref<1x128x16xf32, #tpu.memory_space<vmem>>
      %dma_start3A_467 = tpu.memref_squeeze %dma_start3A_466 : memref<1x128x16xf32, #tpu.memory_space<vmem>> -> memref<128x16xf32, #tpu.memory_space<vmem>>
      %dma_start3A_468 = arith.constant 0 : i32
      %dma_start3A_469 = tpu.memref_slice %arg6[%add3A_462, %dma_start3A_468] : memref<96x128xi32, #tpu.memory_space<vmem>> -> memref<1x128xi32, #tpu.memory_space<vmem>>
      %dma_start3A_470 = tpu.memref_squeeze %dma_start3A_469 : memref<1x128xi32, #tpu.memory_space<vmem>> -> memref<128xi32, #tpu.memory_space<vmem>>
      %dma_start3A_471 = arith.constant 0 : i32
      %dma_start3A_472 = arith.constant 0 : i32
      %dma_start3A_473 = tpu.memref_slice %arg12[%dma_start3A_471, %dma_start3A_472] : memref<10112x16xf32, #tpu.memory_space<vmem_shared>> -> memref<10112x16xf32, #tpu.memory_space<vmem_shared>>
      tpu.enqueue_indirect_dma source(%dma_start3A_467 : memref<128x16xf32, #tpu.memory_space<vmem>>) target(%dma_start3A_473 : memref<10112x16xf32, #tpu.memory_space<vmem_shared>>) offsets(%dma_start3A_470 : memref<128xi32, #tpu.memory_space<vmem>>) semaphore(%arg15 : memref<!tpu.dma_semaphore, #tpu.memory_space<semaphore_mem>>) {add = true}
      %dma_wait3A_474 = arith.constant 0 : i32
      %dma_wait3A_475 = arith.constant 0 : i32
      %dma_wait3A_476 = arith.constant 0 : i32
      %dma_wait3A_477 = tpu.memref_slice %arg8[%dma_wait3A_474, %dma_wait3A_475, %dma_wait3A_476] : memref<8x128x16xf32, #tpu.memory_space<vmem>> -> memref<1x128x16xf32, #tpu.memory_space<vmem>>
      %dma_wait3A_478 = tpu.memref_squeeze %dma_wait3A_477 : memref<1x128x16xf32, #tpu.memory_space<vmem>> -> memref<128x16xf32, #tpu.memory_space<vmem>>
      %dma_wait3A_479 = arith.constant 0 : i32
      %dma_wait3A_480 = tpu.memref_slice %arg5[%add3A_179, %dma_wait3A_479] : memref<96x128xi32, #tpu.memory_space<vmem>> -> memref<1x128xi32, #tpu.memory_space<vmem>>
      %dma_wait3A_481 = tpu.memref_squeeze %dma_wait3A_480 : memref<1x128xi32, #tpu.memory_space<vmem>> -> memref<128xi32, #tpu.memory_space<vmem>>
      %dma_wait3A_482 = arith.constant 0 : i32
      %dma_wait3A_483 = arith.constant 0 : i32
      %dma_wait3A_484 = tpu.memref_slice %arg13[%dma_wait3A_482, %dma_wait3A_483] : memref<10112x16xf32, #tpu.memory_space<vmem_shared>> -> memref<10112x16xf32, #tpu.memory_space<vmem_shared>>
      tpu.wait_indirect_dma semaphore(%arg14 : memref<!tpu.dma_semaphore, #tpu.memory_space<semaphore_mem>>) src(%dma_wait3A_484 : memref<10112x16xf32, #tpu.memory_space<vmem_shared>>) dst(%dma_wait3A_478 : memref<128x16xf32, #tpu.memory_space<vmem>>)
      %dma_wait3A_485 = arith.constant 1 : i32
      %dma_wait3A_486 = arith.constant 0 : i32
      %dma_wait3A_487 = arith.constant 0 : i32
      %dma_wait3A_488 = tpu.memref_slice %arg8[%dma_wait3A_485, %dma_wait3A_486, %dma_wait3A_487] : memref<8x128x16xf32, #tpu.memory_space<vmem>> -> memref<1x128x16xf32, #tpu.memory_space<vmem>>
      %dma_wait3A_489 = tpu.memref_squeeze %dma_wait3A_488 : memref<1x128x16xf32, #tpu.memory_space<vmem>> -> memref<128x16xf32, #tpu.memory_space<vmem>>
      %dma_wait3A_490 = arith.constant 0 : i32
      %dma_wait3A_491 = tpu.memref_slice %arg5[%add3A_192, %dma_wait3A_490] : memref<96x128xi32, #tpu.memory_space<vmem>> -> memref<1x128xi32, #tpu.memory_space<vmem>>
      %dma_wait3A_492 = tpu.memref_squeeze %dma_wait3A_491 : memref<1x128xi32, #tpu.memory_space<vmem>> -> memref<128xi32, #tpu.memory_space<vmem>>
      %dma_wait3A_493 = arith.constant 0 : i32
      %dma_wait3A_494 = arith.constant 0 : i32
      %dma_wait3A_495 = tpu.memref_slice %arg13[%dma_wait3A_493, %dma_wait3A_494] : memref<10112x16xf32, #tpu.memory_space<vmem_shared>> -> memref<10112x16xf32, #tpu.memory_space<vmem_shared>>
      tpu.wait_indirect_dma semaphore(%arg14 : memref<!tpu.dma_semaphore, #tpu.memory_space<semaphore_mem>>) src(%dma_wait3A_495 : memref<10112x16xf32, #tpu.memory_space<vmem_shared>>) dst(%dma_wait3A_489 : memref<128x16xf32, #tpu.memory_space<vmem>>)
      %dma_wait3A_496 = arith.constant 2 : i32
      %dma_wait3A_497 = arith.constant 0 : i32
      %dma_wait3A_498 = arith.constant 0 : i32
      %dma_wait3A_499 = tpu.memref_slice %arg8[%dma_wait3A_496, %dma_wait3A_497, %dma_wait3A_498] : memref<8x128x16xf32, #tpu.memory_space<vmem>> -> memref<1x128x16xf32, #tpu.memory_space<vmem>>
      %dma_wait3A_500 = tpu.memref_squeeze %dma_wait3A_499 : memref<1x128x16xf32, #tpu.memory_space<vmem>> -> memref<128x16xf32, #tpu.memory_space<vmem>>
      %dma_wait3A_501 = arith.constant 0 : i32
      %dma_wait3A_502 = tpu.memref_slice %arg5[%add3A_205, %dma_wait3A_501] : memref<96x128xi32, #tpu.memory_space<vmem>> -> memref<1x128xi32, #tpu.memory_space<vmem>>
      %dma_wait3A_503 = tpu.memref_squeeze %dma_wait3A_502 : memref<1x128xi32, #tpu.memory_space<vmem>> -> memref<128xi32, #tpu.memory_space<vmem>>
      %dma_wait3A_504 = arith.constant 0 : i32
      %dma_wait3A_505 = arith.constant 0 : i32
      %dma_wait3A_506 = tpu.memref_slice %arg13[%dma_wait3A_504, %dma_wait3A_505] : memref<10112x16xf32, #tpu.memory_space<vmem_shared>> -> memref<10112x16xf32, #tpu.memory_space<vmem_shared>>
      tpu.wait_indirect_dma semaphore(%arg14 : memref<!tpu.dma_semaphore, #tpu.memory_space<semaphore_mem>>) src(%dma_wait3A_506 : memref<10112x16xf32, #tpu.memory_space<vmem_shared>>) dst(%dma_wait3A_500 : memref<128x16xf32, #tpu.memory_space<vmem>>)
      %dma_wait3A_507 = arith.constant 3 : i32
      %dma_wait3A_508 = arith.constant 0 : i32
      %dma_wait3A_509 = arith.constant 0 : i32
      %dma_wait3A_510 = tpu.memref_slice %arg8[%dma_wait3A_507, %dma_wait3A_508, %dma_wait3A_509] : memref<8x128x16xf32, #tpu.memory_space<vmem>> -> memref<1x128x16xf32, #tpu.memory_space<vmem>>
      %dma_wait3A_511 = tpu.memref_squeeze %dma_wait3A_510 : memref<1x128x16xf32, #tpu.memory_space<vmem>> -> memref<128x16xf32, #tpu.memory_space<vmem>>
      %dma_wait3A_512 = arith.constant 0 : i32
      %dma_wait3A_513 = tpu.memref_slice %arg5[%add3A_218, %dma_wait3A_512] : memref<96x128xi32, #tpu.memory_space<vmem>> -> memref<1x128xi32, #tpu.memory_space<vmem>>
      %dma_wait3A_514 = tpu.memref_squeeze %dma_wait3A_513 : memref<1x128xi32, #tpu.memory_space<vmem>> -> memref<128xi32, #tpu.memory_space<vmem>>
      %dma_wait3A_515 = arith.constant 0 : i32
      %dma_wait3A_516 = arith.constant 0 : i32
      %dma_wait3A_517 = tpu.memref_slice %arg13[%dma_wait3A_515, %dma_wait3A_516] : memref<10112x16xf32, #tpu.memory_space<vmem_shared>> -> memref<10112x16xf32, #tpu.memory_space<vmem_shared>>
      tpu.wait_indirect_dma semaphore(%arg14 : memref<!tpu.dma_semaphore, #tpu.memory_space<semaphore_mem>>) src(%dma_wait3A_517 : memref<10112x16xf32, #tpu.memory_space<vmem_shared>>) dst(%dma_wait3A_511 : memref<128x16xf32, #tpu.memory_space<vmem>>)
      %dma_wait3A_518 = arith.constant 4 : i32
      %dma_wait3A_519 = arith.constant 0 : i32
      %dma_wait3A_520 = arith.constant 0 : i32
      %dma_wait3A_521 = tpu.memref_slice %arg8[%dma_wait3A_518, %dma_wait3A_519, %dma_wait3A_520] : memref<8x128x16xf32, #tpu.memory_space<vmem>> -> memref<1x128x16xf32, #tpu.memory_space<vmem>>
      %dma_wait3A_522 = tpu.memref_squeeze %dma_wait3A_521 : memref<1x128x16xf32, #tpu.memory_space<vmem>> -> memref<128x16xf32, #tpu.memory_space<vmem>>
      %dma_wait3A_523 = arith.constant 0 : i32
      %dma_wait3A_524 = tpu.memref_slice %arg5[%add3A_231, %dma_wait3A_523] : memref<96x128xi32, #tpu.memory_space<vmem>> -> memref<1x128xi32, #tpu.memory_space<vmem>>
      %dma_wait3A_525 = tpu.memref_squeeze %dma_wait3A_524 : memref<1x128xi32, #tpu.memory_space<vmem>> -> memref<128xi32, #tpu.memory_space<vmem>>
      %dma_wait3A_526 = arith.constant 0 : i32
      %dma_wait3A_527 = arith.constant 0 : i32
      %dma_wait3A_528 = tpu.memref_slice %arg13[%dma_wait3A_526, %dma_wait3A_527] : memref<10112x16xf32, #tpu.memory_space<vmem_shared>> -> memref<10112x16xf32, #tpu.memory_space<vmem_shared>>
      tpu.wait_indirect_dma semaphore(%arg14 : memref<!tpu.dma_semaphore, #tpu.memory_space<semaphore_mem>>) src(%dma_wait3A_528 : memref<10112x16xf32, #tpu.memory_space<vmem_shared>>) dst(%dma_wait3A_522 : memref<128x16xf32, #tpu.memory_space<vmem>>)
      %dma_wait3A_529 = arith.constant 5 : i32
      %dma_wait3A_530 = arith.constant 0 : i32
      %dma_wait3A_531 = arith.constant 0 : i32
      %dma_wait3A_532 = tpu.memref_slice %arg8[%dma_wait3A_529, %dma_wait3A_530, %dma_wait3A_531] : memref<8x128x16xf32, #tpu.memory_space<vmem>> -> memref<1x128x16xf32, #tpu.memory_space<vmem>>
      %dma_wait3A_533 = tpu.memref_squeeze %dma_wait3A_532 : memref<1x128x16xf32, #tpu.memory_space<vmem>> -> memref<128x16xf32, #tpu.memory_space<vmem>>
      %dma_wait3A_534 = arith.constant 0 : i32
      %dma_wait3A_535 = tpu.memref_slice %arg5[%add3A_244, %dma_wait3A_534] : memref<96x128xi32, #tpu.memory_space<vmem>> -> memref<1x128xi32, #tpu.memory_space<vmem>>
      %dma_wait3A_536 = tpu.memref_squeeze %dma_wait3A_535 : memref<1x128xi32, #tpu.memory_space<vmem>> -> memref<128xi32, #tpu.memory_space<vmem>>
      %dma_wait3A_537 = arith.constant 0 : i32
      %dma_wait3A_538 = arith.constant 0 : i32
      %dma_wait3A_539 = tpu.memref_slice %arg13[%dma_wait3A_537, %dma_wait3A_538] : memref<10112x16xf32, #tpu.memory_space<vmem_shared>> -> memref<10112x16xf32, #tpu.memory_space<vmem_shared>>
      tpu.wait_indirect_dma semaphore(%arg14 : memref<!tpu.dma_semaphore, #tpu.memory_space<semaphore_mem>>) src(%dma_wait3A_539 : memref<10112x16xf32, #tpu.memory_space<vmem_shared>>) dst(%dma_wait3A_533 : memref<128x16xf32, #tpu.memory_space<vmem>>)
      %dma_wait3A_540 = arith.constant 6 : i32
      %dma_wait3A_541 = arith.constant 0 : i32
      %dma_wait3A_542 = arith.constant 0 : i32
      %dma_wait3A_543 = tpu.memref_slice %arg8[%dma_wait3A_540, %dma_wait3A_541, %dma_wait3A_542] : memref<8x128x16xf32, #tpu.memory_space<vmem>> -> memref<1x128x16xf32, #tpu.memory_space<vmem>>
      %dma_wait3A_544 = tpu.memref_squeeze %dma_wait3A_543 : memref<1x128x16xf32, #tpu.memory_space<vmem>> -> memref<128x16xf32, #tpu.memory_space<vmem>>
      %dma_wait3A_545 = arith.constant 0 : i32
      %dma_wait3A_546 = tpu.memref_slice %arg5[%add3A_257, %dma_wait3A_545] : memref<96x128xi32, #tpu.memory_space<vmem>> -> memref<1x128xi32, #tpu.memory_space<vmem>>
      %dma_wait3A_547 = tpu.memref_squeeze %dma_wait3A_546 : memref<1x128xi32, #tpu.memory_space<vmem>> -> memref<128xi32, #tpu.memory_space<vmem>>
      %dma_wait3A_548 = arith.constant 0 : i32
      %dma_wait3A_549 = arith.constant 0 : i32
      %dma_wait3A_550 = tpu.memref_slice %arg13[%dma_wait3A_548, %dma_wait3A_549] : memref<10112x16xf32, #tpu.memory_space<vmem_shared>> -> memref<10112x16xf32, #tpu.memory_space<vmem_shared>>
      tpu.wait_indirect_dma semaphore(%arg14 : memref<!tpu.dma_semaphore, #tpu.memory_space<semaphore_mem>>) src(%dma_wait3A_550 : memref<10112x16xf32, #tpu.memory_space<vmem_shared>>) dst(%dma_wait3A_544 : memref<128x16xf32, #tpu.memory_space<vmem>>)
      %dma_wait3A_551 = arith.constant 7 : i32
      %dma_wait3A_552 = arith.constant 0 : i32
      %dma_wait3A_553 = arith.constant 0 : i32
      %dma_wait3A_554 = tpu.memref_slice %arg8[%dma_wait3A_551, %dma_wait3A_552, %dma_wait3A_553] : memref<8x128x16xf32, #tpu.memory_space<vmem>> -> memref<1x128x16xf32, #tpu.memory_space<vmem>>
      %dma_wait3A_555 = tpu.memref_squeeze %dma_wait3A_554 : memref<1x128x16xf32, #tpu.memory_space<vmem>> -> memref<128x16xf32, #tpu.memory_space<vmem>>
      %dma_wait3A_556 = arith.constant 0 : i32
      %dma_wait3A_557 = tpu.memref_slice %arg5[%add3A_270, %dma_wait3A_556] : memref<96x128xi32, #tpu.memory_space<vmem>> -> memref<1x128xi32, #tpu.memory_space<vmem>>
      %dma_wait3A_558 = tpu.memref_squeeze %dma_wait3A_557 : memref<1x128xi32, #tpu.memory_space<vmem>> -> memref<128xi32, #tpu.memory_space<vmem>>
      %dma_wait3A_559 = arith.constant 0 : i32
      %dma_wait3A_560 = arith.constant 0 : i32
      %dma_wait3A_561 = tpu.memref_slice %arg13[%dma_wait3A_559, %dma_wait3A_560] : memref<10112x16xf32, #tpu.memory_space<vmem_shared>> -> memref<10112x16xf32, #tpu.memory_space<vmem_shared>>
      tpu.wait_indirect_dma semaphore(%arg14 : memref<!tpu.dma_semaphore, #tpu.memory_space<semaphore_mem>>) src(%dma_wait3A_561 : memref<10112x16xf32, #tpu.memory_space<vmem_shared>>) dst(%dma_wait3A_555 : memref<128x16xf32, #tpu.memory_space<vmem>>)
      %add3A_562 = arith.constant 0 : i32
      %add3A_563 = arith.addi %add3A_73, %add3A_562 : i32
      %dma_start3A_564 = arith.constant 0 : i32
      %dma_start3A_565 = arith.constant 0 : i32
      %dma_start3A_566 = arith.constant 0 : i32
      %dma_start3A_567 = tpu.memref_slice %arg8[%dma_start3A_564, %dma_start3A_565, %dma_start3A_566] : memref<8x128x16xf32, #tpu.memory_space<vmem>> -> memref<1x128x16xf32, #tpu.memory_space<vmem>>
      %dma_start3A_568 = tpu.memref_squeeze %dma_start3A_567 : memref<1x128x16xf32, #tpu.memory_space<vmem>> -> memref<128x16xf32, #tpu.memory_space<vmem>>
      %dma_start3A_569 = arith.constant 0 : i32
      %dma_start3A_570 = tpu.memref_slice %arg6[%add3A_563, %dma_start3A_569] : memref<96x128xi32, #tpu.memory_space<vmem>> -> memref<1x128xi32, #tpu.memory_space<vmem>>
      %dma_start3A_571 = tpu.memref_squeeze %dma_start3A_570 : memref<1x128xi32, #tpu.memory_space<vmem>> -> memref<128xi32, #tpu.memory_space<vmem>>
      %dma_start3A_572 = arith.constant 0 : i32
      %dma_start3A_573 = arith.constant 0 : i32
      %dma_start3A_574 = tpu.memref_slice %arg12[%dma_start3A_572, %dma_start3A_573] : memref<10112x16xf32, #tpu.memory_space<vmem_shared>> -> memref<10112x16xf32, #tpu.memory_space<vmem_shared>>
      tpu.enqueue_indirect_dma source(%dma_start3A_568 : memref<128x16xf32, #tpu.memory_space<vmem>>) target(%dma_start3A_574 : memref<10112x16xf32, #tpu.memory_space<vmem_shared>>) offsets(%dma_start3A_571 : memref<128xi32, #tpu.memory_space<vmem>>) semaphore(%arg15 : memref<!tpu.dma_semaphore, #tpu.memory_space<semaphore_mem>>) {add = true}
      %add3A_575 = arith.constant 1 : i32
      %add3A_576 = arith.addi %add3A_73, %add3A_575 : i32
      %dma_start3A_577 = arith.constant 1 : i32
      %dma_start3A_578 = arith.constant 0 : i32
      %dma_start3A_579 = arith.constant 0 : i32
      %dma_start3A_580 = tpu.memref_slice %arg8[%dma_start3A_577, %dma_start3A_578, %dma_start3A_579] : memref<8x128x16xf32, #tpu.memory_space<vmem>> -> memref<1x128x16xf32, #tpu.memory_space<vmem>>
      %dma_start3A_581 = tpu.memref_squeeze %dma_start3A_580 : memref<1x128x16xf32, #tpu.memory_space<vmem>> -> memref<128x16xf32, #tpu.memory_space<vmem>>
      %dma_start3A_582 = arith.constant 0 : i32
      %dma_start3A_583 = tpu.memref_slice %arg6[%add3A_576, %dma_start3A_582] : memref<96x128xi32, #tpu.memory_space<vmem>> -> memref<1x128xi32, #tpu.memory_space<vmem>>
      %dma_start3A_584 = tpu.memref_squeeze %dma_start3A_583 : memref<1x128xi32, #tpu.memory_space<vmem>> -> memref<128xi32, #tpu.memory_space<vmem>>
      %dma_start3A_585 = arith.constant 0 : i32
      %dma_start3A_586 = arith.constant 0 : i32
      %dma_start3A_587 = tpu.memref_slice %arg12[%dma_start3A_585, %dma_start3A_586] : memref<10112x16xf32, #tpu.memory_space<vmem_shared>> -> memref<10112x16xf32, #tpu.memory_space<vmem_shared>>
      tpu.enqueue_indirect_dma source(%dma_start3A_581 : memref<128x16xf32, #tpu.memory_space<vmem>>) target(%dma_start3A_587 : memref<10112x16xf32, #tpu.memory_space<vmem_shared>>) offsets(%dma_start3A_584 : memref<128xi32, #tpu.memory_space<vmem>>) semaphore(%arg15 : memref<!tpu.dma_semaphore, #tpu.memory_space<semaphore_mem>>) {add = true}
      %add3A_588 = arith.constant 2 : i32
      %add3A_589 = arith.addi %add3A_73, %add3A_588 : i32
      %dma_start3A_590 = arith.constant 2 : i32
      %dma_start3A_591 = arith.constant 0 : i32
      %dma_start3A_592 = arith.constant 0 : i32
      %dma_start3A_593 = tpu.memref_slice %arg8[%dma_start3A_590, %dma_start3A_591, %dma_start3A_592] : memref<8x128x16xf32, #tpu.memory_space<vmem>> -> memref<1x128x16xf32, #tpu.memory_space<vmem>>
      %dma_start3A_594 = tpu.memref_squeeze %dma_start3A_593 : memref<1x128x16xf32, #tpu.memory_space<vmem>> -> memref<128x16xf32, #tpu.memory_space<vmem>>
      %dma_start3A_595 = arith.constant 0 : i32
      %dma_start3A_596 = tpu.memref_slice %arg6[%add3A_589, %dma_start3A_595] : memref<96x128xi32, #tpu.memory_space<vmem>> -> memref<1x128xi32, #tpu.memory_space<vmem>>
      %dma_start3A_597 = tpu.memref_squeeze %dma_start3A_596 : memref<1x128xi32, #tpu.memory_space<vmem>> -> memref<128xi32, #tpu.memory_space<vmem>>
      %dma_start3A_598 = arith.constant 0 : i32
      %dma_start3A_599 = arith.constant 0 : i32
      %dma_start3A_600 = tpu.memref_slice %arg12[%dma_start3A_598, %dma_start3A_599] : memref<10112x16xf32, #tpu.memory_space<vmem_shared>> -> memref<10112x16xf32, #tpu.memory_space<vmem_shared>>
      tpu.enqueue_indirect_dma source(%dma_start3A_594 : memref<128x16xf32, #tpu.memory_space<vmem>>) target(%dma_start3A_600 : memref<10112x16xf32, #tpu.memory_space<vmem_shared>>) offsets(%dma_start3A_597 : memref<128xi32, #tpu.memory_space<vmem>>) semaphore(%arg15 : memref<!tpu.dma_semaphore, #tpu.memory_space<semaphore_mem>>) {add = true}
      %add3A_601 = arith.constant 3 : i32
      %add3A_602 = arith.addi %add3A_73, %add3A_601 : i32
      %dma_start3A_603 = arith.constant 3 : i32
      %dma_start3A_604 = arith.constant 0 : i32
      %dma_start3A_605 = arith.constant 0 : i32
      %dma_start3A_606 = tpu.memref_slice %arg8[%dma_start3A_603, %dma_start3A_604, %dma_start3A_605] : memref<8x128x16xf32, #tpu.memory_space<vmem>> -> memref<1x128x16xf32, #tpu.memory_space<vmem>>
      %dma_start3A_607 = tpu.memref_squeeze %dma_start3A_606 : memref<1x128x16xf32, #tpu.memory_space<vmem>> -> memref<128x16xf32, #tpu.memory_space<vmem>>
      %dma_start3A_608 = arith.constant 0 : i32
      %dma_start3A_609 = tpu.memref_slice %arg6[%add3A_602, %dma_start3A_608] : memref<96x128xi32, #tpu.memory_space<vmem>> -> memref<1x128xi32, #tpu.memory_space<vmem>>
      %dma_start3A_610 = tpu.memref_squeeze %dma_start3A_609 : memref<1x128xi32, #tpu.memory_space<vmem>> -> memref<128xi32, #tpu.memory_space<vmem>>
      %dma_start3A_611 = arith.constant 0 : i32
      %dma_start3A_612 = arith.constant 0 : i32
      %dma_start3A_613 = tpu.memref_slice %arg12[%dma_start3A_611, %dma_start3A_612] : memref<10112x16xf32, #tpu.memory_space<vmem_shared>> -> memref<10112x16xf32, #tpu.memory_space<vmem_shared>>
      tpu.enqueue_indirect_dma source(%dma_start3A_607 : memref<128x16xf32, #tpu.memory_space<vmem>>) target(%dma_start3A_613 : memref<10112x16xf32, #tpu.memory_space<vmem_shared>>) offsets(%dma_start3A_610 : memref<128xi32, #tpu.memory_space<vmem>>) semaphore(%arg15 : memref<!tpu.dma_semaphore, #tpu.memory_space<semaphore_mem>>) {add = true}
      %add3A_614 = arith.constant 4 : i32
      %add3A_615 = arith.addi %add3A_73, %add3A_614 : i32
      %dma_start3A_616 = arith.constant 4 : i32
      %dma_start3A_617 = arith.constant 0 : i32
      %dma_start3A_618 = arith.constant 0 : i32
      %dma_start3A_619 = tpu.memref_slice %arg8[%dma_start3A_616, %dma_start3A_617, %dma_start3A_618] : memref<8x128x16xf32, #tpu.memory_space<vmem>> -> memref<1x128x16xf32, #tpu.memory_space<vmem>>
      %dma_start3A_620 = tpu.memref_squeeze %dma_start3A_619 : memref<1x128x16xf32, #tpu.memory_space<vmem>> -> memref<128x16xf32, #tpu.memory_space<vmem>>
      %dma_start3A_621 = arith.constant 0 : i32
      %dma_start3A_622 = tpu.memref_slice %arg6[%add3A_615, %dma_start3A_621] : memref<96x128xi32, #tpu.memory_space<vmem>> -> memref<1x128xi32, #tpu.memory_space<vmem>>
      %dma_start3A_623 = tpu.memref_squeeze %dma_start3A_622 : memref<1x128xi32, #tpu.memory_space<vmem>> -> memref<128xi32, #tpu.memory_space<vmem>>
      %dma_start3A_624 = arith.constant 0 : i32
      %dma_start3A_625 = arith.constant 0 : i32
      %dma_start3A_626 = tpu.memref_slice %arg12[%dma_start3A_624, %dma_start3A_625] : memref<10112x16xf32, #tpu.memory_space<vmem_shared>> -> memref<10112x16xf32, #tpu.memory_space<vmem_shared>>
      tpu.enqueue_indirect_dma source(%dma_start3A_620 : memref<128x16xf32, #tpu.memory_space<vmem>>) target(%dma_start3A_626 : memref<10112x16xf32, #tpu.memory_space<vmem_shared>>) offsets(%dma_start3A_623 : memref<128xi32, #tpu.memory_space<vmem>>) semaphore(%arg15 : memref<!tpu.dma_semaphore, #tpu.memory_space<semaphore_mem>>) {add = true}
      %add3A_627 = arith.constant 5 : i32
      %add3A_628 = arith.addi %add3A_73, %add3A_627 : i32
      %dma_start3A_629 = arith.constant 5 : i32
      %dma_start3A_630 = arith.constant 0 : i32
      %dma_start3A_631 = arith.constant 0 : i32
      %dma_start3A_632 = tpu.memref_slice %arg8[%dma_start3A_629, %dma_start3A_630, %dma_start3A_631] : memref<8x128x16xf32, #tpu.memory_space<vmem>> -> memref<1x128x16xf32, #tpu.memory_space<vmem>>
      %dma_start3A_633 = tpu.memref_squeeze %dma_start3A_632 : memref<1x128x16xf32, #tpu.memory_space<vmem>> -> memref<128x16xf32, #tpu.memory_space<vmem>>
      %dma_start3A_634 = arith.constant 0 : i32
      %dma_start3A_635 = tpu.memref_slice %arg6[%add3A_628, %dma_start3A_634] : memref<96x128xi32, #tpu.memory_space<vmem>> -> memref<1x128xi32, #tpu.memory_space<vmem>>
      %dma_start3A_636 = tpu.memref_squeeze %dma_start3A_635 : memref<1x128xi32, #tpu.memory_space<vmem>> -> memref<128xi32, #tpu.memory_space<vmem>>
      %dma_start3A_637 = arith.constant 0 : i32
      %dma_start3A_638 = arith.constant 0 : i32
      %dma_start3A_639 = tpu.memref_slice %arg12[%dma_start3A_637, %dma_start3A_638] : memref<10112x16xf32, #tpu.memory_space<vmem_shared>> -> memref<10112x16xf32, #tpu.memory_space<vmem_shared>>
      tpu.enqueue_indirect_dma source(%dma_start3A_633 : memref<128x16xf32, #tpu.memory_space<vmem>>) target(%dma_start3A_639 : memref<10112x16xf32, #tpu.memory_space<vmem_shared>>) offsets(%dma_start3A_636 : memref<128xi32, #tpu.memory_space<vmem>>) semaphore(%arg15 : memref<!tpu.dma_semaphore, #tpu.memory_space<semaphore_mem>>) {add = true}
      %add3A_640 = arith.constant 6 : i32
      %add3A_641 = arith.addi %add3A_73, %add3A_640 : i32
      %dma_start3A_642 = arith.constant 6 : i32
      %dma_start3A_643 = arith.constant 0 : i32
      %dma_start3A_644 = arith.constant 0 : i32
      %dma_start3A_645 = tpu.memref_slice %arg8[%dma_start3A_642, %dma_start3A_643, %dma_start3A_644] : memref<8x128x16xf32, #tpu.memory_space<vmem>> -> memref<1x128x16xf32, #tpu.memory_space<vmem>>
      %dma_start3A_646 = tpu.memref_squeeze %dma_start3A_645 : memref<1x128x16xf32, #tpu.memory_space<vmem>> -> memref<128x16xf32, #tpu.memory_space<vmem>>
      %dma_start3A_647 = arith.constant 0 : i32
      %dma_start3A_648 = tpu.memref_slice %arg6[%add3A_641, %dma_start3A_647] : memref<96x128xi32, #tpu.memory_space<vmem>> -> memref<1x128xi32, #tpu.memory_space<vmem>>
      %dma_start3A_649 = tpu.memref_squeeze %dma_start3A_648 : memref<1x128xi32, #tpu.memory_space<vmem>> -> memref<128xi32, #tpu.memory_space<vmem>>
      %dma_start3A_650 = arith.constant 0 : i32
      %dma_start3A_651 = arith.constant 0 : i32
      %dma_start3A_652 = tpu.memref_slice %arg12[%dma_start3A_650, %dma_start3A_651] : memref<10112x16xf32, #tpu.memory_space<vmem_shared>> -> memref<10112x16xf32, #tpu.memory_space<vmem_shared>>
      tpu.enqueue_indirect_dma source(%dma_start3A_646 : memref<128x16xf32, #tpu.memory_space<vmem>>) target(%dma_start3A_652 : memref<10112x16xf32, #tpu.memory_space<vmem_shared>>) offsets(%dma_start3A_649 : memref<128xi32, #tpu.memory_space<vmem>>) semaphore(%arg15 : memref<!tpu.dma_semaphore, #tpu.memory_space<semaphore_mem>>) {add = true}
      %add3A_653 = arith.constant 7 : i32
      %add3A_654 = arith.addi %add3A_73, %add3A_653 : i32
      %dma_start3A_655 = arith.constant 7 : i32
      %dma_start3A_656 = arith.constant 0 : i32
      %dma_start3A_657 = arith.constant 0 : i32
      %dma_start3A_658 = tpu.memref_slice %arg8[%dma_start3A_655, %dma_start3A_656, %dma_start3A_657] : memref<8x128x16xf32, #tpu.memory_space<vmem>> -> memref<1x128x16xf32, #tpu.memory_space<vmem>>
      %dma_start3A_659 = tpu.memref_squeeze %dma_start3A_658 : memref<1x128x16xf32, #tpu.memory_space<vmem>> -> memref<128x16xf32, #tpu.memory_space<vmem>>
      %dma_start3A_660 = arith.constant 0 : i32
      %dma_start3A_661 = tpu.memref_slice %arg6[%add3A_654, %dma_start3A_660] : memref<96x128xi32, #tpu.memory_space<vmem>> -> memref<1x128xi32, #tpu.memory_space<vmem>>
      %dma_start3A_662 = tpu.memref_squeeze %dma_start3A_661 : memref<1x128xi32, #tpu.memory_space<vmem>> -> memref<128xi32, #tpu.memory_space<vmem>>
      %dma_start3A_663 = arith.constant 0 : i32
      %dma_start3A_664 = arith.constant 0 : i32
      %dma_start3A_665 = tpu.memref_slice %arg12[%dma_start3A_663, %dma_start3A_664] : memref<10112x16xf32, #tpu.memory_space<vmem_shared>> -> memref<10112x16xf32, #tpu.memory_space<vmem_shared>>
      tpu.enqueue_indirect_dma source(%dma_start3A_659 : memref<128x16xf32, #tpu.memory_space<vmem>>) target(%dma_start3A_665 : memref<10112x16xf32, #tpu.memory_space<vmem_shared>>) offsets(%dma_start3A_662 : memref<128xi32, #tpu.memory_space<vmem>>) semaphore(%arg15 : memref<!tpu.dma_semaphore, #tpu.memory_space<semaphore_mem>>) {add = true}
      %dma_wait3A_666 = arith.constant 0 : i32
      %dma_wait3A_667 = arith.constant 0 : i32
      %dma_wait3A_668 = arith.constant 0 : i32
      %dma_wait3A_669 = tpu.memref_slice %arg7[%dma_wait3A_666, %dma_wait3A_667, %dma_wait3A_668] : memref<8x128x16xf32, #tpu.memory_space<vmem>> -> memref<1x128x16xf32, #tpu.memory_space<vmem>>
      %dma_wait3A_670 = tpu.memref_squeeze %dma_wait3A_669 : memref<1x128x16xf32, #tpu.memory_space<vmem>> -> memref<128x16xf32, #tpu.memory_space<vmem>>
      %dma_wait3A_671 = arith.constant 0 : i32
      %dma_wait3A_672 = tpu.memref_slice %arg6[%add3A_371, %dma_wait3A_671] : memref<96x128xi32, #tpu.memory_space<vmem>> -> memref<1x128xi32, #tpu.memory_space<vmem>>
      %dma_wait3A_673 = tpu.memref_squeeze %dma_wait3A_672 : memref<1x128xi32, #tpu.memory_space<vmem>> -> memref<128xi32, #tpu.memory_space<vmem>>
      %dma_wait3A_674 = arith.constant 0 : i32
      %dma_wait3A_675 = arith.constant 0 : i32
      %dma_wait3A_676 = tpu.memref_slice %arg12[%dma_wait3A_674, %dma_wait3A_675] : memref<10112x16xf32, #tpu.memory_space<vmem_shared>> -> memref<10112x16xf32, #tpu.memory_space<vmem_shared>>
      tpu.wait_indirect_dma semaphore(%arg15 : memref<!tpu.dma_semaphore, #tpu.memory_space<semaphore_mem>>) src(%dma_wait3A_670 : memref<128x16xf32, #tpu.memory_space<vmem>>) dst(%dma_wait3A_676 : memref<10112x16xf32, #tpu.memory_space<vmem_shared>>)
      %dma_wait3A_677 = arith.constant 1 : i32
      %dma_wait3A_678 = arith.constant 0 : i32
      %dma_wait3A_679 = arith.constant 0 : i32
      %dma_wait3A_680 = tpu.memref_slice %arg7[%dma_wait3A_677, %dma_wait3A_678, %dma_wait3A_679] : memref<8x128x16xf32, #tpu.memory_space<vmem>> -> memref<1x128x16xf32, #tpu.memory_space<vmem>>
      %dma_wait3A_681 = tpu.memref_squeeze %dma_wait3A_680 : memref<1x128x16xf32, #tpu.memory_space<vmem>> -> memref<128x16xf32, #tpu.memory_space<vmem>>
      %dma_wait3A_682 = arith.constant 0 : i32
      %dma_wait3A_683 = tpu.memref_slice %arg6[%add3A_384, %dma_wait3A_682] : memref<96x128xi32, #tpu.memory_space<vmem>> -> memref<1x128xi32, #tpu.memory_space<vmem>>
      %dma_wait3A_684 = tpu.memref_squeeze %dma_wait3A_683 : memref<1x128xi32, #tpu.memory_space<vmem>> -> memref<128xi32, #tpu.memory_space<vmem>>
      %dma_wait3A_685 = arith.constant 0 : i32
      %dma_wait3A_686 = arith.constant 0 : i32
      %dma_wait3A_687 = tpu.memref_slice %arg12[%dma_wait3A_685, %dma_wait3A_686] : memref<10112x16xf32, #tpu.memory_space<vmem_shared>> -> memref<10112x16xf32, #tpu.memory_space<vmem_shared>>
      tpu.wait_indirect_dma semaphore(%arg15 : memref<!tpu.dma_semaphore, #tpu.memory_space<semaphore_mem>>) src(%dma_wait3A_681 : memref<128x16xf32, #tpu.memory_space<vmem>>) dst(%dma_wait3A_687 : memref<10112x16xf32, #tpu.memory_space<vmem_shared>>)
      %dma_wait3A_688 = arith.constant 2 : i32
      %dma_wait3A_689 = arith.constant 0 : i32
      %dma_wait3A_690 = arith.constant 0 : i32
      %dma_wait3A_691 = tpu.memref_slice %arg7[%dma_wait3A_688, %dma_wait3A_689, %dma_wait3A_690] : memref<8x128x16xf32, #tpu.memory_space<vmem>> -> memref<1x128x16xf32, #tpu.memory_space<vmem>>
      %dma_wait3A_692 = tpu.memref_squeeze %dma_wait3A_691 : memref<1x128x16xf32, #tpu.memory_space<vmem>> -> memref<128x16xf32, #tpu.memory_space<vmem>>
      %dma_wait3A_693 = arith.constant 0 : i32
      %dma_wait3A_694 = tpu.memref_slice %arg6[%add3A_397, %dma_wait3A_693] : memref<96x128xi32, #tpu.memory_space<vmem>> -> memref<1x128xi32, #tpu.memory_space<vmem>>
      %dma_wait3A_695 = tpu.memref_squeeze %dma_wait3A_694 : memref<1x128xi32, #tpu.memory_space<vmem>> -> memref<128xi32, #tpu.memory_space<vmem>>
      %dma_wait3A_696 = arith.constant 0 : i32
      %dma_wait3A_697 = arith.constant 0 : i32
      %dma_wait3A_698 = tpu.memref_slice %arg12[%dma_wait3A_696, %dma_wait3A_697] : memref<10112x16xf32, #tpu.memory_space<vmem_shared>> -> memref<10112x16xf32, #tpu.memory_space<vmem_shared>>
      tpu.wait_indirect_dma semaphore(%arg15 : memref<!tpu.dma_semaphore, #tpu.memory_space<semaphore_mem>>) src(%dma_wait3A_692 : memref<128x16xf32, #tpu.memory_space<vmem>>) dst(%dma_wait3A_698 : memref<10112x16xf32, #tpu.memory_space<vmem_shared>>)
      %dma_wait3A_699 = arith.constant 3 : i32
      %dma_wait3A_700 = arith.constant 0 : i32
      %dma_wait3A_701 = arith.constant 0 : i32
      %dma_wait3A_702 = tpu.memref_slice %arg7[%dma_wait3A_699, %dma_wait3A_700, %dma_wait3A_701] : memref<8x128x16xf32, #tpu.memory_space<vmem>> -> memref<1x128x16xf32, #tpu.memory_space<vmem>>
      %dma_wait3A_703 = tpu.memref_squeeze %dma_wait3A_702 : memref<1x128x16xf32, #tpu.memory_space<vmem>> -> memref<128x16xf32, #tpu.memory_space<vmem>>
      %dma_wait3A_704 = arith.constant 0 : i32
      %dma_wait3A_705 = tpu.memref_slice %arg6[%add3A_410, %dma_wait3A_704] : memref<96x128xi32, #tpu.memory_space<vmem>> -> memref<1x128xi32, #tpu.memory_space<vmem>>
      %dma_wait3A_706 = tpu.memref_squeeze %dma_wait3A_705 : memref<1x128xi32, #tpu.memory_space<vmem>> -> memref<128xi32, #tpu.memory_space<vmem>>
      %dma_wait3A_707 = arith.constant 0 : i32
      %dma_wait3A_708 = arith.constant 0 : i32
      %dma_wait3A_709 = tpu.memref_slice %arg12[%dma_wait3A_707, %dma_wait3A_708] : memref<10112x16xf32, #tpu.memory_space<vmem_shared>> -> memref<10112x16xf32, #tpu.memory_space<vmem_shared>>
      tpu.wait_indirect_dma semaphore(%arg15 : memref<!tpu.dma_semaphore, #tpu.memory_space<semaphore_mem>>) src(%dma_wait3A_703 : memref<128x16xf32, #tpu.memory_space<vmem>>) dst(%dma_wait3A_709 : memref<10112x16xf32, #tpu.memory_space<vmem_shared>>)
      %dma_wait3A_710 = arith.constant 4 : i32
      %dma_wait3A_711 = arith.constant 0 : i32
      %dma_wait3A_712 = arith.constant 0 : i32
      %dma_wait3A_713 = tpu.memref_slice %arg7[%dma_wait3A_710, %dma_wait3A_711, %dma_wait3A_712] : memref<8x128x16xf32, #tpu.memory_space<vmem>> -> memref<1x128x16xf32, #tpu.memory_space<vmem>>
      %dma_wait3A_714 = tpu.memref_squeeze %dma_wait3A_713 : memref<1x128x16xf32, #tpu.memory_space<vmem>> -> memref<128x16xf32, #tpu.memory_space<vmem>>
      %dma_wait3A_715 = arith.constant 0 : i32
      %dma_wait3A_716 = tpu.memref_slice %arg6[%add3A_423, %dma_wait3A_715] : memref<96x128xi32, #tpu.memory_space<vmem>> -> memref<1x128xi32, #tpu.memory_space<vmem>>
      %dma_wait3A_717 = tpu.memref_squeeze %dma_wait3A_716 : memref<1x128xi32, #tpu.memory_space<vmem>> -> memref<128xi32, #tpu.memory_space<vmem>>
      %dma_wait3A_718 = arith.constant 0 : i32
      %dma_wait3A_719 = arith.constant 0 : i32
      %dma_wait3A_720 = tpu.memref_slice %arg12[%dma_wait3A_718, %dma_wait3A_719] : memref<10112x16xf32, #tpu.memory_space<vmem_shared>> -> memref<10112x16xf32, #tpu.memory_space<vmem_shared>>
      tpu.wait_indirect_dma semaphore(%arg15 : memref<!tpu.dma_semaphore, #tpu.memory_space<semaphore_mem>>) src(%dma_wait3A_714 : memref<128x16xf32, #tpu.memory_space<vmem>>) dst(%dma_wait3A_720 : memref<10112x16xf32, #tpu.memory_space<vmem_shared>>)
      %dma_wait3A_721 = arith.constant 5 : i32
      %dma_wait3A_722 = arith.constant 0 : i32
      %dma_wait3A_723 = arith.constant 0 : i32
      %dma_wait3A_724 = tpu.memref_slice %arg7[%dma_wait3A_721, %dma_wait3A_722, %dma_wait3A_723] : memref<8x128x16xf32, #tpu.memory_space<vmem>> -> memref<1x128x16xf32, #tpu.memory_space<vmem>>
      %dma_wait3A_725 = tpu.memref_squeeze %dma_wait3A_724 : memref<1x128x16xf32, #tpu.memory_space<vmem>> -> memref<128x16xf32, #tpu.memory_space<vmem>>
      %dma_wait3A_726 = arith.constant 0 : i32
      %dma_wait3A_727 = tpu.memref_slice %arg6[%add3A_436, %dma_wait3A_726] : memref<96x128xi32, #tpu.memory_space<vmem>> -> memref<1x128xi32, #tpu.memory_space<vmem>>
      %dma_wait3A_728 = tpu.memref_squeeze %dma_wait3A_727 : memref<1x128xi32, #tpu.memory_space<vmem>> -> memref<128xi32, #tpu.memory_space<vmem>>
      %dma_wait3A_729 = arith.constant 0 : i32
      %dma_wait3A_730 = arith.constant 0 : i32
      %dma_wait3A_731 = tpu.memref_slice %arg12[%dma_wait3A_729, %dma_wait3A_730] : memref<10112x16xf32, #tpu.memory_space<vmem_shared>> -> memref<10112x16xf32, #tpu.memory_space<vmem_shared>>
      tpu.wait_indirect_dma semaphore(%arg15 : memref<!tpu.dma_semaphore, #tpu.memory_space<semaphore_mem>>) src(%dma_wait3A_725 : memref<128x16xf32, #tpu.memory_space<vmem>>) dst(%dma_wait3A_731 : memref<10112x16xf32, #tpu.memory_space<vmem_shared>>)
      %dma_wait3A_732 = arith.constant 6 : i32
      %dma_wait3A_733 = arith.constant 0 : i32
      %dma_wait3A_734 = arith.constant 0 : i32
      %dma_wait3A_735 = tpu.memref_slice %arg7[%dma_wait3A_732, %dma_wait3A_733, %dma_wait3A_734] : memref<8x128x16xf32, #tpu.memory_space<vmem>> -> memref<1x128x16xf32, #tpu.memory_space<vmem>>
      %dma_wait3A_736 = tpu.memref_squeeze %dma_wait3A_735 : memref<1x128x16xf32, #tpu.memory_space<vmem>> -> memref<128x16xf32, #tpu.memory_space<vmem>>
      %dma_wait3A_737 = arith.constant 0 : i32
      %dma_wait3A_738 = tpu.memref_slice %arg6[%add3A_449, %dma_wait3A_737] : memref<96x128xi32, #tpu.memory_space<vmem>> -> memref<1x128xi32, #tpu.memory_space<vmem>>
      %dma_wait3A_739 = tpu.memref_squeeze %dma_wait3A_738 : memref<1x128xi32, #tpu.memory_space<vmem>> -> memref<128xi32, #tpu.memory_space<vmem>>
      %dma_wait3A_740 = arith.constant 0 : i32
      %dma_wait3A_741 = arith.constant 0 : i32
      %dma_wait3A_742 = tpu.memref_slice %arg12[%dma_wait3A_740, %dma_wait3A_741] : memref<10112x16xf32, #tpu.memory_space<vmem_shared>> -> memref<10112x16xf32, #tpu.memory_space<vmem_shared>>
      tpu.wait_indirect_dma semaphore(%arg15 : memref<!tpu.dma_semaphore, #tpu.memory_space<semaphore_mem>>) src(%dma_wait3A_736 : memref<128x16xf32, #tpu.memory_space<vmem>>) dst(%dma_wait3A_742 : memref<10112x16xf32, #tpu.memory_space<vmem_shared>>)
      %dma_wait3A_743 = arith.constant 7 : i32
      %dma_wait3A_744 = arith.constant 0 : i32
      %dma_wait3A_745 = arith.constant 0 : i32
      %dma_wait3A_746 = tpu.memref_slice %arg7[%dma_wait3A_743, %dma_wait3A_744, %dma_wait3A_745] : memref<8x128x16xf32, #tpu.memory_space<vmem>> -> memref<1x128x16xf32, #tpu.memory_space<vmem>>
      %dma_wait3A_747 = tpu.memref_squeeze %dma_wait3A_746 : memref<1x128x16xf32, #tpu.memory_space<vmem>> -> memref<128x16xf32, #tpu.memory_space<vmem>>
      %dma_wait3A_748 = arith.constant 0 : i32
      %dma_wait3A_749 = tpu.memref_slice %arg6[%add3A_462, %dma_wait3A_748] : memref<96x128xi32, #tpu.memory_space<vmem>> -> memref<1x128xi32, #tpu.memory_space<vmem>>
      %dma_wait3A_750 = tpu.memref_squeeze %dma_wait3A_749 : memref<1x128xi32, #tpu.memory_space<vmem>> -> memref<128xi32, #tpu.memory_space<vmem>>
      %dma_wait3A_751 = arith.constant 0 : i32
      %dma_wait3A_752 = arith.constant 0 : i32
      %dma_wait3A_753 = tpu.memref_slice %arg12[%dma_wait3A_751, %dma_wait3A_752] : memref<10112x16xf32, #tpu.memory_space<vmem_shared>> -> memref<10112x16xf32, #tpu.memory_space<vmem_shared>>
      tpu.wait_indirect_dma semaphore(%arg15 : memref<!tpu.dma_semaphore, #tpu.memory_space<semaphore_mem>>) src(%dma_wait3A_747 : memref<128x16xf32, #tpu.memory_space<vmem>>) dst(%dma_wait3A_753 : memref<10112x16xf32, #tpu.memory_space<vmem_shared>>)
      %dma_wait3A_754 = arith.constant 0 : i32
      %dma_wait3A_755 = arith.constant 0 : i32
      %dma_wait3A_756 = arith.constant 0 : i32
      %dma_wait3A_757 = tpu.memref_slice %arg8[%dma_wait3A_754, %dma_wait3A_755, %dma_wait3A_756] : memref<8x128x16xf32, #tpu.memory_space<vmem>> -> memref<1x128x16xf32, #tpu.memory_space<vmem>>
      %dma_wait3A_758 = tpu.memref_squeeze %dma_wait3A_757 : memref<1x128x16xf32, #tpu.memory_space<vmem>> -> memref<128x16xf32, #tpu.memory_space<vmem>>
      %dma_wait3A_759 = arith.constant 0 : i32
      %dma_wait3A_760 = tpu.memref_slice %arg6[%add3A_563, %dma_wait3A_759] : memref<96x128xi32, #tpu.memory_space<vmem>> -> memref<1x128xi32, #tpu.memory_space<vmem>>
      %dma_wait3A_761 = tpu.memref_squeeze %dma_wait3A_760 : memref<1x128xi32, #tpu.memory_space<vmem>> -> memref<128xi32, #tpu.memory_space<vmem>>
      %dma_wait3A_762 = arith.constant 0 : i32
      %dma_wait3A_763 = arith.constant 0 : i32
      %dma_wait3A_764 = tpu.memref_slice %arg12[%dma_wait3A_762, %dma_wait3A_763] : memref<10112x16xf32, #tpu.memory_space<vmem_shared>> -> memref<10112x16xf32, #tpu.memory_space<vmem_shared>>
      tpu.wait_indirect_dma semaphore(%arg15 : memref<!tpu.dma_semaphore, #tpu.memory_space<semaphore_mem>>) src(%dma_wait3A_758 : memref<128x16xf32, #tpu.memory_space<vmem>>) dst(%dma_wait3A_764 : memref<10112x16xf32, #tpu.memory_space<vmem_shared>>)
      %dma_wait3A_765 = arith.constant 1 : i32
      %dma_wait3A_766 = arith.constant 0 : i32
      %dma_wait3A_767 = arith.constant 0 : i32
      %dma_wait3A_768 = tpu.memref_slice %arg8[%dma_wait3A_765, %dma_wait3A_766, %dma_wait3A_767] : memref<8x128x16xf32, #tpu.memory_space<vmem>> -> memref<1x128x16xf32, #tpu.memory_space<vmem>>
      %dma_wait3A_769 = tpu.memref_squeeze %dma_wait3A_768 : memref<1x128x16xf32, #tpu.memory_space<vmem>> -> memref<128x16xf32, #tpu.memory_space<vmem>>
      %dma_wait3A_770 = arith.constant 0 : i32
      %dma_wait3A_771 = tpu.memref_slice %arg6[%add3A_576, %dma_wait3A_770] : memref<96x128xi32, #tpu.memory_space<vmem>> -> memref<1x128xi32, #tpu.memory_space<vmem>>
      %dma_wait3A_772 = tpu.memref_squeeze %dma_wait3A_771 : memref<1x128xi32, #tpu.memory_space<vmem>> -> memref<128xi32, #tpu.memory_space<vmem>>
      %dma_wait3A_773 = arith.constant 0 : i32
      %dma_wait3A_774 = arith.constant 0 : i32
      %dma_wait3A_775 = tpu.memref_slice %arg12[%dma_wait3A_773, %dma_wait3A_774] : memref<10112x16xf32, #tpu.memory_space<vmem_shared>> -> memref<10112x16xf32, #tpu.memory_space<vmem_shared>>
      tpu.wait_indirect_dma semaphore(%arg15 : memref<!tpu.dma_semaphore, #tpu.memory_space<semaphore_mem>>) src(%dma_wait3A_769 : memref<128x16xf32, #tpu.memory_space<vmem>>) dst(%dma_wait3A_775 : memref<10112x16xf32, #tpu.memory_space<vmem_shared>>)
      %dma_wait3A_776 = arith.constant 2 : i32
      %dma_wait3A_777 = arith.constant 0 : i32
      %dma_wait3A_778 = arith.constant 0 : i32
      %dma_wait3A_779 = tpu.memref_slice %arg8[%dma_wait3A_776, %dma_wait3A_777, %dma_wait3A_778] : memref<8x128x16xf32, #tpu.memory_space<vmem>> -> memref<1x128x16xf32, #tpu.memory_space<vmem>>
      %dma_wait3A_780 = tpu.memref_squeeze %dma_wait3A_779 : memref<1x128x16xf32, #tpu.memory_space<vmem>> -> memref<128x16xf32, #tpu.memory_space<vmem>>
      %dma_wait3A_781 = arith.constant 0 : i32
      %dma_wait3A_782 = tpu.memref_slice %arg6[%add3A_589, %dma_wait3A_781] : memref<96x128xi32, #tpu.memory_space<vmem>> -> memref<1x128xi32, #tpu.memory_space<vmem>>
      %dma_wait3A_783 = tpu.memref_squeeze %dma_wait3A_782 : memref<1x128xi32, #tpu.memory_space<vmem>> -> memref<128xi32, #tpu.memory_space<vmem>>
      %dma_wait3A_784 = arith.constant 0 : i32
      %dma_wait3A_785 = arith.constant 0 : i32
      %dma_wait3A_786 = tpu.memref_slice %arg12[%dma_wait3A_784, %dma_wait3A_785] : memref<10112x16xf32, #tpu.memory_space<vmem_shared>> -> memref<10112x16xf32, #tpu.memory_space<vmem_shared>>
      tpu.wait_indirect_dma semaphore(%arg15 : memref<!tpu.dma_semaphore, #tpu.memory_space<semaphore_mem>>) src(%dma_wait3A_780 : memref<128x16xf32, #tpu.memory_space<vmem>>) dst(%dma_wait3A_786 : memref<10112x16xf32, #tpu.memory_space<vmem_shared>>)
      %dma_wait3A_787 = arith.constant 3 : i32
      %dma_wait3A_788 = arith.constant 0 : i32
      %dma_wait3A_789 = arith.constant 0 : i32
      %dma_wait3A_790 = tpu.memref_slice %arg8[%dma_wait3A_787, %dma_wait3A_788, %dma_wait3A_789] : memref<8x128x16xf32, #tpu.memory_space<vmem>> -> memref<1x128x16xf32, #tpu.memory_space<vmem>>
      %dma_wait3A_791 = tpu.memref_squeeze %dma_wait3A_790 : memref<1x128x16xf32, #tpu.memory_space<vmem>> -> memref<128x16xf32, #tpu.memory_space<vmem>>
      %dma_wait3A_792 = arith.constant 0 : i32
      %dma_wait3A_793 = tpu.memref_slice %arg6[%add3A_602, %dma_wait3A_792] : memref<96x128xi32, #tpu.memory_space<vmem>> -> memref<1x128xi32, #tpu.memory_space<vmem>>
      %dma_wait3A_794 = tpu.memref_squeeze %dma_wait3A_793 : memref<1x128xi32, #tpu.memory_space<vmem>> -> memref<128xi32, #tpu.memory_space<vmem>>
      %dma_wait3A_795 = arith.constant 0 : i32
      %dma_wait3A_796 = arith.constant 0 : i32
      %dma_wait3A_797 = tpu.memref_slice %arg12[%dma_wait3A_795, %dma_wait3A_796] : memref<10112x16xf32, #tpu.memory_space<vmem_shared>> -> memref<10112x16xf32, #tpu.memory_space<vmem_shared>>
      tpu.wait_indirect_dma semaphore(%arg15 : memref<!tpu.dma_semaphore, #tpu.memory_space<semaphore_mem>>) src(%dma_wait3A_791 : memref<128x16xf32, #tpu.memory_space<vmem>>) dst(%dma_wait3A_797 : memref<10112x16xf32, #tpu.memory_space<vmem_shared>>)
      %dma_wait3A_798 = arith.constant 4 : i32
      %dma_wait3A_799 = arith.constant 0 : i32
      %dma_wait3A_800 = arith.constant 0 : i32
      %dma_wait3A_801 = tpu.memref_slice %arg8[%dma_wait3A_798, %dma_wait3A_799, %dma_wait3A_800] : memref<8x128x16xf32, #tpu.memory_space<vmem>> -> memref<1x128x16xf32, #tpu.memory_space<vmem>>
      %dma_wait3A_802 = tpu.memref_squeeze %dma_wait3A_801 : memref<1x128x16xf32, #tpu.memory_space<vmem>> -> memref<128x16xf32, #tpu.memory_space<vmem>>
      %dma_wait3A_803 = arith.constant 0 : i32
      %dma_wait3A_804 = tpu.memref_slice %arg6[%add3A_615, %dma_wait3A_803] : memref<96x128xi32, #tpu.memory_space<vmem>> -> memref<1x128xi32, #tpu.memory_space<vmem>>
      %dma_wait3A_805 = tpu.memref_squeeze %dma_wait3A_804 : memref<1x128xi32, #tpu.memory_space<vmem>> -> memref<128xi32, #tpu.memory_space<vmem>>
      %dma_wait3A_806 = arith.constant 0 : i32
      %dma_wait3A_807 = arith.constant 0 : i32
      %dma_wait3A_808 = tpu.memref_slice %arg12[%dma_wait3A_806, %dma_wait3A_807] : memref<10112x16xf32, #tpu.memory_space<vmem_shared>> -> memref<10112x16xf32, #tpu.memory_space<vmem_shared>>
      tpu.wait_indirect_dma semaphore(%arg15 : memref<!tpu.dma_semaphore, #tpu.memory_space<semaphore_mem>>) src(%dma_wait3A_802 : memref<128x16xf32, #tpu.memory_space<vmem>>) dst(%dma_wait3A_808 : memref<10112x16xf32, #tpu.memory_space<vmem_shared>>)
      %dma_wait3A_809 = arith.constant 5 : i32
      %dma_wait3A_810 = arith.constant 0 : i32
      %dma_wait3A_811 = arith.constant 0 : i32
      %dma_wait3A_812 = tpu.memref_slice %arg8[%dma_wait3A_809, %dma_wait3A_810, %dma_wait3A_811] : memref<8x128x16xf32, #tpu.memory_space<vmem>> -> memref<1x128x16xf32, #tpu.memory_space<vmem>>
      %dma_wait3A_813 = tpu.memref_squeeze %dma_wait3A_812 : memref<1x128x16xf32, #tpu.memory_space<vmem>> -> memref<128x16xf32, #tpu.memory_space<vmem>>
      %dma_wait3A_814 = arith.constant 0 : i32
      %dma_wait3A_815 = tpu.memref_slice %arg6[%add3A_628, %dma_wait3A_814] : memref<96x128xi32, #tpu.memory_space<vmem>> -> memref<1x128xi32, #tpu.memory_space<vmem>>
      %dma_wait3A_816 = tpu.memref_squeeze %dma_wait3A_815 : memref<1x128xi32, #tpu.memory_space<vmem>> -> memref<128xi32, #tpu.memory_space<vmem>>
      %dma_wait3A_817 = arith.constant 0 : i32
      %dma_wait3A_818 = arith.constant 0 : i32
      %dma_wait3A_819 = tpu.memref_slice %arg12[%dma_wait3A_817, %dma_wait3A_818] : memref<10112x16xf32, #tpu.memory_space<vmem_shared>> -> memref<10112x16xf32, #tpu.memory_space<vmem_shared>>
      tpu.wait_indirect_dma semaphore(%arg15 : memref<!tpu.dma_semaphore, #tpu.memory_space<semaphore_mem>>) src(%dma_wait3A_813 : memref<128x16xf32, #tpu.memory_space<vmem>>) dst(%dma_wait3A_819 : memref<10112x16xf32, #tpu.memory_space<vmem_shared>>)
      %dma_wait3A_820 = arith.constant 6 : i32
      %dma_wait3A_821 = arith.constant 0 : i32
      %dma_wait3A_822 = arith.constant 0 : i32
      %dma_wait3A_823 = tpu.memref_slice %arg8[%dma_wait3A_820, %dma_wait3A_821, %dma_wait3A_822] : memref<8x128x16xf32, #tpu.memory_space<vmem>> -> memref<1x128x16xf32, #tpu.memory_space<vmem>>
      %dma_wait3A_824 = tpu.memref_squeeze %dma_wait3A_823 : memref<1x128x16xf32, #tpu.memory_space<vmem>> -> memref<128x16xf32, #tpu.memory_space<vmem>>
      %dma_wait3A_825 = arith.constant 0 : i32
      %dma_wait3A_826 = tpu.memref_slice %arg6[%add3A_641, %dma_wait3A_825] : memref<96x128xi32, #tpu.memory_space<vmem>> -> memref<1x128xi32, #tpu.memory_space<vmem>>
      %dma_wait3A_827 = tpu.memref_squeeze %dma_wait3A_826 : memref<1x128xi32, #tpu.memory_space<vmem>> -> memref<128xi32, #tpu.memory_space<vmem>>
      %dma_wait3A_828 = arith.constant 0 : i32
      %dma_wait3A_829 = arith.constant 0 : i32
      %dma_wait3A_830 = tpu.memref_slice %arg12[%dma_wait3A_828, %dma_wait3A_829] : memref<10112x16xf32, #tpu.memory_space<vmem_shared>> -> memref<10112x16xf32, #tpu.memory_space<vmem_shared>>
      tpu.wait_indirect_dma semaphore(%arg15 : memref<!tpu.dma_semaphore, #tpu.memory_space<semaphore_mem>>) src(%dma_wait3A_824 : memref<128x16xf32, #tpu.memory_space<vmem>>) dst(%dma_wait3A_830 : memref<10112x16xf32, #tpu.memory_space<vmem_shared>>)
      %dma_wait3A_831 = arith.constant 7 : i32
      %dma_wait3A_832 = arith.constant 0 : i32
      %dma_wait3A_833 = arith.constant 0 : i32
      %dma_wait3A_834 = tpu.memref_slice %arg8[%dma_wait3A_831, %dma_wait3A_832, %dma_wait3A_833] : memref<8x128x16xf32, #tpu.memory_space<vmem>> -> memref<1x128x16xf32, #tpu.memory_space<vmem>>
      %dma_wait3A_835 = tpu.memref_squeeze %dma_wait3A_834 : memref<1x128x16xf32, #tpu.memory_space<vmem>> -> memref<128x16xf32, #tpu.memory_space<vmem>>
      %dma_wait3A_836 = arith.constant 0 : i32
      %dma_wait3A_837 = tpu.memref_slice %arg6[%add3A_654, %dma_wait3A_836] : memref<96x128xi32, #tpu.memory_space<vmem>> -> memref<1x128xi32, #tpu.memory_space<vmem>>
      %dma_wait3A_838 = tpu.memref_squeeze %dma_wait3A_837 : memref<1x128xi32, #tpu.memory_space<vmem>> -> memref<128xi32, #tpu.memory_space<vmem>>
      %dma_wait3A_839 = arith.constant 0 : i32
      %dma_wait3A_840 = arith.constant 0 : i32
      %dma_wait3A_841 = tpu.memref_slice %arg12[%dma_wait3A_839, %dma_wait3A_840] : memref<10112x16xf32, #tpu.memory_space<vmem_shared>> -> memref<10112x16xf32, #tpu.memory_space<vmem_shared>>
      tpu.wait_indirect_dma semaphore(%arg15 : memref<!tpu.dma_semaphore, #tpu.memory_space<semaphore_mem>>) src(%dma_wait3A_835 : memref<128x16xf32, #tpu.memory_space<vmem>>) dst(%dma_wait3A_841 : memref<10112x16xf32, #tpu.memory_space<vmem_shared>>)
    }
    %barrier3A_62 = arith.constant 0 : index
    tpu.barrier barrier_id(%barrier3A_62)
    %mul3A_63 = arith.constant 626 : i32
    %mul3A_64 = arith.muli %arg1, %mul3A_63 : i32
    "tpu.region"() ({
      %run_scoped3A = tpu.sem_alloc : memref<!tpu.dma_semaphore, #tpu.memory_space<semaphore_mem>>
      %dma_start3A_67 = arith.constant 0 : i32
      %dma_start3A_68 = arith.constant 0 : i32
      %dma_start3A_69 = tpu.memref_slice %arg10[%dma_start3A_67, %dma_start3A_68] : memref<625x16xf32, #tpu.memory_space<vmem>> -> memref<626x16xf32, #tpu.memory_space<vmem>>
      %dma_start3A_70 = arith.constant 0 : i32
      %dma_start3A_71 = tpu.memref_slice %arg12[%mul3A_64, %dma_start3A_70] : memref<10112x16xf32, #tpu.memory_space<vmem_shared>> -> memref<626x16xf32, #tpu.memory_space<vmem_shared>>
      %dma_start3A_72 = arith.constant 0 : i32
      %dma_start3A_73 = arith.constant 0 : i32
      %dma_start3A_74 = tpu.memref_slice %arg10[%dma_start3A_72, %dma_start3A_73] : memref<625x16xf32, #tpu.memory_space<vmem>> -> memref<626x16xf32, #tpu.memory_space<vmem>>
      %dma_start3A_75 = arith.constant 0 : i32
      %dma_start3A_76 = tpu.memref_slice %arg12[%mul3A_64, %dma_start3A_75] : memref<10112x16xf32, #tpu.memory_space<vmem_shared>> -> memref<626x16xf32, #tpu.memory_space<vmem_shared>>
      tpu.enqueue_dma source(%dma_start3A_76 : memref<626x16xf32, #tpu.memory_space<vmem_shared>>) target(%dma_start3A_74 : memref<626x16xf32, #tpu.memory_space<vmem>>) target_semaphore(%run_scoped3A : memref<!tpu.dma_semaphore, #tpu.memory_space<semaphore_mem>>)
      %dma_wait3A_77 = arith.constant 0 : i32
      %dma_wait3A_78 = arith.constant 0 : i32
      %dma_wait3A_79 = tpu.memref_slice %arg10[%dma_wait3A_77, %dma_wait3A_78] : memref<625x16xf32, #tpu.memory_space<vmem>> -> memref<626x16xf32, #tpu.memory_space<vmem>>
      %dma_wait3A_80 = arith.constant 0 : i32
      %dma_wait3A_81 = tpu.memref_slice %arg12[%mul3A_64, %dma_wait3A_80] : memref<10112x16xf32, #tpu.memory_space<vmem_shared>> -> memref<626x16xf32, #tpu.memory_space<vmem_shared>>
      %dma_wait3A_82 = arith.constant 0 : i32
      %dma_wait3A_83 = arith.constant 0 : i32
      %dma_wait3A_84 = tpu.memref_slice %arg10[%dma_wait3A_82, %dma_wait3A_83] : memref<625x16xf32, #tpu.memory_space<vmem>> -> memref<626x16xf32, #tpu.memory_space<vmem>>
      %dma_wait3A_85 = arith.constant 0 : i32
      %dma_wait3A_86 = tpu.memref_slice %arg12[%mul3A_64, %dma_wait3A_85] : memref<10112x16xf32, #tpu.memory_space<vmem_shared>> -> memref<626x16xf32, #tpu.memory_space<vmem_shared>>
      tpu.wait_dma2 semaphore(%run_scoped3A : memref<!tpu.dma_semaphore, #tpu.memory_space<semaphore_mem>>) src(%dma_wait3A_86 : memref<626x16xf32, #tpu.memory_space<vmem_shared>>) dst(%dma_wait3A_84 : memref<626x16xf32, #tpu.memory_space<vmem>>)
      tpu.yield
    }) : () -> ()
    %mul3A_65 = arith.constant 626 : i32
    %mul3A_66 = arith.muli %arg1, %mul3A_65 : i32
    "tpu.region"() ({
      %run_scoped3A = tpu.sem_alloc : memref<!tpu.dma_semaphore, #tpu.memory_space<semaphore_mem>>
      %dma_start3A_67 = arith.constant 0 : i32
      %dma_start3A_68 = arith.constant 0 : i32
      %dma_start3A_69 = tpu.memref_slice %arg10[%dma_start3A_67, %dma_start3A_68] : memref<625x16xf32, #tpu.memory_space<vmem>> -> memref<626x16xf32, #tpu.memory_space<vmem>>
      %dma_start3A_70 = arith.constant 0 : i32
      %dma_start3A_71 = tpu.memref_slice %arg4[%arg0, %mul3A_66, %dma_start3A_70] : memref<2x10016x16xf32, #tpu.memory_space<hbm>> -> memref<1x626x16xf32, #tpu.memory_space<hbm>>
      %dma_start3A_72 = tpu.memref_squeeze %dma_start3A_71 : memref<1x626x16xf32, #tpu.memory_space<hbm>> -> memref<626x16xf32, #tpu.memory_space<hbm>>
      %dma_start3A_73 = arith.constant 0 : i32
      %dma_start3A_74 = tpu.memref_slice %arg4[%arg0, %mul3A_66, %dma_start3A_73] : memref<2x10016x16xf32, #tpu.memory_space<hbm>> -> memref<1x626x16xf32, #tpu.memory_space<hbm>>
      %dma_start3A_75 = tpu.memref_squeeze %dma_start3A_74 : memref<1x626x16xf32, #tpu.memory_space<hbm>> -> memref<626x16xf32, #tpu.memory_space<hbm>>
      %dma_start3A_76 = arith.constant 0 : i32
      %dma_start3A_77 = arith.constant 0 : i32
      %dma_start3A_78 = tpu.memref_slice %arg10[%dma_start3A_76, %dma_start3A_77] : memref<625x16xf32, #tpu.memory_space<vmem>> -> memref<626x16xf32, #tpu.memory_space<vmem>>
      tpu.enqueue_dma source(%dma_start3A_78 : memref<626x16xf32, #tpu.memory_space<vmem>>) target(%dma_start3A_75 : memref<626x16xf32, #tpu.memory_space<hbm>>) target_semaphore(%run_scoped3A : memref<!tpu.dma_semaphore, #tpu.memory_space<semaphore_mem>>)
      %dma_wait3A_79 = arith.constant 0 : i32
      %dma_wait3A_80 = arith.constant 0 : i32
      %dma_wait3A_81 = tpu.memref_slice %arg10[%dma_wait3A_79, %dma_wait3A_80] : memref<625x16xf32, #tpu.memory_space<vmem>> -> memref<626x16xf32, #tpu.memory_space<vmem>>
      %dma_wait3A_82 = arith.constant 0 : i32
      %dma_wait3A_83 = tpu.memref_slice %arg4[%arg0, %mul3A_66, %dma_wait3A_82] : memref<2x10016x16xf32, #tpu.memory_space<hbm>> -> memref<1x626x16xf32, #tpu.memory_space<hbm>>
      %dma_wait3A_84 = tpu.memref_squeeze %dma_wait3A_83 : memref<1x626x16xf32, #tpu.memory_space<hbm>> -> memref<626x16xf32, #tpu.memory_space<hbm>>
      %dma_wait3A_85 = arith.constant 0 : i32
      %dma_wait3A_86 = tpu.memref_slice %arg4[%arg0, %mul3A_66, %dma_wait3A_85] : memref<2x10016x16xf32, #tpu.memory_space<hbm>> -> memref<1x626x16xf32, #tpu.memory_space<hbm>>
      %dma_wait3A_87 = tpu.memref_squeeze %dma_wait3A_86 : memref<1x626x16xf32, #tpu.memory_space<hbm>> -> memref<626x16xf32, #tpu.memory_space<hbm>>
      %dma_wait3A_88 = arith.constant 0 : i32
      %dma_wait3A_89 = arith.constant 0 : i32
      %dma_wait3A_90 = tpu.memref_slice %arg10[%dma_wait3A_88, %dma_wait3A_89] : memref<625x16xf32, #tpu.memory_space<vmem>> -> memref<626x16xf32, #tpu.memory_space<vmem>>
      tpu.wait_dma2 semaphore(%run_scoped3A : memref<!tpu.dma_semaphore, #tpu.memory_space<semaphore_mem>>) src(%dma_wait3A_90 : memref<626x16xf32, #tpu.memory_space<vmem>>) dst(%dma_wait3A_87 : memref<626x16xf32, #tpu.memory_space<hbm>>)
      tpu.yield
    }) : () -> ()
    return
  }
}

module attributes {stable_mosaic.version = 14 : i64} {
  func.func @body(%arg0: memref<10000x128xf32, #tpu.memory_space<vmem>>, %arg1: memref<16x128xf32, #tpu.memory_space<vmem>>, %arg2: memref<10000x16xf32, #tpu.memory_space<vmem>>) attributes {dimension_semantics = [], scalar_prefetch = 0 : i64, scratch_operands = 0 : i64, tpu.core_type = #tpu.core_type<tc>} {
    %get3A = arith.constant 0 : index
    %get3A_0 = arith.constant 0 : index
    %get3A_1 = vector.load %arg0[%get3A, %get3A_0] : memref<10000x128xf32, #tpu.memory_space<vmem>>, vector<10000x128xf32>
    %get3A_2 = arith.constant 0 : index
    %get3A_3 = arith.constant 0 : index
    %get3A_4 = vector.load %arg1[%get3A_2, %get3A_3] : memref<16x128xf32, #tpu.memory_space<vmem>>, vector<16x128xf32>
    %dot_general3A = arith.constant dense<0.000000e+00> : vector<10000x16xf32>
    %dot_general3A_5 = tpu.matmul %get3A_1, %get3A_4, %dot_general3A {dimension_numbers = #tpu.dot_dimension_numbers<[1], [1], [0], [0], [0, 0, 1, 0], [], []>, transpose_lhs_hint = false} : vector<10000x128xf32>, vector<16x128xf32>, vector<10000x16xf32> -> vector<10000x16xf32>
    %swap3A = arith.constant 0 : index
    %swap3A_6 = arith.constant 0 : index
    %swap3A_7 = vector.load %arg2[%swap3A, %swap3A_6] : memref<10000x16xf32, #tpu.memory_space<vmem>>, vector<10000x16xf32>
    tpu.vector_store %arg2[%swap3A, %swap3A_6], %dot_general3A_5 {strides = array<i32>} : memref<10000x16xf32, #tpu.memory_space<vmem>>, vector<10000x16xf32>,
    return
  }
}

module attributes {stable_mosaic.version = 14 : i64} {
  func.func @body(%arg0: memref<2500x128xf32, #tpu.memory_space<vmem>>, %arg1: memref<128x320xf32, #tpu.memory_space<vmem>>, %arg2: memref<1250x320xf32, #tpu.memory_space<vmem>>) attributes {dimension_semantics = [], scalar_prefetch = 0 : i64, scratch_operands = 0 : i64, tpu.core_type = #tpu.core_type<tc>} {
    %get3A = arith.constant 0 : index
    %get3A_0 = arith.constant 0 : index
    %get3A_1 = vector.load %arg0[%get3A, %get3A_0] : memref<2500x128xf32, #tpu.memory_space<vmem>>, vector<1250x128xf32>
    %get3A_2 = arith.constant 1250 : index
    %get3A_3 = arith.constant 0 : index
    %get3A_4 = vector.load %arg0[%get3A_2, %get3A_3] : memref<2500x128xf32, #tpu.memory_space<vmem>>, vector<1250x128xf32>
    %add3A = arith.addf %get3A_1, %get3A_4 : vector<1250x128xf32>
    %get3A_5 = arith.constant 0 : index
    %get3A_6 = arith.constant 0 : index
    %get3A_7 = vector.load %arg1[%get3A_5, %get3A_6] : memref<128x320xf32, #tpu.memory_space<vmem>>, vector<128x320xf32>
    %dot_general3A = arith.constant dense<0.000000e+00> : vector<1250x320xf32>
    %dot_general3A_8 = tpu.matmul %add3A, %get3A_7, %dot_general3A {dimension_numbers = #tpu.dot_dimension_numbers<[1], [0], [0], [1], [0, 0, 1, 1], [], []>, transpose_lhs_hint = false} : vector<1250x128xf32>, vector<128x320xf32>, vector<1250x320xf32> -> vector<1250x320xf32>
    %swap3A = arith.constant 0 : index
    %swap3A_9 = arith.constant 0 : index
    %swap3A_10 = vector.load %arg2[%swap3A, %swap3A_9] : memref<1250x320xf32, #tpu.memory_space<vmem>>, vector<1250x320xf32>
    tpu.vector_store %arg2[%swap3A, %swap3A_9], %dot_general3A_8 {strides = array<i32>} : memref<1250x320xf32, #tpu.memory_space<vmem>>, vector<1250x320xf32>,
    return
  }
}

</mosaic_0001>

<sc_bundles>
// kernel: kernel.6.cloned.1.call-start
scs
__scs_entry_jumppad:
0x0: {  	(pc) =	sbr.rel $0x88, $3  }
0x1: {  	(tag) =	ssettag $0x0;
	lr =	simm.s32 $0x1  }
0x2: {  	[smem:$0x3F9D] =	sst lr;
	_ =	strace $0xD0000000  }
0x3: {  	_ = 	snop  }
0x4: {  	_ = 	snop  }
0x5: {  	_ = 	snop  }
0x6: {  	_ = 	snop  }
0x7: {  	_ = 	snop  }
__scs_overlays_trampoline_lowered:
0x8: {  	[smem:$0x3FAC] =	sst s0  }
0x9: {  	[smem:$0x3FAD] =	sst s1  }
0xa: {  	[smem:$0x3FAE] =	sst s2  }
0xb: {  	[smem:$0x3FAF] =	sst s3  }
0xc: {  	[smem:$0x3FB0] =	sst s4  }
0xd: {  	[smem:$0x3FB1] =	sst s5  }
0xe: {  	[smem:$0x3FB2] =	sst s6  }
0xf: {  	[smem:$0x3FB3] =	sst s7  }
0x10: {  	[smem:$0x3FB4] =	sst s8  }
0x11: {  	[smem:$0x3FB5] =	sst s9;
	s0 =	simm.s32 @!p0 $0x0  }
0x12: {  	s1 =	sld [smem:$0x3F9B];
	s0 =	simm.s32 @p0 $0x1  }
0x13: {  	[smem:$0x3FB6] =	sst s0;
	s0 =	simm.s32 @!p1 $0x0  }
0x14: {  	s2 =	sld [smem:$0x3F9A];
	s0 =	simm.s32 @p1 $0x1  }
0x15: {  	[smem:$0x3FB7] =	sst s0;
	s0 =	simm.s32 @!p2 $0x0  }
0x16: {  	s3 =	sld [smem:$0x3FDB];
	s0 =	simm.s32 @p2 $0x1  }
0x17: {  	s4 =	simm.s32 $0x1BF5;
	[smem:$0x3FB9] =	sst s0  }
0x18: {  	s0 =	sld [smem:$0x3F9C];
	_ =	swait.ge [sflag:s4], $0x0  }
0x19: {  	s7 =	sld [smem:$0x3F9D]  }
0x1a: {  	s8 =	sadd.s32 $0xFFFFE003, lr  }
0x1b: {  	s9 =	sadd.s32 $0xFFFFFEF7, lr;
	s5 =	simm.s32 $0xFFFFFFFF;
	p2 =	slt.u32 s8, $0xFFFFF086  }
0x1c: {  	p1 =	slt.u32 s9, $0xF7A;
	s5 =	simm.s32 @!p2 $0x0  }
0x1d: {  	s5 =	simm.s32 @p1 $0x1;
	p0 =	seq.s32 s7, s2  }
0x1e: {  	s7 =	smul.u32 @!p0 $0xF7A, s2;
	p2 =	seq.s32 @!p0 s5, $0x0  }
0x1f: {  	s9 =	smul.u32 $0xF7A, s1;
	s8 =	simm.s32 @!p0 $0x1BF5;
	p2 =	por !p2, p0  }
0x20: {  	[sflag:s8] =	ssyncset.s32 @!p0 $0xFFFFF086;
	s6 =	sadd.s32 @!p0 s3, s7;
	s7 =	simm.s32 @!p0 $0x108  }
0x21: {  	s3 =	sadd.s32 s3, s9;
	s6 =	sadd.s32 @!p0 $0x88, s6;
	s7 =	simm.s32 @p2 $0x1082  }
0x22: {  	[simem:s7], [sflag:s8] =	dma.local @!p0 [hbm:s6], $0xF7A  }
0x23: {  	s9 =	sor.u32 $0xD0000000, s2;
	s6 =	simm.s32 $0x108;
	_ =	swait.ge @!p0 [sflag:s8], $0x0  }
0x24: {  	s3 =	sadd.s32 $0x88, s3;
	s6 =	simm.s32 @!p1 $0x1082;
	[sflag:s4] =	ssyncset.s32 $0xFFFFF086  }
0x25: {  	[simem:s6], [sflag:s4] =	dma.local [hbm:s3], $0xF7A  }
0x26: {  	[smem:$0x3F9D] =	sst s1;
	(tag) =	ssettag s2;
	_ =	strace s9  }
0x27: {  	s1 =	sld [smem:$0x3FAD]  }
0x28: {  	s2 =	sld [smem:$0x3FAE]  }
0x29: {  	s4 =	sld [smem:$0x3FB0]  }
0x2a: {  	p0 =	seq.s32 s5, $0x0;
	s5 =	sld [smem:$0x3FB1]  }
0x2b: {  	s6 =	sld [smem:$0x3FB2]  }
0x2c: {  	s7 =	sld [smem:$0x3FB3]  }
0x2d: {  	s3 =	simm.s32 $0x108;
	s8 =	sld [smem:$0x3FB4]  }
0x2e: {  	s3 =	simm.s32 @!p0 $0x1082;
	s9 =	sld [smem:$0x3FB5]  }
0x2f: {  	lr =	sadd.s32 s0, s3;
	s0 =	sld [smem:$0x3FAC]  }
0x30: {  	s3 =	sld [smem:$0x3FAF]  }
0x31: {  	[smem:$0x3FB8] =	sst s10  }
0x32: {  	s10 =	sld [smem:$0x3FB6];
	_ =	sdelay $0x3  }
0x33: {  	p0 =	seq.s32 s10, $0x1;
	s10 =	sld [smem:$0x3FB8];
	_ =	sdelay $0x3  }
0x34: {  	[smem:$0x3FB8] =	sst s10  }
0x35: {  	s10 =	sld [smem:$0x3FB7];
	_ =	sdelay $0x3  }
0x36: {  	p1 =	seq.s32 s10, $0x1;
	s10 =	sld [smem:$0x3FB8];
	_ =	sdelay $0x3  }
0x37: {  	[smem:$0x3FB8] =	sst s10  }
0x38: {  	s10 =	sld [smem:$0x3FB9]  }
0x39: {  	_ = 	snop;
	(pc) =	sbr.ind lr, $3  }
0x3a: {  	_ = 	snop  }
0x3b: {  	_ = 	snop  }
0x3c: {  	p2 =	seq.s32 s10, $0x1;
	s10 =	sld [smem:$0x3FB8]  }
0x3d: {  	_ =	shalt  }
0x3e: {  	_ =	shalt  }
0x3f: {  	_ =	shalt  }
0x40: {  	_ =	shalt  }
0x41: {  	_ =	shalt  }
0x42: {  	_ =	shalt  }
0x43: {  	_ =	shalt  }
0x44: {  	_ =	shalt  }
0x45: {  	_ =	shalt  }
0x46: {  	_ =	shalt  }
0x47: {  	_ =	shalt  }
0x48: {  	_ =	shalt  }
0x49: {  	_ =	shalt  }
0x4a: {  	_ =	shalt  }
0x4b: {  	_ =	shalt  }
0x4c: {  	_ =	shalt  }
0x4d: {  	_ =	shalt  }
0x4e: {  	_ =	shalt  }
0x4f: {  	_ =	shalt  }
0x50: {  	_ =	shalt  }
0x51: {  	_ =	shalt  }
0x52: {  	_ =	shalt  }
0x53: {  	_ =	shalt  }
0x54: {  	_ =	shalt  }
0x55: {  	_ =	shalt  }
0x56: {  	_ =	shalt  }
0x57: {  	_ =	shalt  }
0x58: {  	_ =	shalt  }
0x59: {  	_ =	shalt  }
0x5a: {  	_ =	shalt  }
0x5b: {  	_ =	shalt  }
0x5c: {  	_ =	shalt  }
0x5d: {  	_ =	shalt  }
0x5e: {  	_ =	shalt  }
0x5f: {  	_ =	shalt  }
0x60: {  	_ =	shalt  }
0x61: {  	_ =	shalt  }
0x62: {  	_ =	shalt  }
0x63: {  	_ =	shalt  }
0x64: {  	_ =	shalt  }
0x65: {  	_ =	shalt  }
0x66: {  	_ =	shalt  }
0x67: {  	_ =	shalt  }
0x68: {  	_ =	shalt  }
0x69: {  	_ =	shalt  }
0x6a: {  	_ =	shalt  }
0x6b: {  	_ =	shalt  }
0x6c: {  	_ =	shalt  }
0x6d: {  	_ =	shalt  }
0x6e: {  	_ =	shalt  }
0x6f: {  	_ =	shalt  }
0x70: {  	_ =	shalt  }
0x71: {  	_ =	shalt  }
0x72: {  	_ =	shalt  }
0x73: {  	_ =	shalt  }
0x74: {  	_ =	shalt  }
0x75: {  	_ =	shalt  }
0x76: {  	_ =	shalt  }
0x77: {  	_ =	shalt  }
0x78: {  	_ =	shalt  }
0x79: {  	_ =	shalt  }
0x7a: {  	_ =	shalt  }
0x7b: {  	_ =	shalt  }
0x7c: {  	_ =	shalt  }
0x7d: {  	_ =	shalt  }
0x7e: {  	_ =	shalt  }
0x7f: {  	_ =	shalt  }
0x80: {  	_ =	shalt  }
0x81: {  	_ =	shalt  }
0x82: {  	_ =	shalt  }
0x83: {  	_ =	shalt  }
0x84: {  	_ =	shalt  }
0x85: {  	_ =	shalt  }
0x86: {  	_ =	shalt  }
0x87: {  	_ =	shalt  }
.Lfunc_end0:
.L_simem_size_0:
called_computation_lowered:
.L_overlay_start_0:
0x88: {  	s2 =	sld [smem:$0x3FD9]  }
0x89: {  	s3 =	sld [smem:$0x3FFE];
	_ =	sdelay $0x1  }
0x8a: {  	s1 =	srdreg.scid  }
0x8b: {  	s0 =	sand.u32 $0x1, s1  }
0x8c: {  	s17 =	sshll.u32 s0, $0xA;
	s2 =	sadd.s32 s3, s2  }
0x8d: {  	s2 =	sadd.s32 s2, s17  }
0x8e: {  	[smem:$0x3FC4] =	sst s2  }
0x8f: {  	_ = 	snop  }
0x90: {  	s2 =	sld [smem:$0x3FD0];
	(tm) =	ssettm $0x1  }
0x91: {  	s18 =	sld [smem:$0x3FFB];
	_ =	sdelay $0x3  }
0x92: {  	_ =	strace s18  }
0x93: {  	s3 =	sld [smem:$0x3FFC];
	_ =	sdelay $0x3  }
0x94: {  	_ =	strace s3  }
0x95: {  	s3 =	sld [smem:$0x3FFD];
	_ =	sdelay $0x3  }
0x96: {  	_ =	strace s3  }
0x97: {  	_ =	strace $0x8FFFFFFF  }
0x98: {  	s19 =	sld [smem:$0x3FDB];
	_ =	sdelay $0x1  }
0x99: {  	s4 =	simm.s32 $_scs_section_size  }
0x9a: {  	s5 =	simm.s32 $_size__tile_overlayer_lowered;
	s6 =	simm.s32 $_tile_overlayer_lowered  }
0x9b: {  	s22 =	simm.s32 $0x1BFF;
	s21 =	sshll.u32 s6, $0x1;
	s3 =	sadd.s32 s4, s19  }
0x9c: {  	s7 =	simm.s32 $0x0;
	s20 =	sshll.u32 s5, $0x1;
	s5 =	sadd.s32 s21, s3  }
0x9d: {  	[timem:s7], [sflag:s22] =	dma.local [hbm:s5], s20  }
0x9e: {  	_ =	swait.ge [sflag:s22], s20  }
0x9f: {  	s4 =	ssub.s32 $0x0, s20;
	[sflag:s22] =	ssyncset.done $0x0  }
0xa0: {  	[sflag:s22] =	ssyncadd.s32 s4;
	_ =	sdelay $0x1  }
0xa1: {  	s23 =	simm.s32 $0x1B8B  }
0xa2: {  	_ =	swait.ge [sflag:s23], $0x1  }
0xa3: {  	[sflag:s23] =	ssyncset.done $0x0  }
0xa4: {  	s25 =	simm.s32 $0x1B8E;
	s24 =	sld [smem:$0x3FFE];
	[sflag:s23] =	ssyncadd.s32 $0xFFFFFFFF  }
0xa5: {  	s26 =	simm.s32 $execute0_lowered;
	[smem:$0x3FD2] =	sst s25  }
0xa6: {  	s5 =	sshll.u32 s26, $0x1;
	_ =	strace $0x80000046;
	[dreg:$0x1] =	wrdreg $0xFFFFFFFF  }
0xa7: {  	s28 =	simm.s32 $_size_execute0_lowered;
	s3 =	sadd.s32 s3, s5;
	[dreg:$0x0] =	wrdreg $0x0  }
0xa8: {  	s5 =	sshll.u32 s28, $0x1;
	[dreg:$0x2] =	wrdreg s3  }
0xa9: {  	[dreg:$0x3] =	wrdreg s5  }
0xaa: {  	[dreg:$0x4] =	wrdreg $0xC0  }
0xab: {  	_ =	task [dreg:s7], $0x5FFFF  }
0xac: {  	[dreg:$0x1] =	wrdreg $0xFFFFFFFF  }
0xad: {  	[dreg:$0x0] =	wrdreg $0x60  }
0xae: {  	[dreg:$0x2] =	wrdreg s2  }
0xaf: {  	[dreg:$0x3] =	wrdreg s24  }
0xb0: {  	[dreg:$0x4] =	wrdreg $0x12E900  }
0xb1: {  	[dreg:$0x5] =	wrdreg $0x156100  }
0xb2: {  	[dreg:$0x6] =	wrdreg $0x9  }
0xb3: {  	_ =	task.clear_ibuf [dreg:s7], $0x7FFFF;
	_ =	strace $0x90000046  }
0xb4: {  	s29 =	simm.s32 $0x9;
	_ =	strace $0x80000048  }
0xb5: {  	_ =	swait.ge [sflag:s29], $0x1  }
0xb6: {  	[sflag:s29] =	ssyncadd.s32 $0xFFFFFFFF  }
0xb7: {  	_ =	strace $0x90000048  }
0xb8: {  	_ =	sfence  }
0xb9: {  	s30 =	sld [smem:$0x0];
	_ =	sdelay $0x2  }
0xba: {  	s31 =	sshll.u32 s1, $0xD;
	s1 =	sshrl.u32 s1, $0x2  }
0xbb: {  	s3 =	sand.u32 $0x4000, s31;
	s1 =	sadd.s32 s1, s30  }
0xbc: {  	s0 =	sor.u32 s3, s0;
	s1 =	sshll.u32 s1, $0x11  }
0xbd: {  	s0 =	sor.u32 s1, s0  }
0xbe: {  	s0 =	sadd.s32 $0x8F2B, s0  }
0xbf: {  	[sflag:s0] =	ssyncadd.remote.s32 $0x1  }
0xc0: {  	_ =	sfence.sel $0xFFFF  }
0xc1: {  	[dreg:$0x0] =	wrdreg $0xFFFFFFFF;
	(pc) =	sbr.abs _section_cstart, $3  }
0xc2: {  	[dreg:$0x1] =	wrdreg $0xFFFFFFFF  }
0xc3: {  	_ =	task.clear_ibuf [dreg:s7], $0x2FFFF;
	_ =	strace $0x9FFFFFFF  }
0xc4: {  	(tm) =	ssettm $0x7FFFFFFF  }
0xc5: {  	_ =	shalt  }
tec
execute0_lowered:
.L_overlay_start_1:
0x0: {  	(tag) =	ssettag $0x1  }
0x1: {  	s0 =	rddreg [dreg:$0x0]  }
0x2: {  	s1 =	rddreg [dreg:$0x1]  }
0x3: {  	s11 =	stileid.u32;
	s3 =	srdreg.scid  }
0x4: {  	s2 =	rddreg [dreg:$0x2];
	s15 =	simm.s32 $0x10780;
	s17 =	simm.s32 $0x3  }
0x5: {  	s28 =	simm.s32 $0x9800;
	s29 =	simm.s32 $0xA000;
	s5 =	smul.u32 $0x60, s11  }
0x6: {  	s30 =	simm.s32 $0xA800;
	s31 =	simm.s32 $0xB000;
	s7 =	smul.u32 $0x2720, s11  }
0x7: {  	s14 =	simm.s32 $0xD000;
	s16 =	simm.s32 $0xD800;
	s21 =	smul.u32 $0x2710, s11  }
0x8: {  	s6 =	sand.u32 $0x1, s3;
	s4 =	sshll.u32 s11, $0x6;
	s11 =	smul.u32 $0x9E00, s11  }
0x9: {  	s3 =	rddreg [dreg:$0x3];
	s8 =	smul.u32 $0x27200, s6;
	p0 =	seq.s32 s6, $0x0  }
0xa: {  	s9 =	sadd.s32 $0x600, s4;
	s4 =	simm.s32 $0x0;
	s20 =	ssub.s32 $0x2, s6  }
0xb: {  	s6 =	simm.s32 $0xC000;
	s9 =	smov.u32 @p0 s5;
	[smem:$0x7FF] =	sst s4  }
0xc: {  	s10 =	sshrl.u32 s20, $0x1;
	s6 =	simm.s32 @!p0 $0x8000;
	s23 =	sshrl.u32 s21, $0x3  }
0xd: {  	s24 =	sshrl.u32 s11, $0x2;
	s26 =	sadd.s32 s21, s3;
	s11 =	sadd.s32 s7, s2  }
0xe: {  	s21 =	simm.s32 $0x6800;
	s18 =	sadd.s32 s7, s8;
	s19 =	sshll.u32 s9, $0x4  }
0xf: {  	_ =	strace $0x80000047;
	s13 =	ssub.s32 s20, s10;
	[dreg:$0x5] =	wrdreg s6  }
0x10: {  	s0 =	sadd.s32 s0, s23;
	s25 =	sadd.s32 s24, s2;
	[dreg:$0xa] =	wrdreg s26  }
0x11: {  	s20 =	simm.s32 $0x6000;
	s23 =	simm.s32 $0x7800;
	s24 =	simm.s32 $0x8000  }
0x12: {  	s26 =	simm.s32 $0x9000;
	s6 =	simm.s32 $0x2;
	s7 =	simm.s32 $0x0  }
0x13: {  	s5 =	sshrl.u32 s18, $0x3;
	s8 =	sadd.s32 s19, s1;
	[dreg:$0x8] =	wrdreg s0  }
0x14: {  	[dreg:$0x9] =	wrdreg s25;
	s13 =	smax.u32 s13, $0x1;
	s18 =	simm.s32 $0x1  }
0x15: {  	s19 =	simm.s32 $0x80;
	s25 =	simm.s32 $0x8800;
	s22 =	sadd.s32 $0x1200, s8  }
0x16: {  	s0 =	simm.s32 $0xC800;
	s8 =	sadd.s32 $0xB800, s8;
	[dreg:$0x6] =	wrdreg s22  }
0x17: {  	s1 =	sadd.s32 s5, s1;
	s5 =	simm.s32 $0xC000;
	[dreg:$0x7] =	wrdreg s8  }
0x18: {  	v0 =	vimm.f32 $0.0e+00;
	s12 =	sadd.s32 $0x15E00, s1;
	s22 =	simm.s32 $0x7000;
	s1 =	simm.s32 $0xB800  }
.LBB2_1:
0x19: {  	s8 =	rddreg [dreg:$0x6]  }
0x1a: {  	[tilespmem:s4], [sflag:$0x1] =	stream.linear.gather [hbm4b:s8+s4], $0x3000, $0x38;
	[tilespmem:$0x17D90] =	vst v63  }
0x1b: {  	s10 =	rddreg [dreg:$0x7];
	s9 =	simm.s32 $0x3000  }
0x1c: {  	[tilespmem:s9], [sflag:$0x1] =	stream.linear.gather [hbm4b:s10+s4], $0x3000, $0x38;
	[tilespmem:$0x17D90] =	vst v63  }
0x1d: {  	s8 =	simm.s32 $0xE040;
	s10 =	rddreg [dreg:$0x8]  }
0x1e: {  	[tilespmem:s15], [sflag:$0x1] =	stream.linear.gather [hbm4b:s10+s4], $0x2710, $0x38;
	[tilespmem:$0x17D90] =	vst v63  }
0x1f: {  	[tilespmem:s8+$0xFFFFFFC0] =	vst v0  }
0x20: {  	[tilespmem:s8+$0x30] =	vst v0  }
0x21: {  	[tilespmem:s8+$0x20] =	vst v0  }
0x22: {  	[tilespmem:s8+$0x10] =	vst v0  }
0x23: {  	[tilespmem:s8+$0x0] =	vst v0  }
0x24: {  	[tilespmem:s8+$0xFFFFFFF0] =	vst v0  }
0x25: {  	s9 =	simm.s32 $0x0;
	[tilespmem:s8+$0xFFFFFFE0] =	vst v0  }
.LBB2_2:
0x26: {  	s9 =	sadd.s32 $0x8, s9;
	[tilespmem:s8+$0xFFFFFFD0] =	vst v0;
	s8 =	sadd.s32 $0x80, s8  }
0x27: {  	[tilespmem:s8+$0xFFFFFFC0] =	vst v0;
	p0 =	slt.u32 s9, $0x270  }
0x28: {  	[tilespmem:s8+$0x30] =	vst v0  }
.Ltmp0:
0x29: {  	[tilespmem:s8+$0x20] =	vst v0;
	(pc) =	sbr.rel @p0 .LBB2_2-.Ltmp0, $4  }
0x2a: {  	[tilespmem:s8+$0x10] =	vst v0  }
0x2b: {  	[tilespmem:s8+$0x0] =	vst v0  }
0x2c: {  	[tilespmem:s8+$0xFFFFFFF0] =	vst v0  }
0x2d: {  	[tilespmem:s8+$0xFFFFFFE0] =	vst v0  }
0x2e: {  	[tilespmem:s8+$0xFFFFFFD0] =	vst v0;
	s10 =	rddreg [dreg:$0x9];
	s9 =	simm.s32 $0xE000  }
0x2f: {  	[spmem:s10] =	stream.linear.scatter [tilespmem:s9], [sflag:$0x3], $0x2780, $0x38;
	[tilespmem:$0x17D90] =	vst v63  }
0x30: {  	_ =	swait.ge [sflag:s17], $0x2780  }
0x31: {  	[sflag:s17] =	ssyncset.done $0x0  }
0x32: {  	[sflag:s17] =	ssyncadd.s32 $0xFFFFD880  }
0x33: {  	_ =	swait.ge [sflag:s18], $0x3000  }
0x34: {  	[sflag:s18] =	ssyncset.done $0x0  }
0x35: {  	[sflag:s18] =	ssyncadd.s32 $0xFFFFD000  }
0x36: {  	_ =	swait.ge [sflag:s18], $0x3000  }
0x37: {  	[sflag:s18] =	ssyncset.done $0x0  }
0x38: {  	[sflag:s18] =	ssyncadd.s32 $0xFFFFD000  }
0x39: {  	_ =	swait.ge [sflag:s18], $0x2710  }
0x3a: {  	[sflag:s18] =	ssyncset.done $0x0  }
0x3b: {  	s10 =	rddreg [dreg:$0xa];
	[sflag:s18] =	ssyncadd.s32 $0xFFFFD8F0  }
0x3c: {  	[spmem:s10] =	stream.linear.scatter [tilespmem:s15], [sflag:$0x3], $0x2710, $0x38;
	[tilespmem:$0x17D90] =	vst v63  }
0x3d: {  	_ =	swait.ge [sflag:s17], $0x2710  }
0x3e: {  	[sflag:s17] =	ssyncset.done $0x0  }
0x3f: {  	[sflag:s17] =	ssyncadd.s32 $0xFFFFD8F0  }
0x40: {  	s8 =	simm.s32 $0x0;
	[bflag:$0x0] =	sbarrier.arrive $0xFFFF  }
.LBB2_4:
0x41: {  	s9 =	sshra.s32 s8, $0x2  }
0x42: {  	[tilespmem:s20], [sflag:$0x1] =	stream.indirect.gather [spmem:s3], $0x10, s9, s19, $0xb8;
	[tilespmem:$0x17D90] =	vst v63  }
0x43: {  	s10 =	sadd.s32 $0x80, s9  }
0x44: {  	[tilespmem:s21], [sflag:$0x1] =	stream.indirect.gather [spmem:s3], $0x10, s10, s19, $0xb8;
	[tilespmem:$0x17D90] =	vst v63  }
0x45: {  	s10 =	sadd.s32 $0x100, s9  }
0x46: {  	[tilespmem:s22], [sflag:$0x1] =	stream.indirect.gather [spmem:s3], $0x10, s10, s19, $0xb8;
	[tilespmem:$0x17D90] =	vst v63  }
0x47: {  	s10 =	sadd.s32 $0x180, s9  }
0x48: {  	[tilespmem:s23], [sflag:$0x1] =	stream.indirect.gather [spmem:s3], $0x10, s10, s19, $0xb8;
	[tilespmem:$0x17D90] =	vst v63  }
0x49: {  	s10 =	sadd.s32 $0x200, s9  }
0x4a: {  	[tilespmem:s24], [sflag:$0x1] =	stream.indirect.gather [spmem:s3], $0x10, s10, s19, $0xb8;
	[tilespmem:$0x17D90] =	vst v63  }
0x4b: {  	s10 =	sadd.s32 $0x280, s9  }
0x4c: {  	[tilespmem:s25], [sflag:$0x1] =	stream.indirect.gather [spmem:s3], $0x10, s10, s19, $0xb8;
	[tilespmem:$0x17D90] =	vst v63  }
0x4d: {  	s10 =	sadd.s32 $0x300, s9  }
0x4e: {  	[tilespmem:s26], [sflag:$0x1] =	stream.indirect.gather [spmem:s3], $0x10, s10, s19, $0xb8;
	[tilespmem:$0x17D90] =	vst v63  }
0x4f: {  	s10 =	sadd.s32 $0x380, s9  }
0x50: {  	[tilespmem:s28], [sflag:$0x1] =	stream.indirect.gather [spmem:s3], $0x10, s10, s19, $0xb8;
	[tilespmem:$0x17D90] =	vst v63  }
0x51: {  	s10 =	sadd.s32 $0x400, s9  }
0x52: {  	[tilespmem:s29], [sflag:$0x1] =	stream.indirect.gather [spmem:s3], $0x10, s10, s19, $0xb8;
	[tilespmem:$0x17D90] =	vst v63  }
0x53: {  	s10 =	sadd.s32 $0x480, s9  }
0x54: {  	[tilespmem:s30], [sflag:$0x1] =	stream.indirect.gather [spmem:s3], $0x10, s10, s19, $0xb8;
	[tilespmem:$0x17D90] =	vst v63  }
0x55: {  	s10 =	sadd.s32 $0x500, s9  }
0x56: {  	[tilespmem:s31], [sflag:$0x1] =	stream.indirect.gather [spmem:s3], $0x10, s10, s19, $0xb8;
	[tilespmem:$0x17D90] =	vst v63  }
0x57: {  	s10 =	sadd.s32 $0x580, s9  }
0x58: {  	[tilespmem:s1], [sflag:$0x1] =	stream.indirect.gather [spmem:s3], $0x10, s10, s19, $0xb8;
	[tilespmem:$0x17D90] =	vst v63  }
0x59: {  	s10 =	sadd.s32 $0x600, s9  }
0x5a: {  	[tilespmem:s5], [sflag:$0x1] =	stream.indirect.gather [spmem:s3], $0x10, s10, s19, $0xb8;
	[tilespmem:$0x17D90] =	vst v63  }
0x5b: {  	s10 =	sadd.s32 $0x680, s9  }
0x5c: {  	[tilespmem:s0], [sflag:$0x1] =	stream.indirect.gather [spmem:s3], $0x10, s10, s19, $0xb8;
	[tilespmem:$0x17D90] =	vst v63  }
0x5d: {  	s10 =	sadd.s32 $0x700, s9  }
0x5e: {  	[tilespmem:s14], [sflag:$0x1] =	stream.indirect.gather [spmem:s3], $0x10, s10, s19, $0xb8;
	[tilespmem:$0x17D90] =	vst v63  }
0x5f: {  	s10 =	sadd.s32 $0x780, s9  }
0x60: {  	[tilespmem:s16], [sflag:$0x1] =	stream.indirect.gather [spmem:s3], $0x10, s10, s19, $0xb8;
	[tilespmem:$0x17D90] =	vst v63  }
0x61: {  	_ =	swait.ge [sflag:s18], $0x800  }
0x62: {  	[sflag:s18] =	ssyncset.done $0x0  }
0x63: {  	[sflag:s18] =	ssyncadd.s32 $0xFFFFF800  }
0x64: {  	_ =	swait.ge [sflag:s18], $0x800  }
0x65: {  	[sflag:s18] =	ssyncset.done $0x0  }
0x66: {  	[sflag:s18] =	ssyncadd.s32 $0xFFFFF800  }
0x67: {  	_ =	swait.ge [sflag:s18], $0x800  }
0x68: {  	[sflag:s18] =	ssyncset.done $0x0  }
0x69: {  	[sflag:s18] =	ssyncadd.s32 $0xFFFFF800  }
0x6a: {  	_ =	swait.ge [sflag:s18], $0x800  }
0x6b: {  	[sflag:s18] =	ssyncset.done $0x0  }
0x6c: {  	[sflag:s18] =	ssyncadd.s32 $0xFFFFF800  }
0x6d: {  	_ =	swait.ge [sflag:s18], $0x800  }
0x6e: {  	[sflag:s18] =	ssyncset.done $0x0  }
0x6f: {  	[sflag:s18] =	ssyncadd.s32 $0xFFFFF800  }
0x70: {  	_ =	swait.ge [sflag:s18], $0x800  }
0x71: {  	[sflag:s18] =	ssyncset.done $0x0  }
0x72: {  	[sflag:s18] =	ssyncadd.s32 $0xFFFFF800  }
0x73: {  	_ =	swait.ge [sflag:s18], $0x800  }
0x74: {  	[sflag:s18] =	ssyncset.done $0x0  }
0x75: {  	[sflag:s18] =	ssyncadd.s32 $0xFFFFF800  }
0x76: {  	_ =	swait.ge [sflag:s18], $0x800  }
0x77: {  	[sflag:s18] =	ssyncset.done $0x0  }
0x78: {  	s10 =	sadd.s32 $0x3000, s9;
	[sflag:s18] =	ssyncadd.s32 $0xFFFFF800  }
0x79: {  	[spmem:s2] =	stream.indirect.scatter.add.f32 [tilespmem:s20], [sflag:$0x2], $0x10, s10, s19, $0xb8;
	[tilespmem:$0x17D90] =	vst v63  }
0x7a: {  	s10 =	sadd.s32 $0x3080, s9  }
0x7b: {  	[spmem:s2] =	stream.indirect.scatter.add.f32 [tilespmem:s21], [sflag:$0x2], $0x10, s10, s19, $0xb8;
	[tilespmem:$0x17D90] =	vst v63  }
0x7c: {  	s10 =	sadd.s32 $0x3100, s9  }
0x7d: {  	[spmem:s2] =	stream.indirect.scatter.add.f32 [tilespmem:s22], [sflag:$0x2], $0x10, s10, s19, $0xb8;
	[tilespmem:$0x17D90] =	vst v63  }
0x7e: {  	s10 =	sadd.s32 $0x3180, s9  }
0x7f: {  	[spmem:s2] =	stream.indirect.scatter.add.f32 [tilespmem:s23], [sflag:$0x2], $0x10, s10, s19, $0xb8;
	[tilespmem:$0x17D90] =	vst v63  }
0x80: {  	s10 =	sadd.s32 $0x3200, s9  }
0x81: {  	[spmem:s2] =	stream.indirect.scatter.add.f32 [tilespmem:s24], [sflag:$0x2], $0x10, s10, s19, $0xb8;
	[tilespmem:$0x17D90] =	vst v63  }
0x82: {  	s10 =	sadd.s32 $0x3280, s9  }
0x83: {  	[spmem:s2] =	stream.indirect.scatter.add.f32 [tilespmem:s25], [sflag:$0x2], $0x10, s10, s19, $0xb8;
	[tilespmem:$0x17D90] =	vst v63  }
0x84: {  	s10 =	sadd.s32 $0x3300, s9  }
0x85: {  	[spmem:s2] =	stream.indirect.scatter.add.f32 [tilespmem:s26], [sflag:$0x2], $0x10, s10, s19, $0xb8;
	[tilespmem:$0x17D90] =	vst v63  }
0x86: {  	s10 =	sadd.s32 $0x3380, s9  }
0x87: {  	[spmem:s2] =	stream.indirect.scatter.add.f32 [tilespmem:s28], [sflag:$0x2], $0x10, s10, s19, $0xb8;
	[tilespmem:$0x17D90] =	vst v63  }
0x88: {  	_ =	swait.ge [sflag:s18], $0x800  }
0x89: {  	[sflag:s18] =	ssyncset.done $0x0  }
0x8a: {  	[sflag:s18] =	ssyncadd.s32 $0xFFFFF800  }
0x8b: {  	_ =	swait.ge [sflag:s18], $0x800  }
0x8c: {  	[sflag:s18] =	ssyncset.done $0x0  }
0x8d: {  	[sflag:s18] =	ssyncadd.s32 $0xFFFFF800  }
0x8e: {  	_ =	swait.ge [sflag:s18], $0x800  }
0x8f: {  	[sflag:s18] =	ssyncset.done $0x0  }
0x90: {  	[sflag:s18] =	ssyncadd.s32 $0xFFFFF800  }
0x91: {  	_ =	swait.ge [sflag:s18], $0x800  }
0x92: {  	[sflag:s18] =	ssyncset.done $0x0  }
0x93: {  	[sflag:s18] =	ssyncadd.s32 $0xFFFFF800  }
0x94: {  	_ =	swait.ge [sflag:s18], $0x800  }
0x95: {  	[sflag:s18] =	ssyncset.done $0x0  }
0x96: {  	[sflag:s18] =	ssyncadd.s32 $0xFFFFF800  }
0x97: {  	_ =	swait.ge [sflag:s18], $0x800  }
0x98: {  	[sflag:s18] =	ssyncset.done $0x0  }
0x99: {  	[sflag:s18] =	ssyncadd.s32 $0xFFFFF800  }
0x9a: {  	_ =	swait.ge [sflag:s18], $0x800  }
0x9b: {  	[sflag:s18] =	ssyncset.done $0x0  }
0x9c: {  	[sflag:s18] =	ssyncadd.s32 $0xFFFFF800  }
0x9d: {  	_ =	swait.ge [sflag:s18], $0x800  }
0x9e: {  	[sflag:s18] =	ssyncset.done $0x0  }
0x9f: {  	s10 =	sadd.s32 $0x3400, s9;
	[sflag:s18] =	ssyncadd.s32 $0xFFFFF800  }
0xa0: {  	[spmem:s2] =	stream.indirect.scatter.add.f32 [tilespmem:s29], [sflag:$0x2], $0x10, s10, s19, $0xb8;
	[tilespmem:$0x17D90] =	vst v63  }
0xa1: {  	s10 =	sadd.s32 $0x3480, s9  }
0xa2: {  	[spmem:s2] =	stream.indirect.scatter.add.f32 [tilespmem:s30], [sflag:$0x2], $0x10, s10, s19, $0xb8;
	[tilespmem:$0x17D90] =	vst v63  }
0xa3: {  	s10 =	sadd.s32 $0x3500, s9  }
0xa4: {  	[spmem:s2] =	stream.indirect.scatter.add.f32 [tilespmem:s31], [sflag:$0x2], $0x10, s10, s19, $0xb8;
	[tilespmem:$0x17D90] =	vst v63  }
0xa5: {  	s10 =	sadd.s32 $0x3580, s9  }
0xa6: {  	[spmem:s2] =	stream.indirect.scatter.add.f32 [tilespmem:s1], [sflag:$0x2], $0x10, s10, s19, $0xb8;
	[tilespmem:$0x17D90] =	vst v63  }
0xa7: {  	s10 =	sadd.s32 $0x3600, s9  }
0xa8: {  	[spmem:s2] =	stream.indirect.scatter.add.f32 [tilespmem:s5], [sflag:$0x2], $0x10, s10, s19, $0xb8;
	[tilespmem:$0x17D90] =	vst v63  }
0xa9: {  	s10 =	sadd.s32 $0x3680, s9  }
0xaa: {  	[spmem:s2] =	stream.indirect.scatter.add.f32 [tilespmem:s0], [sflag:$0x2], $0x10, s10, s19, $0xb8;
	[tilespmem:$0x17D90] =	vst v63  }
0xab: {  	s10 =	sadd.s32 $0x3700, s9  }
0xac: {  	[spmem:s2] =	stream.indirect.scatter.add.f32 [tilespmem:s14], [sflag:$0x2], $0x10, s10, s19, $0xb8;
	[tilespmem:$0x17D90] =	vst v63  }
0xad: {  	s9 =	sadd.s32 $0x3780, s9  }
0xae: {  	[spmem:s2] =	stream.indirect.scatter.add.f32 [tilespmem:s16], [sflag:$0x2], $0x10, s9, s19, $0xb8;
	[tilespmem:$0x17D90] =	vst v63  }
0xaf: {  	_ =	swait.ge [sflag:s6], $0x800  }
0xb0: {  	[sflag:s6] =	ssyncset.done $0x0  }
0xb1: {  	[sflag:s6] =	ssyncadd.s32 $0xFFFFF800  }
0xb2: {  	_ =	swait.ge [sflag:s6], $0x800  }
0xb3: {  	[sflag:s6] =	ssyncset.done $0x0  }
0xb4: {  	[sflag:s6] =	ssyncadd.s32 $0xFFFFF800  }
0xb5: {  	_ =	swait.ge [sflag:s6], $0x800  }
0xb6: {  	[sflag:s6] =	ssyncset.done $0x0  }
0xb7: {  	[sflag:s6] =	ssyncadd.s32 $0xFFFFF800  }
0xb8: {  	_ =	swait.ge [sflag:s6], $0x800  }
0xb9: {  	[sflag:s6] =	ssyncset.done $0x0  }
0xba: {  	[sflag:s6] =	ssyncadd.s32 $0xFFFFF800  }
0xbb: {  	_ =	swait.ge [sflag:s6], $0x800  }
0xbc: {  	[sflag:s6] =	ssyncset.done $0x0  }
0xbd: {  	[sflag:s6] =	ssyncadd.s32 $0xFFFFF800  }
0xbe: {  	_ =	swait.ge [sflag:s6], $0x800  }
0xbf: {  	[sflag:s6] =	ssyncset.done $0x0  }
0xc0: {  	[sflag:s6] =	ssyncadd.s32 $0xFFFFF800  }
0xc1: {  	_ =	swait.ge [sflag:s6], $0x800  }
0xc2: {  	[sflag:s6] =	ssyncset.done $0x0  }
0xc3: {  	[sflag:s6] =	ssyncadd.s32 $0xFFFFF800  }
0xc4: {  	_ =	swait.ge [sflag:s6], $0x800  }
0xc5: {  	[sflag:s6] =	ssyncset.done $0x0  }
0xc6: {  	[sflag:s6] =	ssyncadd.s32 $0xFFFFF800  }
0xc7: {  	_ =	swait.ge [sflag:s6], $0x800  }
0xc8: {  	[sflag:s6] =	ssyncset.done $0x0  }
0xc9: {  	[sflag:s6] =	ssyncadd.s32 $0xFFFFF800  }
0xca: {  	_ =	swait.ge [sflag:s6], $0x800  }
0xcb: {  	[sflag:s6] =	ssyncset.done $0x0  }
0xcc: {  	[sflag:s6] =	ssyncadd.s32 $0xFFFFF800  }
0xcd: {  	_ =	swait.ge [sflag:s6], $0x800  }
0xce: {  	[sflag:s6] =	ssyncset.done $0x0  }
0xcf: {  	[sflag:s6] =	ssyncadd.s32 $0xFFFFF800  }
0xd0: {  	_ =	swait.ge [sflag:s6], $0x800  }
0xd1: {  	[sflag:s6] =	ssyncset.done $0x0  }
0xd2: {  	[sflag:s6] =	ssyncadd.s32 $0xFFFFF800  }
0xd3: {  	_ =	swait.ge [sflag:s6], $0x800  }
0xd4: {  	[sflag:s6] =	ssyncset.done $0x0  }
0xd5: {  	[sflag:s6] =	ssyncadd.s32 $0xFFFFF800  }
0xd6: {  	_ =	swait.ge [sflag:s6], $0x800  }
0xd7: {  	[sflag:s6] =	ssyncset.done $0x0  }
0xd8: {  	[sflag:s6] =	ssyncadd.s32 $0xFFFFF800  }
0xd9: {  	_ =	swait.ge [sflag:s6], $0x800  }
0xda: {  	[sflag:s6] =	ssyncset.done $0x0  }
0xdb: {  	[sflag:s6] =	ssyncadd.s32 $0xFFFFF800  }
0xdc: {  	_ =	swait.ge [sflag:s6], $0x800  }
0xdd: {  	s8 =	sadd.s32 $0x2000, s8;
	s10 =	rddreg [dreg:$0x5]  }
0xde: {  	p0 =	sne.s32 s10, s8  }
.Ltmp1:
0xdf: {  	_ = 	snop;
	(pc) =	sbr.rel @p0 .LBB2_4-.Ltmp1, $3  }
0xe0: {  	_ =	sdelay $0x1  }
0xe1: {  	[sflag:s6] =	ssyncset.done $0x0  }
0xe2: {  	[sflag:s6] =	ssyncadd.s32 $0xFFFFF800  }
0xe3: {  	[bflag:$0x0] =	sbarrier.arrive $0xFFFF  }
0xe4: {  	[tilespmem:s15], [sflag:$0x3] =	stream.linear.gather [spmem:s11], $0x2720, $0x38;
	[tilespmem:$0x17D90] =	vst v63  }
0xe5: {  	s7 =	sadd.s32 $0x1, s7;
	_ =	swait.ge [sflag:s17], $0x2720  }
0xe6: {  	p0 =	sne.s32 s7, s13;
	[sflag:s17] =	ssyncset.done $0x0  }
.Ltmp2:
0xe7: {  	[sflag:s17] =	ssyncadd.s32 $0xFFFFD8E0;
	(pc) =	sbr.rel @p0 .LBB2_1-.Ltmp2, $4  }
0xe8: {  	[hbm4b:s12+s4] =	stream.linear.scatter [tilespmem:s15], [sflag:$0x3], $0x2720, $0x38;
	[tilespmem:$0x17D90] =	vst v63  }
0xe9: {  	_ =	swait.ge [sflag:s17], $0x2720  }
0xea: {  	[sflag:s17] =	ssyncset.done $0x0  }
0xeb: {  	[sflag:s17] =	ssyncadd.s32 $0xFFFFD8E0  }
0xec: {  	_ =	sfence.sel $0x180000  }
0xed: {  	[bflag:$0x0] =	sbarrier.arrive $0xFFFF  }
0xee: {  	_ =	strace $0x90000047  }
0xef: {  	s0 =	stileid.u32;
	[bflag:$0x2] =	sbarrier.arrive $0xFFFF  }
0xf0: {  	p0 =	sne.s32 s0, $0x0;
	s0 =	rddreg [dreg:$0x4]  }
0xf1: {  	s0 =	sadd.s32 @!p0 $0x100000, s0  }
0xf2: {  	[sflag:s0] =	ssyncadd.tile.s32 @!p0 $0x1;
	_ =	shalt  }
.Lfunc_end2:
_tile_overlayer_lowered:
.L_overlay_start_2:
0xf3: {  	(tag) =	ssettag $0x2  }
0xf4: {  	s0 =	rddreg [dreg:$0x0];
	s2 =	stileid.u32  }
0xf5: {  	s1 =	rddreg [dreg:$0x1];
	p0 =	sne.s32 s2, $0x0  }
0xf6: {  	s3 =	rddreg [dreg:$0x2];
	[bflag:$0x3] =	sbarrier.arrive $0xFFFF;
	s2 =	simm.s32 @!p0 $0x1C03  }
0xf7: {  	[timem:s3], [sflag:s2] =	dma.local @!p0 [hbm:s0], s1  }
0xf8: {  	s0 =	simm.s32 @!p0 $0x3  }
0xf9: {  	_ =	swait.ge @!p0 [sflag:s0], s1  }
0xfa: {  	s1 =	ssub.s32 @!p0 $0x0, s1;
	[sflag:s0] =	ssyncset.done @!p0 $0x0  }
0xfb: {  	[sflag:s0] =	ssyncadd.s32 @!p0 s1  }
0xfc: {  	[bflag:$0x3] =	sbarrier.arrive $0xFFFF  }
0xfd: {  	_ =	shalt  }

// kernel: kernel.9.cloned.1.call-start
scs
__scs_entry_jumppad:
0x0: {  	(pc) =	sbr.rel $0x88, $3  }
0x1: {  	(tag) =	ssettag $0x0;
	lr =	simm.s32 $0x1  }
0x2: {  	[smem:$0x3F9D] =	sst lr;
	_ =	strace $0xD0000000  }
0x3: {  	_ = 	snop  }
0x4: {  	_ = 	snop  }
0x5: {  	_ = 	snop  }
0x6: {  	_ = 	snop  }
0x7: {  	_ = 	snop  }
__scs_overlays_trampoline_lowered:
0x8: {  	[smem:$0x3FAC] =	sst s0  }
0x9: {  	[smem:$0x3FAD] =	sst s1  }
0xa: {  	[smem:$0x3FAE] =	sst s2  }
0xb: {  	[smem:$0x3FAF] =	sst s3  }
0xc: {  	[smem:$0x3FB0] =	sst s4  }
0xd: {  	[smem:$0x3FB1] =	sst s5  }
0xe: {  	[smem:$0x3FB2] =	sst s6  }
0xf: {  	[smem:$0x3FB3] =	sst s7  }
0x10: {  	[smem:$0x3FB4] =	sst s8  }
0x11: {  	[smem:$0x3FB5] =	sst s9;
	s0 =	simm.s32 @!p0 $0x0  }
0x12: {  	s1 =	sld [smem:$0x3F9B];
	s0 =	simm.s32 @p0 $0x1  }
0x13: {  	[smem:$0x3FB6] =	sst s0;
	s0 =	simm.s32 @!p1 $0x0  }
0x14: {  	s2 =	sld [smem:$0x3F9A];
	s0 =	simm.s32 @p1 $0x1  }
0x15: {  	[smem:$0x3FB7] =	sst s0;
	s0 =	simm.s32 @!p2 $0x0  }
0x16: {  	s3 =	sld [smem:$0x3FDB];
	s0 =	simm.s32 @p2 $0x1  }
0x17: {  	s4 =	simm.s32 $0x1BF5;
	[smem:$0x3FB9] =	sst s0  }
0x18: {  	s0 =	sld [smem:$0x3F9C];
	_ =	swait.ge [sflag:s4], $0x0  }
0x19: {  	s7 =	sld [smem:$0x3F9D]  }
0x1a: {  	s8 =	sadd.s32 $0xFFFFE003, lr  }
0x1b: {  	s9 =	sadd.s32 $0xFFFFFEF7, lr;
	s5 =	simm.s32 $0xFFFFFFFF;
	p2 =	slt.u32 s8, $0xFFFFF086  }
0x1c: {  	p1 =	slt.u32 s9, $0xF7A;
	s5 =	simm.s32 @!p2 $0x0  }
0x1d: {  	s5 =	simm.s32 @p1 $0x1;
	p0 =	seq.s32 s7, s2  }
0x1e: {  	s7 =	smul.u32 @!p0 $0xF7A, s2;
	p2 =	seq.s32 @!p0 s5, $0x0  }
0x1f: {  	s9 =	smul.u32 $0xF7A, s1;
	s8 =	simm.s32 @!p0 $0x1BF5;
	p2 =	por !p2, p0  }
0x20: {  	[sflag:s8] =	ssyncset.s32 @!p0 $0xFFFFF086;
	s6 =	sadd.s32 @!p0 s3, s7;
	s7 =	simm.s32 @!p0 $0x108  }
0x21: {  	s3 =	sadd.s32 s3, s9;
	s6 =	sadd.s32 @!p0 $0x88, s6;
	s7 =	simm.s32 @p2 $0x1082  }
0x22: {  	[simem:s7], [sflag:s8] =	dma.local @!p0 [hbm:s6], $0xF7A  }
0x23: {  	s9 =	sor.u32 $0xD0000000, s2;
	s6 =	simm.s32 $0x108;
	_ =	swait.ge @!p0 [sflag:s8], $0x0  }
0x24: {  	s3 =	sadd.s32 $0x88, s3;
	s6 =	simm.s32 @!p1 $0x1082;
	[sflag:s4] =	ssyncset.s32 $0xFFFFF086  }
0x25: {  	[simem:s6], [sflag:s4] =	dma.local [hbm:s3], $0xF7A  }
0x26: {  	[smem:$0x3F9D] =	sst s1;
	(tag) =	ssettag s2;
	_ =	strace s9  }
0x27: {  	s1 =	sld [smem:$0x3FAD]  }
0x28: {  	s2 =	sld [smem:$0x3FAE]  }
0x29: {  	s4 =	sld [smem:$0x3FB0]  }
0x2a: {  	p0 =	seq.s32 s5, $0x0;
	s5 =	sld [smem:$0x3FB1]  }
0x2b: {  	s6 =	sld [smem:$0x3FB2]  }
0x2c: {  	s7 =	sld [smem:$0x3FB3]  }
0x2d: {  	s3 =	simm.s32 $0x108;
	s8 =	sld [smem:$0x3FB4]  }
0x2e: {  	s3 =	simm.s32 @!p0 $0x1082;
	s9 =	sld [smem:$0x3FB5]  }
0x2f: {  	lr =	sadd.s32 s0, s3;
	s0 =	sld [smem:$0x3FAC]  }
0x30: {  	s3 =	sld [smem:$0x3FAF]  }
0x31: {  	[smem:$0x3FB8] =	sst s10  }
0x32: {  	s10 =	sld [smem:$0x3FB6];
	_ =	sdelay $0x3  }
0x33: {  	p0 =	seq.s32 s10, $0x1;
	s10 =	sld [smem:$0x3FB8];
	_ =	sdelay $0x3  }
0x34: {  	[smem:$0x3FB8] =	sst s10  }
0x35: {  	s10 =	sld [smem:$0x3FB7];
	_ =	sdelay $0x3  }
0x36: {  	p1 =	seq.s32 s10, $0x1;
	s10 =	sld [smem:$0x3FB8];
	_ =	sdelay $0x3  }
0x37: {  	[smem:$0x3FB8] =	sst s10  }
0x38: {  	s10 =	sld [smem:$0x3FB9]  }
0x39: {  	_ = 	snop;
	(pc) =	sbr.ind lr, $3  }
0x3a: {  	_ = 	snop  }
0x3b: {  	_ = 	snop  }
0x3c: {  	p2 =	seq.s32 s10, $0x1;
	s10 =	sld [smem:$0x3FB8]  }
0x3d: {  	_ =	shalt  }
0x3e: {  	_ =	shalt  }
0x3f: {  	_ =	shalt  }
0x40: {  	_ =	shalt  }
0x41: {  	_ =	shalt  }
0x42: {  	_ =	shalt  }
0x43: {  	_ =	shalt  }
0x44: {  	_ =	shalt  }
0x45: {  	_ =	shalt  }
0x46: {  	_ =	shalt  }
0x47: {  	_ =	shalt  }
0x48: {  	_ =	shalt  }
0x49: {  	_ =	shalt  }
0x4a: {  	_ =	shalt  }
0x4b: {  	_ =	shalt  }
0x4c: {  	_ =	shalt  }
0x4d: {  	_ =	shalt  }
0x4e: {  	_ =	shalt  }
0x4f: {  	_ =	shalt  }
0x50: {  	_ =	shalt  }
0x51: {  	_ =	shalt  }
0x52: {  	_ =	shalt  }
0x53: {  	_ =	shalt  }
0x54: {  	_ =	shalt  }
0x55: {  	_ =	shalt  }
0x56: {  	_ =	shalt  }
0x57: {  	_ =	shalt  }
0x58: {  	_ =	shalt  }
0x59: {  	_ =	shalt  }
0x5a: {  	_ =	shalt  }
0x5b: {  	_ =	shalt  }
0x5c: {  	_ =	shalt  }
0x5d: {  	_ =	shalt  }
0x5e: {  	_ =	shalt  }
0x5f: {  	_ =	shalt  }
0x60: {  	_ =	shalt  }
0x61: {  	_ =	shalt  }
0x62: {  	_ =	shalt  }
0x63: {  	_ =	shalt  }
0x64: {  	_ =	shalt  }
0x65: {  	_ =	shalt  }
0x66: {  	_ =	shalt  }
0x67: {  	_ =	shalt  }
0x68: {  	_ =	shalt  }
0x69: {  	_ =	shalt  }
0x6a: {  	_ =	shalt  }
0x6b: {  	_ =	shalt  }
0x6c: {  	_ =	shalt  }
0x6d: {  	_ =	shalt  }
0x6e: {  	_ =	shalt  }
0x6f: {  	_ =	shalt  }
0x70: {  	_ =	shalt  }
0x71: {  	_ =	shalt  }
0x72: {  	_ =	shalt  }
0x73: {  	_ =	shalt  }
0x74: {  	_ =	shalt  }
0x75: {  	_ =	shalt  }
0x76: {  	_ =	shalt  }
0x77: {  	_ =	shalt  }
0x78: {  	_ =	shalt  }
0x79: {  	_ =	shalt  }
0x7a: {  	_ =	shalt  }
0x7b: {  	_ =	shalt  }
0x7c: {  	_ =	shalt  }
0x7d: {  	_ =	shalt  }
0x7e: {  	_ =	shalt  }
0x7f: {  	_ =	shalt  }
0x80: {  	_ =	shalt  }
0x81: {  	_ =	shalt  }
0x82: {  	_ =	shalt  }
0x83: {  	_ =	shalt  }
0x84: {  	_ =	shalt  }
0x85: {  	_ =	shalt  }
0x86: {  	_ =	shalt  }
0x87: {  	_ =	shalt  }
.Lfunc_end0:
.L_simem_size_0:
called_computation.1_lowered:
.L_overlay_start_0:
0x88: {  	s2 =	sld [smem:$0x3FD9]  }
0x89: {  	s3 =	sld [smem:$0x3FFE];
	_ =	sdelay $0x1  }
0x8a: {  	s1 =	srdreg.scid  }
0x8b: {  	s0 =	sand.u32 $0x1, s1  }
0x8c: {  	s17 =	sshll.u32 s0, $0xA;
	s2 =	sadd.s32 s3, s2  }
0x8d: {  	s2 =	sadd.s32 s2, s17  }
0x8e: {  	[smem:$0x3FC4] =	sst s2  }
0x8f: {  	_ = 	snop  }
0x90: {  	s2 =	sld [smem:$0x3FD0];
	(tm) =	ssettm $0x1  }
0x91: {  	s18 =	sld [smem:$0x3FFB];
	_ =	sdelay $0x3  }
0x92: {  	_ =	strace s18  }
0x93: {  	s3 =	sld [smem:$0x3FFC];
	_ =	sdelay $0x3  }
0x94: {  	_ =	strace s3  }
0x95: {  	s3 =	sld [smem:$0x3FFD];
	_ =	sdelay $0x3  }
0x96: {  	_ =	strace s3  }
0x97: {  	_ =	strace $0x8FFFFFFF  }
0x98: {  	s19 =	sld [smem:$0x3FDB];
	_ =	sdelay $0x1  }
0x99: {  	s4 =	simm.s32 $_scs_section_size  }
0x9a: {  	s5 =	simm.s32 $_size__tile_overlayer_lowered;
	s6 =	simm.s32 $_tile_overlayer_lowered  }
0x9b: {  	s22 =	simm.s32 $0x1BFF;
	s21 =	sshll.u32 s6, $0x1;
	s3 =	sadd.s32 s4, s19  }
0x9c: {  	s7 =	simm.s32 $0x0;
	s20 =	sshll.u32 s5, $0x1;
	s5 =	sadd.s32 s21, s3  }
0x9d: {  	[timem:s7], [sflag:s22] =	dma.local [hbm:s5], s20  }
0x9e: {  	_ =	swait.ge [sflag:s22], s20  }
0x9f: {  	s4 =	ssub.s32 $0x0, s20;
	[sflag:s22] =	ssyncset.done $0x0  }
0xa0: {  	[sflag:s22] =	ssyncadd.s32 s4;
	_ =	sdelay $0x1  }
0xa1: {  	s23 =	simm.s32 $0x1B8B  }
0xa2: {  	_ =	swait.ge [sflag:s23], $0x1  }
0xa3: {  	[sflag:s23] =	ssyncset.done $0x0  }
0xa4: {  	s25 =	simm.s32 $0x1B8E;
	s24 =	sld [smem:$0x3FFE];
	[sflag:s23] =	ssyncadd.s32 $0xFFFFFFFF  }
0xa5: {  	s26 =	simm.s32 $execute0_lowered;
	[smem:$0x3FD2] =	sst s25  }
0xa6: {  	s5 =	sshll.u32 s26, $0x1;
	_ =	strace $0x80000049;
	[dreg:$0x1] =	wrdreg $0xFFFFFFFF  }
0xa7: {  	s28 =	simm.s32 $_size_execute0_lowered;
	s3 =	sadd.s32 s3, s5;
	[dreg:$0x0] =	wrdreg $0x0  }
0xa8: {  	s5 =	sshll.u32 s28, $0x1;
	[dreg:$0x2] =	wrdreg s3  }
0xa9: {  	[dreg:$0x3] =	wrdreg s5  }
0xaa: {  	[dreg:$0x4] =	wrdreg $0xC0  }
0xab: {  	_ =	task [dreg:s7], $0x5FFFF  }
0xac: {  	[dreg:$0x1] =	wrdreg $0xFFFFFFFF  }
0xad: {  	[dreg:$0x0] =	wrdreg $0x60  }
0xae: {  	[dreg:$0x2] =	wrdreg s24  }
0xaf: {  	[dreg:$0x3] =	wrdreg s2  }
0xb0: {  	[dreg:$0x4] =	wrdreg $0x155C00  }
0xb1: {  	[dreg:$0x5] =	wrdreg $0x17D400  }
0xb2: {  	[dreg:$0x6] =	wrdreg $0x9  }
0xb3: {  	_ =	task.clear_ibuf [dreg:s7], $0x7FFFF;
	_ =	strace $0x90000049  }
0xb4: {  	s29 =	simm.s32 $0x9;
	_ =	strace $0x8000004B  }
0xb5: {  	_ =	swait.ge [sflag:s29], $0x1  }
0xb6: {  	[sflag:s29] =	ssyncadd.s32 $0xFFFFFFFF  }
0xb7: {  	_ =	strace $0x9000004B  }
0xb8: {  	_ =	sfence  }
0xb9: {  	s30 =	sld [smem:$0x0];
	_ =	sdelay $0x2  }
0xba: {  	s31 =	sshll.u32 s1, $0xD;
	s1 =	sshrl.u32 s1, $0x2  }
0xbb: {  	s3 =	sand.u32 $0x4000, s31;
	s1 =	sadd.s32 s1, s30  }
0xbc: {  	s0 =	sor.u32 s3, s0;
	s1 =	sshll.u32 s1, $0x11  }
0xbd: {  	s0 =	sor.u32 s1, s0  }
0xbe: {  	s0 =	sadd.s32 $0x8F2B, s0  }
0xbf: {  	[sflag:s0] =	ssyncadd.remote.s32 $0x1  }
0xc0: {  	_ =	sfence.sel $0xFFFF  }
0xc1: {  	[dreg:$0x0] =	wrdreg $0xFFFFFFFF;
	(pc) =	sbr.abs _section_cstart, $3  }
0xc2: {  	[dreg:$0x1] =	wrdreg $0xFFFFFFFF  }
0xc3: {  	_ =	task.clear_ibuf [dreg:s7], $0x2FFFF;
	_ =	strace $0x9FFFFFFF  }
0xc4: {  	(tm) =	ssettm $0x7FFFFFFF  }
0xc5: {  	_ =	shalt  }
tec
execute0_lowered:
.L_overlay_start_1:
0x0: {  	(tag) =	ssettag $0x1  }
0x1: {  	s0 =	rddreg [dreg:$0x0]  }
0x2: {  	s1 =	rddreg [dreg:$0x1]  }
0x3: {  	s2 =	rddreg [dreg:$0x2]  }
0x4: {  	s3 =	rddreg [dreg:$0x3]  }
0x5: {  	s4 =	simm.s32 $0x0;
	s12 =	stileid.u32;
	s5 =	srdreg.scid  }
0x6: {  	s10 =	simm.s32 $0xC000;
	s16 =	simm.s32 $0x10780;
	s28 =	simm.s32 $0x8800  }
0x7: {  	s29 =	simm.s32 $0x9000;
	s6 =	sand.u32 $0x1, s5;
	s5 =	smul.u32 $0x60, s12  }
0x8: {  	s30 =	simm.s32 $0x9800;
	s31 =	simm.s32 $0xA000;
	s8 =	smul.u32 $0x2720, s12  }
0x9: {  	s15 =	simm.s32 $0xB800;
	s7 =	sshll.u32 s12, $0x6;
	s11 =	smul.u32 $0x9E00, s12  }
0xa: {  	[smem:$0x7FF] =	sst s4;
	s12 =	smul.u32 $0x2710, s12;
	p0 =	seq.s32 s6, $0x0  }
0xb: {  	s7 =	sadd.s32 $0x600, s7;
	_ =	strace $0x8000004A;
	s18 =	ssub.s32 $0x2, s6  }
0xc: {  	s6 =	smul.u32 $0x27100, s6;
	s7 =	smov.u32 @p0 s5;
	s17 =	sshrl.u32 s8, $0x3  }
0xd: {  	s19 =	sshrl.u32 s18, $0x1;
	s10 =	simm.s32 @!p0 $0x8000;
	s5 =	simm.s32 $0xC000  }
0xe: {  	s23 =	sshrl.u32 s11, $0x2;
	s24 =	sadd.s32 s8, s3;
	s26 =	sadd.s32 s12, s2  }
0xf: {  	s8 =	simm.s32 $0x0;
	s7 =	sshll.u32 s7, $0x4;
	[dreg:$0x5] =	wrdreg s10  }
0x10: {  	s9 =	sadd.s32 s17, s0;
	s6 =	sadd.s32 s12, s6;
	[dreg:$0xb] =	wrdreg s24  }
0x11: {  	[dreg:$0xc] =	wrdreg s26;
	s24 =	simm.s32 $0x7000;
	s26 =	simm.s32 $0x8000  }
0x12: {  	s17 =	simm.s32 $0xC800;
	s0 =	sadd.s32 s7, s0;
	s7 =	ssub.s32 s18, s19  }
0x13: {  	s21 =	sadd.s32 $0x15E00, s9;
	s22 =	sadd.s32 $0x1AC40, s9;
	s25 =	sshrl.u32 s6, $0x3  }
0x14: {  	s19 =	simm.s32 $0x3;
	s18 =	simm.s32 $0xD000;
	s6 =	simm.s32 $0xD800  }
0x15: {  	s20 =	sadd.s32 $0x1200, s0;
	s0 =	sadd.s32 $0xB800, s0;
	[dreg:$0x8] =	wrdreg s21  }
0x16: {  	[dreg:$0x9] =	wrdreg s22;
	s13 =	sadd.s32 s1, s25;
	s14 =	smax.u32 s7, $0x1  }
0x17: {  	s21 =	simm.s32 $0x80;
	s22 =	simm.s32 $0x6000;
	s25 =	simm.s32 $0x7800  }
0x18: {  	s1 =	simm.s32 $0xB000;
	s7 =	simm.s32 $0x2;
	[dreg:$0x6] =	wrdreg s20  }
0x19: {  	[dreg:$0x7] =	wrdreg s0;
	s0 =	sadd.s32 s23, s2;
	s20 =	simm.s32 $0x1  }
0x1a: {  	v0 =	vimm.f32 $0.0e+00;
	s23 =	simm.s32 $0x6800;
	[dreg:$0xa] =	wrdreg s0;
	s0 =	simm.s32 $0xA800  }
.LBB2_1:
0x1b: {  	s9 =	rddreg [dreg:$0x6]  }
0x1c: {  	[tilespmem:s4], [sflag:$0x1] =	stream.linear.gather [hbm4b:s9+s4], $0x3000, $0x38;
	[tilespmem:$0x1A4C0] =	vst v63  }
0x1d: {  	s12 =	rddreg [dreg:$0x7];
	s10 =	simm.s32 $0x3000  }
0x1e: {  	[tilespmem:s10], [sflag:$0x1] =	stream.linear.gather [hbm4b:s12+s4], $0x3000, $0x38;
	[tilespmem:$0x1A4C0] =	vst v63  }
0x1f: {  	s10 =	rddreg [dreg:$0x8]  }
0x20: {  	[tilespmem:s16], [sflag:$0x1] =	stream.linear.gather [hbm4b:s10+s4], $0x2720, $0x38;
	[tilespmem:$0x1A4C0] =	vst v63  }
0x21: {  	s11 =	rddreg [dreg:$0x9];
	s9 =	simm.s32 $0xE040;
	s12 =	simm.s32 $0x12EA0  }
0x22: {  	[tilespmem:s12], [sflag:$0x1] =	stream.linear.gather [hbm4b:s11+s4], $0x2720, $0x38;
	[tilespmem:$0x1A4C0] =	vst v63  }
0x23: {  	[tilespmem:s9+$0xFFFFFFC0] =	vst v0  }
0x24: {  	[tilespmem:s9+$0x30] =	vst v0  }
0x25: {  	[tilespmem:s9+$0x20] =	vst v0  }
0x26: {  	[tilespmem:s9+$0x10] =	vst v0  }
0x27: {  	[tilespmem:s9+$0x0] =	vst v0  }
0x28: {  	[tilespmem:s9+$0xFFFFFFF0] =	vst v0  }
0x29: {  	s10 =	simm.s32 $0x0;
	[tilespmem:s9+$0xFFFFFFE0] =	vst v0  }
.LBB2_2:
0x2a: {  	s10 =	sadd.s32 $0x8, s10;
	[tilespmem:s9+$0xFFFFFFD0] =	vst v0;
	s9 =	sadd.s32 $0x80, s9  }
0x2b: {  	[tilespmem:s9+$0xFFFFFFC0] =	vst v0;
	p0 =	slt.u32 s10, $0x270  }
0x2c: {  	[tilespmem:s9+$0x30] =	vst v0  }
.Ltmp0:
0x2d: {  	[tilespmem:s9+$0x20] =	vst v0;
	(pc) =	sbr.rel @p0 .LBB2_2-.Ltmp0, $4  }
0x2e: {  	[tilespmem:s9+$0x10] =	vst v0  }
0x2f: {  	[tilespmem:s9+$0x0] =	vst v0  }
0x30: {  	[tilespmem:s9+$0xFFFFFFF0] =	vst v0  }
0x31: {  	[tilespmem:s9+$0xFFFFFFE0] =	vst v0  }
0x32: {  	[tilespmem:s9+$0xFFFFFFD0] =	vst v0;
	s12 =	rddreg [dreg:$0xa];
	s10 =	simm.s32 $0xE000  }
0x33: {  	[spmem:s12] =	stream.linear.scatter [tilespmem:s10], [sflag:$0x3], $0x2780, $0x38;
	[tilespmem:$0x1A4C0] =	vst v63  }
0x34: {  	_ =	swait.ge [sflag:s19], $0x2780  }
0x35: {  	[sflag:s19] =	ssyncset.done $0x0  }
0x36: {  	[sflag:s19] =	ssyncadd.s32 $0xFFFFD880  }
0x37: {  	_ =	swait.ge [sflag:s20], $0x3000  }
0x38: {  	[sflag:s20] =	ssyncset.done $0x0  }
0x39: {  	[sflag:s20] =	ssyncadd.s32 $0xFFFFD000  }
0x3a: {  	_ =	swait.ge [sflag:s20], $0x3000  }
0x3b: {  	[sflag:s20] =	ssyncset.done $0x0  }
0x3c: {  	[sflag:s20] =	ssyncadd.s32 $0xFFFFD000  }
0x3d: {  	_ =	swait.ge [sflag:s20], $0x2720  }
0x3e: {  	[sflag:s20] =	ssyncset.done $0x0  }
0x3f: {  	[sflag:s20] =	ssyncadd.s32 $0xFFFFD8E0  }
0x40: {  	_ =	swait.ge [sflag:s20], $0x2720  }
0x41: {  	[sflag:s20] =	ssyncset.done $0x0  }
0x42: {  	s9 =	simm.s32 $0x107C0;
	[sflag:s20] =	ssyncadd.s32 $0xFFFFD8E0  }
0x43: {  	s10 =	simm.s32 $0x12EE0;
	v1 =	vld [tilespmem:s9+$0xFFFFFFC0]  }
0x44: {  	v2 =	vld [tilespmem:s10+$0xFFFFFFC0];
	_ =	sdelay $0x4  }
0x45: {  	v1 =	vadd.f32 v2, v1;
	_ =	sdelay $0x1  }
0x46: {  	v1 =	vmax.f32 v1, $0.0e+00  }
0x47: {  	[tilespmem:s9+$0xFFFFFFC0] =	vst v1;
	v1 =	vld [tilespmem:s9+$0xFFFFFFD0]  }
0x48: {  	v2 =	vld [tilespmem:s10+$0xFFFFFFD0];
	_ =	sdelay $0x4  }
0x49: {  	v1 =	vadd.f32 v2, v1;
	_ =	sdelay $0x1  }
0x4a: {  	v1 =	vmax.f32 v1, $0.0e+00  }
0x4b: {  	[tilespmem:s9+$0xFFFFFFD0] =	vst v1;
	v1 =	vld [tilespmem:s9+$0xFFFFFFE0]  }
0x4c: {  	v2 =	vld [tilespmem:s10+$0xFFFFFFE0];
	_ =	sdelay $0x4  }
0x4d: {  	v1 =	vadd.f32 v2, v1;
	_ =	sdelay $0x1  }
0x4e: {  	v1 =	vmax.f32 v1, $0.0e+00  }
0x4f: {  	[tilespmem:s9+$0xFFFFFFE0] =	vst v1;
	v1 =	vld [tilespmem:s9+$0xFFFFFFF0]  }
0x50: {  	v2 =	vld [tilespmem:s10+$0xFFFFFFF0];
	_ =	sdelay $0x4  }
0x51: {  	v1 =	vadd.f32 v2, v1;
	_ =	sdelay $0x1  }
0x52: {  	v1 =	vmax.f32 v1, $0.0e+00  }
0x53: {  	[tilespmem:s9+$0xFFFFFFF0] =	vst v1;
	v1 =	vld [tilespmem:s9+$0x0]  }
0x54: {  	v2 =	vld [tilespmem:s10+$0x0];
	_ =	sdelay $0x4  }
0x55: {  	v1 =	vadd.f32 v2, v1;
	_ =	sdelay $0x1  }
0x56: {  	v1 =	vmax.f32 v1, $0.0e+00  }
0x57: {  	[tilespmem:s9+$0x0] =	vst v1;
	v1 =	vld [tilespmem:s9+$0x10]  }
0x58: {  	v2 =	vld [tilespmem:s10+$0x10];
	_ =	sdelay $0x4  }
0x59: {  	v1 =	vadd.f32 v2, v1;
	_ =	sdelay $0x1  }
0x5a: {  	v1 =	vmax.f32 v1, $0.0e+00  }
0x5b: {  	[tilespmem:s9+$0x10] =	vst v1;
	v1 =	vld [tilespmem:s9+$0x20]  }
0x5c: {  	v2 =	vld [tilespmem:s10+$0x20];
	_ =	sdelay $0x4  }
0x5d: {  	v1 =	vadd.f32 v2, v1;
	_ =	sdelay $0x1  }
0x5e: {  	v1 =	vmax.f32 v1, $0.0e+00  }
0x5f: {  	[tilespmem:s9+$0x20] =	vst v1;
	v1 =	vld [tilespmem:s9+$0x30]  }
0x60: {  	v2 =	vld [tilespmem:s10+$0x30];
	_ =	sdelay $0x4  }
0x61: {  	v1 =	vadd.f32 v2, v1;
	_ =	sdelay $0x1  }
0x62: {  	s11 =	simm.s32 $0x0;
	s12 =	simm.s32 $0x10840;
	v1 =	vmax.f32 v1, $0.0e+00  }
.LBB2_4:
0x63: {  	v2 =	vld [tilespmem:s12+$0xFFFFFFC0];
	[tilespmem:s9+$0x30] =	vst v1;
	s10 =	sadd.s32 $0x80, s10;
	s9 =	smov.u32 s12  }
0x64: {  	s11 =	sadd.s32 $0x8, s11;
	v1 =	vld [tilespmem:s10+$0xFFFFFFC0]  }
0x65: {  	p0 =	slt.u32 s11, $0x268;
	_ =	sdelay $0x3  }
0x66: {  	v1 =	vadd.f32 v1, v2;
	_ =	sdelay $0x1  }
0x67: {  	v1 =	vmax.f32 v1, $0.0e+00  }
0x68: {  	[tilespmem:s12+$0xFFFFFFC0] =	vst v1;
	v1 =	vld [tilespmem:s12+$0xFFFFFFD0]  }
0x69: {  	v2 =	vld [tilespmem:s10+$0xFFFFFFD0];
	_ =	sdelay $0x4  }
0x6a: {  	v1 =	vadd.f32 v2, v1;
	_ =	sdelay $0x1  }
0x6b: {  	v1 =	vmax.f32 v1, $0.0e+00  }
0x6c: {  	[tilespmem:s12+$0xFFFFFFD0] =	vst v1;
	v1 =	vld [tilespmem:s12+$0xFFFFFFE0]  }
0x6d: {  	v2 =	vld [tilespmem:s10+$0xFFFFFFE0];
	_ =	sdelay $0x4  }
0x6e: {  	v1 =	vadd.f32 v2, v1;
	_ =	sdelay $0x1  }
0x6f: {  	v1 =	vmax.f32 v1, $0.0e+00  }
0x70: {  	[tilespmem:s12+$0xFFFFFFE0] =	vst v1;
	v1 =	vld [tilespmem:s12+$0xFFFFFFF0]  }
0x71: {  	v2 =	vld [tilespmem:s10+$0xFFFFFFF0];
	_ =	sdelay $0x4  }
0x72: {  	v1 =	vadd.f32 v2, v1;
	_ =	sdelay $0x1  }
0x73: {  	v1 =	vmax.f32 v1, $0.0e+00  }
0x74: {  	[tilespmem:s12+$0xFFFFFFF0] =	vst v1;
	v1 =	vld [tilespmem:s12+$0x0]  }
0x75: {  	v2 =	vld [tilespmem:s10+$0x0];
	_ =	sdelay $0x4  }
0x76: {  	v1 =	vadd.f32 v2, v1;
	_ =	sdelay $0x1  }
0x77: {  	v1 =	vmax.f32 v1, $0.0e+00  }
0x78: {  	[tilespmem:s12+$0x0] =	vst v1;
	v1 =	vld [tilespmem:s12+$0x10]  }
0x79: {  	v2 =	vld [tilespmem:s10+$0x10];
	_ =	sdelay $0x4  }
0x7a: {  	v1 =	vadd.f32 v2, v1;
	_ =	sdelay $0x1  }
0x7b: {  	v1 =	vmax.f32 v1, $0.0e+00  }
0x7c: {  	[tilespmem:s12+$0x10] =	vst v1;
	v1 =	vld [tilespmem:s12+$0x20]  }
0x7d: {  	v2 =	vld [tilespmem:s10+$0x20];
	_ =	sdelay $0x4  }
0x7e: {  	v1 =	vadd.f32 v2, v1;
	_ =	sdelay $0x1  }
0x7f: {  	v1 =	vmax.f32 v1, $0.0e+00  }
0x80: {  	[tilespmem:s12+$0x20] =	vst v1;
	v1 =	vld [tilespmem:s12+$0x30]  }
0x81: {  	v2 =	vld [tilespmem:s10+$0x30];
	_ =	sdelay $0x2  }
.Ltmp1:
0x82: {  	(pc) =	sbr.rel @p0 .LBB2_4-.Ltmp1, $3  }
0x83: {  	_ = 	snop  }
0x84: {  	v1 =	vadd.f32 v2, v1;
	_ =	sdelay $0x1  }
0x85: {  	s12 =	sadd.s32 $0x80, s12;
	v1 =	vmax.f32 v1, $0.0e+00  }
0x86: {  	[tilespmem:s9+$0x30] =	vst v1  }
0x87: {  	v1 =	vld [tilespmem:$0x12E80]  }
0x88: {  	v2 =	vld [tilespmem:$0x155A0]  }
0x89: {  	v3 =	vld [tilespmem:$0x12E90]  }
0x8a: {  	v4 =	vld [tilespmem:$0x155B0];
	_ =	sdelay $0x3  }
0x8b: {  	v1 =	vadd.f32 v2, v1  }
0x8c: {  	v2 =	vadd.f32 v4, v3  }
0x8d: {  	v1 =	vmax.f32 v1, $0.0e+00  }
0x8e: {  	[tilespmem:$0x12E80] =	vst v1;
	v1 =	vmax.f32 v2, $0.0e+00  }
0x8f: {  	s12 =	rddreg [dreg:$0xb];
	[tilespmem:$0x12E90] =	vst v1  }
0x90: {  	[spmem:s12] =	stream.linear.scatter [tilespmem:s16], [sflag:$0x3], $0x2720, $0x38;
	[tilespmem:$0x1A4C0] =	vst v63  }
0x91: {  	_ =	swait.ge [sflag:s19], $0x2720  }
0x92: {  	[sflag:s19] =	ssyncset.done $0x0  }
0x93: {  	[sflag:s19] =	ssyncadd.s32 $0xFFFFD8E0  }
0x94: {  	s9 =	simm.s32 $0x0;
	[bflag:$0x0] =	sbarrier.arrive $0xFFFF  }
.LBB2_6:
0x95: {  	s10 =	sshra.s32 s9, $0x2  }
0x96: {  	[tilespmem:s22], [sflag:$0x1] =	stream.indirect.gather [spmem:s3], $0x10, s10, s21, $0xb8;
	[tilespmem:$0x1A4C0] =	vst v63  }
0x97: {  	s11 =	sadd.s32 $0x80, s10  }
0x98: {  	[tilespmem:s23], [sflag:$0x1] =	stream.indirect.gather [spmem:s3], $0x10, s11, s21, $0xb8;
	[tilespmem:$0x1A4C0] =	vst v63  }
0x99: {  	s12 =	sadd.s32 $0x100, s10  }
0x9a: {  	[tilespmem:s24], [sflag:$0x1] =	stream.indirect.gather [spmem:s3], $0x10, s12, s21, $0xb8;
	[tilespmem:$0x1A4C0] =	vst v63  }
0x9b: {  	s12 =	sadd.s32 $0x180, s10  }
0x9c: {  	[tilespmem:s25], [sflag:$0x1] =	stream.indirect.gather [spmem:s3], $0x10, s12, s21, $0xb8;
	[tilespmem:$0x1A4C0] =	vst v63  }
0x9d: {  	s12 =	sadd.s32 $0x200, s10  }
0x9e: {  	[tilespmem:s26], [sflag:$0x1] =	stream.indirect.gather [spmem:s3], $0x10, s12, s21, $0xb8;
	[tilespmem:$0x1A4C0] =	vst v63  }
0x9f: {  	s12 =	sadd.s32 $0x280, s10  }
0xa0: {  	[tilespmem:s28], [sflag:$0x1] =	stream.indirect.gather [spmem:s3], $0x10, s12, s21, $0xb8;
	[tilespmem:$0x1A4C0] =	vst v63  }
0xa1: {  	s12 =	sadd.s32 $0x300, s10  }
0xa2: {  	[tilespmem:s29], [sflag:$0x1] =	stream.indirect.gather [spmem:s3], $0x10, s12, s21, $0xb8;
	[tilespmem:$0x1A4C0] =	vst v63  }
0xa3: {  	s12 =	sadd.s32 $0x380, s10  }
0xa4: {  	[tilespmem:s30], [sflag:$0x1] =	stream.indirect.gather [spmem:s3], $0x10, s12, s21, $0xb8;
	[tilespmem:$0x1A4C0] =	vst v63  }
0xa5: {  	s12 =	sadd.s32 $0x400, s10  }
0xa6: {  	[tilespmem:s31], [sflag:$0x1] =	stream.indirect.gather [spmem:s3], $0x10, s12, s21, $0xb8;
	[tilespmem:$0x1A4C0] =	vst v63  }
0xa7: {  	s12 =	sadd.s32 $0x480, s10  }
0xa8: {  	[tilespmem:s0], [sflag:$0x1] =	stream.indirect.gather [spmem:s3], $0x10, s12, s21, $0xb8;
	[tilespmem:$0x1A4C0] =	vst v63  }
0xa9: {  	s12 =	sadd.s32 $0x500, s10  }
0xaa: {  	[tilespmem:s1], [sflag:$0x1] =	stream.indirect.gather [spmem:s3], $0x10, s12, s21, $0xb8;
	[tilespmem:$0x1A4C0] =	vst v63  }
0xab: {  	s12 =	sadd.s32 $0x580, s10  }
0xac: {  	[tilespmem:s15], [sflag:$0x1] =	stream.indirect.gather [spmem:s3], $0x10, s12, s21, $0xb8;
	[tilespmem:$0x1A4C0] =	vst v63  }
0xad: {  	s12 =	sadd.s32 $0x600, s10  }
0xae: {  	[tilespmem:s5], [sflag:$0x1] =	stream.indirect.gather [spmem:s3], $0x10, s12, s21, $0xb8;
	[tilespmem:$0x1A4C0] =	vst v63  }
0xaf: {  	s12 =	sadd.s32 $0x680, s10  }
0xb0: {  	[tilespmem:s17], [sflag:$0x1] =	stream.indirect.gather [spmem:s3], $0x10, s12, s21, $0xb8;
	[tilespmem:$0x1A4C0] =	vst v63  }
0xb1: {  	s12 =	sadd.s32 $0x700, s10  }
0xb2: {  	[tilespmem:s18], [sflag:$0x1] =	stream.indirect.gather [spmem:s3], $0x10, s12, s21, $0xb8;
	[tilespmem:$0x1A4C0] =	vst v63  }
0xb3: {  	s12 =	sadd.s32 $0x780, s10  }
0xb4: {  	[tilespmem:s6], [sflag:$0x1] =	stream.indirect.gather [spmem:s3], $0x10, s12, s21, $0xb8;
	[tilespmem:$0x1A4C0] =	vst v63  }
0xb5: {  	_ =	swait.ge [sflag:s20], $0x800  }
0xb6: {  	[sflag:s20] =	ssyncset.done $0x0  }
0xb7: {  	[sflag:s20] =	ssyncadd.s32 $0xFFFFF800  }
0xb8: {  	_ =	swait.ge [sflag:s20], $0x800  }
0xb9: {  	[sflag:s20] =	ssyncset.done $0x0  }
0xba: {  	[sflag:s20] =	ssyncadd.s32 $0xFFFFF800  }
0xbb: {  	_ =	swait.ge [sflag:s20], $0x800  }
0xbc: {  	[sflag:s20] =	ssyncset.done $0x0  }
0xbd: {  	[sflag:s20] =	ssyncadd.s32 $0xFFFFF800  }
0xbe: {  	_ =	swait.ge [sflag:s20], $0x800  }
0xbf: {  	[sflag:s20] =	ssyncset.done $0x0  }
0xc0: {  	[sflag:s20] =	ssyncadd.s32 $0xFFFFF800  }
0xc1: {  	_ =	swait.ge [sflag:s20], $0x800  }
0xc2: {  	[sflag:s20] =	ssyncset.done $0x0  }
0xc3: {  	[sflag:s20] =	ssyncadd.s32 $0xFFFFF800  }
0xc4: {  	_ =	swait.ge [sflag:s20], $0x800  }
0xc5: {  	[sflag:s20] =	ssyncset.done $0x0  }
0xc6: {  	[sflag:s20] =	ssyncadd.s32 $0xFFFFF800  }
0xc7: {  	_ =	swait.ge [sflag:s20], $0x800  }
0xc8: {  	[sflag:s20] =	ssyncset.done $0x0  }
0xc9: {  	[sflag:s20] =	ssyncadd.s32 $0xFFFFF800  }
0xca: {  	_ =	swait.ge [sflag:s20], $0x800  }
0xcb: {  	[sflag:s20] =	ssyncset.done $0x0  }
0xcc: {  	s12 =	sadd.s32 $0x3000, s10;
	[sflag:s20] =	ssyncadd.s32 $0xFFFFF800  }
0xcd: {  	[spmem:s2] =	stream.indirect.scatter.add.f32 [tilespmem:s22], [sflag:$0x2], $0x10, s12, s21, $0xb8;
	[tilespmem:$0x1A4C0] =	vst v63  }
0xce: {  	s12 =	sadd.s32 $0x3080, s10  }
0xcf: {  	[spmem:s2] =	stream.indirect.scatter.add.f32 [tilespmem:s23], [sflag:$0x2], $0x10, s12, s21, $0xb8;
	[tilespmem:$0x1A4C0] =	vst v63  }
0xd0: {  	s12 =	sadd.s32 $0x3100, s10  }
0xd1: {  	[spmem:s2] =	stream.indirect.scatter.add.f32 [tilespmem:s24], [sflag:$0x2], $0x10, s12, s21, $0xb8;
	[tilespmem:$0x1A4C0] =	vst v63  }
0xd2: {  	s12 =	sadd.s32 $0x3180, s10  }
0xd3: {  	[spmem:s2] =	stream.indirect.scatter.add.f32 [tilespmem:s25], [sflag:$0x2], $0x10, s12, s21, $0xb8;
	[tilespmem:$0x1A4C0] =	vst v63  }
0xd4: {  	s12 =	sadd.s32 $0x3200, s10  }
0xd5: {  	[spmem:s2] =	stream.indirect.scatter.add.f32 [tilespmem:s26], [sflag:$0x2], $0x10, s12, s21, $0xb8;
	[tilespmem:$0x1A4C0] =	vst v63  }
0xd6: {  	s12 =	sadd.s32 $0x3280, s10  }
0xd7: {  	[spmem:s2] =	stream.indirect.scatter.add.f32 [tilespmem:s28], [sflag:$0x2], $0x10, s12, s21, $0xb8;
	[tilespmem:$0x1A4C0] =	vst v63  }
0xd8: {  	s12 =	sadd.s32 $0x3300, s10  }
0xd9: {  	[spmem:s2] =	stream.indirect.scatter.add.f32 [tilespmem:s29], [sflag:$0x2], $0x10, s12, s21, $0xb8;
	[tilespmem:$0x1A4C0] =	vst v63  }
0xda: {  	s12 =	sadd.s32 $0x3380, s10  }
0xdb: {  	[spmem:s2] =	stream.indirect.scatter.add.f32 [tilespmem:s30], [sflag:$0x2], $0x10, s12, s21, $0xb8;
	[tilespmem:$0x1A4C0] =	vst v63  }
0xdc: {  	_ =	swait.ge [sflag:s20], $0x800  }
0xdd: {  	[sflag:s20] =	ssyncset.done $0x0  }
0xde: {  	[sflag:s20] =	ssyncadd.s32 $0xFFFFF800  }
0xdf: {  	_ =	swait.ge [sflag:s20], $0x800  }
0xe0: {  	[sflag:s20] =	ssyncset.done $0x0  }
0xe1: {  	[sflag:s20] =	ssyncadd.s32 $0xFFFFF800  }
0xe2: {  	_ =	swait.ge [sflag:s20], $0x800  }
0xe3: {  	[sflag:s20] =	ssyncset.done $0x0  }
0xe4: {  	[sflag:s20] =	ssyncadd.s32 $0xFFFFF800  }
0xe5: {  	_ =	swait.ge [sflag:s20], $0x800  }
0xe6: {  	[sflag:s20] =	ssyncset.done $0x0  }
0xe7: {  	[sflag:s20] =	ssyncadd.s32 $0xFFFFF800  }
0xe8: {  	_ =	swait.ge [sflag:s20], $0x800  }
0xe9: {  	[sflag:s20] =	ssyncset.done $0x0  }
0xea: {  	[sflag:s20] =	ssyncadd.s32 $0xFFFFF800  }
0xeb: {  	_ =	swait.ge [sflag:s20], $0x800  }
0xec: {  	[sflag:s20] =	ssyncset.done $0x0  }
0xed: {  	[sflag:s20] =	ssyncadd.s32 $0xFFFFF800  }
0xee: {  	_ =	swait.ge [sflag:s20], $0x800  }
0xef: {  	[sflag:s20] =	ssyncset.done $0x0  }
0xf0: {  	[sflag:s20] =	ssyncadd.s32 $0xFFFFF800  }
0xf1: {  	_ =	swait.ge [sflag:s20], $0x800  }
0xf2: {  	[sflag:s20] =	ssyncset.done $0x0  }
0xf3: {  	s12 =	sadd.s32 $0x3400, s10;
	[sflag:s20] =	ssyncadd.s32 $0xFFFFF800  }
0xf4: {  	[spmem:s2] =	stream.indirect.scatter.add.f32 [tilespmem:s31], [sflag:$0x2], $0x10, s12, s21, $0xb8;
	[tilespmem:$0x1A4C0] =	vst v63  }
0xf5: {  	s12 =	sadd.s32 $0x3480, s10  }
0xf6: {  	[spmem:s2] =	stream.indirect.scatter.add.f32 [tilespmem:s0], [sflag:$0x2], $0x10, s12, s21, $0xb8;
	[tilespmem:$0x1A4C0] =	vst v63  }
0xf7: {  	s12 =	sadd.s32 $0x3500, s10  }
0xf8: {  	[spmem:s2] =	stream.indirect.scatter.add.f32 [tilespmem:s1], [sflag:$0x2], $0x10, s12, s21, $0xb8;
	[tilespmem:$0x1A4C0] =	vst v63  }
0xf9: {  	s12 =	sadd.s32 $0x3580, s10  }
0xfa: {  	[spmem:s2] =	stream.indirect.scatter.add.f32 [tilespmem:s15], [sflag:$0x2], $0x10, s12, s21, $0xb8;
	[tilespmem:$0x1A4C0] =	vst v63  }
0xfb: {  	s12 =	sadd.s32 $0x3600, s10  }
0xfc: {  	[spmem:s2] =	stream.indirect.scatter.add.f32 [tilespmem:s5], [sflag:$0x2], $0x10, s12, s21, $0xb8;
	[tilespmem:$0x1A4C0] =	vst v63  }
0xfd: {  	s12 =	sadd.s32 $0x3680, s10  }
0xfe: {  	[spmem:s2] =	stream.indirect.scatter.add.f32 [tilespmem:s17], [sflag:$0x2], $0x10, s12, s21, $0xb8;
	[tilespmem:$0x1A4C0] =	vst v63  }
0xff: {  	s12 =	sadd.s32 $0x3700, s10  }
0x100: {  	[spmem:s2] =	stream.indirect.scatter.add.f32 [tilespmem:s18], [sflag:$0x2], $0x10, s12, s21, $0xb8;
	[tilespmem:$0x1A4C0] =	vst v63  }
0x101: {  	s10 =	sadd.s32 $0x3780, s10  }
0x102: {  	[spmem:s2] =	stream.indirect.scatter.add.f32 [tilespmem:s6], [sflag:$0x2], $0x10, s10, s21, $0xb8;
	[tilespmem:$0x1A4C0] =	vst v63  }
0x103: {  	_ =	swait.ge [sflag:s7], $0x800  }
0x104: {  	[sflag:s7] =	ssyncset.done $0x0  }
0x105: {  	[sflag:s7] =	ssyncadd.s32 $0xFFFFF800  }
0x106: {  	_ =	swait.ge [sflag:s7], $0x800  }
0x107: {  	[sflag:s7] =	ssyncset.done $0x0  }
0x108: {  	[sflag:s7] =	ssyncadd.s32 $0xFFFFF800  }
0x109: {  	_ =	swait.ge [sflag:s7], $0x800  }
0x10a: {  	[sflag:s7] =	ssyncset.done $0x0  }
0x10b: {  	[sflag:s7] =	ssyncadd.s32 $0xFFFFF800  }
0x10c: {  	_ =	swait.ge [sflag:s7], $0x800  }
0x10d: {  	[sflag:s7] =	ssyncset.done $0x0  }
0x10e: {  	[sflag:s7] =	ssyncadd.s32 $0xFFFFF800  }
0x10f: {  	_ =	swait.ge [sflag:s7], $0x800  }
0x110: {  	[sflag:s7] =	ssyncset.done $0x0  }
0x111: {  	[sflag:s7] =	ssyncadd.s32 $0xFFFFF800  }
0x112: {  	_ =	swait.ge [sflag:s7], $0x800  }
0x113: {  	[sflag:s7] =	ssyncset.done $0x0  }
0x114: {  	[sflag:s7] =	ssyncadd.s32 $0xFFFFF800  }
0x115: {  	_ =	swait.ge [sflag:s7], $0x800  }
0x116: {  	[sflag:s7] =	ssyncset.done $0x0  }
0x117: {  	[sflag:s7] =	ssyncadd.s32 $0xFFFFF800  }
0x118: {  	_ =	swait.ge [sflag:s7], $0x800  }
0x119: {  	[sflag:s7] =	ssyncset.done $0x0  }
0x11a: {  	[sflag:s7] =	ssyncadd.s32 $0xFFFFF800  }
0x11b: {  	_ =	swait.ge [sflag:s7], $0x800  }
0x11c: {  	[sflag:s7] =	ssyncset.done $0x0  }
0x11d: {  	[sflag:s7] =	ssyncadd.s32 $0xFFFFF800  }
0x11e: {  	_ =	swait.ge [sflag:s7], $0x800  }
0x11f: {  	[sflag:s7] =	ssyncset.done $0x0  }
0x120: {  	[sflag:s7] =	ssyncadd.s32 $0xFFFFF800  }
0x121: {  	_ =	swait.ge [sflag:s7], $0x800  }
0x122: {  	[sflag:s7] =	ssyncset.done $0x0  }
0x123: {  	[sflag:s7] =	ssyncadd.s32 $0xFFFFF800  }
0x124: {  	_ =	swait.ge [sflag:s7], $0x800  }
0x125: {  	[sflag:s7] =	ssyncset.done $0x0  }
0x126: {  	[sflag:s7] =	ssyncadd.s32 $0xFFFFF800  }
0x127: {  	_ =	swait.ge [sflag:s7], $0x800  }
0x128: {  	[sflag:s7] =	ssyncset.done $0x0  }
0x129: {  	[sflag:s7] =	ssyncadd.s32 $0xFFFFF800  }
0x12a: {  	_ =	swait.ge [sflag:s7], $0x800  }
0x12b: {  	[sflag:s7] =	ssyncset.done $0x0  }
0x12c: {  	[sflag:s7] =	ssyncadd.s32 $0xFFFFF800  }
0x12d: {  	_ =	swait.ge [sflag:s7], $0x800  }
0x12e: {  	[sflag:s7] =	ssyncset.done $0x0  }
0x12f: {  	[sflag:s7] =	ssyncadd.s32 $0xFFFFF800  }
0x130: {  	_ =	swait.ge [sflag:s7], $0x800  }
0x131: {  	s9 =	sadd.s32 $0x2000, s9;
	s12 =	rddreg [dreg:$0x5]  }
0x132: {  	p0 =	sne.s32 s12, s9  }
.Ltmp2:
0x133: {  	_ = 	snop;
	(pc) =	sbr.rel @p0 .LBB2_6-.Ltmp2, $3  }
0x134: {  	_ =	sdelay $0x1  }
0x135: {  	[sflag:s7] =	ssyncset.done $0x0  }
0x136: {  	[sflag:s7] =	ssyncadd.s32 $0xFFFFF800  }
0x137: {  	[bflag:$0x0] =	sbarrier.arrive $0xFFFF  }
0x138: {  	s9 =	rddreg [dreg:$0xc]  }
0x139: {  	[tilespmem:s16], [sflag:$0x3] =	stream.linear.gather [spmem:s9], $0x2710, $0x38;
	[tilespmem:$0x1A4C0] =	vst v63  }
0x13a: {  	s8 =	sadd.s32 $0x1, s8;
	_ =	swait.ge [sflag:s19], $0x2710  }
0x13b: {  	p0 =	sne.s32 s8, s14;
	[sflag:s19] =	ssyncset.done $0x0  }
.Ltmp3:
0x13c: {  	[sflag:s19] =	ssyncadd.s32 $0xFFFFD8F0;
	(pc) =	sbr.rel @p0 .LBB2_1-.Ltmp3, $4  }
0x13d: {  	[hbm4b:s13+s4] =	stream.linear.scatter [tilespmem:s16], [sflag:$0x3], $0x2710, $0x38;
	[tilespmem:$0x1A4C0] =	vst v63  }
0x13e: {  	_ =	swait.ge [sflag:s19], $0x2710  }
0x13f: {  	[sflag:s19] =	ssyncset.done $0x0  }
0x140: {  	[sflag:s19] =	ssyncadd.s32 $0xFFFFD8F0  }
0x141: {  	_ =	sfence.sel $0x180000  }
0x142: {  	[bflag:$0x0] =	sbarrier.arrive $0xFFFF  }
0x143: {  	_ =	strace $0x9000004A  }
0x144: {  	s0 =	stileid.u32;
	[bflag:$0x2] =	sbarrier.arrive $0xFFFF  }
0x145: {  	p0 =	sne.s32 s0, $0x0;
	s0 =	rddreg [dreg:$0x4]  }
0x146: {  	s0 =	sadd.s32 @!p0 $0x100000, s0  }
0x147: {  	[sflag:s0] =	ssyncadd.tile.s32 @!p0 $0x1;
	_ =	shalt  }
.Lfunc_end2:
_tile_overlayer_lowered:
.L_overlay_start_2:
0x148: {  	(tag) =	ssettag $0x2  }
0x149: {  	s0 =	rddreg [dreg:$0x0];
	s2 =	stileid.u32  }
0x14a: {  	s1 =	rddreg [dreg:$0x1];
	p0 =	sne.s32 s2, $0x0  }
0x14b: {  	s3 =	rddreg [dreg:$0x2];
	[bflag:$0x3] =	sbarrier.arrive $0xFFFF;
	s2 =	simm.s32 @!p0 $0x1C03  }
0x14c: {  	[timem:s3], [sflag:s2] =	dma.local @!p0 [hbm:s0], s1  }
0x14d: {  	s0 =	simm.s32 @!p0 $0x3  }
0x14e: {  	_ =	swait.ge @!p0 [sflag:s0], s1  }
0x14f: {  	s1 =	ssub.s32 @!p0 $0x0, s1;
	[sflag:s0] =	ssyncset.done @!p0 $0x0  }
0x150: {  	[sflag:s0] =	ssyncadd.s32 @!p0 s1  }
0x151: {  	[bflag:$0x3] =	sbarrier.arrive $0xFFFF  }
0x152: {  	_ =	shalt  }

</sc_bundles>
